<compile_context>
chip_gen: v7x
topology: tpu7x:2x2x1
jax: 0.10.2.dev20260603
libtpu: 0.0.44.dev20260713+nightly
codegen_flags: <defaults>
</compile_context>

<pallas_src>
import functools

import jax
import jax.numpy as jnp
from jax import lax
from jax.experimental import pallas as pl
from jax.experimental.pallas import tpu as pltpu
from jax.experimental.pallas import tpu_sc as plsc

N = 10000
E = 320000
NP = 10240
EP = 327680
CHUNK = 128
NCHUNKS = EP // CHUNK
NC, NS = 2, 16
NW = NC * NS
CPW = NCHUNKS // NW
TROWS = NP // NS
ZCH = 128
_EPT = EP // NW
_VL = 16

_MESH = dict(core_axis_name="c", subcore_axis_name="s", num_cores=NC,
             num_subcores=NS)


def _sc_scatter():

    @functools.partial(
        pl.kernel,
        out_type=jax.ShapeDtypeStruct((NC, NP, 128), jnp.float32),
        mesh=plsc.VectorSubcoreMesh(**_MESH),
        scratch_types=[
            pltpu.VMEM((4, 2, CHUNK), jnp.int32),
            pltpu.VMEM((2, CHUNK, 128), jnp.float32),
            pltpu.VMEM_SHARED((NP, 128), jnp.float32),
        ] + [pltpu.SemaphoreType.DMA] * 8,
    )
    def k(h_hbm, sd_hbm, zeros_hbm, out_hbm, ib, rows, acc,
          si0, si1, si2, si3, sg0, sg1, ss0, ss1):
        si = (si0, si1, si2, si3)
        sg = (sg0, sg1)
        ss = (ss0, ss1)
        c = lax.axis_index("c")
        t = lax.axis_index("s")
        wid = c * NS + t
        base = wid * CPW
        pltpu.async_copy(sd_hbm.at[base], ib.at[0], si0)
        pltpu.async_copy(sd_hbm.at[base + 1], ib.at[1], si1)
        pltpu.sync_copy(zeros_hbm, rows.at[1].at[pl.ds(0, ZCH)])
        for z in range(TROWS // ZCH):
            pltpu.async_copy(rows.at[1].at[pl.ds(0, ZCH)],
                             acc.at[pl.ds(t * TROWS + z * ZCH, ZCH)], ss0)
        pltpu.make_async_copy(sd_hbm.at[0], ib.at[0], si0).wait()
        pltpu.async_copy(h_hbm.at[ib.at[0].at[0]], rows.at[0], sg0)
        for z in range(TROWS // ZCH):
            pltpu.make_async_copy(rows.at[1].at[pl.ds(0, ZCH)],
                                  acc.at[pl.ds(0, ZCH)], ss0).wait()
        plsc.subcore_barrier()

        def quarter(j, b, q):
            nb, q1, q2 = 1 - b, (q + 1) % 4, (q + 2) % 4

            @pl.when(j + 1 < CPW)
            def _():
                pltpu.make_async_copy(sd_hbm.at[0], ib.at[q1], si[q1]).wait()
                pltpu.async_copy(h_hbm.at[ib.at[q1].at[0]], rows.at[nb],
                                 sg[nb])

            pltpu.make_async_copy(h_hbm.at[pl.ds(0, CHUNK)], rows.at[b],
                                  sg[b]).wait()
            pltpu.sync_copy(rows.at[b], acc.at[ib.at[q].at[1]], add=True)

            @pl.when(j + 2 < CPW)
            def _():
                pltpu.async_copy(sd_hbm.at[base + j + 2], ib.at[q2], si[q2])

        def step(i, _):
            j = 4 * i
            quarter(j, 0, 0)
            quarter(j + 1, 1, 1)
            quarter(j + 2, 0, 2)
            quarter(j + 3, 1, 3)
            return 0

        lax.fori_loop(0, CPW // 4, step, 0)
        plsc.subcore_barrier()
        pltpu.sync_copy(acc.at[pl.ds(t * TROWS, TROWS)],
                        out_hbm.at[c].at[pl.ds(t * TROWS, TROWS)])

    return k


def _sc_degree():

    @functools.partial(
        pl.kernel,
        out_type=jax.ShapeDtypeStruct((NC, NP, 128), jnp.float32),
        mesh=plsc.VectorSubcoreMesh(**_MESH),
        compiler_params=pltpu.CompilerParams(needs_layout_passes=False),
        scratch_types=[
            pltpu.VMEM((_EPT,), jnp.int32),
            pltpu.VMEM((NP,), jnp.float32),
            pltpu.VMEM((NS, TROWS), jnp.float32),
            pltpu.VMEM((ZCH, 128), jnp.float32),
            pltpu.VMEM_SHARED((NS, NP), jnp.float32),
        ],
    )
    def k(d_hbm, out_hbm, dv, hist, slab, colbuf, sh):
        c = lax.axis_index("c")
        t = lax.axis_index("s")
        wid = c * NS + t
        pltpu.sync_copy(d_hbm.at[wid], dv)
        zeros16 = jnp.zeros((_VL,), jnp.float32)
        ones16 = jnp.ones((_VL,), jnp.float32)

        def zero_step(i, _):
            hist[pl.ds(i * _VL, _VL)] = zeros16
            return 0

        lax.fori_loop(0, NP // _VL, zero_step, 0)

        def hist_step(i, _):
            idx = dv[pl.ds(i * _VL, _VL)]
            plsc.addupdate_scatter(hist, [idx], ones16)
            return 0

        lax.fori_loop(0, _EPT // _VL, hist_step, 0)
        pltpu.sync_copy(hist, sh.at[t])
        plsc.subcore_barrier()
        for kk in range(NS):
            pltpu.sync_copy(sh.at[kk].at[pl.ds(t * TROWS, TROWS)],
                            slab.at[kk])
        col0 = jnp.zeros((_VL,), jnp.int32)
        iota16 = lax.iota(jnp.int32, _VL)

        def pub_step(z, _):
            for j in range(ZCH // _VL):
                deg16 = zeros16
                for kk in range(NS):
                    deg16 = deg16 + slab[kk, pl.ds(z * ZCH + j * _VL, _VL)]
                plsc.store_scatter(colbuf, [j * _VL + iota16, col0], deg16)
            pltpu.sync_copy(colbuf,
                            out_hbm.at[c].at[pl.ds(t * TROWS + z * ZCH,
                                                   ZCH)])
            return 0

        lax.fori_loop(0, TROWS // ZCH, pub_step, 0)

    return k


_ROWS_B = 1024
_GRID = NP // _ROWS_B


def _tc1_body(x_ref, w_ref, deg_ref, o_ref, dinv_ref):
    dinv = lax.rsqrt(deg_ref[0, :, 0:1] + deg_ref[1, :, 0:1] + 1.0)
    o_ref[...] = jnp.dot(x_ref[...], w_ref[...],
                         preferred_element_type=jnp.float32) * dinv
    dinv_ref[...] = dinv


def _tc2_body(a_ref, h_ref, dinv_ref, b_ref, w_ref, o_ref):
    dinv = dinv_ref[...]
    z = jnp.maximum(dinv * (a_ref[0] + a_ref[1] + h_ref[...]) + b_ref[...],
                    0.0)
    o_ref[...] = jnp.dot(z, w_ref[...],
                         preferred_element_type=jnp.float32) * dinv


def _tc3_body(a_ref, h_ref, dinv_ref, b_ref, o_ref):
    dinv = dinv_ref[...]
    agg = (a_ref[0] + a_ref[1] + h_ref[...])[:, :64]
    o_ref[...] = jnp.maximum(dinv * agg + b_ref[...], 0.0)


def _rows_spec(fw):
    return pl.BlockSpec((_ROWS_B, fw), lambda i: (i, 0))


def _part_spec(fw):
    return pl.BlockSpec((NC, _ROWS_B, fw), lambda i: (0, i, 0))


def _full_spec(a, b):
    return pl.BlockSpec((a, b), lambda i: (0, 0))


def kernel(x, edge_index, W1, b1, W2, b2):
    s = edge_index[0].astype(jnp.int32)
    d = edge_index[1].astype(jnp.int32)
    pad = EP - E
    padrows = N + (jnp.arange(pad, dtype=jnp.int32) % (NP - N))
    s2 = jnp.concatenate([s, padrows]).reshape(NCHUNKS, CHUNK)
    d2 = jnp.concatenate([d, padrows]).reshape(NCHUNKS, CHUNK)
    sd2 = jnp.stack([s2, d2], axis=1)
    xp = jnp.pad(x, ((0, NP - N), (0, 0)))
    W2p = jnp.pad(W2, ((0, 0), (0, 64)))
    z128 = jnp.zeros((ZCH, 128), jnp.float32)

    degp = _sc_degree()(d2.reshape(NW, _EPT))

    h1s, dinv = pl.pallas_call(
        _tc1_body,
        grid=(_GRID,),
        in_specs=[_rows_spec(128), _full_spec(128, 128), _part_spec(128)],
        out_specs=(_rows_spec(128), _rows_spec(1)),
        out_shape=(jax.ShapeDtypeStruct((NP, 128), jnp.float32),
                   jax.ShapeDtypeStruct((NP, 1), jnp.float32)),
    )(xp, W1, degp)

    sc_scatter = _sc_scatter()
    a1 = sc_scatter(h1s, sd2, z128)

    h2s = pl.pallas_call(
        _tc2_body,
        grid=(_GRID,),
        in_specs=[_part_spec(128), _rows_spec(128), _rows_spec(1),
                  _full_spec(1, 128), _full_spec(128, 128)],
        out_specs=_rows_spec(128),
        out_shape=jax.ShapeDtypeStruct((NP, 128), jnp.float32),
    )(a1, h1s, dinv, b1.reshape(1, 128), W2p)

    a2 = sc_scatter(h2s, sd2, z128)

    outp = pl.pallas_call(
        _tc3_body,
        grid=(_GRID,),
        in_specs=[_part_spec(128), _rows_spec(128), _rows_spec(1),
                  _full_spec(1, 64)],
        out_specs=_rows_spec(64),
        out_shape=jax.ShapeDtypeStruct((NP, 64), jnp.float32),
    )(a2, h2s, dinv, b2.reshape(1, 64))

    return outp[:N]

# --- scband reference (transcript-rebuilt; emitter-appended) ---
"""Pipeline reference for scband-grace-auto-86998857548321 (READ-ONLY COPY).

The authoritative reference and input builder live on the scoring server;
editing this copy changes nothing except your own understanding.
"""

import jax, jax.numpy as jnp
import numpy as np

N = 10000
E = 320000
NFEAT = 128
NHID = 64


def setup_inputs(seed: int = 0) -> dict:
    key = jax.random.key(seed)
    k1, k2, k3, k4 = jax.random.split(key, 4)
    x = jax.random.normal(k1, (N, NFEAT), dtype=jnp.float32)
    edge_index = jax.random.randint(k2, (2, E), 0, N)
    # GCNConv 1: nfeat -> 2*nhid ; GCNConv 2: 2*nhid -> nhid
    W1 = jax.random.normal(k3, (NFEAT, 2 * NHID), dtype=jnp.float32) * (1.0 / np.sqrt(NFEAT))
    b1 = jnp.zeros((2 * NHID,), dtype=jnp.float32)
    W2 = jax.random.normal(k4, (2 * NHID, NHID), dtype=jnp.float32) * (1.0 / np.sqrt(2 * NHID))
    b2 = jnp.zeros((NHID,), dtype=jnp.float32)
    return {"x": x, "edge_index": edge_index, "W1": W1, "b1": b1, "W2": W2, "b2": b2}


def _gcn_norm(edge_index, num_nodes):
    # add self-loops, compute symmetric normalization (GCNConv default)
    src = edge_index[0]
    dst = edge_index[1]
    loop = jnp.arange(num_nodes, dtype=src.dtype)
    s = jnp.concatenate([src, loop])
    d = jnp.concatenate([dst, loop])
    ew = jnp.ones(s.shape[0], dtype=jnp.float32)
    deg = jnp.zeros((num_nodes,), dtype=jnp.float32).at[d].add(ew)
    dinv = jnp.where(deg > 0, 1.0 / jnp.sqrt(deg), 0.0)
    norm = dinv[s] * ew * dinv[d]
    return s, d, norm


def _gcn_conv(h, s, d, norm, W, b, num_nodes):
    h = h @ W
    msg = h[s] * norm[:, None]
    out = jnp.zeros((num_nodes, h.shape[1]), dtype=h.dtype).at[d].add(msg)
    return out + b


def reference(x, edge_index, W1, b1, W2, b2):
    # Grace_auto.forward -> GCN_body.forward (layer=2, use_ln=False,
    # layer_norm_first=False, eval mode so dropout is identity)
    num_nodes = x.shape[0]
    s, d, norm = _gcn_norm(edge_index, num_nodes)
    h = jax.nn.relu(_gcn_conv(x, s, d, norm, W1, b1, num_nodes))
    out = jax.nn.relu(_gcn_conv(h, s, d, norm, W2, b2, num_nodes))
    return out

if __name__ == "__main__":
    import jax
    _d = setup_inputs()
    print(jax.jit(kernel)(*tuple(_d.values())))

</pallas_src>

<mosaic_0001>
#map = affine_map<(d0, d1) -> (0, 0)>
#map1 = affine_map<(d0, d1) -> (0, 0, 0)>
module attributes {stable_mosaic.version = 14 : i64} {
  func.func @k(%arg0: i32, %arg1: i32, %arg2: memref<10240x128xf32, #tpu.memory_space<hbm>>, %arg3: memref<2560x2x128xi32, #tpu.memory_space<hbm>>, %arg4: memref<128x128xf32, #tpu.memory_space<hbm>>, %arg5: memref<2x10240x128xf32, #tpu.memory_space<hbm>>, %arg6: memref<4x2x128xi32, #tpu.memory_space<vmem>>, %arg7: memref<2x128x128xf32, #tpu.memory_space<vmem>>, %arg8: memref<10240x128xf32, #tpu.memory_space<vmem_shared>>, %arg9: memref<!tpu.dma_semaphore, #tpu.memory_space<semaphore_mem>>, %arg10: memref<!tpu.dma_semaphore, #tpu.memory_space<semaphore_mem>>, %arg11: memref<!tpu.dma_semaphore, #tpu.memory_space<semaphore_mem>>, %arg12: memref<!tpu.dma_semaphore, #tpu.memory_space<semaphore_mem>>, %arg13: memref<!tpu.dma_semaphore, #tpu.memory_space<semaphore_mem>>, %arg14: memref<!tpu.dma_semaphore, #tpu.memory_space<semaphore_mem>>, %arg15: memref<!tpu.dma_semaphore, #tpu.memory_space<semaphore_mem>>, %arg16: memref<!tpu.dma_semaphore, #tpu.memory_space<semaphore_mem>>) attributes {dimension_semantics = [#tpu.dimension_semantics<core_parallel>, #tpu.dimension_semantics<subcore_parallel>], iteration_bounds = array<i64: 2, 16>, scalar_prefetch = 0 : i64, scratch_operands = 11 : i64, tpu.core_type = #tpu.core_type<sc_vector_subcore>, window_params = [{transform_indices = #map}, {transform_indices = #map1}, {transform_indices = #map}, {transform_indices = #map1}]} {
    %mul3A = arith.constant 16 : i32
    %mul3A_0 = arith.muli %arg0, %mul3A : i32
    %add3A = arith.addi %mul3A_0, %arg1 : i32
    %mul3A_1 = arith.constant 80 : i32
    %mul3A_2 = arith.muli %add3A, %mul3A_1 : i32
    %dma_start3A = arith.constant 0 : i32
    %dma_start3A_3 = arith.constant 0 : i32
    %dma_start3A_4 = arith.constant 0 : i32
    %dma_start3A_5 = tpu.memref_slice %arg6[%dma_start3A, %dma_start3A_3, %dma_start3A_4] : memref<4x2x128xi32, #tpu.memory_space<vmem>> -> memref<1x2x128xi32, #tpu.memory_space<vmem>>
    %dma_start3A_6 = tpu.memref_squeeze %dma_start3A_5 : memref<1x2x128xi32, #tpu.memory_space<vmem>> -> memref<2x128xi32, #tpu.memory_space<vmem>>
    %dma_start3A_7 = arith.constant 0 : i32
    %dma_start3A_8 = arith.constant 0 : i32
    %dma_start3A_9 = tpu.memref_slice %arg3[%mul3A_2, %dma_start3A_7, %dma_start3A_8] : memref<2560x2x128xi32, #tpu.memory_space<hbm>> -> memref<1x2x128xi32, #tpu.memory_space<hbm>>
    %dma_start3A_10 = tpu.memref_squeeze %dma_start3A_9 : memref<1x2x128xi32, #tpu.memory_space<hbm>> -> memref<2x128xi32, #tpu.memory_space<hbm>>
    %dma_start3A_11 = arith.constant 0 : i32
    %dma_start3A_12 = arith.constant 0 : i32
    %dma_start3A_13 = tpu.memref_slice %arg6[%dma_start3A, %dma_start3A_11, %dma_start3A_12] : memref<4x2x128xi32, #tpu.memory_space<vmem>> -> memref<1x2x128xi32, #tpu.memory_space<vmem>>
    %dma_start3A_14 = tpu.memref_squeeze %dma_start3A_13 : memref<1x2x128xi32, #tpu.memory_space<vmem>> -> memref<2x128xi32, #tpu.memory_space<vmem>>
    %dma_start3A_15 = arith.constant 0 : i32
    %dma_start3A_16 = arith.constant 0 : i32
    %dma_start3A_17 = tpu.memref_slice %arg3[%mul3A_2, %dma_start3A_15, %dma_start3A_16] : memref<2560x2x128xi32, #tpu.memory_space<hbm>> -> memref<1x2x128xi32, #tpu.memory_space<hbm>>
    %dma_start3A_18 = tpu.memref_squeeze %dma_start3A_17 : memref<1x2x128xi32, #tpu.memory_space<hbm>> -> memref<2x128xi32, #tpu.memory_space<hbm>>
    tpu.enqueue_dma source(%dma_start3A_18 : memref<2x128xi32, #tpu.memory_space<hbm>>) target(%dma_start3A_14 : memref<2x128xi32, #tpu.memory_space<vmem>>) target_semaphore(%arg9 : memref<!tpu.dma_semaphore, #tpu.memory_space<semaphore_mem>>)
    %add3A_19 = arith.constant 1 : i32
    %add3A_20 = arith.addi %mul3A_2, %add3A_19 : i32
    %dma_start3A_21 = arith.constant 1 : i32
    %dma_start3A_22 = arith.constant 0 : i32
    %dma_start3A_23 = arith.constant 0 : i32
    %dma_start3A_24 = tpu.memref_slice %arg6[%dma_start3A_21, %dma_start3A_22, %dma_start3A_23] : memref<4x2x128xi32, #tpu.memory_space<vmem>> -> memref<1x2x128xi32, #tpu.memory_space<vmem>>
    %dma_start3A_25 = tpu.memref_squeeze %dma_start3A_24 : memref<1x2x128xi32, #tpu.memory_space<vmem>> -> memref<2x128xi32, #tpu.memory_space<vmem>>
    %dma_start3A_26 = arith.constant 0 : i32
    %dma_start3A_27 = arith.constant 0 : i32
    %dma_start3A_28 = tpu.memref_slice %arg3[%add3A_20, %dma_start3A_26, %dma_start3A_27] : memref<2560x2x128xi32, #tpu.memory_space<hbm>> -> memref<1x2x128xi32, #tpu.memory_space<hbm>>
    %dma_start3A_29 = tpu.memref_squeeze %dma_start3A_28 : memref<1x2x128xi32, #tpu.memory_space<hbm>> -> memref<2x128xi32, #tpu.memory_space<hbm>>
    %dma_start3A_30 = arith.constant 0 : i32
    %dma_start3A_31 = arith.constant 0 : i32
    %dma_start3A_32 = tpu.memref_slice %arg6[%dma_start3A_21, %dma_start3A_30, %dma_start3A_31] : memref<4x2x128xi32, #tpu.memory_space<vmem>> -> memref<1x2x128xi32, #tpu.memory_space<vmem>>
    %dma_start3A_33 = tpu.memref_squeeze %dma_start3A_32 : memref<1x2x128xi32, #tpu.memory_space<vmem>> -> memref<2x128xi32, #tpu.memory_space<vmem>>
    %dma_start3A_34 = arith.constant 0 : i32
    %dma_start3A_35 = arith.constant 0 : i32
    %dma_start3A_36 = tpu.memref_slice %arg3[%add3A_20, %dma_start3A_34, %dma_start3A_35] : memref<2560x2x128xi32, #tpu.memory_space<hbm>> -> memref<1x2x128xi32, #tpu.memory_space<hbm>>
    %dma_start3A_37 = tpu.memref_squeeze %dma_start3A_36 : memref<1x2x128xi32, #tpu.memory_space<hbm>> -> memref<2x128xi32, #tpu.memory_space<hbm>>
    tpu.enqueue_dma source(%dma_start3A_37 : memref<2x128xi32, #tpu.memory_space<hbm>>) target(%dma_start3A_33 : memref<2x128xi32, #tpu.memory_space<vmem>>) target_semaphore(%arg10 : memref<!tpu.dma_semaphore, #tpu.memory_space<semaphore_mem>>)
    %run_scoped3A = arith.constant 1 : i32
    "tpu.region"() ({
      %run_scoped3A_303 = tpu.sem_alloc : memref<!tpu.dma_semaphore, #tpu.memory_space<semaphore_mem>>
      %dma_start3A_304 = arith.constant 0 : i32
      %dma_start3A_305 = arith.constant 0 : i32
      %dma_start3A_306 = tpu.memref_slice %arg7[%run_scoped3A, %dma_start3A_304, %dma_start3A_305] : memref<2x128x128xf32, #tpu.memory_space<vmem>> -> memref<1x128x128xf32, #tpu.memory_space<vmem>>
      %dma_start3A_307 = tpu.memref_squeeze %dma_start3A_306 : memref<1x128x128xf32, #tpu.memory_space<vmem>> -> memref<128x128xf32, #tpu.memory_space<vmem>>
      %dma_start3A_308 = arith.constant 0 : i32
      %dma_start3A_309 = arith.constant 0 : i32
      %dma_start3A_310 = tpu.memref_slice %dma_start3A_307[%dma_start3A_308, %dma_start3A_309] : memref<128x128xf32, #tpu.memory_space<vmem>> -> memref<128x128xf32, #tpu.memory_space<vmem>>
      %dma_start3A_311 = arith.constant 0 : i32
      %dma_start3A_312 = arith.constant 0 : i32
      %dma_start3A_313 = tpu.memref_slice %arg7[%run_scoped3A, %dma_start3A_311, %dma_start3A_312] : memref<2x128x128xf32, #tpu.memory_space<vmem>> -> memref<1x128x128xf32, #tpu.memory_space<vmem>>
      %dma_start3A_314 = tpu.memref_squeeze %dma_start3A_313 : memref<1x128x128xf32, #tpu.memory_space<vmem>> -> memref<128x128xf32, #tpu.memory_space<vmem>>
      %dma_start3A_315 = arith.constant 0 : i32
      %dma_start3A_316 = arith.constant 0 : i32
      %dma_start3A_317 = tpu.memref_slice %dma_start3A_314[%dma_start3A_315, %dma_start3A_316] : memref<128x128xf32, #tpu.memory_space<vmem>> -> memref<128x128xf32, #tpu.memory_space<vmem>>
      tpu.enqueue_dma source(%arg4 : memref<128x128xf32, #tpu.memory_space<hbm>>) target(%dma_start3A_317 : memref<128x128xf32, #tpu.memory_space<vmem>>) target_semaphore(%run_scoped3A_303 : memref<!tpu.dma_semaphore, #tpu.memory_space<semaphore_mem>>)
      %dma_wait3A_318 = arith.constant 0 : i32
      %dma_wait3A_319 = arith.constant 0 : i32
      %dma_wait3A_320 = tpu.memref_slice %arg7[%run_scoped3A, %dma_wait3A_318, %dma_wait3A_319] : memref<2x128x128xf32, #tpu.memory_space<vmem>> -> memref<1x128x128xf32, #tpu.memory_space<vmem>>
      %dma_wait3A_321 = tpu.memref_squeeze %dma_wait3A_320 : memref<1x128x128xf32, #tpu.memory_space<vmem>> -> memref<128x128xf32, #tpu.memory_space<vmem>>
      %dma_wait3A_322 = arith.constant 0 : i32
      %dma_wait3A_323 = arith.constant 0 : i32
      %dma_wait3A_324 = tpu.memref_slice %dma_wait3A_321[%dma_wait3A_322, %dma_wait3A_323] : memref<128x128xf32, #tpu.memory_space<vmem>> -> memref<128x128xf32, #tpu.memory_space<vmem>>
      %dma_wait3A_325 = arith.constant 0 : i32
      %dma_wait3A_326 = arith.constant 0 : i32
      %dma_wait3A_327 = tpu.memref_slice %arg7[%run_scoped3A, %dma_wait3A_325, %dma_wait3A_326] : memref<2x128x128xf32, #tpu.memory_space<vmem>> -> memref<1x128x128xf32, #tpu.memory_space<vmem>>
      %dma_wait3A_328 = tpu.memref_squeeze %dma_wait3A_327 : memref<1x128x128xf32, #tpu.memory_space<vmem>> -> memref<128x128xf32, #tpu.memory_space<vmem>>
      %dma_wait3A_329 = arith.constant 0 : i32
      %dma_wait3A_330 = arith.constant 0 : i32
      %dma_wait3A_331 = tpu.memref_slice %dma_wait3A_328[%dma_wait3A_329, %dma_wait3A_330] : memref<128x128xf32, #tpu.memory_space<vmem>> -> memref<128x128xf32, #tpu.memory_space<vmem>>
      tpu.wait_dma2 semaphore(%run_scoped3A_303 : memref<!tpu.dma_semaphore, #tpu.memory_space<semaphore_mem>>) src(%arg4 : memref<128x128xf32, #tpu.memory_space<hbm>>) dst(%dma_wait3A_331 : memref<128x128xf32, #tpu.memory_space<vmem>>)
      tpu.yield
    }) : () -> ()
    %mul3A_38 = arith.constant 640 : i32
    %mul3A_39 = arith.muli %arg1, %mul3A_38 : i32
    %add3A_40 = arith.constant 0 : i32
    %add3A_41 = arith.addi %mul3A_39, %add3A_40 : i32
    %dma_start3A_42 = arith.constant 1 : i32
    %dma_start3A_43 = arith.constant 0 : i32
    %dma_start3A_44 = arith.constant 0 : i32
    %dma_start3A_45 = tpu.memref_slice %arg7[%dma_start3A_42, %dma_start3A_43, %dma_start3A_44] : memref<2x128x128xf32, #tpu.memory_space<vmem>> -> memref<1x128x128xf32, #tpu.memory_space<vmem>>
    %dma_start3A_46 = tpu.memref_squeeze %dma_start3A_45 : memref<1x128x128xf32, #tpu.memory_space<vmem>> -> memref<128x128xf32, #tpu.memory_space<vmem>>
    %dma_start3A_47 = arith.constant 0 : i32
    %dma_start3A_48 = arith.constant 0 : i32
    %dma_start3A_49 = tpu.memref_slice %dma_start3A_46[%dma_start3A_47, %dma_start3A_48] : memref<128x128xf32, #tpu.memory_space<vmem>> -> memref<128x128xf32, #tpu.memory_space<vmem>>
    %dma_start3A_50 = arith.constant 0 : i32
    %dma_start3A_51 = tpu.memref_slice %arg8[%add3A_41, %dma_start3A_50] : memref<10240x128xf32, #tpu.memory_space<vmem_shared>> -> memref<128x128xf32, #tpu.memory_space<vmem_shared>>
    %dma_start3A_52 = arith.constant 0 : i32
    %dma_start3A_53 = tpu.memref_slice %arg8[%add3A_41, %dma_start3A_52] : memref<10240x128xf32, #tpu.memory_space<vmem_shared>> -> memref<128x128xf32, #tpu.memory_space<vmem_shared>>
    %dma_start3A_54 = arith.constant 0 : i32
    %dma_start3A_55 = arith.constant 0 : i32
    %dma_start3A_56 = tpu.memref_slice %arg7[%dma_start3A_42, %dma_start3A_54, %dma_start3A_55] : memref<2x128x128xf32, #tpu.memory_space<vmem>> -> memref<1x128x128xf32, #tpu.memory_space<vmem>>
    %dma_start3A_57 = tpu.memref_squeeze %dma_start3A_56 : memref<1x128x128xf32, #tpu.memory_space<vmem>> -> memref<128x128xf32, #tpu.memory_space<vmem>>
    %dma_start3A_58 = arith.constant 0 : i32
    %dma_start3A_59 = arith.constant 0 : i32
    %dma_start3A_60 = tpu.memref_slice %dma_start3A_57[%dma_start3A_58, %dma_start3A_59] : memref<128x128xf32, #tpu.memory_space<vmem>> -> memref<128x128xf32, #tpu.memory_space<vmem>>
    tpu.enqueue_dma source(%dma_start3A_60 : memref<128x128xf32, #tpu.memory_space<vmem>>) target(%dma_start3A_53 : memref<128x128xf32, #tpu.memory_space<vmem_shared>>) target_semaphore(%arg15 : memref<!tpu.dma_semaphore, #tpu.memory_space<semaphore_mem>>)
    %mul3A_61 = arith.constant 640 : i32
    %mul3A_62 = arith.muli %arg1, %mul3A_61 : i32
    %add3A_63 = arith.constant 128 : i32
    %add3A_64 = arith.addi %mul3A_62, %add3A_63 : i32
    %dma_start3A_65 = arith.constant 1 : i32
    %dma_start3A_66 = arith.constant 0 : i32
    %dma_start3A_67 = arith.constant 0 : i32
    %dma_start3A_68 = tpu.memref_slice %arg7[%dma_start3A_65, %dma_start3A_66, %dma_start3A_67] : memref<2x128x128xf32, #tpu.memory_space<vmem>> -> memref<1x128x128xf32, #tpu.memory_space<vmem>>
    %dma_start3A_69 = tpu.memref_squeeze %dma_start3A_68 : memref<1x128x128xf32, #tpu.memory_space<vmem>> -> memref<128x128xf32, #tpu.memory_space<vmem>>
    %dma_start3A_70 = arith.constant 0 : i32
    %dma_start3A_71 = arith.constant 0 : i32
    %dma_start3A_72 = tpu.memref_slice %dma_start3A_69[%dma_start3A_70, %dma_start3A_71] : memref<128x128xf32, #tpu.memory_space<vmem>> -> memref<128x128xf32, #tpu.memory_space<vmem>>
    %dma_start3A_73 = arith.constant 0 : i32
    %dma_start3A_74 = tpu.memref_slice %arg8[%add3A_64, %dma_start3A_73] : memref<10240x128xf32, #tpu.memory_space<vmem_shared>> -> memref<128x128xf32, #tpu.memory_space<vmem_shared>>
    %dma_start3A_75 = arith.constant 0 : i32
    %dma_start3A_76 = tpu.memref_slice %arg8[%add3A_64, %dma_start3A_75] : memref<10240x128xf32, #tpu.memory_space<vmem_shared>> -> memref<128x128xf32, #tpu.memory_space<vmem_shared>>
    %dma_start3A_77 = arith.constant 0 : i32
    %dma_start3A_78 = arith.constant 0 : i32
    %dma_start3A_79 = tpu.memref_slice %arg7[%dma_start3A_65, %dma_start3A_77, %dma_start3A_78] : memref<2x128x128xf32, #tpu.memory_space<vmem>> -> memref<1x128x128xf32, #tpu.memory_space<vmem>>
    %dma_start3A_80 = tpu.memref_squeeze %dma_start3A_79 : memref<1x128x128xf32, #tpu.memory_space<vmem>> -> memref<128x128xf32, #tpu.memory_space<vmem>>
    %dma_start3A_81 = arith.constant 0 : i32
    %dma_start3A_82 = arith.constant 0 : i32
    %dma_start3A_83 = tpu.memref_slice %dma_start3A_80[%dma_start3A_81, %dma_start3A_82] : memref<128x128xf32, #tpu.memory_space<vmem>> -> memref<128x128xf32, #tpu.memory_space<vmem>>
    tpu.enqueue_dma source(%dma_start3A_83 : memref<128x128xf32, #tpu.memory_space<vmem>>) target(%dma_start3A_76 : memref<128x128xf32, #tpu.memory_space<vmem_shared>>) target_semaphore(%arg15 : memref<!tpu.dma_semaphore, #tpu.memory_space<semaphore_mem>>)
    %mul3A_84 = arith.constant 640 : i32
    %mul3A_85 = arith.muli %arg1, %mul3A_84 : i32
    %add3A_86 = arith.constant 256 : i32
    %add3A_87 = arith.addi %mul3A_85, %add3A_86 : i32
    %dma_start3A_88 = arith.constant 1 : i32
    %dma_start3A_89 = arith.constant 0 : i32
    %dma_start3A_90 = arith.constant 0 : i32
    %dma_start3A_91 = tpu.memref_slice %arg7[%dma_start3A_88, %dma_start3A_89, %dma_start3A_90] : memref<2x128x128xf32, #tpu.memory_space<vmem>> -> memref<1x128x128xf32, #tpu.memory_space<vmem>>
    %dma_start3A_92 = tpu.memref_squeeze %dma_start3A_91 : memref<1x128x128xf32, #tpu.memory_space<vmem>> -> memref<128x128xf32, #tpu.memory_space<vmem>>
    %dma_start3A_93 = arith.constant 0 : i32
    %dma_start3A_94 = arith.constant 0 : i32
    %dma_start3A_95 = tpu.memref_slice %dma_start3A_92[%dma_start3A_93, %dma_start3A_94] : memref<128x128xf32, #tpu.memory_space<vmem>> -> memref<128x128xf32, #tpu.memory_space<vmem>>
    %dma_start3A_96 = arith.constant 0 : i32
    %dma_start3A_97 = tpu.memref_slice %arg8[%add3A_87, %dma_start3A_96] : memref<10240x128xf32, #tpu.memory_space<vmem_shared>> -> memref<128x128xf32, #tpu.memory_space<vmem_shared>>
    %dma_start3A_98 = arith.constant 0 : i32
    %dma_start3A_99 = tpu.memref_slice %arg8[%add3A_87, %dma_start3A_98] : memref<10240x128xf32, #tpu.memory_space<vmem_shared>> -> memref<128x128xf32, #tpu.memory_space<vmem_shared>>
    %dma_start3A_100 = arith.constant 0 : i32
    %dma_start3A_101 = arith.constant 0 : i32
    %dma_start3A_102 = tpu.memref_slice %arg7[%dma_start3A_88, %dma_start3A_100, %dma_start3A_101] : memref<2x128x128xf32, #tpu.memory_space<vmem>> -> memref<1x128x128xf32, #tpu.memory_space<vmem>>
    %dma_start3A_103 = tpu.memref_squeeze %dma_start3A_102 : memref<1x128x128xf32, #tpu.memory_space<vmem>> -> memref<128x128xf32, #tpu.memory_space<vmem>>
    %dma_start3A_104 = arith.constant 0 : i32
    %dma_start3A_105 = arith.constant 0 : i32
    %dma_start3A_106 = tpu.memref_slice %dma_start3A_103[%dma_start3A_104, %dma_start3A_105] : memref<128x128xf32, #tpu.memory_space<vmem>> -> memref<128x128xf32, #tpu.memory_space<vmem>>
    tpu.enqueue_dma source(%dma_start3A_106 : memref<128x128xf32, #tpu.memory_space<vmem>>) target(%dma_start3A_99 : memref<128x128xf32, #tpu.memory_space<vmem_shared>>) target_semaphore(%arg15 : memref<!tpu.dma_semaphore, #tpu.memory_space<semaphore_mem>>)
    %mul3A_107 = arith.constant 640 : i32
    %mul3A_108 = arith.muli %arg1, %mul3A_107 : i32
    %add3A_109 = arith.constant 384 : i32
    %add3A_110 = arith.addi %mul3A_108, %add3A_109 : i32
    %dma_start3A_111 = arith.constant 1 : i32
    %dma_start3A_112 = arith.constant 0 : i32
    %dma_start3A_113 = arith.constant 0 : i32
    %dma_start3A_114 = tpu.memref_slice %arg7[%dma_start3A_111, %dma_start3A_112, %dma_start3A_113] : memref<2x128x128xf32, #tpu.memory_space<vmem>> -> memref<1x128x128xf32, #tpu.memory_space<vmem>>
    %dma_start3A_115 = tpu.memref_squeeze %dma_start3A_114 : memref<1x128x128xf32, #tpu.memory_space<vmem>> -> memref<128x128xf32, #tpu.memory_space<vmem>>
    %dma_start3A_116 = arith.constant 0 : i32
    %dma_start3A_117 = arith.constant 0 : i32
    %dma_start3A_118 = tpu.memref_slice %dma_start3A_115[%dma_start3A_116, %dma_start3A_117] : memref<128x128xf32, #tpu.memory_space<vmem>> -> memref<128x128xf32, #tpu.memory_space<vmem>>
    %dma_start3A_119 = arith.constant 0 : i32
    %dma_start3A_120 = tpu.memref_slice %arg8[%add3A_110, %dma_start3A_119] : memref<10240x128xf32, #tpu.memory_space<vmem_shared>> -> memref<128x128xf32, #tpu.memory_space<vmem_shared>>
    %dma_start3A_121 = arith.constant 0 : i32
    %dma_start3A_122 = tpu.memref_slice %arg8[%add3A_110, %dma_start3A_121] : memref<10240x128xf32, #tpu.memory_space<vmem_shared>> -> memref<128x128xf32, #tpu.memory_space<vmem_shared>>
    %dma_start3A_123 = arith.constant 0 : i32
    %dma_start3A_124 = arith.constant 0 : i32
    %dma_start3A_125 = tpu.memref_slice %arg7[%dma_start3A_111, %dma_start3A_123, %dma_start3A_124] : memref<2x128x128xf32, #tpu.memory_space<vmem>> -> memref<1x128x128xf32, #tpu.memory_space<vmem>>
    %dma_start3A_126 = tpu.memref_squeeze %dma_start3A_125 : memref<1x128x128xf32, #tpu.memory_space<vmem>> -> memref<128x128xf32, #tpu.memory_space<vmem>>
    %dma_start3A_127 = arith.constant 0 : i32
    %dma_start3A_128 = arith.constant 0 : i32
    %dma_start3A_129 = tpu.memref_slice %dma_start3A_126[%dma_start3A_127, %dma_start3A_128] : memref<128x128xf32, #tpu.memory_space<vmem>> -> memref<128x128xf32, #tpu.memory_space<vmem>>
    tpu.enqueue_dma source(%dma_start3A_129 : memref<128x128xf32, #tpu.memory_space<vmem>>) target(%dma_start3A_122 : memref<128x128xf32, #tpu.memory_space<vmem_shared>>) target_semaphore(%arg15 : memref<!tpu.dma_semaphore, #tpu.memory_space<semaphore_mem>>)
    %mul3A_130 = arith.constant 640 : i32
    %mul3A_131 = arith.muli %arg1, %mul3A_130 : i32
    %add3A_132 = arith.constant 512 : i32
    %add3A_133 = arith.addi %mul3A_131, %add3A_132 : i32
    %dma_start3A_134 = arith.constant 1 : i32
    %dma_start3A_135 = arith.constant 0 : i32
    %dma_start3A_136 = arith.constant 0 : i32
    %dma_start3A_137 = tpu.memref_slice %arg7[%dma_start3A_134, %dma_start3A_135, %dma_start3A_136] : memref<2x128x128xf32, #tpu.memory_space<vmem>> -> memref<1x128x128xf32, #tpu.memory_space<vmem>>
    %dma_start3A_138 = tpu.memref_squeeze %dma_start3A_137 : memref<1x128x128xf32, #tpu.memory_space<vmem>> -> memref<128x128xf32, #tpu.memory_space<vmem>>
    %dma_start3A_139 = arith.constant 0 : i32
    %dma_start3A_140 = arith.constant 0 : i32
    %dma_start3A_141 = tpu.memref_slice %dma_start3A_138[%dma_start3A_139, %dma_start3A_140] : memref<128x128xf32, #tpu.memory_space<vmem>> -> memref<128x128xf32, #tpu.memory_space<vmem>>
    %dma_start3A_142 = arith.constant 0 : i32
    %dma_start3A_143 = tpu.memref_slice %arg8[%add3A_133, %dma_start3A_142] : memref<10240x128xf32, #tpu.memory_space<vmem_shared>> -> memref<128x128xf32, #tpu.memory_space<vmem_shared>>
    %dma_start3A_144 = arith.constant 0 : i32
    %dma_start3A_145 = tpu.memref_slice %arg8[%add3A_133, %dma_start3A_144] : memref<10240x128xf32, #tpu.memory_space<vmem_shared>> -> memref<128x128xf32, #tpu.memory_space<vmem_shared>>
    %dma_start3A_146 = arith.constant 0 : i32
    %dma_start3A_147 = arith.constant 0 : i32
    %dma_start3A_148 = tpu.memref_slice %arg7[%dma_start3A_134, %dma_start3A_146, %dma_start3A_147] : memref<2x128x128xf32, #tpu.memory_space<vmem>> -> memref<1x128x128xf32, #tpu.memory_space<vmem>>
    %dma_start3A_149 = tpu.memref_squeeze %dma_start3A_148 : memref<1x128x128xf32, #tpu.memory_space<vmem>> -> memref<128x128xf32, #tpu.memory_space<vmem>>
    %dma_start3A_150 = arith.constant 0 : i32
    %dma_start3A_151 = arith.constant 0 : i32
    %dma_start3A_152 = tpu.memref_slice %dma_start3A_149[%dma_start3A_150, %dma_start3A_151] : memref<128x128xf32, #tpu.memory_space<vmem>> -> memref<128x128xf32, #tpu.memory_space<vmem>>
    tpu.enqueue_dma source(%dma_start3A_152 : memref<128x128xf32, #tpu.memory_space<vmem>>) target(%dma_start3A_145 : memref<128x128xf32, #tpu.memory_space<vmem_shared>>) target_semaphore(%arg15 : memref<!tpu.dma_semaphore, #tpu.memory_space<semaphore_mem>>)
    %dma_wait3A = arith.constant 0 : i32
    %dma_wait3A_153 = arith.constant 0 : i32
    %dma_wait3A_154 = arith.constant 0 : i32
    %dma_wait3A_155 = arith.constant 0 : i32
    %dma_wait3A_156 = tpu.memref_slice %arg6[%dma_wait3A_153, %dma_wait3A_154, %dma_wait3A_155] : memref<4x2x128xi32, #tpu.memory_space<vmem>> -> memref<1x2x128xi32, #tpu.memory_space<vmem>>
    %dma_wait3A_157 = tpu.memref_squeeze %dma_wait3A_156 : memref<1x2x128xi32, #tpu.memory_space<vmem>> -> memref<2x128xi32, #tpu.memory_space<vmem>>
    %dma_wait3A_158 = arith.constant 0 : i32
    %dma_wait3A_159 = arith.constant 0 : i32
    %dma_wait3A_160 = tpu.memref_slice %arg3[%dma_wait3A, %dma_wait3A_158, %dma_wait3A_159] : memref<2560x2x128xi32, #tpu.memory_space<hbm>> -> memref<1x2x128xi32, #tpu.memory_space<hbm>>
    %dma_wait3A_161 = tpu.memref_squeeze %dma_wait3A_160 : memref<1x2x128xi32, #tpu.memory_space<hbm>> -> memref<2x128xi32, #tpu.memory_space<hbm>>
    %dma_wait3A_162 = arith.constant 0 : i32
    %dma_wait3A_163 = arith.constant 0 : i32
    %dma_wait3A_164 = tpu.memref_slice %arg6[%dma_wait3A_153, %dma_wait3A_162, %dma_wait3A_163] : memref<4x2x128xi32, #tpu.memory_space<vmem>> -> memref<1x2x128xi32, #tpu.memory_space<vmem>>
    %dma_wait3A_165 = tpu.memref_squeeze %dma_wait3A_164 : memref<1x2x128xi32, #tpu.memory_space<vmem>> -> memref<2x128xi32, #tpu.memory_space<vmem>>
    %dma_wait3A_166 = arith.constant 0 : i32
    %dma_wait3A_167 = arith.constant 0 : i32
    %dma_wait3A_168 = tpu.memref_slice %arg3[%dma_wait3A, %dma_wait3A_166, %dma_wait3A_167] : memref<2560x2x128xi32, #tpu.memory_space<hbm>> -> memref<1x2x128xi32, #tpu.memory_space<hbm>>
    %dma_wait3A_169 = tpu.memref_squeeze %dma_wait3A_168 : memref<1x2x128xi32, #tpu.memory_space<hbm>> -> memref<2x128xi32, #tpu.memory_space<hbm>>
    tpu.wait_dma2 semaphore(%arg9 : memref<!tpu.dma_semaphore, #tpu.memory_space<semaphore_mem>>) src(%dma_wait3A_169 : memref<2x128xi32, #tpu.memory_space<hbm>>) dst(%dma_wait3A_165 : memref<2x128xi32, #tpu.memory_space<vmem>>)
    %dma_start3A_170 = arith.constant 0 : i32
    %dma_start3A_171 = arith.constant 0 : i32
    %dma_start3A_172 = arith.constant 0 : i32
    %dma_start3A_173 = arith.constant 0 : i32
    %dma_start3A_174 = arith.constant 0 : i32
    %dma_start3A_175 = tpu.memref_slice %arg7[%dma_start3A_172, %dma_start3A_173, %dma_start3A_174] : memref<2x128x128xf32, #tpu.memory_space<vmem>> -> memref<1x128x128xf32, #tpu.memory_space<vmem>>
    %dma_start3A_176 = tpu.memref_squeeze %dma_start3A_175 : memref<1x128x128xf32, #tpu.memory_space<vmem>> -> memref<128x128xf32, #tpu.memory_space<vmem>>
    %dma_start3A_177 = arith.constant 0 : i32
    %dma_start3A_178 = arith.constant 0 : i32
    %dma_start3A_179 = tpu.memref_slice %arg6[%dma_start3A_170, %dma_start3A_177, %dma_start3A_178] : memref<4x2x128xi32, #tpu.memory_space<vmem>> -> memref<1x2x128xi32, #tpu.memory_space<vmem>>
    %dma_start3A_180 = tpu.memref_squeeze %dma_start3A_179 : memref<1x2x128xi32, #tpu.memory_space<vmem>> -> memref<2x128xi32, #tpu.memory_space<vmem>>
    %dma_start3A_181 = arith.constant 0 : i32
    %dma_start3A_182 = tpu.memref_slice %dma_start3A_180[%dma_start3A_171, %dma_start3A_181] : memref<2x128xi32, #tpu.memory_space<vmem>> -> memref<1x128xi32, #tpu.memory_space<vmem>>
    %dma_start3A_183 = tpu.memref_squeeze %dma_start3A_182 : memref<1x128xi32, #tpu.memory_space<vmem>> -> memref<128xi32, #tpu.memory_space<vmem>>
    %dma_start3A_184 = arith.constant 0 : i32
    %dma_start3A_185 = arith.constant 0 : i32
    %dma_start3A_186 = tpu.memref_slice %arg2[%dma_start3A_184, %dma_start3A_185] : memref<10240x128xf32, #tpu.memory_space<hbm>> -> memref<10240x128xf32, #tpu.memory_space<hbm>>
    tpu.enqueue_indirect_dma source(%dma_start3A_186 : memref<10240x128xf32, #tpu.memory_space<hbm>>) target(%dma_start3A_176 : memref<128x128xf32, #tpu.memory_space<vmem>>) offsets(%dma_start3A_183 : memref<128xi32, #tpu.memory_space<vmem>>) semaphore(%arg13 : memref<!tpu.dma_semaphore, #tpu.memory_space<semaphore_mem>>)
    %dma_wait3A_187 = arith.constant 1 : i32
    %dma_wait3A_188 = arith.constant 0 : i32
    %dma_wait3A_189 = arith.constant 0 : i32
    %dma_wait3A_190 = tpu.memref_slice %arg7[%dma_wait3A_187, %dma_wait3A_188, %dma_wait3A_189] : memref<2x128x128xf32, #tpu.memory_space<vmem>> -> memref<1x128x128xf32, #tpu.memory_space<vmem>>
    %dma_wait3A_191 = tpu.memref_squeeze %dma_wait3A_190 : memref<1x128x128xf32, #tpu.memory_space<vmem>> -> memref<128x128xf32, #tpu.memory_space<vmem>>
    %dma_wait3A_192 = arith.constant 0 : i32
    %dma_wait3A_193 = arith.constant 0 : i32
    %dma_wait3A_194 = tpu.memref_slice %dma_wait3A_191[%dma_wait3A_192, %dma_wait3A_193] : memref<128x128xf32, #tpu.memory_space<vmem>> -> memref<128x128xf32, #tpu.memory_space<vmem>>
    %dma_wait3A_195 = arith.constant 0 : i32
    %dma_wait3A_196 = arith.constant 0 : i32
    %dma_wait3A_197 = tpu.memref_slice %arg8[%dma_wait3A_195, %dma_wait3A_196] : memref<10240x128xf32, #tpu.memory_space<vmem_shared>> -> memref<128x128xf32, #tpu.memory_space<vmem_shared>>
    %dma_wait3A_198 = arith.constant 0 : i32
    %dma_wait3A_199 = arith.constant 0 : i32
    %dma_wait3A_200 = tpu.memref_slice %arg8[%dma_wait3A_198, %dma_wait3A_199] : memref<10240x128xf32, #tpu.memory_space<vmem_shared>> -> memref<128x128xf32, #tpu.memory_space<vmem_shared>>
    %dma_wait3A_201 = arith.constant 0 : i32
    %dma_wait3A_202 = arith.constant 0 : i32
    %dma_wait3A_203 = tpu.memref_slice %arg7[%dma_wait3A_187, %dma_wait3A_201, %dma_wait3A_202] : memref<2x128x128xf32, #tpu.memory_space<vmem>> -> memref<1x128x128xf32, #tpu.memory_space<vmem>>
    %dma_wait3A_204 = tpu.memref_squeeze %dma_wait3A_203 : memref<1x128x128xf32, #tpu.memory_space<vmem>> -> memref<128x128xf32, #tpu.memory_space<vmem>>
    %dma_wait3A_205 = arith.constant 0 : i32
    %dma_wait3A_206 = arith.constant 0 : i32
    %dma_wait3A_207 = tpu.memref_slice %dma_wait3A_204[%dma_wait3A_205, %dma_wait3A_206] : memref<128x128xf32, #tpu.memory_space<vmem>> -> memref<128x128xf32, #tpu.memory_space<vmem>>
    tpu.wait_dma2 semaphore(%arg15 : memref<!tpu.dma_semaphore, #tpu.memory_space<semaphore_mem>>) src(%dma_wait3A_207 : memref<128x128xf32, #tpu.memory_space<vmem>>) dst(%dma_wait3A_200 : memref<128x128xf32, #tpu.memory_space<vmem_shared>>)
    %dma_wait3A_208 = arith.constant 1 : i32
    %dma_wait3A_209 = arith.constant 0 : i32
    %dma_wait3A_210 = arith.constant 0 : i32
    %dma_wait3A_211 = tpu.memref_slice %arg7[%dma_wait3A_208, %dma_wait3A_209, %dma_wait3A_210] : memref<2x128x128xf32, #tpu.memory_space<vmem>> -> memref<1x128x128xf32, #tpu.memory_space<vmem>>
    %dma_wait3A_212 = tpu.memref_squeeze %dma_wait3A_211 : memref<1x128x128xf32, #tpu.memory_space<vmem>> -> memref<128x128xf32, #tpu.memory_space<vmem>>
    %dma_wait3A_213 = arith.constant 0 : i32
    %dma_wait3A_214 = arith.constant 0 : i32
    %dma_wait3A_215 = tpu.memref_slice %dma_wait3A_212[%dma_wait3A_213, %dma_wait3A_214] : memref<128x128xf32, #tpu.memory_space<vmem>> -> memref<128x128xf32, #tpu.memory_space<vmem>>
    %dma_wait3A_216 = arith.constant 0 : i32
    %dma_wait3A_217 = arith.constant 0 : i32
    %dma_wait3A_218 = tpu.memref_slice %arg8[%dma_wait3A_216, %dma_wait3A_217] : memref<10240x128xf32, #tpu.memory_space<vmem_shared>> -> memref<128x128xf32, #tpu.memory_space<vmem_shared>>
    %dma_wait3A_219 = arith.constant 0 : i32
    %dma_wait3A_220 = arith.constant 0 : i32
    %dma_wait3A_221 = tpu.memref_slice %arg8[%dma_wait3A_219, %dma_wait3A_220] : memref<10240x128xf32, #tpu.memory_space<vmem_shared>> -> memref<128x128xf32, #tpu.memory_space<vmem_shared>>
    %dma_wait3A_222 = arith.constant 0 : i32
    %dma_wait3A_223 = arith.constant 0 : i32
    %dma_wait3A_224 = tpu.memref_slice %arg7[%dma_wait3A_208, %dma_wait3A_222, %dma_wait3A_223] : memref<2x128x128xf32, #tpu.memory_space<vmem>> -> memref<1x128x128xf32, #tpu.memory_space<vmem>>
    %dma_wait3A_225 = tpu.memref_squeeze %dma_wait3A_224 : memref<1x128x128xf32, #tpu.memory_space<vmem>> -> memref<128x128xf32, #tpu.memory_space<vmem>>
    %dma_wait3A_226 = arith.constant 0 : i32
    %dma_wait3A_227 = arith.constant 0 : i32
    %dma_wait3A_228 = tpu.memref_slice %dma_wait3A_225[%dma_wait3A_226, %dma_wait3A_227] : memref<128x128xf32, #tpu.memory_space<vmem>> -> memref<128x128xf32, #tpu.memory_space<vmem>>
    tpu.wait_dma2 semaphore(%arg15 : memref<!tpu.dma_semaphore, #tpu.memory_space<semaphore_mem>>) src(%dma_wait3A_228 : memref<128x128xf32, #tpu.memory_space<vmem>>) dst(%dma_wait3A_221 : memref<128x128xf32, #tpu.memory_space<vmem_shared>>)
    %dma_wait3A_229 = arith.constant 1 : i32
    %dma_wait3A_230 = arith.constant 0 : i32
    %dma_wait3A_231 = arith.constant 0 : i32
    %dma_wait3A_232 = tpu.memref_slice %arg7[%dma_wait3A_229, %dma_wait3A_230, %dma_wait3A_231] : memref<2x128x128xf32, #tpu.memory_space<vmem>> -> memref<1x128x128xf32, #tpu.memory_space<vmem>>
    %dma_wait3A_233 = tpu.memref_squeeze %dma_wait3A_232 : memref<1x128x128xf32, #tpu.memory_space<vmem>> -> memref<128x128xf32, #tpu.memory_space<vmem>>
    %dma_wait3A_234 = arith.constant 0 : i32
    %dma_wait3A_235 = arith.constant 0 : i32
    %dma_wait3A_236 = tpu.memref_slice %dma_wait3A_233[%dma_wait3A_234, %dma_wait3A_235] : memref<128x128xf32, #tpu.memory_space<vmem>> -> memref<128x128xf32, #tpu.memory_space<vmem>>
    %dma_wait3A_237 = arith.constant 0 : i32
    %dma_wait3A_238 = arith.constant 0 : i32
    %dma_wait3A_239 = tpu.memref_slice %arg8[%dma_wait3A_237, %dma_wait3A_238] : memref<10240x128xf32, #tpu.memory_space<vmem_shared>> -> memref<128x128xf32, #tpu.memory_space<vmem_shared>>
    %dma_wait3A_240 = arith.constant 0 : i32
    %dma_wait3A_241 = arith.constant 0 : i32
    %dma_wait3A_242 = tpu.memref_slice %arg8[%dma_wait3A_240, %dma_wait3A_241] : memref<10240x128xf32, #tpu.memory_space<vmem_shared>> -> memref<128x128xf32, #tpu.memory_space<vmem_shared>>
    %dma_wait3A_243 = arith.constant 0 : i32
    %dma_wait3A_244 = arith.constant 0 : i32
    %dma_wait3A_245 = tpu.memref_slice %arg7[%dma_wait3A_229, %dma_wait3A_243, %dma_wait3A_244] : memref<2x128x128xf32, #tpu.memory_space<vmem>> -> memref<1x128x128xf32, #tpu.memory_space<vmem>>
    %dma_wait3A_246 = tpu.memref_squeeze %dma_wait3A_245 : memref<1x128x128xf32, #tpu.memory_space<vmem>> -> memref<128x128xf32, #tpu.memory_space<vmem>>
    %dma_wait3A_247 = arith.constant 0 : i32
    %dma_wait3A_248 = arith.constant 0 : i32
    %dma_wait3A_249 = tpu.memref_slice %dma_wait3A_246[%dma_wait3A_247, %dma_wait3A_248] : memref<128x128xf32, #tpu.memory_space<vmem>> -> memref<128x128xf32, #tpu.memory_space<vmem>>
    tpu.wait_dma2 semaphore(%arg15 : memref<!tpu.dma_semaphore, #tpu.memory_space<semaphore_mem>>) src(%dma_wait3A_249 : memref<128x128xf32, #tpu.memory_space<vmem>>) dst(%dma_wait3A_242 : memref<128x128xf32, #tpu.memory_space<vmem_shared>>)
    %dma_wait3A_250 = arith.constant 1 : i32
    %dma_wait3A_251 = arith.constant 0 : i32
    %dma_wait3A_252 = arith.constant 0 : i32
    %dma_wait3A_253 = tpu.memref_slice %arg7[%dma_wait3A_250, %dma_wait3A_251, %dma_wait3A_252] : memref<2x128x128xf32, #tpu.memory_space<vmem>> -> memref<1x128x128xf32, #tpu.memory_space<vmem>>
    %dma_wait3A_254 = tpu.memref_squeeze %dma_wait3A_253 : memref<1x128x128xf32, #tpu.memory_space<vmem>> -> memref<128x128xf32, #tpu.memory_space<vmem>>
    %dma_wait3A_255 = arith.constant 0 : i32
    %dma_wait3A_256 = arith.constant 0 : i32
    %dma_wait3A_257 = tpu.memref_slice %dma_wait3A_254[%dma_wait3A_255, %dma_wait3A_256] : memref<128x128xf32, #tpu.memory_space<vmem>> -> memref<128x128xf32, #tpu.memory_space<vmem>>
    %dma_wait3A_258 = arith.constant 0 : i32
    %dma_wait3A_259 = arith.constant 0 : i32
    %dma_wait3A_260 = tpu.memref_slice %arg8[%dma_wait3A_258, %dma_wait3A_259] : memref<10240x128xf32, #tpu.memory_space<vmem_shared>> -> memref<128x128xf32, #tpu.memory_space<vmem_shared>>
    %dma_wait3A_261 = arith.constant 0 : i32
    %dma_wait3A_262 = arith.constant 0 : i32
    %dma_wait3A_263 = tpu.memref_slice %arg8[%dma_wait3A_261, %dma_wait3A_262] : memref<10240x128xf32, #tpu.memory_space<vmem_shared>> -> memref<128x128xf32, #tpu.memory_space<vmem_shared>>
    %dma_wait3A_264 = arith.constant 0 : i32
    %dma_wait3A_265 = arith.constant 0 : i32
    %dma_wait3A_266 = tpu.memref_slice %arg7[%dma_wait3A_250, %dma_wait3A_264, %dma_wait3A_265] : memref<2x128x128xf32, #tpu.memory_space<vmem>> -> memref<1x128x128xf32, #tpu.memory_space<vmem>>
    %dma_wait3A_267 = tpu.memref_squeeze %dma_wait3A_266 : memref<1x128x128xf32, #tpu.memory_space<vmem>> -> memref<128x128xf32, #tpu.memory_space<vmem>>
    %dma_wait3A_268 = arith.constant 0 : i32
    %dma_wait3A_269 = arith.constant 0 : i32
    %dma_wait3A_270 = tpu.memref_slice %dma_wait3A_267[%dma_wait3A_268, %dma_wait3A_269] : memref<128x128xf32, #tpu.memory_space<vmem>> -> memref<128x128xf32, #tpu.memory_space<vmem>>
    tpu.wait_dma2 semaphore(%arg15 : memref<!tpu.dma_semaphore, #tpu.memory_space<semaphore_mem>>) src(%dma_wait3A_270 : memref<128x128xf32, #tpu.memory_space<vmem>>) dst(%dma_wait3A_263 : memref<128x128xf32, #tpu.memory_space<vmem_shared>>)
    %dma_wait3A_271 = arith.constant 1 : i32
    %dma_wait3A_272 = arith.constant 0 : i32
    %dma_wait3A_273 = arith.constant 0 : i32
    %dma_wait3A_274 = tpu.memref_slice %arg7[%dma_wait3A_271, %dma_wait3A_272, %dma_wait3A_273] : memref<2x128x128xf32, #tpu.memory_space<vmem>> -> memref<1x128x128xf32, #tpu.memory_space<vmem>>
    %dma_wait3A_275 = tpu.memref_squeeze %dma_wait3A_274 : memref<1x128x128xf32, #tpu.memory_space<vmem>> -> memref<128x128xf32, #tpu.memory_space<vmem>>
    %dma_wait3A_276 = arith.constant 0 : i32
    %dma_wait3A_277 = arith.constant 0 : i32
    %dma_wait3A_278 = tpu.memref_slice %dma_wait3A_275[%dma_wait3A_276, %dma_wait3A_277] : memref<128x128xf32, #tpu.memory_space<vmem>> -> memref<128x128xf32, #tpu.memory_space<vmem>>
    %dma_wait3A_279 = arith.constant 0 : i32
    %dma_wait3A_280 = arith.constant 0 : i32
    %dma_wait3A_281 = tpu.memref_slice %arg8[%dma_wait3A_279, %dma_wait3A_280] : memref<10240x128xf32, #tpu.memory_space<vmem_shared>> -> memref<128x128xf32, #tpu.memory_space<vmem_shared>>
    %dma_wait3A_282 = arith.constant 0 : i32
    %dma_wait3A_283 = arith.constant 0 : i32
    %dma_wait3A_284 = tpu.memref_slice %arg8[%dma_wait3A_282, %dma_wait3A_283] : memref<10240x128xf32, #tpu.memory_space<vmem_shared>> -> memref<128x128xf32, #tpu.memory_space<vmem_shared>>
    %dma_wait3A_285 = arith.constant 0 : i32
    %dma_wait3A_286 = arith.constant 0 : i32
    %dma_wait3A_287 = tpu.memref_slice %arg7[%dma_wait3A_271, %dma_wait3A_285, %dma_wait3A_286] : memref<2x128x128xf32, #tpu.memory_space<vmem>> -> memref<1x128x128xf32, #tpu.memory_space<vmem>>
    %dma_wait3A_288 = tpu.memref_squeeze %dma_wait3A_287 : memref<1x128x128xf32, #tpu.memory_space<vmem>> -> memref<128x128xf32, #tpu.memory_space<vmem>>
    %dma_wait3A_289 = arith.constant 0 : i32
    %dma_wait3A_290 = arith.constant 0 : i32
    %dma_wait3A_291 = tpu.memref_slice %dma_wait3A_288[%dma_wait3A_289, %dma_wait3A_290] : memref<128x128xf32, #tpu.memory_space<vmem>> -> memref<128x128xf32, #tpu.memory_space<vmem>>
    tpu.wait_dma2 semaphore(%arg15 : memref<!tpu.dma_semaphore, #tpu.memory_space<semaphore_mem>>) src(%dma_wait3A_291 : memref<128x128xf32, #tpu.memory_space<vmem>>) dst(%dma_wait3A_284 : memref<128x128xf32, #tpu.memory_space<vmem_shared>>)
    %barrier3A = arith.constant 0 : index
    tpu.barrier barrier_id(%barrier3A)
    %scan3A = arith.constant 0 : i32
    %scan3A_292 = arith.constant 0 : i32
    %scan3A_293 = arith.constant 20 : i32
    %scan3A_294 = arith.addi %scan3A_292, %scan3A_293 : i32
    %scan3A_295 = arith.constant 1 : i32
    %scan3A_296 = scf.for %scan3A_303 = %scan3A_292 to %scan3A_294 step %scan3A_295 iter_args(%scan3A_304 = %scan3A) -> (i32)  : i32 {
      %mul3A_305 = arith.constant 4 : i32
      %mul3A_306 = arith.muli %mul3A_305, %scan3A_303 : i32
      %add3A_307 = arith.constant 1 : i32
      %add3A_308 = arith.addi %mul3A_306, %add3A_307 : i32
      %lt3A = arith.constant 80 : i32
      %lt3A_309 = arith.cmpi slt, %add3A_308, %lt3A : i32
      %convert_element_type3A = arith.extui %lt3A_309 : i1 to i32
      %cond3A = arith.constant 0 : i32
      %cond3A_310 = arith.cmpi ne, %convert_element_type3A, %cond3A : i32
      scf.if %cond3A_310 {
        %dma_wait3A_439 = arith.constant 0 : i32
        %dma_wait3A_440 = arith.constant 1 : i32
        %dma_wait3A_441 = arith.constant 0 : i32
        %dma_wait3A_442 = arith.constant 0 : i32
        %dma_wait3A_443 = tpu.memref_slice %arg6[%dma_wait3A_440, %dma_wait3A_441, %dma_wait3A_442] : memref<4x2x128xi32, #tpu.memory_space<vmem>> -> memref<1x2x128xi32, #tpu.memory_space<vmem>>
        %dma_wait3A_444 = tpu.memref_squeeze %dma_wait3A_443 : memref<1x2x128xi32, #tpu.memory_space<vmem>> -> memref<2x128xi32, #tpu.memory_space<vmem>>
        %dma_wait3A_445 = arith.constant 0 : i32
        %dma_wait3A_446 = arith.constant 0 : i32
        %dma_wait3A_447 = tpu.memref_slice %arg3[%dma_wait3A_439, %dma_wait3A_445, %dma_wait3A_446] : memref<2560x2x128xi32, #tpu.memory_space<hbm>> -> memref<1x2x128xi32, #tpu.memory_space<hbm>>
        %dma_wait3A_448 = tpu.memref_squeeze %dma_wait3A_447 : memref<1x2x128xi32, #tpu.memory_space<hbm>> -> memref<2x128xi32, #tpu.memory_space<hbm>>
        %dma_wait3A_449 = arith.constant 0 : i32
        %dma_wait3A_450 = arith.constant 0 : i32
        %dma_wait3A_451 = tpu.memref_slice %arg6[%dma_wait3A_440, %dma_wait3A_449, %dma_wait3A_450] : memref<4x2x128xi32, #tpu.memory_space<vmem>> -> memref<1x2x128xi32, #tpu.memory_space<vmem>>
        %dma_wait3A_452 = tpu.memref_squeeze %dma_wait3A_451 : memref<1x2x128xi32, #tpu.memory_space<vmem>> -> memref<2x128xi32, #tpu.memory_space<vmem>>
        %dma_wait3A_453 = arith.constant 0 : i32
        %dma_wait3A_454 = arith.constant 0 : i32
        %dma_wait3A_455 = tpu.memref_slice %arg3[%dma_wait3A_439, %dma_wait3A_453, %dma_wait3A_454] : memref<2560x2x128xi32, #tpu.memory_space<hbm>> -> memref<1x2x128xi32, #tpu.memory_space<hbm>>
        %dma_wait3A_456 = tpu.memref_squeeze %dma_wait3A_455 : memref<1x2x128xi32, #tpu.memory_space<hbm>> -> memref<2x128xi32, #tpu.memory_space<hbm>>
        tpu.wait_dma2 semaphore(%arg10 : memref<!tpu.dma_semaphore, #tpu.memory_space<semaphore_mem>>) src(%dma_wait3A_456 : memref<2x128xi32, #tpu.memory_space<hbm>>) dst(%dma_wait3A_452 : memref<2x128xi32, #tpu.memory_space<vmem>>)
        %dma_start3A_457 = arith.constant 1 : i32
        %dma_start3A_458 = arith.constant 0 : i32
        %dma_start3A_459 = arith.constant 1 : i32
        %dma_start3A_460 = arith.constant 0 : i32
        %dma_start3A_461 = arith.constant 0 : i32
        %dma_start3A_462 = tpu.memref_slice %arg7[%dma_start3A_459, %dma_start3A_460, %dma_start3A_461] : memref<2x128x128xf32, #tpu.memory_space<vmem>> -> memref<1x128x128xf32, #tpu.memory_space<vmem>>
        %dma_start3A_463 = tpu.memref_squeeze %dma_start3A_462 : memref<1x128x128xf32, #tpu.memory_space<vmem>> -> memref<128x128xf32, #tpu.memory_space<vmem>>
        %dma_start3A_464 = arith.constant 0 : i32
        %dma_start3A_465 = arith.constant 0 : i32
        %dma_start3A_466 = tpu.memref_slice %arg6[%dma_start3A_457, %dma_start3A_464, %dma_start3A_465] : memref<4x2x128xi32, #tpu.memory_space<vmem>> -> memref<1x2x128xi32, #tpu.memory_space<vmem>>
        %dma_start3A_467 = tpu.memref_squeeze %dma_start3A_466 : memref<1x2x128xi32, #tpu.memory_space<vmem>> -> memref<2x128xi32, #tpu.memory_space<vmem>>
        %dma_start3A_468 = arith.constant 0 : i32
        %dma_start3A_469 = tpu.memref_slice %dma_start3A_467[%dma_start3A_458, %dma_start3A_468] : memref<2x128xi32, #tpu.memory_space<vmem>> -> memref<1x128xi32, #tpu.memory_space<vmem>>
        %dma_start3A_470 = tpu.memref_squeeze %dma_start3A_469 : memref<1x128xi32, #tpu.memory_space<vmem>> -> memref<128xi32, #tpu.memory_space<vmem>>
        %dma_start3A_471 = arith.constant 0 : i32
        %dma_start3A_472 = arith.constant 0 : i32
        %dma_start3A_473 = tpu.memref_slice %arg2[%dma_start3A_471, %dma_start3A_472] : memref<10240x128xf32, #tpu.memory_space<hbm>> -> memref<10240x128xf32, #tpu.memory_space<hbm>>
        tpu.enqueue_indirect_dma source(%dma_start3A_473 : memref<10240x128xf32, #tpu.memory_space<hbm>>) target(%dma_start3A_463 : memref<128x128xf32, #tpu.memory_space<vmem>>) offsets(%dma_start3A_470 : memref<128xi32, #tpu.memory_space<vmem>>) semaphore(%arg14 : memref<!tpu.dma_semaphore, #tpu.memory_space<semaphore_mem>>)
      } else {
      }
      %dma_wait3A_311 = arith.constant 0 : i32
      %dma_wait3A_312 = arith.constant 0 : i32
      %dma_wait3A_313 = arith.constant 0 : i32
      %dma_wait3A_314 = tpu.memref_slice %arg7[%dma_wait3A_311, %dma_wait3A_312, %dma_wait3A_313] : memref<2x128x128xf32, #tpu.memory_space<vmem>> -> memref<1x128x128xf32, #tpu.memory_space<vmem>>
      %dma_wait3A_315 = tpu.memref_squeeze %dma_wait3A_314 : memref<1x128x128xf32, #tpu.memory_space<vmem>> -> memref<128x128xf32, #tpu.memory_space<vmem>>
      %dma_wait3A_316 = arith.constant 0 : i32
      %dma_wait3A_317 = arith.constant 0 : i32
      %dma_wait3A_318 = tpu.memref_slice %arg2[%dma_wait3A_316, %dma_wait3A_317] : memref<10240x128xf32, #tpu.memory_space<hbm>> -> memref<128x128xf32, #tpu.memory_space<hbm>>
      %dma_wait3A_319 = arith.constant 0 : i32
      %dma_wait3A_320 = arith.constant 0 : i32
      %dma_wait3A_321 = tpu.memref_slice %arg7[%dma_wait3A_311, %dma_wait3A_319, %dma_wait3A_320] : memref<2x128x128xf32, #tpu.memory_space<vmem>> -> memref<1x128x128xf32, #tpu.memory_space<vmem>>
      %dma_wait3A_322 = tpu.memref_squeeze %dma_wait3A_321 : memref<1x128x128xf32, #tpu.memory_space<vmem>> -> memref<128x128xf32, #tpu.memory_space<vmem>>
      %dma_wait3A_323 = arith.constant 0 : i32
      %dma_wait3A_324 = arith.constant 0 : i32
      %dma_wait3A_325 = tpu.memref_slice %arg2[%dma_wait3A_323, %dma_wait3A_324] : memref<10240x128xf32, #tpu.memory_space<hbm>> -> memref<128x128xf32, #tpu.memory_space<hbm>>
      tpu.wait_dma2 semaphore(%arg13 : memref<!tpu.dma_semaphore, #tpu.memory_space<semaphore_mem>>) src(%dma_wait3A_325 : memref<128x128xf32, #tpu.memory_space<hbm>>) dst(%dma_wait3A_322 : memref<128x128xf32, #tpu.memory_space<vmem>>)
      %run_scoped3A_326 = arith.constant 0 : i32
      %run_scoped3A_327 = arith.constant 0 : i32
      %run_scoped3A_328 = arith.constant 1 : i32
      "tpu.region"() ({
        %run_scoped3A_439 = tpu.sem_alloc : memref<!tpu.dma_semaphore, #tpu.memory_space<semaphore_mem>>
        %dma_start3A_440 = arith.constant 0 : i32
        %dma_start3A_441 = arith.constant 0 : i32
        %dma_start3A_442 = tpu.memref_slice %arg7[%run_scoped3A_326, %dma_start3A_440, %dma_start3A_441] : memref<2x128x128xf32, #tpu.memory_space<vmem>> -> memref<1x128x128xf32, #tpu.memory_space<vmem>>
        %dma_start3A_443 = tpu.memref_squeeze %dma_start3A_442 : memref<1x128x128xf32, #tpu.memory_space<vmem>> -> memref<128x128xf32, #tpu.memory_space<vmem>>
        %dma_start3A_444 = arith.constant 0 : i32
        %dma_start3A_445 = arith.constant 0 : i32
        %dma_start3A_446 = tpu.memref_slice %arg6[%run_scoped3A_327, %dma_start3A_444, %dma_start3A_445] : memref<4x2x128xi32, #tpu.memory_space<vmem>> -> memref<1x2x128xi32, #tpu.memory_space<vmem>>
        %dma_start3A_447 = tpu.memref_squeeze %dma_start3A_446 : memref<1x2x128xi32, #tpu.memory_space<vmem>> -> memref<2x128xi32, #tpu.memory_space<vmem>>
        %dma_start3A_448 = arith.constant 0 : i32
        %dma_start3A_449 = tpu.memref_slice %dma_start3A_447[%run_scoped3A_328, %dma_start3A_448] : memref<2x128xi32, #tpu.memory_space<vmem>> -> memref<1x128xi32, #tpu.memory_space<vmem>>
        %dma_start3A_450 = tpu.memref_squeeze %dma_start3A_449 : memref<1x128xi32, #tpu.memory_space<vmem>> -> memref<128xi32, #tpu.memory_space<vmem>>
        %dma_start3A_451 = arith.constant 0 : i32
        %dma_start3A_452 = arith.constant 0 : i32
        %dma_start3A_453 = tpu.memref_slice %arg8[%dma_start3A_451, %dma_start3A_452] : memref<10240x128xf32, #tpu.memory_space<vmem_shared>> -> memref<10240x128xf32, #tpu.memory_space<vmem_shared>>
        tpu.enqueue_indirect_dma source(%dma_start3A_443 : memref<128x128xf32, #tpu.memory_space<vmem>>) target(%dma_start3A_453 : memref<10240x128xf32, #tpu.memory_space<vmem_shared>>) offsets(%dma_start3A_450 : memref<128xi32, #tpu.memory_space<vmem>>) semaphore(%run_scoped3A_439 : memref<!tpu.dma_semaphore, #tpu.memory_space<semaphore_mem>>) {add = true}
        %dma_wait3A_454 = arith.constant 0 : i32
        %dma_wait3A_455 = arith.constant 0 : i32
        %dma_wait3A_456 = tpu.memref_slice %arg7[%run_scoped3A_326, %dma_wait3A_454, %dma_wait3A_455] : memref<2x128x128xf32, #tpu.memory_space<vmem>> -> memref<1x128x128xf32, #tpu.memory_space<vmem>>
        %dma_wait3A_457 = tpu.memref_squeeze %dma_wait3A_456 : memref<1x128x128xf32, #tpu.memory_space<vmem>> -> memref<128x128xf32, #tpu.memory_space<vmem>>
        %dma_wait3A_458 = arith.constant 0 : i32
        %dma_wait3A_459 = arith.constant 0 : i32
        %dma_wait3A_460 = tpu.memref_slice %arg6[%run_scoped3A_327, %dma_wait3A_458, %dma_wait3A_459] : memref<4x2x128xi32, #tpu.memory_space<vmem>> -> memref<1x2x128xi32, #tpu.memory_space<vmem>>
        %dma_wait3A_461 = tpu.memref_squeeze %dma_wait3A_460 : memref<1x2x128xi32, #tpu.memory_space<vmem>> -> memref<2x128xi32, #tpu.memory_space<vmem>>
        %dma_wait3A_462 = arith.constant 0 : i32
        %dma_wait3A_463 = tpu.memref_slice %dma_wait3A_461[%run_scoped3A_328, %dma_wait3A_462] : memref<2x128xi32, #tpu.memory_space<vmem>> -> memref<1x128xi32, #tpu.memory_space<vmem>>
        %dma_wait3A_464 = tpu.memref_squeeze %dma_wait3A_463 : memref<1x128xi32, #tpu.memory_space<vmem>> -> memref<128xi32, #tpu.memory_space<vmem>>
        %dma_wait3A_465 = arith.constant 0 : i32
        %dma_wait3A_466 = arith.constant 0 : i32
        %dma_wait3A_467 = tpu.memref_slice %arg8[%dma_wait3A_465, %dma_wait3A_466] : memref<10240x128xf32, #tpu.memory_space<vmem_shared>> -> memref<10240x128xf32, #tpu.memory_space<vmem_shared>>
        tpu.wait_indirect_dma semaphore(%run_scoped3A_439 : memref<!tpu.dma_semaphore, #tpu.memory_space<semaphore_mem>>) src(%dma_wait3A_457 : memref<128x128xf32, #tpu.memory_space<vmem>>) dst(%dma_wait3A_467 : memref<10240x128xf32, #tpu.memory_space<vmem_shared>>)
        tpu.yield
      }) : () -> ()
      %add3A_329 = arith.constant 2 : i32
      %add3A_330 = arith.addi %mul3A_306, %add3A_329 : i32
      %lt3A_331 = arith.constant 80 : i32
      %lt3A_332 = arith.cmpi slt, %add3A_330, %lt3A_331 : i32
      %convert_element_type3A_333 = arith.extui %lt3A_332 : i1 to i32
      %cond3A_334 = arith.constant 0 : i32
      %cond3A_335 = arith.cmpi ne, %convert_element_type3A_333, %cond3A_334 : i32
      scf.if %cond3A_335 {
        %add3A_439 = arith.addi %mul3A_2, %mul3A_306 : i32
        %add3A_440 = arith.constant 2 : i32
        %add3A_441 = arith.addi %add3A_439, %add3A_440 : i32
        %dma_start3A_442 = arith.constant 2 : i32
        %dma_start3A_443 = arith.constant 0 : i32
        %dma_start3A_444 = arith.constant 0 : i32
        %dma_start3A_445 = tpu.memref_slice %arg6[%dma_start3A_442, %dma_start3A_443, %dma_start3A_444] : memref<4x2x128xi32, #tpu.memory_space<vmem>> -> memref<1x2x128xi32, #tpu.memory_space<vmem>>
        %dma_start3A_446 = tpu.memref_squeeze %dma_start3A_445 : memref<1x2x128xi32, #tpu.memory_space<vmem>> -> memref<2x128xi32, #tpu.memory_space<vmem>>
        %dma_start3A_447 = arith.constant 0 : i32
        %dma_start3A_448 = arith.constant 0 : i32
        %dma_start3A_449 = tpu.memref_slice %arg3[%add3A_441, %dma_start3A_447, %dma_start3A_448] : memref<2560x2x128xi32, #tpu.memory_space<hbm>> -> memref<1x2x128xi32, #tpu.memory_space<hbm>>
        %dma_start3A_450 = tpu.memref_squeeze %dma_start3A_449 : memref<1x2x128xi32, #tpu.memory_space<hbm>> -> memref<2x128xi32, #tpu.memory_space<hbm>>
        %dma_start3A_451 = arith.constant 0 : i32
        %dma_start3A_452 = arith.constant 0 : i32
        %dma_start3A_453 = tpu.memref_slice %arg6[%dma_start3A_442, %dma_start3A_451, %dma_start3A_452] : memref<4x2x128xi32, #tpu.memory_space<vmem>> -> memref<1x2x128xi32, #tpu.memory_space<vmem>>
        %dma_start3A_454 = tpu.memref_squeeze %dma_start3A_453 : memref<1x2x128xi32, #tpu.memory_space<vmem>> -> memref<2x128xi32, #tpu.memory_space<vmem>>
        %dma_start3A_455 = arith.constant 0 : i32
        %dma_start3A_456 = arith.constant 0 : i32
        %dma_start3A_457 = tpu.memref_slice %arg3[%add3A_441, %dma_start3A_455, %dma_start3A_456] : memref<2560x2x128xi32, #tpu.memory_space<hbm>> -> memref<1x2x128xi32, #tpu.memory_space<hbm>>
        %dma_start3A_458 = tpu.memref_squeeze %dma_start3A_457 : memref<1x2x128xi32, #tpu.memory_space<hbm>> -> memref<2x128xi32, #tpu.memory_space<hbm>>
        tpu.enqueue_dma source(%dma_start3A_458 : memref<2x128xi32, #tpu.memory_space<hbm>>) target(%dma_start3A_454 : memref<2x128xi32, #tpu.memory_space<vmem>>) target_semaphore(%arg11 : memref<!tpu.dma_semaphore, #tpu.memory_space<semaphore_mem>>)
      } else {
      }
      %add3A_336 = arith.constant 1 : i32
      %add3A_337 = arith.addi %mul3A_306, %add3A_336 : i32
      %add3A_338 = arith.constant 1 : i32
      %add3A_339 = arith.addi %add3A_337, %add3A_338 : i32
      %lt3A_340 = arith.constant 80 : i32
      %lt3A_341 = arith.cmpi slt, %add3A_339, %lt3A_340 : i32
      %convert_element_type3A_342 = arith.extui %lt3A_341 : i1 to i32
      %cond3A_343 = arith.constant 0 : i32
      %cond3A_344 = arith.cmpi ne, %convert_element_type3A_342, %cond3A_343 : i32
      scf.if %cond3A_344 {
        %dma_wait3A_439 = arith.constant 0 : i32
        %dma_wait3A_440 = arith.constant 2 : i32
        %dma_wait3A_441 = arith.constant 0 : i32
        %dma_wait3A_442 = arith.constant 0 : i32
        %dma_wait3A_443 = tpu.memref_slice %arg6[%dma_wait3A_440, %dma_wait3A_441, %dma_wait3A_442] : memref<4x2x128xi32, #tpu.memory_space<vmem>> -> memref<1x2x128xi32, #tpu.memory_space<vmem>>
        %dma_wait3A_444 = tpu.memref_squeeze %dma_wait3A_443 : memref<1x2x128xi32, #tpu.memory_space<vmem>> -> memref<2x128xi32, #tpu.memory_space<vmem>>
        %dma_wait3A_445 = arith.constant 0 : i32
        %dma_wait3A_446 = arith.constant 0 : i32
        %dma_wait3A_447 = tpu.memref_slice %arg3[%dma_wait3A_439, %dma_wait3A_445, %dma_wait3A_446] : memref<2560x2x128xi32, #tpu.memory_space<hbm>> -> memref<1x2x128xi32, #tpu.memory_space<hbm>>
        %dma_wait3A_448 = tpu.memref_squeeze %dma_wait3A_447 : memref<1x2x128xi32, #tpu.memory_space<hbm>> -> memref<2x128xi32, #tpu.memory_space<hbm>>
        %dma_wait3A_449 = arith.constant 0 : i32
        %dma_wait3A_450 = arith.constant 0 : i32
        %dma_wait3A_451 = tpu.memref_slice %arg6[%dma_wait3A_440, %dma_wait3A_449, %dma_wait3A_450] : memref<4x2x128xi32, #tpu.memory_space<vmem>> -> memref<1x2x128xi32, #tpu.memory_space<vmem>>
        %dma_wait3A_452 = tpu.memref_squeeze %dma_wait3A_451 : memref<1x2x128xi32, #tpu.memory_space<vmem>> -> memref<2x128xi32, #tpu.memory_space<vmem>>
        %dma_wait3A_453 = arith.constant 0 : i32
        %dma_wait3A_454 = arith.constant 0 : i32
        %dma_wait3A_455 = tpu.memref_slice %arg3[%dma_wait3A_439, %dma_wait3A_453, %dma_wait3A_454] : memref<2560x2x128xi32, #tpu.memory_space<hbm>> -> memref<1x2x128xi32, #tpu.memory_space<hbm>>
        %dma_wait3A_456 = tpu.memref_squeeze %dma_wait3A_455 : memref<1x2x128xi32, #tpu.memory_space<hbm>> -> memref<2x128xi32, #tpu.memory_space<hbm>>
        tpu.wait_dma2 semaphore(%arg11 : memref<!tpu.dma_semaphore, #tpu.memory_space<semaphore_mem>>) src(%dma_wait3A_456 : memref<2x128xi32, #tpu.memory_space<hbm>>) dst(%dma_wait3A_452 : memref<2x128xi32, #tpu.memory_space<vmem>>)
        %dma_start3A_457 = arith.constant 2 : i32
        %dma_start3A_458 = arith.constant 0 : i32
        %dma_start3A_459 = arith.constant 0 : i32
        %dma_start3A_460 = arith.constant 0 : i32
        %dma_start3A_461 = arith.constant 0 : i32
        %dma_start3A_462 = tpu.memref_slice %arg7[%dma_start3A_459, %dma_start3A_460, %dma_start3A_461] : memref<2x128x128xf32, #tpu.memory_space<vmem>> -> memref<1x128x128xf32, #tpu.memory_space<vmem>>
        %dma_start3A_463 = tpu.memref_squeeze %dma_start3A_462 : memref<1x128x128xf32, #tpu.memory_space<vmem>> -> memref<128x128xf32, #tpu.memory_space<vmem>>
        %dma_start3A_464 = arith.constant 0 : i32
        %dma_start3A_465 = arith.constant 0 : i32
        %dma_start3A_466 = tpu.memref_slice %arg6[%dma_start3A_457, %dma_start3A_464, %dma_start3A_465] : memref<4x2x128xi32, #tpu.memory_space<vmem>> -> memref<1x2x128xi32, #tpu.memory_space<vmem>>
        %dma_start3A_467 = tpu.memref_squeeze %dma_start3A_466 : memref<1x2x128xi32, #tpu.memory_space<vmem>> -> memref<2x128xi32, #tpu.memory_space<vmem>>
        %dma_start3A_468 = arith.constant 0 : i32
        %dma_start3A_469 = tpu.memref_slice %dma_start3A_467[%dma_start3A_458, %dma_start3A_468] : memref<2x128xi32, #tpu.memory_space<vmem>> -> memref<1x128xi32, #tpu.memory_space<vmem>>
        %dma_start3A_470 = tpu.memref_squeeze %dma_start3A_469 : memref<1x128xi32, #tpu.memory_space<vmem>> -> memref<128xi32, #tpu.memory_space<vmem>>
        %dma_start3A_471 = arith.constant 0 : i32
        %dma_start3A_472 = arith.constant 0 : i32
        %dma_start3A_473 = tpu.memref_slice %arg2[%dma_start3A_471, %dma_start3A_472] : memref<10240x128xf32, #tpu.memory_space<hbm>> -> memref<10240x128xf32, #tpu.memory_space<hbm>>
        tpu.enqueue_indirect_dma source(%dma_start3A_473 : memref<10240x128xf32, #tpu.memory_space<hbm>>) target(%dma_start3A_463 : memref<128x128xf32, #tpu.memory_space<vmem>>) offsets(%dma_start3A_470 : memref<128xi32, #tpu.memory_space<vmem>>) semaphore(%arg13 : memref<!tpu.dma_semaphore, #tpu.memory_space<semaphore_mem>>)
      } else {
      }
      %dma_wait3A_345 = arith.constant 1 : i32
      %dma_wait3A_346 = arith.constant 0 : i32
      %dma_wait3A_347 = arith.constant 0 : i32
      %dma_wait3A_348 = tpu.memref_slice %arg7[%dma_wait3A_345, %dma_wait3A_346, %dma_wait3A_347] : memref<2x128x128xf32, #tpu.memory_space<vmem>> -> memref<1x128x128xf32, #tpu.memory_space<vmem>>
      %dma_wait3A_349 = tpu.memref_squeeze %dma_wait3A_348 : memref<1x128x128xf32, #tpu.memory_space<vmem>> -> memref<128x128xf32, #tpu.memory_space<vmem>>
      %dma_wait3A_350 = arith.constant 0 : i32
      %dma_wait3A_351 = arith.constant 0 : i32
      %dma_wait3A_352 = tpu.memref_slice %arg2[%dma_wait3A_350, %dma_wait3A_351] : memref<10240x128xf32, #tpu.memory_space<hbm>> -> memref<128x128xf32, #tpu.memory_space<hbm>>
      %dma_wait3A_353 = arith.constant 0 : i32
      %dma_wait3A_354 = arith.constant 0 : i32
      %dma_wait3A_355 = tpu.memref_slice %arg7[%dma_wait3A_345, %dma_wait3A_353, %dma_wait3A_354] : memref<2x128x128xf32, #tpu.memory_space<vmem>> -> memref<1x128x128xf32, #tpu.memory_space<vmem>>
      %dma_wait3A_356 = tpu.memref_squeeze %dma_wait3A_355 : memref<1x128x128xf32, #tpu.memory_space<vmem>> -> memref<128x128xf32, #tpu.memory_space<vmem>>
      %dma_wait3A_357 = arith.constant 0 : i32
      %dma_wait3A_358 = arith.constant 0 : i32
      %dma_wait3A_359 = tpu.memref_slice %arg2[%dma_wait3A_357, %dma_wait3A_358] : memref<10240x128xf32, #tpu.memory_space<hbm>> -> memref<128x128xf32, #tpu.memory_space<hbm>>
      tpu.wait_dma2 semaphore(%arg14 : memref<!tpu.dma_semaphore, #tpu.memory_space<semaphore_mem>>) src(%dma_wait3A_359 : memref<128x128xf32, #tpu.memory_space<hbm>>) dst(%dma_wait3A_356 : memref<128x128xf32, #tpu.memory_space<vmem>>)
      %run_scoped3A_360 = arith.constant 1 : i32
      %run_scoped3A_361 = arith.constant 1 : i32
      %run_scoped3A_362 = arith.constant 1 : i32
      "tpu.region"() ({
        %run_scoped3A_439 = tpu.sem_alloc : memref<!tpu.dma_semaphore, #tpu.memory_space<semaphore_mem>>
        %dma_start3A_440 = arith.constant 0 : i32
        %dma_start3A_441 = arith.constant 0 : i32
        %dma_start3A_442 = tpu.memref_slice %arg7[%run_scoped3A_360, %dma_start3A_440, %dma_start3A_441] : memref<2x128x128xf32, #tpu.memory_space<vmem>> -> memref<1x128x128xf32, #tpu.memory_space<vmem>>
        %dma_start3A_443 = tpu.memref_squeeze %dma_start3A_442 : memref<1x128x128xf32, #tpu.memory_space<vmem>> -> memref<128x128xf32, #tpu.memory_space<vmem>>
        %dma_start3A_444 = arith.constant 0 : i32
        %dma_start3A_445 = arith.constant 0 : i32
        %dma_start3A_446 = tpu.memref_slice %arg6[%run_scoped3A_361, %dma_start3A_444, %dma_start3A_445] : memref<4x2x128xi32, #tpu.memory_space<vmem>> -> memref<1x2x128xi32, #tpu.memory_space<vmem>>
        %dma_start3A_447 = tpu.memref_squeeze %dma_start3A_446 : memref<1x2x128xi32, #tpu.memory_space<vmem>> -> memref<2x128xi32, #tpu.memory_space<vmem>>
        %dma_start3A_448 = arith.constant 0 : i32
        %dma_start3A_449 = tpu.memref_slice %dma_start3A_447[%run_scoped3A_362, %dma_start3A_448] : memref<2x128xi32, #tpu.memory_space<vmem>> -> memref<1x128xi32, #tpu.memory_space<vmem>>
        %dma_start3A_450 = tpu.memref_squeeze %dma_start3A_449 : memref<1x128xi32, #tpu.memory_space<vmem>> -> memref<128xi32, #tpu.memory_space<vmem>>
        %dma_start3A_451 = arith.constant 0 : i32
        %dma_start3A_452 = arith.constant 0 : i32
        %dma_start3A_453 = tpu.memref_slice %arg8[%dma_start3A_451, %dma_start3A_452] : memref<10240x128xf32, #tpu.memory_space<vmem_shared>> -> memref<10240x128xf32, #tpu.memory_space<vmem_shared>>
        tpu.enqueue_indirect_dma source(%dma_start3A_443 : memref<128x128xf32, #tpu.memory_space<vmem>>) target(%dma_start3A_453 : memref<10240x128xf32, #tpu.memory_space<vmem_shared>>) offsets(%dma_start3A_450 : memref<128xi32, #tpu.memory_space<vmem>>) semaphore(%run_scoped3A_439 : memref<!tpu.dma_semaphore, #tpu.memory_space<semaphore_mem>>) {add = true}
        %dma_wait3A_454 = arith.constant 0 : i32
        %dma_wait3A_455 = arith.constant 0 : i32
        %dma_wait3A_456 = tpu.memref_slice %arg7[%run_scoped3A_360, %dma_wait3A_454, %dma_wait3A_455] : memref<2x128x128xf32, #tpu.memory_space<vmem>> -> memref<1x128x128xf32, #tpu.memory_space<vmem>>
        %dma_wait3A_457 = tpu.memref_squeeze %dma_wait3A_456 : memref<1x128x128xf32, #tpu.memory_space<vmem>> -> memref<128x128xf32, #tpu.memory_space<vmem>>
        %dma_wait3A_458 = arith.constant 0 : i32
        %dma_wait3A_459 = arith.constant 0 : i32
        %dma_wait3A_460 = tpu.memref_slice %arg6[%run_scoped3A_361, %dma_wait3A_458, %dma_wait3A_459] : memref<4x2x128xi32, #tpu.memory_space<vmem>> -> memref<1x2x128xi32, #tpu.memory_space<vmem>>
        %dma_wait3A_461 = tpu.memref_squeeze %dma_wait3A_460 : memref<1x2x128xi32, #tpu.memory_space<vmem>> -> memref<2x128xi32, #tpu.memory_space<vmem>>
        %dma_wait3A_462 = arith.constant 0 : i32
        %dma_wait3A_463 = tpu.memref_slice %dma_wait3A_461[%run_scoped3A_362, %dma_wait3A_462] : memref<2x128xi32, #tpu.memory_space<vmem>> -> memref<1x128xi32, #tpu.memory_space<vmem>>
        %dma_wait3A_464 = tpu.memref_squeeze %dma_wait3A_463 : memref<1x128xi32, #tpu.memory_space<vmem>> -> memref<128xi32, #tpu.memory_space<vmem>>
        %dma_wait3A_465 = arith.constant 0 : i32
        %dma_wait3A_466 = arith.constant 0 : i32
        %dma_wait3A_467 = tpu.memref_slice %arg8[%dma_wait3A_465, %dma_wait3A_466] : memref<10240x128xf32, #tpu.memory_space<vmem_shared>> -> memref<10240x128xf32, #tpu.memory_space<vmem_shared>>
        tpu.wait_indirect_dma semaphore(%run_scoped3A_439 : memref<!tpu.dma_semaphore, #tpu.memory_space<semaphore_mem>>) src(%dma_wait3A_457 : memref<128x128xf32, #tpu.memory_space<vmem>>) dst(%dma_wait3A_467 : memref<10240x128xf32, #tpu.memory_space<vmem_shared>>)
        tpu.yield
      }) : () -> ()
      %add3A_363 = arith.constant 2 : i32
      %add3A_364 = arith.addi %add3A_337, %add3A_363 : i32
      %lt3A_365 = arith.constant 80 : i32
      %lt3A_366 = arith.cmpi slt, %add3A_364, %lt3A_365 : i32
      %convert_element_type3A_367 = arith.extui %lt3A_366 : i1 to i32
      %cond3A_368 = arith.constant 0 : i32
      %cond3A_369 = arith.cmpi ne, %convert_element_type3A_367, %cond3A_368 : i32
      scf.if %cond3A_369 {
        %add3A_439 = arith.addi %mul3A_2, %add3A_337 : i32
        %add3A_440 = arith.constant 2 : i32
        %add3A_441 = arith.addi %add3A_439, %add3A_440 : i32
        %dma_start3A_442 = arith.constant 3 : i32
        %dma_start3A_443 = arith.constant 0 : i32
        %dma_start3A_444 = arith.constant 0 : i32
        %dma_start3A_445 = tpu.memref_slice %arg6[%dma_start3A_442, %dma_start3A_443, %dma_start3A_444] : memref<4x2x128xi32, #tpu.memory_space<vmem>> -> memref<1x2x128xi32, #tpu.memory_space<vmem>>
        %dma_start3A_446 = tpu.memref_squeeze %dma_start3A_445 : memref<1x2x128xi32, #tpu.memory_space<vmem>> -> memref<2x128xi32, #tpu.memory_space<vmem>>
        %dma_start3A_447 = arith.constant 0 : i32
        %dma_start3A_448 = arith.constant 0 : i32
        %dma_start3A_449 = tpu.memref_slice %arg3[%add3A_441, %dma_start3A_447, %dma_start3A_448] : memref<2560x2x128xi32, #tpu.memory_space<hbm>> -> memref<1x2x128xi32, #tpu.memory_space<hbm>>
        %dma_start3A_450 = tpu.memref_squeeze %dma_start3A_449 : memref<1x2x128xi32, #tpu.memory_space<hbm>> -> memref<2x128xi32, #tpu.memory_space<hbm>>
        %dma_start3A_451 = arith.constant 0 : i32
        %dma_start3A_452 = arith.constant 0 : i32
        %dma_start3A_453 = tpu.memref_slice %arg6[%dma_start3A_442, %dma_start3A_451, %dma_start3A_452] : memref<4x2x128xi32, #tpu.memory_space<vmem>> -> memref<1x2x128xi32, #tpu.memory_space<vmem>>
        %dma_start3A_454 = tpu.memref_squeeze %dma_start3A_453 : memref<1x2x128xi32, #tpu.memory_space<vmem>> -> memref<2x128xi32, #tpu.memory_space<vmem>>
        %dma_start3A_455 = arith.constant 0 : i32
        %dma_start3A_456 = arith.constant 0 : i32
        %dma_start3A_457 = tpu.memref_slice %arg3[%add3A_441, %dma_start3A_455, %dma_start3A_456] : memref<2560x2x128xi32, #tpu.memory_space<hbm>> -> memref<1x2x128xi32, #tpu.memory_space<hbm>>
        %dma_start3A_458 = tpu.memref_squeeze %dma_start3A_457 : memref<1x2x128xi32, #tpu.memory_space<hbm>> -> memref<2x128xi32, #tpu.memory_space<hbm>>
        tpu.enqueue_dma source(%dma_start3A_458 : memref<2x128xi32, #tpu.memory_space<hbm>>) target(%dma_start3A_454 : memref<2x128xi32, #tpu.memory_space<vmem>>) target_semaphore(%arg12 : memref<!tpu.dma_semaphore, #tpu.memory_space<semaphore_mem>>)
      } else {
      }
      %add3A_370 = arith.constant 2 : i32
      %add3A_371 = arith.addi %mul3A_306, %add3A_370 : i32
      %add3A_372 = arith.constant 1 : i32
      %add3A_373 = arith.addi %add3A_371, %add3A_372 : i32
      %lt3A_374 = arith.constant 80 : i32
      %lt3A_375 = arith.cmpi slt, %add3A_373, %lt3A_374 : i32
      %convert_element_type3A_376 = arith.extui %lt3A_375 : i1 to i32
      %cond3A_377 = arith.constant 0 : i32
      %cond3A_378 = arith.cmpi ne, %convert_element_type3A_376, %cond3A_377 : i32
      scf.if %cond3A_378 {
        %dma_wait3A_439 = arith.constant 0 : i32
        %dma_wait3A_440 = arith.constant 3 : i32
        %dma_wait3A_441 = arith.constant 0 : i32
        %dma_wait3A_442 = arith.constant 0 : i32
        %dma_wait3A_443 = tpu.memref_slice %arg6[%dma_wait3A_440, %dma_wait3A_441, %dma_wait3A_442] : memref<4x2x128xi32, #tpu.memory_space<vmem>> -> memref<1x2x128xi32, #tpu.memory_space<vmem>>
        %dma_wait3A_444 = tpu.memref_squeeze %dma_wait3A_443 : memref<1x2x128xi32, #tpu.memory_space<vmem>> -> memref<2x128xi32, #tpu.memory_space<vmem>>
        %dma_wait3A_445 = arith.constant 0 : i32
        %dma_wait3A_446 = arith.constant 0 : i32
        %dma_wait3A_447 = tpu.memref_slice %arg3[%dma_wait3A_439, %dma_wait3A_445, %dma_wait3A_446] : memref<2560x2x128xi32, #tpu.memory_space<hbm>> -> memref<1x2x128xi32, #tpu.memory_space<hbm>>
        %dma_wait3A_448 = tpu.memref_squeeze %dma_wait3A_447 : memref<1x2x128xi32, #tpu.memory_space<hbm>> -> memref<2x128xi32, #tpu.memory_space<hbm>>
        %dma_wait3A_449 = arith.constant 0 : i32
        %dma_wait3A_450 = arith.constant 0 : i32
        %dma_wait3A_451 = tpu.memref_slice %arg6[%dma_wait3A_440, %dma_wait3A_449, %dma_wait3A_450] : memref<4x2x128xi32, #tpu.memory_space<vmem>> -> memref<1x2x128xi32, #tpu.memory_space<vmem>>
        %dma_wait3A_452 = tpu.memref_squeeze %dma_wait3A_451 : memref<1x2x128xi32, #tpu.memory_space<vmem>> -> memref<2x128xi32, #tpu.memory_space<vmem>>
        %dma_wait3A_453 = arith.constant 0 : i32
        %dma_wait3A_454 = arith.constant 0 : i32
        %dma_wait3A_455 = tpu.memref_slice %arg3[%dma_wait3A_439, %dma_wait3A_453, %dma_wait3A_454] : memref<2560x2x128xi32, #tpu.memory_space<hbm>> -> memref<1x2x128xi32, #tpu.memory_space<hbm>>
        %dma_wait3A_456 = tpu.memref_squeeze %dma_wait3A_455 : memref<1x2x128xi32, #tpu.memory_space<hbm>> -> memref<2x128xi32, #tpu.memory_space<hbm>>
        tpu.wait_dma2 semaphore(%arg12 : memref<!tpu.dma_semaphore, #tpu.memory_space<semaphore_mem>>) src(%dma_wait3A_456 : memref<2x128xi32, #tpu.memory_space<hbm>>) dst(%dma_wait3A_452 : memref<2x128xi32, #tpu.memory_space<vmem>>)
        %dma_start3A_457 = arith.constant 3 : i32
        %dma_start3A_458 = arith.constant 0 : i32
        %dma_start3A_459 = arith.constant 1 : i32
        %dma_start3A_460 = arith.constant 0 : i32
        %dma_start3A_461 = arith.constant 0 : i32
        %dma_start3A_462 = tpu.memref_slice %arg7[%dma_start3A_459, %dma_start3A_460, %dma_start3A_461] : memref<2x128x128xf32, #tpu.memory_space<vmem>> -> memref<1x128x128xf32, #tpu.memory_space<vmem>>
        %dma_start3A_463 = tpu.memref_squeeze %dma_start3A_462 : memref<1x128x128xf32, #tpu.memory_space<vmem>> -> memref<128x128xf32, #tpu.memory_space<vmem>>
        %dma_start3A_464 = arith.constant 0 : i32
        %dma_start3A_465 = arith.constant 0 : i32
        %dma_start3A_466 = tpu.memref_slice %arg6[%dma_start3A_457, %dma_start3A_464, %dma_start3A_465] : memref<4x2x128xi32, #tpu.memory_space<vmem>> -> memref<1x2x128xi32, #tpu.memory_space<vmem>>
        %dma_start3A_467 = tpu.memref_squeeze %dma_start3A_466 : memref<1x2x128xi32, #tpu.memory_space<vmem>> -> memref<2x128xi32, #tpu.memory_space<vmem>>
        %dma_start3A_468 = arith.constant 0 : i32
        %dma_start3A_469 = tpu.memref_slice %dma_start3A_467[%dma_start3A_458, %dma_start3A_468] : memref<2x128xi32, #tpu.memory_space<vmem>> -> memref<1x128xi32, #tpu.memory_space<vmem>>
        %dma_start3A_470 = tpu.memref_squeeze %dma_start3A_469 : memref<1x128xi32, #tpu.memory_space<vmem>> -> memref<128xi32, #tpu.memory_space<vmem>>
        %dma_start3A_471 = arith.constant 0 : i32
        %dma_start3A_472 = arith.constant 0 : i32
        %dma_start3A_473 = tpu.memref_slice %arg2[%dma_start3A_471, %dma_start3A_472] : memref<10240x128xf32, #tpu.memory_space<hbm>> -> memref<10240x128xf32, #tpu.memory_space<hbm>>
        tpu.enqueue_indirect_dma source(%dma_start3A_473 : memref<10240x128xf32, #tpu.memory_space<hbm>>) target(%dma_start3A_463 : memref<128x128xf32, #tpu.memory_space<vmem>>) offsets(%dma_start3A_470 : memref<128xi32, #tpu.memory_space<vmem>>) semaphore(%arg14 : memref<!tpu.dma_semaphore, #tpu.memory_space<semaphore_mem>>)
      } else {
      }
      %dma_wait3A_379 = arith.constant 0 : i32
      %dma_wait3A_380 = arith.constant 0 : i32
      %dma_wait3A_381 = arith.constant 0 : i32
      %dma_wait3A_382 = tpu.memref_slice %arg7[%dma_wait3A_379, %dma_wait3A_380, %dma_wait3A_381] : memref<2x128x128xf32, #tpu.memory_space<vmem>> -> memref<1x128x128xf32, #tpu.memory_space<vmem>>
      %dma_wait3A_383 = tpu.memref_squeeze %dma_wait3A_382 : memref<1x128x128xf32, #tpu.memory_space<vmem>> -> memref<128x128xf32, #tpu.memory_space<vmem>>
      %dma_wait3A_384 = arith.constant 0 : i32
      %dma_wait3A_385 = arith.constant 0 : i32
      %dma_wait3A_386 = tpu.memref_slice %arg2[%dma_wait3A_384, %dma_wait3A_385] : memref<10240x128xf32, #tpu.memory_space<hbm>> -> memref<128x128xf32, #tpu.memory_space<hbm>>
      %dma_wait3A_387 = arith.constant 0 : i32
      %dma_wait3A_388 = arith.constant 0 : i32
      %dma_wait3A_389 = tpu.memref_slice %arg7[%dma_wait3A_379, %dma_wait3A_387, %dma_wait3A_388] : memref<2x128x128xf32, #tpu.memory_space<vmem>> -> memref<1x128x128xf32, #tpu.memory_space<vmem>>
      %dma_wait3A_390 = tpu.memref_squeeze %dma_wait3A_389 : memref<1x128x128xf32, #tpu.memory_space<vmem>> -> memref<128x128xf32, #tpu.memory_space<vmem>>
      %dma_wait3A_391 = arith.constant 0 : i32
      %dma_wait3A_392 = arith.constant 0 : i32
      %dma_wait3A_393 = tpu.memref_slice %arg2[%dma_wait3A_391, %dma_wait3A_392] : memref<10240x128xf32, #tpu.memory_space<hbm>> -> memref<128x128xf32, #tpu.memory_space<hbm>>
      tpu.wait_dma2 semaphore(%arg13 : memref<!tpu.dma_semaphore, #tpu.memory_space<semaphore_mem>>) src(%dma_wait3A_393 : memref<128x128xf32, #tpu.memory_space<hbm>>) dst(%dma_wait3A_390 : memref<128x128xf32, #tpu.memory_space<vmem>>)
      %run_scoped3A_394 = arith.constant 0 : i32
      %run_scoped3A_395 = arith.constant 2 : i32
      %run_scoped3A_396 = arith.constant 1 : i32
      "tpu.region"() ({
        %run_scoped3A_439 = tpu.sem_alloc : memref<!tpu.dma_semaphore, #tpu.memory_space<semaphore_mem>>
        %dma_start3A_440 = arith.constant 0 : i32
        %dma_start3A_441 = arith.constant 0 : i32
        %dma_start3A_442 = tpu.memref_slice %arg7[%run_scoped3A_394, %dma_start3A_440, %dma_start3A_441] : memref<2x128x128xf32, #tpu.memory_space<vmem>> -> memref<1x128x128xf32, #tpu.memory_space<vmem>>
        %dma_start3A_443 = tpu.memref_squeeze %dma_start3A_442 : memref<1x128x128xf32, #tpu.memory_space<vmem>> -> memref<128x128xf32, #tpu.memory_space<vmem>>
        %dma_start3A_444 = arith.constant 0 : i32
        %dma_start3A_445 = arith.constant 0 : i32
        %dma_start3A_446 = tpu.memref_slice %arg6[%run_scoped3A_395, %dma_start3A_444, %dma_start3A_445] : memref<4x2x128xi32, #tpu.memory_space<vmem>> -> memref<1x2x128xi32, #tpu.memory_space<vmem>>
        %dma_start3A_447 = tpu.memref_squeeze %dma_start3A_446 : memref<1x2x128xi32, #tpu.memory_space<vmem>> -> memref<2x128xi32, #tpu.memory_space<vmem>>
        %dma_start3A_448 = arith.constant 0 : i32
        %dma_start3A_449 = tpu.memref_slice %dma_start3A_447[%run_scoped3A_396, %dma_start3A_448] : memref<2x128xi32, #tpu.memory_space<vmem>> -> memref<1x128xi32, #tpu.memory_space<vmem>>
        %dma_start3A_450 = tpu.memref_squeeze %dma_start3A_449 : memref<1x128xi32, #tpu.memory_space<vmem>> -> memref<128xi32, #tpu.memory_space<vmem>>
        %dma_start3A_451 = arith.constant 0 : i32
        %dma_start3A_452 = arith.constant 0 : i32
        %dma_start3A_453 = tpu.memref_slice %arg8[%dma_start3A_451, %dma_start3A_452] : memref<10240x128xf32, #tpu.memory_space<vmem_shared>> -> memref<10240x128xf32, #tpu.memory_space<vmem_shared>>
        tpu.enqueue_indirect_dma source(%dma_start3A_443 : memref<128x128xf32, #tpu.memory_space<vmem>>) target(%dma_start3A_453 : memref<10240x128xf32, #tpu.memory_space<vmem_shared>>) offsets(%dma_start3A_450 : memref<128xi32, #tpu.memory_space<vmem>>) semaphore(%run_scoped3A_439 : memref<!tpu.dma_semaphore, #tpu.memory_space<semaphore_mem>>) {add = true}
        %dma_wait3A_454 = arith.constant 0 : i32
        %dma_wait3A_455 = arith.constant 0 : i32
        %dma_wait3A_456 = tpu.memref_slice %arg7[%run_scoped3A_394, %dma_wait3A_454, %dma_wait3A_455] : memref<2x128x128xf32, #tpu.memory_space<vmem>> -> memref<1x128x128xf32, #tpu.memory_space<vmem>>
        %dma_wait3A_457 = tpu.memref_squeeze %dma_wait3A_456 : memref<1x128x128xf32, #tpu.memory_space<vmem>> -> memref<128x128xf32, #tpu.memory_space<vmem>>
        %dma_wait3A_458 = arith.constant 0 : i32
        %dma_wait3A_459 = arith.constant 0 : i32
        %dma_wait3A_460 = tpu.memref_slice %arg6[%run_scoped3A_395, %dma_wait3A_458, %dma_wait3A_459] : memref<4x2x128xi32, #tpu.memory_space<vmem>> -> memref<1x2x128xi32, #tpu.memory_space<vmem>>
        %dma_wait3A_461 = tpu.memref_squeeze %dma_wait3A_460 : memref<1x2x128xi32, #tpu.memory_space<vmem>> -> memref<2x128xi32, #tpu.memory_space<vmem>>
        %dma_wait3A_462 = arith.constant 0 : i32
        %dma_wait3A_463 = tpu.memref_slice %dma_wait3A_461[%run_scoped3A_396, %dma_wait3A_462] : memref<2x128xi32, #tpu.memory_space<vmem>> -> memref<1x128xi32, #tpu.memory_space<vmem>>
        %dma_wait3A_464 = tpu.memref_squeeze %dma_wait3A_463 : memref<1x128xi32, #tpu.memory_space<vmem>> -> memref<128xi32, #tpu.memory_space<vmem>>
        %dma_wait3A_465 = arith.constant 0 : i32
        %dma_wait3A_466 = arith.constant 0 : i32
        %dma_wait3A_467 = tpu.memref_slice %arg8[%dma_wait3A_465, %dma_wait3A_466] : memref<10240x128xf32, #tpu.memory_space<vmem_shared>> -> memref<10240x128xf32, #tpu.memory_space<vmem_shared>>
        tpu.wait_indirect_dma semaphore(%run_scoped3A_439 : memref<!tpu.dma_semaphore, #tpu.memory_space<semaphore_mem>>) src(%dma_wait3A_457 : memref<128x128xf32, #tpu.memory_space<vmem>>) dst(%dma_wait3A_467 : memref<10240x128xf32, #tpu.memory_space<vmem_shared>>)
        tpu.yield
      }) : () -> ()
      %add3A_397 = arith.constant 2 : i32
      %add3A_398 = arith.addi %add3A_371, %add3A_397 : i32
      %lt3A_399 = arith.constant 80 : i32
      %lt3A_400 = arith.cmpi slt, %add3A_398, %lt3A_399 : i32
      %convert_element_type3A_401 = arith.extui %lt3A_400 : i1 to i32
      %cond3A_402 = arith.constant 0 : i32
      %cond3A_403 = arith.cmpi ne, %convert_element_type3A_401, %cond3A_402 : i32
      scf.if %cond3A_403 {
        %add3A_439 = arith.addi %mul3A_2, %add3A_371 : i32
        %add3A_440 = arith.constant 2 : i32
        %add3A_441 = arith.addi %add3A_439, %add3A_440 : i32
        %dma_start3A_442 = arith.constant 0 : i32
        %dma_start3A_443 = arith.constant 0 : i32
        %dma_start3A_444 = arith.constant 0 : i32
        %dma_start3A_445 = tpu.memref_slice %arg6[%dma_start3A_442, %dma_start3A_443, %dma_start3A_444] : memref<4x2x128xi32, #tpu.memory_space<vmem>> -> memref<1x2x128xi32, #tpu.memory_space<vmem>>
        %dma_start3A_446 = tpu.memref_squeeze %dma_start3A_445 : memref<1x2x128xi32, #tpu.memory_space<vmem>> -> memref<2x128xi32, #tpu.memory_space<vmem>>
        %dma_start3A_447 = arith.constant 0 : i32
        %dma_start3A_448 = arith.constant 0 : i32
        %dma_start3A_449 = tpu.memref_slice %arg3[%add3A_441, %dma_start3A_447, %dma_start3A_448] : memref<2560x2x128xi32, #tpu.memory_space<hbm>> -> memref<1x2x128xi32, #tpu.memory_space<hbm>>
        %dma_start3A_450 = tpu.memref_squeeze %dma_start3A_449 : memref<1x2x128xi32, #tpu.memory_space<hbm>> -> memref<2x128xi32, #tpu.memory_space<hbm>>
        %dma_start3A_451 = arith.constant 0 : i32
        %dma_start3A_452 = arith.constant 0 : i32
        %dma_start3A_453 = tpu.memref_slice %arg6[%dma_start3A_442, %dma_start3A_451, %dma_start3A_452] : memref<4x2x128xi32, #tpu.memory_space<vmem>> -> memref<1x2x128xi32, #tpu.memory_space<vmem>>
        %dma_start3A_454 = tpu.memref_squeeze %dma_start3A_453 : memref<1x2x128xi32, #tpu.memory_space<vmem>> -> memref<2x128xi32, #tpu.memory_space<vmem>>
        %dma_start3A_455 = arith.constant 0 : i32
        %dma_start3A_456 = arith.constant 0 : i32
        %dma_start3A_457 = tpu.memref_slice %arg3[%add3A_441, %dma_start3A_455, %dma_start3A_456] : memref<2560x2x128xi32, #tpu.memory_space<hbm>> -> memref<1x2x128xi32, #tpu.memory_space<hbm>>
        %dma_start3A_458 = tpu.memref_squeeze %dma_start3A_457 : memref<1x2x128xi32, #tpu.memory_space<hbm>> -> memref<2x128xi32, #tpu.memory_space<hbm>>
        tpu.enqueue_dma source(%dma_start3A_458 : memref<2x128xi32, #tpu.memory_space<hbm>>) target(%dma_start3A_454 : memref<2x128xi32, #tpu.memory_space<vmem>>) target_semaphore(%arg9 : memref<!tpu.dma_semaphore, #tpu.memory_space<semaphore_mem>>)
      } else {
      }
      %add3A_404 = arith.constant 3 : i32
      %add3A_405 = arith.addi %mul3A_306, %add3A_404 : i32
      %add3A_406 = arith.constant 1 : i32
      %add3A_407 = arith.addi %add3A_405, %add3A_406 : i32
      %lt3A_408 = arith.constant 80 : i32
      %lt3A_409 = arith.cmpi slt, %add3A_407, %lt3A_408 : i32
      %convert_element_type3A_410 = arith.extui %lt3A_409 : i1 to i32
      %cond3A_411 = arith.constant 0 : i32
      %cond3A_412 = arith.cmpi ne, %convert_element_type3A_410, %cond3A_411 : i32
      scf.if %cond3A_412 {
        %dma_wait3A_439 = arith.constant 0 : i32
        %dma_wait3A_440 = arith.constant 0 : i32
        %dma_wait3A_441 = arith.constant 0 : i32
        %dma_wait3A_442 = arith.constant 0 : i32
        %dma_wait3A_443 = tpu.memref_slice %arg6[%dma_wait3A_440, %dma_wait3A_441, %dma_wait3A_442] : memref<4x2x128xi32, #tpu.memory_space<vmem>> -> memref<1x2x128xi32, #tpu.memory_space<vmem>>
        %dma_wait3A_444 = tpu.memref_squeeze %dma_wait3A_443 : memref<1x2x128xi32, #tpu.memory_space<vmem>> -> memref<2x128xi32, #tpu.memory_space<vmem>>
        %dma_wait3A_445 = arith.constant 0 : i32
        %dma_wait3A_446 = arith.constant 0 : i32
        %dma_wait3A_447 = tpu.memref_slice %arg3[%dma_wait3A_439, %dma_wait3A_445, %dma_wait3A_446] : memref<2560x2x128xi32, #tpu.memory_space<hbm>> -> memref<1x2x128xi32, #tpu.memory_space<hbm>>
        %dma_wait3A_448 = tpu.memref_squeeze %dma_wait3A_447 : memref<1x2x128xi32, #tpu.memory_space<hbm>> -> memref<2x128xi32, #tpu.memory_space<hbm>>
        %dma_wait3A_449 = arith.constant 0 : i32
        %dma_wait3A_450 = arith.constant 0 : i32
        %dma_wait3A_451 = tpu.memref_slice %arg6[%dma_wait3A_440, %dma_wait3A_449, %dma_wait3A_450] : memref<4x2x128xi32, #tpu.memory_space<vmem>> -> memref<1x2x128xi32, #tpu.memory_space<vmem>>
        %dma_wait3A_452 = tpu.memref_squeeze %dma_wait3A_451 : memref<1x2x128xi32, #tpu.memory_space<vmem>> -> memref<2x128xi32, #tpu.memory_space<vmem>>
        %dma_wait3A_453 = arith.constant 0 : i32
        %dma_wait3A_454 = arith.constant 0 : i32
        %dma_wait3A_455 = tpu.memref_slice %arg3[%dma_wait3A_439, %dma_wait3A_453, %dma_wait3A_454] : memref<2560x2x128xi32, #tpu.memory_space<hbm>> -> memref<1x2x128xi32, #tpu.memory_space<hbm>>
        %dma_wait3A_456 = tpu.memref_squeeze %dma_wait3A_455 : memref<1x2x128xi32, #tpu.memory_space<hbm>> -> memref<2x128xi32, #tpu.memory_space<hbm>>
        tpu.wait_dma2 semaphore(%arg9 : memref<!tpu.dma_semaphore, #tpu.memory_space<semaphore_mem>>) src(%dma_wait3A_456 : memref<2x128xi32, #tpu.memory_space<hbm>>) dst(%dma_wait3A_452 : memref<2x128xi32, #tpu.memory_space<vmem>>)
        %dma_start3A_457 = arith.constant 0 : i32
        %dma_start3A_458 = arith.constant 0 : i32
        %dma_start3A_459 = arith.constant 0 : i32
        %dma_start3A_460 = arith.constant 0 : i32
        %dma_start3A_461 = arith.constant 0 : i32
        %dma_start3A_462 = tpu.memref_slice %arg7[%dma_start3A_459, %dma_start3A_460, %dma_start3A_461] : memref<2x128x128xf32, #tpu.memory_space<vmem>> -> memref<1x128x128xf32, #tpu.memory_space<vmem>>
        %dma_start3A_463 = tpu.memref_squeeze %dma_start3A_462 : memref<1x128x128xf32, #tpu.memory_space<vmem>> -> memref<128x128xf32, #tpu.memory_space<vmem>>
        %dma_start3A_464 = arith.constant 0 : i32
        %dma_start3A_465 = arith.constant 0 : i32
        %dma_start3A_466 = tpu.memref_slice %arg6[%dma_start3A_457, %dma_start3A_464, %dma_start3A_465] : memref<4x2x128xi32, #tpu.memory_space<vmem>> -> memref<1x2x128xi32, #tpu.memory_space<vmem>>
        %dma_start3A_467 = tpu.memref_squeeze %dma_start3A_466 : memref<1x2x128xi32, #tpu.memory_space<vmem>> -> memref<2x128xi32, #tpu.memory_space<vmem>>
        %dma_start3A_468 = arith.constant 0 : i32
        %dma_start3A_469 = tpu.memref_slice %dma_start3A_467[%dma_start3A_458, %dma_start3A_468] : memref<2x128xi32, #tpu.memory_space<vmem>> -> memref<1x128xi32, #tpu.memory_space<vmem>>
        %dma_start3A_470 = tpu.memref_squeeze %dma_start3A_469 : memref<1x128xi32, #tpu.memory_space<vmem>> -> memref<128xi32, #tpu.memory_space<vmem>>
        %dma_start3A_471 = arith.constant 0 : i32
        %dma_start3A_472 = arith.constant 0 : i32
        %dma_start3A_473 = tpu.memref_slice %arg2[%dma_start3A_471, %dma_start3A_472] : memref<10240x128xf32, #tpu.memory_space<hbm>> -> memref<10240x128xf32, #tpu.memory_space<hbm>>
        tpu.enqueue_indirect_dma source(%dma_start3A_473 : memref<10240x128xf32, #tpu.memory_space<hbm>>) target(%dma_start3A_463 : memref<128x128xf32, #tpu.memory_space<vmem>>) offsets(%dma_start3A_470 : memref<128xi32, #tpu.memory_space<vmem>>) semaphore(%arg13 : memref<!tpu.dma_semaphore, #tpu.memory_space<semaphore_mem>>)
      } else {
      }
      %dma_wait3A_413 = arith.constant 1 : i32
      %dma_wait3A_414 = arith.constant 0 : i32
      %dma_wait3A_415 = arith.constant 0 : i32
      %dma_wait3A_416 = tpu.memref_slice %arg7[%dma_wait3A_413, %dma_wait3A_414, %dma_wait3A_415] : memref<2x128x128xf32, #tpu.memory_space<vmem>> -> memref<1x128x128xf32, #tpu.memory_space<vmem>>
      %dma_wait3A_417 = tpu.memref_squeeze %dma_wait3A_416 : memref<1x128x128xf32, #tpu.memory_space<vmem>> -> memref<128x128xf32, #tpu.memory_space<vmem>>
      %dma_wait3A_418 = arith.constant 0 : i32
      %dma_wait3A_419 = arith.constant 0 : i32
      %dma_wait3A_420 = tpu.memref_slice %arg2[%dma_wait3A_418, %dma_wait3A_419] : memref<10240x128xf32, #tpu.memory_space<hbm>> -> memref<128x128xf32, #tpu.memory_space<hbm>>
      %dma_wait3A_421 = arith.constant 0 : i32
      %dma_wait3A_422 = arith.constant 0 : i32
      %dma_wait3A_423 = tpu.memref_slice %arg7[%dma_wait3A_413, %dma_wait3A_421, %dma_wait3A_422] : memref<2x128x128xf32, #tpu.memory_space<vmem>> -> memref<1x128x128xf32, #tpu.memory_space<vmem>>
      %dma_wait3A_424 = tpu.memref_squeeze %dma_wait3A_423 : memref<1x128x128xf32, #tpu.memory_space<vmem>> -> memref<128x128xf32, #tpu.memory_space<vmem>>
      %dma_wait3A_425 = arith.constant 0 : i32
      %dma_wait3A_426 = arith.constant 0 : i32
      %dma_wait3A_427 = tpu.memref_slice %arg2[%dma_wait3A_425, %dma_wait3A_426] : memref<10240x128xf32, #tpu.memory_space<hbm>> -> memref<128x128xf32, #tpu.memory_space<hbm>>
      tpu.wait_dma2 semaphore(%arg14 : memref<!tpu.dma_semaphore, #tpu.memory_space<semaphore_mem>>) src(%dma_wait3A_427 : memref<128x128xf32, #tpu.memory_space<hbm>>) dst(%dma_wait3A_424 : memref<128x128xf32, #tpu.memory_space<vmem>>)
      %run_scoped3A_428 = arith.constant 1 : i32
      %run_scoped3A_429 = arith.constant 3 : i32
      %run_scoped3A_430 = arith.constant 1 : i32
      "tpu.region"() ({
        %run_scoped3A_439 = tpu.sem_alloc : memref<!tpu.dma_semaphore, #tpu.memory_space<semaphore_mem>>
        %dma_start3A_440 = arith.constant 0 : i32
        %dma_start3A_441 = arith.constant 0 : i32
        %dma_start3A_442 = tpu.memref_slice %arg7[%run_scoped3A_428, %dma_start3A_440, %dma_start3A_441] : memref<2x128x128xf32, #tpu.memory_space<vmem>> -> memref<1x128x128xf32, #tpu.memory_space<vmem>>
        %dma_start3A_443 = tpu.memref_squeeze %dma_start3A_442 : memref<1x128x128xf32, #tpu.memory_space<vmem>> -> memref<128x128xf32, #tpu.memory_space<vmem>>
        %dma_start3A_444 = arith.constant 0 : i32
        %dma_start3A_445 = arith.constant 0 : i32
        %dma_start3A_446 = tpu.memref_slice %arg6[%run_scoped3A_429, %dma_start3A_444, %dma_start3A_445] : memref<4x2x128xi32, #tpu.memory_space<vmem>> -> memref<1x2x128xi32, #tpu.memory_space<vmem>>
        %dma_start3A_447 = tpu.memref_squeeze %dma_start3A_446 : memref<1x2x128xi32, #tpu.memory_space<vmem>> -> memref<2x128xi32, #tpu.memory_space<vmem>>
        %dma_start3A_448 = arith.constant 0 : i32
        %dma_start3A_449 = tpu.memref_slice %dma_start3A_447[%run_scoped3A_430, %dma_start3A_448] : memref<2x128xi32, #tpu.memory_space<vmem>> -> memref<1x128xi32, #tpu.memory_space<vmem>>
        %dma_start3A_450 = tpu.memref_squeeze %dma_start3A_449 : memref<1x128xi32, #tpu.memory_space<vmem>> -> memref<128xi32, #tpu.memory_space<vmem>>
        %dma_start3A_451 = arith.constant 0 : i32
        %dma_start3A_452 = arith.constant 0 : i32
        %dma_start3A_453 = tpu.memref_slice %arg8[%dma_start3A_451, %dma_start3A_452] : memref<10240x128xf32, #tpu.memory_space<vmem_shared>> -> memref<10240x128xf32, #tpu.memory_space<vmem_shared>>
        tpu.enqueue_indirect_dma source(%dma_start3A_443 : memref<128x128xf32, #tpu.memory_space<vmem>>) target(%dma_start3A_453 : memref<10240x128xf32, #tpu.memory_space<vmem_shared>>) offsets(%dma_start3A_450 : memref<128xi32, #tpu.memory_space<vmem>>) semaphore(%run_scoped3A_439 : memref<!tpu.dma_semaphore, #tpu.memory_space<semaphore_mem>>) {add = true}
        %dma_wait3A_454 = arith.constant 0 : i32
        %dma_wait3A_455 = arith.constant 0 : i32
        %dma_wait3A_456 = tpu.memref_slice %arg7[%run_scoped3A_428, %dma_wait3A_454, %dma_wait3A_455] : memref<2x128x128xf32, #tpu.memory_space<vmem>> -> memref<1x128x128xf32, #tpu.memory_space<vmem>>
        %dma_wait3A_457 = tpu.memref_squeeze %dma_wait3A_456 : memref<1x128x128xf32, #tpu.memory_space<vmem>> -> memref<128x128xf32, #tpu.memory_space<vmem>>
        %dma_wait3A_458 = arith.constant 0 : i32
        %dma_wait3A_459 = arith.constant 0 : i32
        %dma_wait3A_460 = tpu.memref_slice %arg6[%run_scoped3A_429, %dma_wait3A_458, %dma_wait3A_459] : memref<4x2x128xi32, #tpu.memory_space<vmem>> -> memref<1x2x128xi32, #tpu.memory_space<vmem>>
        %dma_wait3A_461 = tpu.memref_squeeze %dma_wait3A_460 : memref<1x2x128xi32, #tpu.memory_space<vmem>> -> memref<2x128xi32, #tpu.memory_space<vmem>>
        %dma_wait3A_462 = arith.constant 0 : i32
        %dma_wait3A_463 = tpu.memref_slice %dma_wait3A_461[%run_scoped3A_430, %dma_wait3A_462] : memref<2x128xi32, #tpu.memory_space<vmem>> -> memref<1x128xi32, #tpu.memory_space<vmem>>
        %dma_wait3A_464 = tpu.memref_squeeze %dma_wait3A_463 : memref<1x128xi32, #tpu.memory_space<vmem>> -> memref<128xi32, #tpu.memory_space<vmem>>
        %dma_wait3A_465 = arith.constant 0 : i32
        %dma_wait3A_466 = arith.constant 0 : i32
        %dma_wait3A_467 = tpu.memref_slice %arg8[%dma_wait3A_465, %dma_wait3A_466] : memref<10240x128xf32, #tpu.memory_space<vmem_shared>> -> memref<10240x128xf32, #tpu.memory_space<vmem_shared>>
        tpu.wait_indirect_dma semaphore(%run_scoped3A_439 : memref<!tpu.dma_semaphore, #tpu.memory_space<semaphore_mem>>) src(%dma_wait3A_457 : memref<128x128xf32, #tpu.memory_space<vmem>>) dst(%dma_wait3A_467 : memref<10240x128xf32, #tpu.memory_space<vmem_shared>>)
        tpu.yield
      }) : () -> ()
      %add3A_431 = arith.constant 2 : i32
      %add3A_432 = arith.addi %add3A_405, %add3A_431 : i32
      %lt3A_433 = arith.constant 80 : i32
      %lt3A_434 = arith.cmpi slt, %add3A_432, %lt3A_433 : i32
      %convert_element_type3A_435 = arith.extui %lt3A_434 : i1 to i32
      %cond3A_436 = arith.constant 0 : i32
      %cond3A_437 = arith.cmpi ne, %convert_element_type3A_435, %cond3A_436 : i32
      scf.if %cond3A_437 {
        %add3A_439 = arith.addi %mul3A_2, %add3A_405 : i32
        %add3A_440 = arith.constant 2 : i32
        %add3A_441 = arith.addi %add3A_439, %add3A_440 : i32
        %dma_start3A_442 = arith.constant 1 : i32
        %dma_start3A_443 = arith.constant 0 : i32
        %dma_start3A_444 = arith.constant 0 : i32
        %dma_start3A_445 = tpu.memref_slice %arg6[%dma_start3A_442, %dma_start3A_443, %dma_start3A_444] : memref<4x2x128xi32, #tpu.memory_space<vmem>> -> memref<1x2x128xi32, #tpu.memory_space<vmem>>
        %dma_start3A_446 = tpu.memref_squeeze %dma_start3A_445 : memref<1x2x128xi32, #tpu.memory_space<vmem>> -> memref<2x128xi32, #tpu.memory_space<vmem>>
        %dma_start3A_447 = arith.constant 0 : i32
        %dma_start3A_448 = arith.constant 0 : i32
        %dma_start3A_449 = tpu.memref_slice %arg3[%add3A_441, %dma_start3A_447, %dma_start3A_448] : memref<2560x2x128xi32, #tpu.memory_space<hbm>> -> memref<1x2x128xi32, #tpu.memory_space<hbm>>
        %dma_start3A_450 = tpu.memref_squeeze %dma_start3A_449 : memref<1x2x128xi32, #tpu.memory_space<hbm>> -> memref<2x128xi32, #tpu.memory_space<hbm>>
        %dma_start3A_451 = arith.constant 0 : i32
        %dma_start3A_452 = arith.constant 0 : i32
        %dma_start3A_453 = tpu.memref_slice %arg6[%dma_start3A_442, %dma_start3A_451, %dma_start3A_452] : memref<4x2x128xi32, #tpu.memory_space<vmem>> -> memref<1x2x128xi32, #tpu.memory_space<vmem>>
        %dma_start3A_454 = tpu.memref_squeeze %dma_start3A_453 : memref<1x2x128xi32, #tpu.memory_space<vmem>> -> memref<2x128xi32, #tpu.memory_space<vmem>>
        %dma_start3A_455 = arith.constant 0 : i32
        %dma_start3A_456 = arith.constant 0 : i32
        %dma_start3A_457 = tpu.memref_slice %arg3[%add3A_441, %dma_start3A_455, %dma_start3A_456] : memref<2560x2x128xi32, #tpu.memory_space<hbm>> -> memref<1x2x128xi32, #tpu.memory_space<hbm>>
        %dma_start3A_458 = tpu.memref_squeeze %dma_start3A_457 : memref<1x2x128xi32, #tpu.memory_space<hbm>> -> memref<2x128xi32, #tpu.memory_space<hbm>>
        tpu.enqueue_dma source(%dma_start3A_458 : memref<2x128xi32, #tpu.memory_space<hbm>>) target(%dma_start3A_454 : memref<2x128xi32, #tpu.memory_space<vmem>>) target_semaphore(%arg10 : memref<!tpu.dma_semaphore, #tpu.memory_space<semaphore_mem>>)
      } else {
      }
      %scan3A_438 = arith.constant 0 : i32
      scf.yield %scan3A_438 : i32
    }
    %scan3A_297 = arith.constant 20 : i32
    %barrier3A_298 = arith.constant 0 : index
    tpu.barrier barrier_id(%barrier3A_298)
    %mul3A_299 = arith.constant 640 : i32
    %mul3A_300 = arith.muli %arg1, %mul3A_299 : i32
    %mul3A_301 = arith.constant 640 : i32
    %mul3A_302 = arith.muli %arg1, %mul3A_301 : i32
    "tpu.region"() ({
      %run_scoped3A_303 = tpu.sem_alloc : memref<!tpu.dma_semaphore, #tpu.memory_space<semaphore_mem>>
      %dma_start3A_304 = arith.constant 0 : i32
      %dma_start3A_305 = arith.constant 0 : i32
      %dma_start3A_306 = tpu.memref_slice %arg5[%arg0, %dma_start3A_304, %dma_start3A_305] : memref<2x10240x128xf32, #tpu.memory_space<hbm>> -> memref<1x10240x128xf32, #tpu.memory_space<hbm>>
      %dma_start3A_307 = tpu.memref_squeeze %dma_start3A_306 : memref<1x10240x128xf32, #tpu.memory_space<hbm>> -> memref<10240x128xf32, #tpu.memory_space<hbm>>
      %dma_start3A_308 = arith.constant 0 : i32
      %dma_start3A_309 = tpu.memref_slice %dma_start3A_307[%mul3A_302, %dma_start3A_308] : memref<10240x128xf32, #tpu.memory_space<hbm>> -> memref<640x128xf32, #tpu.memory_space<hbm>>
      %dma_start3A_310 = arith.constant 0 : i32
      %dma_start3A_311 = tpu.memref_slice %arg8[%mul3A_300, %dma_start3A_310] : memref<10240x128xf32, #tpu.memory_space<vmem_shared>> -> memref<640x128xf32, #tpu.memory_space<vmem_shared>>
      tpu.enqueue_dma source(%dma_start3A_311 : memref<640x128xf32, #tpu.memory_space<vmem_shared>>) target(%dma_start3A_309 : memref<640x128xf32, #tpu.memory_space<hbm>>) target_semaphore(%run_scoped3A_303 : memref<!tpu.dma_semaphore, #tpu.memory_space<semaphore_mem>>)
      %dma_wait3A_312 = arith.constant 0 : i32
      %dma_wait3A_313 = arith.constant 0 : i32
      %dma_wait3A_314 = tpu.memref_slice %arg5[%arg0, %dma_wait3A_312, %dma_wait3A_313] : memref<2x10240x128xf32, #tpu.memory_space<hbm>> -> memref<1x10240x128xf32, #tpu.memory_space<hbm>>
      %dma_wait3A_315 = tpu.memref_squeeze %dma_wait3A_314 : memref<1x10240x128xf32, #tpu.memory_space<hbm>> -> memref<10240x128xf32, #tpu.memory_space<hbm>>
      %dma_wait3A_316 = arith.constant 0 : i32
      %dma_wait3A_317 = tpu.memref_slice %dma_wait3A_315[%mul3A_302, %dma_wait3A_316] : memref<10240x128xf32, #tpu.memory_space<hbm>> -> memref<640x128xf32, #tpu.memory_space<hbm>>
      %dma_wait3A_318 = arith.constant 0 : i32
      %dma_wait3A_319 = tpu.memref_slice %arg8[%mul3A_300, %dma_wait3A_318] : memref<10240x128xf32, #tpu.memory_space<vmem_shared>> -> memref<640x128xf32, #tpu.memory_space<vmem_shared>>
      tpu.wait_dma2 semaphore(%run_scoped3A_303 : memref<!tpu.dma_semaphore, #tpu.memory_space<semaphore_mem>>) src(%dma_wait3A_319 : memref<640x128xf32, #tpu.memory_space<vmem_shared>>) dst(%dma_wait3A_317 : memref<640x128xf32, #tpu.memory_space<hbm>>)
      tpu.yield
    }) : () -> ()
    return
  }
}

#map = affine_map<(d0, d1) -> (0, 0)>
#map1 = affine_map<(d0, d1) -> (0, 0, 0)>
module attributes {stable_mosaic.version = 14 : i64} {
  func.func @k(%arg0: i32, %arg1: i32, %arg2: memref<32x10240xi32, #tpu.memory_space<hbm>>, %arg3: memref<2x10240x128xf32, #tpu.memory_space<hbm>>, %arg4: memref<10240xi32, #tpu.memory_space<vmem>>, %arg5: memref<10240xf32, #tpu.memory_space<vmem>>, %arg6: memref<16x640xf32, #tpu.memory_space<vmem>>, %arg7: memref<128x128xf32, #tpu.memory_space<vmem>>, %arg8: memref<16x10240xf32, #tpu.memory_space<vmem_shared>>) attributes {dimension_semantics = [#tpu.dimension_semantics<core_parallel>, #tpu.dimension_semantics<subcore_parallel>], iteration_bounds = array<i64: 2, 16>, scalar_prefetch = 0 : i64, scratch_operands = 5 : i64, tpu.core_type = #tpu.core_type<sc_vector_subcore>, window_params = [{transform_indices = #map}, {transform_indices = #map1}]} {
    %mul3A = arith.constant 16 : i32
    %mul3A_0 = arith.muli %arg0, %mul3A : i32
    %add3A = arith.addi %mul3A_0, %arg1 : i32
    "tpu.region"() ({
      %run_scoped3A_89 = tpu.sem_alloc : memref<!tpu.dma_semaphore, #tpu.memory_space<semaphore_mem>>
      %dma_start3A = arith.constant 0 : i32
      %dma_start3A_90 = tpu.memref_slice %arg2[%add3A, %dma_start3A] : memref<32x10240xi32, #tpu.memory_space<hbm>> -> memref<1x10240xi32, #tpu.memory_space<hbm>>
      %dma_start3A_91 = tpu.memref_squeeze %dma_start3A_90 : memref<1x10240xi32, #tpu.memory_space<hbm>> -> memref<10240xi32, #tpu.memory_space<hbm>>
      %dma_start3A_92 = arith.constant 0 : i32
      %dma_start3A_93 = tpu.memref_slice %arg2[%add3A, %dma_start3A_92] : memref<32x10240xi32, #tpu.memory_space<hbm>> -> memref<1x10240xi32, #tpu.memory_space<hbm>>
      %dma_start3A_94 = tpu.memref_squeeze %dma_start3A_93 : memref<1x10240xi32, #tpu.memory_space<hbm>> -> memref<10240xi32, #tpu.memory_space<hbm>>
      tpu.enqueue_dma source(%dma_start3A_94 : memref<10240xi32, #tpu.memory_space<hbm>>) target(%arg4 : memref<10240xi32, #tpu.memory_space<vmem>>) target_semaphore(%run_scoped3A_89 : memref<!tpu.dma_semaphore, #tpu.memory_space<semaphore_mem>>)
      %dma_wait3A = arith.constant 0 : i32
      %dma_wait3A_95 = tpu.memref_slice %arg2[%add3A, %dma_wait3A] : memref<32x10240xi32, #tpu.memory_space<hbm>> -> memref<1x10240xi32, #tpu.memory_space<hbm>>
      %dma_wait3A_96 = tpu.memref_squeeze %dma_wait3A_95 : memref<1x10240xi32, #tpu.memory_space<hbm>> -> memref<10240xi32, #tpu.memory_space<hbm>>
      %dma_wait3A_97 = arith.constant 0 : i32
      %dma_wait3A_98 = tpu.memref_slice %arg2[%add3A, %dma_wait3A_97] : memref<32x10240xi32, #tpu.memory_space<hbm>> -> memref<1x10240xi32, #tpu.memory_space<hbm>>
      %dma_wait3A_99 = tpu.memref_squeeze %dma_wait3A_98 : memref<1x10240xi32, #tpu.memory_space<hbm>> -> memref<10240xi32, #tpu.memory_space<hbm>>
      tpu.wait_dma2 semaphore(%run_scoped3A_89 : memref<!tpu.dma_semaphore, #tpu.memory_space<semaphore_mem>>) src(%dma_wait3A_99 : memref<10240xi32, #tpu.memory_space<hbm>>) dst(%arg4 : memref<10240xi32, #tpu.memory_space<vmem>>)
      tpu.yield
    }) : () -> ()
    %broadcast_in_dim3A = arith.constant 0.000000e+00 : f32
    %broadcast_in_dim3A_1 = vector.broadcast %broadcast_in_dim3A : f32 to vector<16xf32>
    %broadcast_in_dim3A_2 = arith.constant 1.000000e+00 : f32
    %broadcast_in_dim3A_3 = vector.broadcast %broadcast_in_dim3A_2 : f32 to vector<16xf32>
    %scan3A = arith.constant 0 : i32
    %scan3A_4 = arith.constant 0 : i32
    %scan3A_5 = arith.constant 640 : i32
    %scan3A_6 = arith.addi %scan3A_4, %scan3A_5 : i32
    %scan3A_7 = arith.constant 1 : i32
    %scan3A_8 = scf.for %scan3A_89 = %scan3A_4 to %scan3A_6 step %scan3A_7 iter_args(%scan3A_90 = %scan3A) -> (i32)  : i32 {
      %mul3A_91 = arith.constant 16 : i32
      %mul3A_92 = arith.muli %scan3A_89, %mul3A_91 : i32
      %swap3A = arith.index_cast %mul3A_92 : i32 to index
      %swap3A_93 = tpu.vector_load %arg5[%swap3A] {strides = array<i32>} : memref<10240xf32, #tpu.memory_space<vmem>>, vector<16xf32>,
      tpu.vector_store %arg5[%swap3A], %broadcast_in_dim3A_1 {strides = array<i32>} : memref<10240xf32, #tpu.memory_space<vmem>>, vector<16xf32>,
      %scan3A_94 = arith.constant 0 : i32
      scf.yield %scan3A_94 : i32
    }
    %scan3A_9 = arith.constant 640 : i32
    %scan3A_10 = arith.constant 0 : i32
    %scan3A_11 = arith.constant 0 : i32
    %scan3A_12 = arith.constant 640 : i32
    %scan3A_13 = arith.addi %scan3A_11, %scan3A_12 : i32
    %scan3A_14 = arith.constant 1 : i32
    %scan3A_15 = scf.for %scan3A_89 = %scan3A_11 to %scan3A_13 step %scan3A_14 iter_args(%scan3A_90 = %scan3A_10) -> (i32)  : i32 {
      %mul3A_91 = arith.constant 16 : i32
      %mul3A_92 = arith.muli %scan3A_89, %mul3A_91 : i32
      %get3A = arith.index_cast %mul3A_92 : i32 to index
      %get3A_93 = tpu.vector_load %arg4[%get3A] {strides = array<i32>} : memref<10240xi32, #tpu.memory_space<vmem>>, vector<16xi32>,
      tpu.vector_store_idx %arg5[%get3A_93], %broadcast_in_dim3A_3 {add = true} : memref<10240xf32, #tpu.memory_space<vmem>>[vector<16xi32>], vector<16xf32>,
      %scan3A_94 = arith.constant 0 : i32
      scf.yield %scan3A_94 : i32
    }
    %scan3A_16 = arith.constant 640 : i32
    "tpu.region"() ({
      %run_scoped3A_89 = tpu.sem_alloc : memref<!tpu.dma_semaphore, #tpu.memory_space<semaphore_mem>>
      %dma_start3A = arith.constant 0 : i32
      %dma_start3A_90 = tpu.memref_slice %arg8[%arg1, %dma_start3A] : memref<16x10240xf32, #tpu.memory_space<vmem_shared>> -> memref<1x10240xf32, #tpu.memory_space<vmem_shared>>
      %dma_start3A_91 = tpu.memref_squeeze %dma_start3A_90 : memref<1x10240xf32, #tpu.memory_space<vmem_shared>> -> memref<10240xf32, #tpu.memory_space<vmem_shared>>
      %dma_start3A_92 = arith.constant 0 : i32
      %dma_start3A_93 = tpu.memref_slice %arg8[%arg1, %dma_start3A_92] : memref<16x10240xf32, #tpu.memory_space<vmem_shared>> -> memref<1x10240xf32, #tpu.memory_space<vmem_shared>>
      %dma_start3A_94 = tpu.memref_squeeze %dma_start3A_93 : memref<1x10240xf32, #tpu.memory_space<vmem_shared>> -> memref<10240xf32, #tpu.memory_space<vmem_shared>>
      tpu.enqueue_dma source(%arg5 : memref<10240xf32, #tpu.memory_space<vmem>>) target(%dma_start3A_94 : memref<10240xf32, #tpu.memory_space<vmem_shared>>) target_semaphore(%run_scoped3A_89 : memref<!tpu.dma_semaphore, #tpu.memory_space<semaphore_mem>>)
      %dma_wait3A = arith.constant 0 : i32
      %dma_wait3A_95 = tpu.memref_slice %arg8[%arg1, %dma_wait3A] : memref<16x10240xf32, #tpu.memory_space<vmem_shared>> -> memref<1x10240xf32, #tpu.memory_space<vmem_shared>>
      %dma_wait3A_96 = tpu.memref_squeeze %dma_wait3A_95 : memref<1x10240xf32, #tpu.memory_space<vmem_shared>> -> memref<10240xf32, #tpu.memory_space<vmem_shared>>
      %dma_wait3A_97 = arith.constant 0 : i32
      %dma_wait3A_98 = tpu.memref_slice %arg8[%arg1, %dma_wait3A_97] : memref<16x10240xf32, #tpu.memory_space<vmem_shared>> -> memref<1x10240xf32, #tpu.memory_space<vmem_shared>>
      %dma_wait3A_99 = tpu.memref_squeeze %dma_wait3A_98 : memref<1x10240xf32, #tpu.memory_space<vmem_shared>> -> memref<10240xf32, #tpu.memory_space<vmem_shared>>
      tpu.wait_dma2 semaphore(%run_scoped3A_89 : memref<!tpu.dma_semaphore, #tpu.memory_space<semaphore_mem>>) src(%arg5 : memref<10240xf32, #tpu.memory_space<vmem>>) dst(%dma_wait3A_99 : memref<10240xf32, #tpu.memory_space<vmem_shared>>)
      tpu.yield
    }) : () -> ()
    %barrier3A = arith.constant 0 : index
    tpu.barrier barrier_id(%barrier3A)
    %mul3A_17 = arith.constant 640 : i32
    %mul3A_18 = arith.muli %arg1, %mul3A_17 : i32
    %run_scoped3A = arith.constant 0 : i32
    %run_scoped3A_19 = arith.constant 0 : i32
    "tpu.region"() ({
      %run_scoped3A_89 = tpu.sem_alloc : memref<!tpu.dma_semaphore, #tpu.memory_space<semaphore_mem>>
      %dma_start3A = arith.constant 0 : i32
      %dma_start3A_90 = tpu.memref_slice %arg6[%run_scoped3A_19, %dma_start3A] : memref<16x640xf32, #tpu.memory_space<vmem>> -> memref<1x640xf32, #tpu.memory_space<vmem>>
      %dma_start3A_91 = tpu.memref_squeeze %dma_start3A_90 : memref<1x640xf32, #tpu.memory_space<vmem>> -> memref<640xf32, #tpu.memory_space<vmem>>
      %dma_start3A_92 = arith.constant 0 : i32
      %dma_start3A_93 = tpu.memref_slice %arg8[%run_scoped3A, %dma_start3A_92] : memref<16x10240xf32, #tpu.memory_space<vmem_shared>> -> memref<1x10240xf32, #tpu.memory_space<vmem_shared>>
      %dma_start3A_94 = tpu.memref_squeeze %dma_start3A_93 : memref<1x10240xf32, #tpu.memory_space<vmem_shared>> -> memref<10240xf32, #tpu.memory_space<vmem_shared>>
      %dma_start3A_95 = tpu.memref_slice %dma_start3A_94[%mul3A_18] : memref<10240xf32, #tpu.memory_space<vmem_shared>> -> memref<640xf32, #tpu.memory_space<vmem_shared>>
      %dma_start3A_96 = arith.constant 0 : i32
      %dma_start3A_97 = tpu.memref_slice %arg6[%run_scoped3A_19, %dma_start3A_96] : memref<16x640xf32, #tpu.memory_space<vmem>> -> memref<1x640xf32, #tpu.memory_space<vmem>>
      %dma_start3A_98 = tpu.memref_squeeze %dma_start3A_97 : memref<1x640xf32, #tpu.memory_space<vmem>> -> memref<640xf32, #tpu.memory_space<vmem>>
      %dma_start3A_99 = arith.constant 0 : i32
      %dma_start3A_100 = tpu.memref_slice %arg8[%run_scoped3A, %dma_start3A_99] : memref<16x10240xf32, #tpu.memory_space<vmem_shared>> -> memref<1x10240xf32, #tpu.memory_space<vmem_shared>>
      %dma_start3A_101 = tpu.memref_squeeze %dma_start3A_100 : memref<1x10240xf32, #tpu.memory_space<vmem_shared>> -> memref<10240xf32, #tpu.memory_space<vmem_shared>>
      %dma_start3A_102 = tpu.memref_slice %dma_start3A_101[%mul3A_18] : memref<10240xf32, #tpu.memory_space<vmem_shared>> -> memref<640xf32, #tpu.memory_space<vmem_shared>>
      tpu.enqueue_dma source(%dma_start3A_102 : memref<640xf32, #tpu.memory_space<vmem_shared>>) target(%dma_start3A_98 : memref<640xf32, #tpu.memory_space<vmem>>) target_semaphore(%run_scoped3A_89 : memref<!tpu.dma_semaphore, #tpu.memory_space<semaphore_mem>>)
      %dma_wait3A = arith.constant 0 : i32
      %dma_wait3A_103 = tpu.memref_slice %arg6[%run_scoped3A_19, %dma_wait3A] : memref<16x640xf32, #tpu.memory_space<vmem>> -> memref<1x640xf32, #tpu.memory_space<vmem>>
      %dma_wait3A_104 = tpu.memref_squeeze %dma_wait3A_103 : memref<1x640xf32, #tpu.memory_space<vmem>> -> memref<640xf32, #tpu.memory_space<vmem>>
      %dma_wait3A_105 = arith.constant 0 : i32
      %dma_wait3A_106 = tpu.memref_slice %arg8[%run_scoped3A, %dma_wait3A_105] : memref<16x10240xf32, #tpu.memory_space<vmem_shared>> -> memref<1x10240xf32, #tpu.memory_space<vmem_shared>>
      %dma_wait3A_107 = tpu.memref_squeeze %dma_wait3A_106 : memref<1x10240xf32, #tpu.memory_space<vmem_shared>> -> memref<10240xf32, #tpu.memory_space<vmem_shared>>
      %dma_wait3A_108 = tpu.memref_slice %dma_wait3A_107[%mul3A_18] : memref<10240xf32, #tpu.memory_space<vmem_shared>> -> memref<640xf32, #tpu.memory_space<vmem_shared>>
      %dma_wait3A_109 = arith.constant 0 : i32
      %dma_wait3A_110 = tpu.memref_slice %arg6[%run_scoped3A_19, %dma_wait3A_109] : memref<16x640xf32, #tpu.memory_space<vmem>> -> memref<1x640xf32, #tpu.memory_space<vmem>>
      %dma_wait3A_111 = tpu.memref_squeeze %dma_wait3A_110 : memref<1x640xf32, #tpu.memory_space<vmem>> -> memref<640xf32, #tpu.memory_space<vmem>>
      %dma_wait3A_112 = arith.constant 0 : i32
      %dma_wait3A_113 = tpu.memref_slice %arg8[%run_scoped3A, %dma_wait3A_112] : memref<16x10240xf32, #tpu.memory_space<vmem_shared>> -> memref<1x10240xf32, #tpu.memory_space<vmem_shared>>
      %dma_wait3A_114 = tpu.memref_squeeze %dma_wait3A_113 : memref<1x10240xf32, #tpu.memory_space<vmem_shared>> -> memref<10240xf32, #tpu.memory_space<vmem_shared>>
      %dma_wait3A_115 = tpu.memref_slice %dma_wait3A_114[%mul3A_18] : memref<10240xf32, #tpu.memory_space<vmem_shared>> -> memref<640xf32, #tpu.memory_space<vmem_shared>>
      tpu.wait_dma2 semaphore(%run_scoped3A_89 : memref<!tpu.dma_semaphore, #tpu.memory_space<semaphore_mem>>) src(%dma_wait3A_115 : memref<640xf32, #tpu.memory_space<vmem_shared>>) dst(%dma_wait3A_111 : memref<640xf32, #tpu.memory_space<vmem>>)
      tpu.yield
    }) : () -> ()
    %mul3A_20 = arith.constant 640 : i32
    %mul3A_21 = arith.muli %arg1, %mul3A_20 : i32
    %run_scoped3A_22 = arith.constant 1 : i32
    %run_scoped3A_23 = arith.constant 1 : i32
    "tpu.region"() ({
      %run_scoped3A_89 = tpu.sem_alloc : memref<!tpu.dma_semaphore, #tpu.memory_space<semaphore_mem>>
      %dma_start3A = arith.constant 0 : i32
      %dma_start3A_90 = tpu.memref_slice %arg6[%run_scoped3A_23, %dma_start3A] : memref<16x640xf32, #tpu.memory_space<vmem>> -> memref<1x640xf32, #tpu.memory_space<vmem>>
      %dma_start3A_91 = tpu.memref_squeeze %dma_start3A_90 : memref<1x640xf32, #tpu.memory_space<vmem>> -> memref<640xf32, #tpu.memory_space<vmem>>
      %dma_start3A_92 = arith.constant 0 : i32
      %dma_start3A_93 = tpu.memref_slice %arg8[%run_scoped3A_22, %dma_start3A_92] : memref<16x10240xf32, #tpu.memory_space<vmem_shared>> -> memref<1x10240xf32, #tpu.memory_space<vmem_shared>>
      %dma_start3A_94 = tpu.memref_squeeze %dma_start3A_93 : memref<1x10240xf32, #tpu.memory_space<vmem_shared>> -> memref<10240xf32, #tpu.memory_space<vmem_shared>>
      %dma_start3A_95 = tpu.memref_slice %dma_start3A_94[%mul3A_21] : memref<10240xf32, #tpu.memory_space<vmem_shared>> -> memref<640xf32, #tpu.memory_space<vmem_shared>>
      %dma_start3A_96 = arith.constant 0 : i32
      %dma_start3A_97 = tpu.memref_slice %arg6[%run_scoped3A_23, %dma_start3A_96] : memref<16x640xf32, #tpu.memory_space<vmem>> -> memref<1x640xf32, #tpu.memory_space<vmem>>
      %dma_start3A_98 = tpu.memref_squeeze %dma_start3A_97 : memref<1x640xf32, #tpu.memory_space<vmem>> -> memref<640xf32, #tpu.memory_space<vmem>>
      %dma_start3A_99 = arith.constant 0 : i32
      %dma_start3A_100 = tpu.memref_slice %arg8[%run_scoped3A_22, %dma_start3A_99] : memref<16x10240xf32, #tpu.memory_space<vmem_shared>> -> memref<1x10240xf32, #tpu.memory_space<vmem_shared>>
      %dma_start3A_101 = tpu.memref_squeeze %dma_start3A_100 : memref<1x10240xf32, #tpu.memory_space<vmem_shared>> -> memref<10240xf32, #tpu.memory_space<vmem_shared>>
      %dma_start3A_102 = tpu.memref_slice %dma_start3A_101[%mul3A_21] : memref<10240xf32, #tpu.memory_space<vmem_shared>> -> memref<640xf32, #tpu.memory_space<vmem_shared>>
      tpu.enqueue_dma source(%dma_start3A_102 : memref<640xf32, #tpu.memory_space<vmem_shared>>) target(%dma_start3A_98 : memref<640xf32, #tpu.memory_space<vmem>>) target_semaphore(%run_scoped3A_89 : memref<!tpu.dma_semaphore, #tpu.memory_space<semaphore_mem>>)
      %dma_wait3A = arith.constant 0 : i32
      %dma_wait3A_103 = tpu.memref_slice %arg6[%run_scoped3A_23, %dma_wait3A] : memref<16x640xf32, #tpu.memory_space<vmem>> -> memref<1x640xf32, #tpu.memory_space<vmem>>
      %dma_wait3A_104 = tpu.memref_squeeze %dma_wait3A_103 : memref<1x640xf32, #tpu.memory_space<vmem>> -> memref<640xf32, #tpu.memory_space<vmem>>
      %dma_wait3A_105 = arith.constant 0 : i32
      %dma_wait3A_106 = tpu.memref_slice %arg8[%run_scoped3A_22, %dma_wait3A_105] : memref<16x10240xf32, #tpu.memory_space<vmem_shared>> -> memref<1x10240xf32, #tpu.memory_space<vmem_shared>>
      %dma_wait3A_107 = tpu.memref_squeeze %dma_wait3A_106 : memref<1x10240xf32, #tpu.memory_space<vmem_shared>> -> memref<10240xf32, #tpu.memory_space<vmem_shared>>
      %dma_wait3A_108 = tpu.memref_slice %dma_wait3A_107[%mul3A_21] : memref<10240xf32, #tpu.memory_space<vmem_shared>> -> memref<640xf32, #tpu.memory_space<vmem_shared>>
      %dma_wait3A_109 = arith.constant 0 : i32
      %dma_wait3A_110 = tpu.memref_slice %arg6[%run_scoped3A_23, %dma_wait3A_109] : memref<16x640xf32, #tpu.memory_space<vmem>> -> memref<1x640xf32, #tpu.memory_space<vmem>>
      %dma_wait3A_111 = tpu.memref_squeeze %dma_wait3A_110 : memref<1x640xf32, #tpu.memory_space<vmem>> -> memref<640xf32, #tpu.memory_space<vmem>>
      %dma_wait3A_112 = arith.constant 0 : i32
      %dma_wait3A_113 = tpu.memref_slice %arg8[%run_scoped3A_22, %dma_wait3A_112] : memref<16x10240xf32, #tpu.memory_space<vmem_shared>> -> memref<1x10240xf32, #tpu.memory_space<vmem_shared>>
      %dma_wait3A_114 = tpu.memref_squeeze %dma_wait3A_113 : memref<1x10240xf32, #tpu.memory_space<vmem_shared>> -> memref<10240xf32, #tpu.memory_space<vmem_shared>>
      %dma_wait3A_115 = tpu.memref_slice %dma_wait3A_114[%mul3A_21] : memref<10240xf32, #tpu.memory_space<vmem_shared>> -> memref<640xf32, #tpu.memory_space<vmem_shared>>
      tpu.wait_dma2 semaphore(%run_scoped3A_89 : memref<!tpu.dma_semaphore, #tpu.memory_space<semaphore_mem>>) src(%dma_wait3A_115 : memref<640xf32, #tpu.memory_space<vmem_shared>>) dst(%dma_wait3A_111 : memref<640xf32, #tpu.memory_space<vmem>>)
      tpu.yield
    }) : () -> ()
    %mul3A_24 = arith.constant 640 : i32
    %mul3A_25 = arith.muli %arg1, %mul3A_24 : i32
    %run_scoped3A_26 = arith.constant 2 : i32
    %run_scoped3A_27 = arith.constant 2 : i32
    "tpu.region"() ({
      %run_scoped3A_89 = tpu.sem_alloc : memref<!tpu.dma_semaphore, #tpu.memory_space<semaphore_mem>>
      %dma_start3A = arith.constant 0 : i32
      %dma_start3A_90 = tpu.memref_slice %arg6[%run_scoped3A_27, %dma_start3A] : memref<16x640xf32, #tpu.memory_space<vmem>> -> memref<1x640xf32, #tpu.memory_space<vmem>>
      %dma_start3A_91 = tpu.memref_squeeze %dma_start3A_90 : memref<1x640xf32, #tpu.memory_space<vmem>> -> memref<640xf32, #tpu.memory_space<vmem>>
      %dma_start3A_92 = arith.constant 0 : i32
      %dma_start3A_93 = tpu.memref_slice %arg8[%run_scoped3A_26, %dma_start3A_92] : memref<16x10240xf32, #tpu.memory_space<vmem_shared>> -> memref<1x10240xf32, #tpu.memory_space<vmem_shared>>
      %dma_start3A_94 = tpu.memref_squeeze %dma_start3A_93 : memref<1x10240xf32, #tpu.memory_space<vmem_shared>> -> memref<10240xf32, #tpu.memory_space<vmem_shared>>
      %dma_start3A_95 = tpu.memref_slice %dma_start3A_94[%mul3A_25] : memref<10240xf32, #tpu.memory_space<vmem_shared>> -> memref<640xf32, #tpu.memory_space<vmem_shared>>
      %dma_start3A_96 = arith.constant 0 : i32
      %dma_start3A_97 = tpu.memref_slice %arg6[%run_scoped3A_27, %dma_start3A_96] : memref<16x640xf32, #tpu.memory_space<vmem>> -> memref<1x640xf32, #tpu.memory_space<vmem>>
      %dma_start3A_98 = tpu.memref_squeeze %dma_start3A_97 : memref<1x640xf32, #tpu.memory_space<vmem>> -> memref<640xf32, #tpu.memory_space<vmem>>
      %dma_start3A_99 = arith.constant 0 : i32
      %dma_start3A_100 = tpu.memref_slice %arg8[%run_scoped3A_26, %dma_start3A_99] : memref<16x10240xf32, #tpu.memory_space<vmem_shared>> -> memref<1x10240xf32, #tpu.memory_space<vmem_shared>>
      %dma_start3A_101 = tpu.memref_squeeze %dma_start3A_100 : memref<1x10240xf32, #tpu.memory_space<vmem_shared>> -> memref<10240xf32, #tpu.memory_space<vmem_shared>>
      %dma_start3A_102 = tpu.memref_slice %dma_start3A_101[%mul3A_25] : memref<10240xf32, #tpu.memory_space<vmem_shared>> -> memref<640xf32, #tpu.memory_space<vmem_shared>>
      tpu.enqueue_dma source(%dma_start3A_102 : memref<640xf32, #tpu.memory_space<vmem_shared>>) target(%dma_start3A_98 : memref<640xf32, #tpu.memory_space<vmem>>) target_semaphore(%run_scoped3A_89 : memref<!tpu.dma_semaphore, #tpu.memory_space<semaphore_mem>>)
      %dma_wait3A = arith.constant 0 : i32
      %dma_wait3A_103 = tpu.memref_slice %arg6[%run_scoped3A_27, %dma_wait3A] : memref<16x640xf32, #tpu.memory_space<vmem>> -> memref<1x640xf32, #tpu.memory_space<vmem>>
      %dma_wait3A_104 = tpu.memref_squeeze %dma_wait3A_103 : memref<1x640xf32, #tpu.memory_space<vmem>> -> memref<640xf32, #tpu.memory_space<vmem>>
      %dma_wait3A_105 = arith.constant 0 : i32
      %dma_wait3A_106 = tpu.memref_slice %arg8[%run_scoped3A_26, %dma_wait3A_105] : memref<16x10240xf32, #tpu.memory_space<vmem_shared>> -> memref<1x10240xf32, #tpu.memory_space<vmem_shared>>
      %dma_wait3A_107 = tpu.memref_squeeze %dma_wait3A_106 : memref<1x10240xf32, #tpu.memory_space<vmem_shared>> -> memref<10240xf32, #tpu.memory_space<vmem_shared>>
      %dma_wait3A_108 = tpu.memref_slice %dma_wait3A_107[%mul3A_25] : memref<10240xf32, #tpu.memory_space<vmem_shared>> -> memref<640xf32, #tpu.memory_space<vmem_shared>>
      %dma_wait3A_109 = arith.constant 0 : i32
      %dma_wait3A_110 = tpu.memref_slice %arg6[%run_scoped3A_27, %dma_wait3A_109] : memref<16x640xf32, #tpu.memory_space<vmem>> -> memref<1x640xf32, #tpu.memory_space<vmem>>
      %dma_wait3A_111 = tpu.memref_squeeze %dma_wait3A_110 : memref<1x640xf32, #tpu.memory_space<vmem>> -> memref<640xf32, #tpu.memory_space<vmem>>
      %dma_wait3A_112 = arith.constant 0 : i32
      %dma_wait3A_113 = tpu.memref_slice %arg8[%run_scoped3A_26, %dma_wait3A_112] : memref<16x10240xf32, #tpu.memory_space<vmem_shared>> -> memref<1x10240xf32, #tpu.memory_space<vmem_shared>>
      %dma_wait3A_114 = tpu.memref_squeeze %dma_wait3A_113 : memref<1x10240xf32, #tpu.memory_space<vmem_shared>> -> memref<10240xf32, #tpu.memory_space<vmem_shared>>
      %dma_wait3A_115 = tpu.memref_slice %dma_wait3A_114[%mul3A_25] : memref<10240xf32, #tpu.memory_space<vmem_shared>> -> memref<640xf32, #tpu.memory_space<vmem_shared>>
      tpu.wait_dma2 semaphore(%run_scoped3A_89 : memref<!tpu.dma_semaphore, #tpu.memory_space<semaphore_mem>>) src(%dma_wait3A_115 : memref<640xf32, #tpu.memory_space<vmem_shared>>) dst(%dma_wait3A_111 : memref<640xf32, #tpu.memory_space<vmem>>)
      tpu.yield
    }) : () -> ()
    %mul3A_28 = arith.constant 640 : i32
    %mul3A_29 = arith.muli %arg1, %mul3A_28 : i32
    %run_scoped3A_30 = arith.constant 3 : i32
    %run_scoped3A_31 = arith.constant 3 : i32
    "tpu.region"() ({
      %run_scoped3A_89 = tpu.sem_alloc : memref<!tpu.dma_semaphore, #tpu.memory_space<semaphore_mem>>
      %dma_start3A = arith.constant 0 : i32
      %dma_start3A_90 = tpu.memref_slice %arg6[%run_scoped3A_31, %dma_start3A] : memref<16x640xf32, #tpu.memory_space<vmem>> -> memref<1x640xf32, #tpu.memory_space<vmem>>
      %dma_start3A_91 = tpu.memref_squeeze %dma_start3A_90 : memref<1x640xf32, #tpu.memory_space<vmem>> -> memref<640xf32, #tpu.memory_space<vmem>>
      %dma_start3A_92 = arith.constant 0 : i32
      %dma_start3A_93 = tpu.memref_slice %arg8[%run_scoped3A_30, %dma_start3A_92] : memref<16x10240xf32, #tpu.memory_space<vmem_shared>> -> memref<1x10240xf32, #tpu.memory_space<vmem_shared>>
      %dma_start3A_94 = tpu.memref_squeeze %dma_start3A_93 : memref<1x10240xf32, #tpu.memory_space<vmem_shared>> -> memref<10240xf32, #tpu.memory_space<vmem_shared>>
      %dma_start3A_95 = tpu.memref_slice %dma_start3A_94[%mul3A_29] : memref<10240xf32, #tpu.memory_space<vmem_shared>> -> memref<640xf32, #tpu.memory_space<vmem_shared>>
      %dma_start3A_96 = arith.constant 0 : i32
      %dma_start3A_97 = tpu.memref_slice %arg6[%run_scoped3A_31, %dma_start3A_96] : memref<16x640xf32, #tpu.memory_space<vmem>> -> memref<1x640xf32, #tpu.memory_space<vmem>>
      %dma_start3A_98 = tpu.memref_squeeze %dma_start3A_97 : memref<1x640xf32, #tpu.memory_space<vmem>> -> memref<640xf32, #tpu.memory_space<vmem>>
      %dma_start3A_99 = arith.constant 0 : i32
      %dma_start3A_100 = tpu.memref_slice %arg8[%run_scoped3A_30, %dma_start3A_99] : memref<16x10240xf32, #tpu.memory_space<vmem_shared>> -> memref<1x10240xf32, #tpu.memory_space<vmem_shared>>
      %dma_start3A_101 = tpu.memref_squeeze %dma_start3A_100 : memref<1x10240xf32, #tpu.memory_space<vmem_shared>> -> memref<10240xf32, #tpu.memory_space<vmem_shared>>
      %dma_start3A_102 = tpu.memref_slice %dma_start3A_101[%mul3A_29] : memref<10240xf32, #tpu.memory_space<vmem_shared>> -> memref<640xf32, #tpu.memory_space<vmem_shared>>
      tpu.enqueue_dma source(%dma_start3A_102 : memref<640xf32, #tpu.memory_space<vmem_shared>>) target(%dma_start3A_98 : memref<640xf32, #tpu.memory_space<vmem>>) target_semaphore(%run_scoped3A_89 : memref<!tpu.dma_semaphore, #tpu.memory_space<semaphore_mem>>)
      %dma_wait3A = arith.constant 0 : i32
      %dma_wait3A_103 = tpu.memref_slice %arg6[%run_scoped3A_31, %dma_wait3A] : memref<16x640xf32, #tpu.memory_space<vmem>> -> memref<1x640xf32, #tpu.memory_space<vmem>>
      %dma_wait3A_104 = tpu.memref_squeeze %dma_wait3A_103 : memref<1x640xf32, #tpu.memory_space<vmem>> -> memref<640xf32, #tpu.memory_space<vmem>>
      %dma_wait3A_105 = arith.constant 0 : i32
      %dma_wait3A_106 = tpu.memref_slice %arg8[%run_scoped3A_30, %dma_wait3A_105] : memref<16x10240xf32, #tpu.memory_space<vmem_shared>> -> memref<1x10240xf32, #tpu.memory_space<vmem_shared>>
      %dma_wait3A_107 = tpu.memref_squeeze %dma_wait3A_106 : memref<1x10240xf32, #tpu.memory_space<vmem_shared>> -> memref<10240xf32, #tpu.memory_space<vmem_shared>>
      %dma_wait3A_108 = tpu.memref_slice %dma_wait3A_107[%mul3A_29] : memref<10240xf32, #tpu.memory_space<vmem_shared>> -> memref<640xf32, #tpu.memory_space<vmem_shared>>
      %dma_wait3A_109 = arith.constant 0 : i32
      %dma_wait3A_110 = tpu.memref_slice %arg6[%run_scoped3A_31, %dma_wait3A_109] : memref<16x640xf32, #tpu.memory_space<vmem>> -> memref<1x640xf32, #tpu.memory_space<vmem>>
      %dma_wait3A_111 = tpu.memref_squeeze %dma_wait3A_110 : memref<1x640xf32, #tpu.memory_space<vmem>> -> memref<640xf32, #tpu.memory_space<vmem>>
      %dma_wait3A_112 = arith.constant 0 : i32
      %dma_wait3A_113 = tpu.memref_slice %arg8[%run_scoped3A_30, %dma_wait3A_112] : memref<16x10240xf32, #tpu.memory_space<vmem_shared>> -> memref<1x10240xf32, #tpu.memory_space<vmem_shared>>
      %dma_wait3A_114 = tpu.memref_squeeze %dma_wait3A_113 : memref<1x10240xf32, #tpu.memory_space<vmem_shared>> -> memref<10240xf32, #tpu.memory_space<vmem_shared>>
      %dma_wait3A_115 = tpu.memref_slice %dma_wait3A_114[%mul3A_29] : memref<10240xf32, #tpu.memory_space<vmem_shared>> -> memref<640xf32, #tpu.memory_space<vmem_shared>>
      tpu.wait_dma2 semaphore(%run_scoped3A_89 : memref<!tpu.dma_semaphore, #tpu.memory_space<semaphore_mem>>) src(%dma_wait3A_115 : memref<640xf32, #tpu.memory_space<vmem_shared>>) dst(%dma_wait3A_111 : memref<640xf32, #tpu.memory_space<vmem>>)
      tpu.yield
    }) : () -> ()
    %mul3A_32 = arith.constant 640 : i32
    %mul3A_33 = arith.muli %arg1, %mul3A_32 : i32
    %run_scoped3A_34 = arith.constant 4 : i32
    %run_scoped3A_35 = arith.constant 4 : i32
    "tpu.region"() ({
      %run_scoped3A_89 = tpu.sem_alloc : memref<!tpu.dma_semaphore, #tpu.memory_space<semaphore_mem>>
      %dma_start3A = arith.constant 0 : i32
      %dma_start3A_90 = tpu.memref_slice %arg6[%run_scoped3A_35, %dma_start3A] : memref<16x640xf32, #tpu.memory_space<vmem>> -> memref<1x640xf32, #tpu.memory_space<vmem>>
      %dma_start3A_91 = tpu.memref_squeeze %dma_start3A_90 : memref<1x640xf32, #tpu.memory_space<vmem>> -> memref<640xf32, #tpu.memory_space<vmem>>
      %dma_start3A_92 = arith.constant 0 : i32
      %dma_start3A_93 = tpu.memref_slice %arg8[%run_scoped3A_34, %dma_start3A_92] : memref<16x10240xf32, #tpu.memory_space<vmem_shared>> -> memref<1x10240xf32, #tpu.memory_space<vmem_shared>>
      %dma_start3A_94 = tpu.memref_squeeze %dma_start3A_93 : memref<1x10240xf32, #tpu.memory_space<vmem_shared>> -> memref<10240xf32, #tpu.memory_space<vmem_shared>>
      %dma_start3A_95 = tpu.memref_slice %dma_start3A_94[%mul3A_33] : memref<10240xf32, #tpu.memory_space<vmem_shared>> -> memref<640xf32, #tpu.memory_space<vmem_shared>>
      %dma_start3A_96 = arith.constant 0 : i32
      %dma_start3A_97 = tpu.memref_slice %arg6[%run_scoped3A_35, %dma_start3A_96] : memref<16x640xf32, #tpu.memory_space<vmem>> -> memref<1x640xf32, #tpu.memory_space<vmem>>
      %dma_start3A_98 = tpu.memref_squeeze %dma_start3A_97 : memref<1x640xf32, #tpu.memory_space<vmem>> -> memref<640xf32, #tpu.memory_space<vmem>>
      %dma_start3A_99 = arith.constant 0 : i32
      %dma_start3A_100 = tpu.memref_slice %arg8[%run_scoped3A_34, %dma_start3A_99] : memref<16x10240xf32, #tpu.memory_space<vmem_shared>> -> memref<1x10240xf32, #tpu.memory_space<vmem_shared>>
      %dma_start3A_101 = tpu.memref_squeeze %dma_start3A_100 : memref<1x10240xf32, #tpu.memory_space<vmem_shared>> -> memref<10240xf32, #tpu.memory_space<vmem_shared>>
      %dma_start3A_102 = tpu.memref_slice %dma_start3A_101[%mul3A_33] : memref<10240xf32, #tpu.memory_space<vmem_shared>> -> memref<640xf32, #tpu.memory_space<vmem_shared>>
      tpu.enqueue_dma source(%dma_start3A_102 : memref<640xf32, #tpu.memory_space<vmem_shared>>) target(%dma_start3A_98 : memref<640xf32, #tpu.memory_space<vmem>>) target_semaphore(%run_scoped3A_89 : memref<!tpu.dma_semaphore, #tpu.memory_space<semaphore_mem>>)
      %dma_wait3A = arith.constant 0 : i32
      %dma_wait3A_103 = tpu.memref_slice %arg6[%run_scoped3A_35, %dma_wait3A] : memref<16x640xf32, #tpu.memory_space<vmem>> -> memref<1x640xf32, #tpu.memory_space<vmem>>
      %dma_wait3A_104 = tpu.memref_squeeze %dma_wait3A_103 : memref<1x640xf32, #tpu.memory_space<vmem>> -> memref<640xf32, #tpu.memory_space<vmem>>
      %dma_wait3A_105 = arith.constant 0 : i32
      %dma_wait3A_106 = tpu.memref_slice %arg8[%run_scoped3A_34, %dma_wait3A_105] : memref<16x10240xf32, #tpu.memory_space<vmem_shared>> -> memref<1x10240xf32, #tpu.memory_space<vmem_shared>>
      %dma_wait3A_107 = tpu.memref_squeeze %dma_wait3A_106 : memref<1x10240xf32, #tpu.memory_space<vmem_shared>> -> memref<10240xf32, #tpu.memory_space<vmem_shared>>
      %dma_wait3A_108 = tpu.memref_slice %dma_wait3A_107[%mul3A_33] : memref<10240xf32, #tpu.memory_space<vmem_shared>> -> memref<640xf32, #tpu.memory_space<vmem_shared>>
      %dma_wait3A_109 = arith.constant 0 : i32
      %dma_wait3A_110 = tpu.memref_slice %arg6[%run_scoped3A_35, %dma_wait3A_109] : memref<16x640xf32, #tpu.memory_space<vmem>> -> memref<1x640xf32, #tpu.memory_space<vmem>>
      %dma_wait3A_111 = tpu.memref_squeeze %dma_wait3A_110 : memref<1x640xf32, #tpu.memory_space<vmem>> -> memref<640xf32, #tpu.memory_space<vmem>>
      %dma_wait3A_112 = arith.constant 0 : i32
      %dma_wait3A_113 = tpu.memref_slice %arg8[%run_scoped3A_34, %dma_wait3A_112] : memref<16x10240xf32, #tpu.memory_space<vmem_shared>> -> memref<1x10240xf32, #tpu.memory_space<vmem_shared>>
      %dma_wait3A_114 = tpu.memref_squeeze %dma_wait3A_113 : memref<1x10240xf32, #tpu.memory_space<vmem_shared>> -> memref<10240xf32, #tpu.memory_space<vmem_shared>>
      %dma_wait3A_115 = tpu.memref_slice %dma_wait3A_114[%mul3A_33] : memref<10240xf32, #tpu.memory_space<vmem_shared>> -> memref<640xf32, #tpu.memory_space<vmem_shared>>
      tpu.wait_dma2 semaphore(%run_scoped3A_89 : memref<!tpu.dma_semaphore, #tpu.memory_space<semaphore_mem>>) src(%dma_wait3A_115 : memref<640xf32, #tpu.memory_space<vmem_shared>>) dst(%dma_wait3A_111 : memref<640xf32, #tpu.memory_space<vmem>>)
      tpu.yield
    }) : () -> ()
    %mul3A_36 = arith.constant 640 : i32
    %mul3A_37 = arith.muli %arg1, %mul3A_36 : i32
    %run_scoped3A_38 = arith.constant 5 : i32
    %run_scoped3A_39 = arith.constant 5 : i32
    "tpu.region"() ({
      %run_scoped3A_89 = tpu.sem_alloc : memref<!tpu.dma_semaphore, #tpu.memory_space<semaphore_mem>>
      %dma_start3A = arith.constant 0 : i32
      %dma_start3A_90 = tpu.memref_slice %arg6[%run_scoped3A_39, %dma_start3A] : memref<16x640xf32, #tpu.memory_space<vmem>> -> memref<1x640xf32, #tpu.memory_space<vmem>>
      %dma_start3A_91 = tpu.memref_squeeze %dma_start3A_90 : memref<1x640xf32, #tpu.memory_space<vmem>> -> memref<640xf32, #tpu.memory_space<vmem>>
      %dma_start3A_92 = arith.constant 0 : i32
      %dma_start3A_93 = tpu.memref_slice %arg8[%run_scoped3A_38, %dma_start3A_92] : memref<16x10240xf32, #tpu.memory_space<vmem_shared>> -> memref<1x10240xf32, #tpu.memory_space<vmem_shared>>
      %dma_start3A_94 = tpu.memref_squeeze %dma_start3A_93 : memref<1x10240xf32, #tpu.memory_space<vmem_shared>> -> memref<10240xf32, #tpu.memory_space<vmem_shared>>
      %dma_start3A_95 = tpu.memref_slice %dma_start3A_94[%mul3A_37] : memref<10240xf32, #tpu.memory_space<vmem_shared>> -> memref<640xf32, #tpu.memory_space<vmem_shared>>
      %dma_start3A_96 = arith.constant 0 : i32
      %dma_start3A_97 = tpu.memref_slice %arg6[%run_scoped3A_39, %dma_start3A_96] : memref<16x640xf32, #tpu.memory_space<vmem>> -> memref<1x640xf32, #tpu.memory_space<vmem>>
      %dma_start3A_98 = tpu.memref_squeeze %dma_start3A_97 : memref<1x640xf32, #tpu.memory_space<vmem>> -> memref<640xf32, #tpu.memory_space<vmem>>
      %dma_start3A_99 = arith.constant 0 : i32
      %dma_start3A_100 = tpu.memref_slice %arg8[%run_scoped3A_38, %dma_start3A_99] : memref<16x10240xf32, #tpu.memory_space<vmem_shared>> -> memref<1x10240xf32, #tpu.memory_space<vmem_shared>>
      %dma_start3A_101 = tpu.memref_squeeze %dma_start3A_100 : memref<1x10240xf32, #tpu.memory_space<vmem_shared>> -> memref<10240xf32, #tpu.memory_space<vmem_shared>>
      %dma_start3A_102 = tpu.memref_slice %dma_start3A_101[%mul3A_37] : memref<10240xf32, #tpu.memory_space<vmem_shared>> -> memref<640xf32, #tpu.memory_space<vmem_shared>>
      tpu.enqueue_dma source(%dma_start3A_102 : memref<640xf32, #tpu.memory_space<vmem_shared>>) target(%dma_start3A_98 : memref<640xf32, #tpu.memory_space<vmem>>) target_semaphore(%run_scoped3A_89 : memref<!tpu.dma_semaphore, #tpu.memory_space<semaphore_mem>>)
      %dma_wait3A = arith.constant 0 : i32
      %dma_wait3A_103 = tpu.memref_slice %arg6[%run_scoped3A_39, %dma_wait3A] : memref<16x640xf32, #tpu.memory_space<vmem>> -> memref<1x640xf32, #tpu.memory_space<vmem>>
      %dma_wait3A_104 = tpu.memref_squeeze %dma_wait3A_103 : memref<1x640xf32, #tpu.memory_space<vmem>> -> memref<640xf32, #tpu.memory_space<vmem>>
      %dma_wait3A_105 = arith.constant 0 : i32
      %dma_wait3A_106 = tpu.memref_slice %arg8[%run_scoped3A_38, %dma_wait3A_105] : memref<16x10240xf32, #tpu.memory_space<vmem_shared>> -> memref<1x10240xf32, #tpu.memory_space<vmem_shared>>
      %dma_wait3A_107 = tpu.memref_squeeze %dma_wait3A_106 : memref<1x10240xf32, #tpu.memory_space<vmem_shared>> -> memref<10240xf32, #tpu.memory_space<vmem_shared>>
      %dma_wait3A_108 = tpu.memref_slice %dma_wait3A_107[%mul3A_37] : memref<10240xf32, #tpu.memory_space<vmem_shared>> -> memref<640xf32, #tpu.memory_space<vmem_shared>>
      %dma_wait3A_109 = arith.constant 0 : i32
      %dma_wait3A_110 = tpu.memref_slice %arg6[%run_scoped3A_39, %dma_wait3A_109] : memref<16x640xf32, #tpu.memory_space<vmem>> -> memref<1x640xf32, #tpu.memory_space<vmem>>
      %dma_wait3A_111 = tpu.memref_squeeze %dma_wait3A_110 : memref<1x640xf32, #tpu.memory_space<vmem>> -> memref<640xf32, #tpu.memory_space<vmem>>
      %dma_wait3A_112 = arith.constant 0 : i32
      %dma_wait3A_113 = tpu.memref_slice %arg8[%run_scoped3A_38, %dma_wait3A_112] : memref<16x10240xf32, #tpu.memory_space<vmem_shared>> -> memref<1x10240xf32, #tpu.memory_space<vmem_shared>>
      %dma_wait3A_114 = tpu.memref_squeeze %dma_wait3A_113 : memref<1x10240xf32, #tpu.memory_space<vmem_shared>> -> memref<10240xf32, #tpu.memory_space<vmem_shared>>
      %dma_wait3A_115 = tpu.memref_slice %dma_wait3A_114[%mul3A_37] : memref<10240xf32, #tpu.memory_space<vmem_shared>> -> memref<640xf32, #tpu.memory_space<vmem_shared>>
      tpu.wait_dma2 semaphore(%run_scoped3A_89 : memref<!tpu.dma_semaphore, #tpu.memory_space<semaphore_mem>>) src(%dma_wait3A_115 : memref<640xf32, #tpu.memory_space<vmem_shared>>) dst(%dma_wait3A_111 : memref<640xf32, #tpu.memory_space<vmem>>)
      tpu.yield
    }) : () -> ()
    %mul3A_40 = arith.constant 640 : i32
    %mul3A_41 = arith.muli %arg1, %mul3A_40 : i32
    %run_scoped3A_42 = arith.constant 6 : i32
    %run_scoped3A_43 = arith.constant 6 : i32
    "tpu.region"() ({
      %run_scoped3A_89 = tpu.sem_alloc : memref<!tpu.dma_semaphore, #tpu.memory_space<semaphore_mem>>
      %dma_start3A = arith.constant 0 : i32
      %dma_start3A_90 = tpu.memref_slice %arg6[%run_scoped3A_43, %dma_start3A] : memref<16x640xf32, #tpu.memory_space<vmem>> -> memref<1x640xf32, #tpu.memory_space<vmem>>
      %dma_start3A_91 = tpu.memref_squeeze %dma_start3A_90 : memref<1x640xf32, #tpu.memory_space<vmem>> -> memref<640xf32, #tpu.memory_space<vmem>>
      %dma_start3A_92 = arith.constant 0 : i32
      %dma_start3A_93 = tpu.memref_slice %arg8[%run_scoped3A_42, %dma_start3A_92] : memref<16x10240xf32, #tpu.memory_space<vmem_shared>> -> memref<1x10240xf32, #tpu.memory_space<vmem_shared>>
      %dma_start3A_94 = tpu.memref_squeeze %dma_start3A_93 : memref<1x10240xf32, #tpu.memory_space<vmem_shared>> -> memref<10240xf32, #tpu.memory_space<vmem_shared>>
      %dma_start3A_95 = tpu.memref_slice %dma_start3A_94[%mul3A_41] : memref<10240xf32, #tpu.memory_space<vmem_shared>> -> memref<640xf32, #tpu.memory_space<vmem_shared>>
      %dma_start3A_96 = arith.constant 0 : i32
      %dma_start3A_97 = tpu.memref_slice %arg6[%run_scoped3A_43, %dma_start3A_96] : memref<16x640xf32, #tpu.memory_space<vmem>> -> memref<1x640xf32, #tpu.memory_space<vmem>>
      %dma_start3A_98 = tpu.memref_squeeze %dma_start3A_97 : memref<1x640xf32, #tpu.memory_space<vmem>> -> memref<640xf32, #tpu.memory_space<vmem>>
      %dma_start3A_99 = arith.constant 0 : i32
      %dma_start3A_100 = tpu.memref_slice %arg8[%run_scoped3A_42, %dma_start3A_99] : memref<16x10240xf32, #tpu.memory_space<vmem_shared>> -> memref<1x10240xf32, #tpu.memory_space<vmem_shared>>
      %dma_start3A_101 = tpu.memref_squeeze %dma_start3A_100 : memref<1x10240xf32, #tpu.memory_space<vmem_shared>> -> memref<10240xf32, #tpu.memory_space<vmem_shared>>
      %dma_start3A_102 = tpu.memref_slice %dma_start3A_101[%mul3A_41] : memref<10240xf32, #tpu.memory_space<vmem_shared>> -> memref<640xf32, #tpu.memory_space<vmem_shared>>
      tpu.enqueue_dma source(%dma_start3A_102 : memref<640xf32, #tpu.memory_space<vmem_shared>>) target(%dma_start3A_98 : memref<640xf32, #tpu.memory_space<vmem>>) target_semaphore(%run_scoped3A_89 : memref<!tpu.dma_semaphore, #tpu.memory_space<semaphore_mem>>)
      %dma_wait3A = arith.constant 0 : i32
      %dma_wait3A_103 = tpu.memref_slice %arg6[%run_scoped3A_43, %dma_wait3A] : memref<16x640xf32, #tpu.memory_space<vmem>> -> memref<1x640xf32, #tpu.memory_space<vmem>>
      %dma_wait3A_104 = tpu.memref_squeeze %dma_wait3A_103 : memref<1x640xf32, #tpu.memory_space<vmem>> -> memref<640xf32, #tpu.memory_space<vmem>>
      %dma_wait3A_105 = arith.constant 0 : i32
      %dma_wait3A_106 = tpu.memref_slice %arg8[%run_scoped3A_42, %dma_wait3A_105] : memref<16x10240xf32, #tpu.memory_space<vmem_shared>> -> memref<1x10240xf32, #tpu.memory_space<vmem_shared>>
      %dma_wait3A_107 = tpu.memref_squeeze %dma_wait3A_106 : memref<1x10240xf32, #tpu.memory_space<vmem_shared>> -> memref<10240xf32, #tpu.memory_space<vmem_shared>>
      %dma_wait3A_108 = tpu.memref_slice %dma_wait3A_107[%mul3A_41] : memref<10240xf32, #tpu.memory_space<vmem_shared>> -> memref<640xf32, #tpu.memory_space<vmem_shared>>
      %dma_wait3A_109 = arith.constant 0 : i32
      %dma_wait3A_110 = tpu.memref_slice %arg6[%run_scoped3A_43, %dma_wait3A_109] : memref<16x640xf32, #tpu.memory_space<vmem>> -> memref<1x640xf32, #tpu.memory_space<vmem>>
      %dma_wait3A_111 = tpu.memref_squeeze %dma_wait3A_110 : memref<1x640xf32, #tpu.memory_space<vmem>> -> memref<640xf32, #tpu.memory_space<vmem>>
      %dma_wait3A_112 = arith.constant 0 : i32
      %dma_wait3A_113 = tpu.memref_slice %arg8[%run_scoped3A_42, %dma_wait3A_112] : memref<16x10240xf32, #tpu.memory_space<vmem_shared>> -> memref<1x10240xf32, #tpu.memory_space<vmem_shared>>
      %dma_wait3A_114 = tpu.memref_squeeze %dma_wait3A_113 : memref<1x10240xf32, #tpu.memory_space<vmem_shared>> -> memref<10240xf32, #tpu.memory_space<vmem_shared>>
      %dma_wait3A_115 = tpu.memref_slice %dma_wait3A_114[%mul3A_41] : memref<10240xf32, #tpu.memory_space<vmem_shared>> -> memref<640xf32, #tpu.memory_space<vmem_shared>>
      tpu.wait_dma2 semaphore(%run_scoped3A_89 : memref<!tpu.dma_semaphore, #tpu.memory_space<semaphore_mem>>) src(%dma_wait3A_115 : memref<640xf32, #tpu.memory_space<vmem_shared>>) dst(%dma_wait3A_111 : memref<640xf32, #tpu.memory_space<vmem>>)
      tpu.yield
    }) : () -> ()
    %mul3A_44 = arith.constant 640 : i32
    %mul3A_45 = arith.muli %arg1, %mul3A_44 : i32
    %run_scoped3A_46 = arith.constant 7 : i32
    %run_scoped3A_47 = arith.constant 7 : i32
    "tpu.region"() ({
      %run_scoped3A_89 = tpu.sem_alloc : memref<!tpu.dma_semaphore, #tpu.memory_space<semaphore_mem>>
      %dma_start3A = arith.constant 0 : i32
      %dma_start3A_90 = tpu.memref_slice %arg6[%run_scoped3A_47, %dma_start3A] : memref<16x640xf32, #tpu.memory_space<vmem>> -> memref<1x640xf32, #tpu.memory_space<vmem>>
      %dma_start3A_91 = tpu.memref_squeeze %dma_start3A_90 : memref<1x640xf32, #tpu.memory_space<vmem>> -> memref<640xf32, #tpu.memory_space<vmem>>
      %dma_start3A_92 = arith.constant 0 : i32
      %dma_start3A_93 = tpu.memref_slice %arg8[%run_scoped3A_46, %dma_start3A_92] : memref<16x10240xf32, #tpu.memory_space<vmem_shared>> -> memref<1x10240xf32, #tpu.memory_space<vmem_shared>>
      %dma_start3A_94 = tpu.memref_squeeze %dma_start3A_93 : memref<1x10240xf32, #tpu.memory_space<vmem_shared>> -> memref<10240xf32, #tpu.memory_space<vmem_shared>>
      %dma_start3A_95 = tpu.memref_slice %dma_start3A_94[%mul3A_45] : memref<10240xf32, #tpu.memory_space<vmem_shared>> -> memref<640xf32, #tpu.memory_space<vmem_shared>>
      %dma_start3A_96 = arith.constant 0 : i32
      %dma_start3A_97 = tpu.memref_slice %arg6[%run_scoped3A_47, %dma_start3A_96] : memref<16x640xf32, #tpu.memory_space<vmem>> -> memref<1x640xf32, #tpu.memory_space<vmem>>
      %dma_start3A_98 = tpu.memref_squeeze %dma_start3A_97 : memref<1x640xf32, #tpu.memory_space<vmem>> -> memref<640xf32, #tpu.memory_space<vmem>>
      %dma_start3A_99 = arith.constant 0 : i32
      %dma_start3A_100 = tpu.memref_slice %arg8[%run_scoped3A_46, %dma_start3A_99] : memref<16x10240xf32, #tpu.memory_space<vmem_shared>> -> memref<1x10240xf32, #tpu.memory_space<vmem_shared>>
      %dma_start3A_101 = tpu.memref_squeeze %dma_start3A_100 : memref<1x10240xf32, #tpu.memory_space<vmem_shared>> -> memref<10240xf32, #tpu.memory_space<vmem_shared>>
      %dma_start3A_102 = tpu.memref_slice %dma_start3A_101[%mul3A_45] : memref<10240xf32, #tpu.memory_space<vmem_shared>> -> memref<640xf32, #tpu.memory_space<vmem_shared>>
      tpu.enqueue_dma source(%dma_start3A_102 : memref<640xf32, #tpu.memory_space<vmem_shared>>) target(%dma_start3A_98 : memref<640xf32, #tpu.memory_space<vmem>>) target_semaphore(%run_scoped3A_89 : memref<!tpu.dma_semaphore, #tpu.memory_space<semaphore_mem>>)
      %dma_wait3A = arith.constant 0 : i32
      %dma_wait3A_103 = tpu.memref_slice %arg6[%run_scoped3A_47, %dma_wait3A] : memref<16x640xf32, #tpu.memory_space<vmem>> -> memref<1x640xf32, #tpu.memory_space<vmem>>
      %dma_wait3A_104 = tpu.memref_squeeze %dma_wait3A_103 : memref<1x640xf32, #tpu.memory_space<vmem>> -> memref<640xf32, #tpu.memory_space<vmem>>
      %dma_wait3A_105 = arith.constant 0 : i32
      %dma_wait3A_106 = tpu.memref_slice %arg8[%run_scoped3A_46, %dma_wait3A_105] : memref<16x10240xf32, #tpu.memory_space<vmem_shared>> -> memref<1x10240xf32, #tpu.memory_space<vmem_shared>>
      %dma_wait3A_107 = tpu.memref_squeeze %dma_wait3A_106 : memref<1x10240xf32, #tpu.memory_space<vmem_shared>> -> memref<10240xf32, #tpu.memory_space<vmem_shared>>
      %dma_wait3A_108 = tpu.memref_slice %dma_wait3A_107[%mul3A_45] : memref<10240xf32, #tpu.memory_space<vmem_shared>> -> memref<640xf32, #tpu.memory_space<vmem_shared>>
      %dma_wait3A_109 = arith.constant 0 : i32
      %dma_wait3A_110 = tpu.memref_slice %arg6[%run_scoped3A_47, %dma_wait3A_109] : memref<16x640xf32, #tpu.memory_space<vmem>> -> memref<1x640xf32, #tpu.memory_space<vmem>>
      %dma_wait3A_111 = tpu.memref_squeeze %dma_wait3A_110 : memref<1x640xf32, #tpu.memory_space<vmem>> -> memref<640xf32, #tpu.memory_space<vmem>>
      %dma_wait3A_112 = arith.constant 0 : i32
      %dma_wait3A_113 = tpu.memref_slice %arg8[%run_scoped3A_46, %dma_wait3A_112] : memref<16x10240xf32, #tpu.memory_space<vmem_shared>> -> memref<1x10240xf32, #tpu.memory_space<vmem_shared>>
      %dma_wait3A_114 = tpu.memref_squeeze %dma_wait3A_113 : memref<1x10240xf32, #tpu.memory_space<vmem_shared>> -> memref<10240xf32, #tpu.memory_space<vmem_shared>>
      %dma_wait3A_115 = tpu.memref_slice %dma_wait3A_114[%mul3A_45] : memref<10240xf32, #tpu.memory_space<vmem_shared>> -> memref<640xf32, #tpu.memory_space<vmem_shared>>
      tpu.wait_dma2 semaphore(%run_scoped3A_89 : memref<!tpu.dma_semaphore, #tpu.memory_space<semaphore_mem>>) src(%dma_wait3A_115 : memref<640xf32, #tpu.memory_space<vmem_shared>>) dst(%dma_wait3A_111 : memref<640xf32, #tpu.memory_space<vmem>>)
      tpu.yield
    }) : () -> ()
    %mul3A_48 = arith.constant 640 : i32
    %mul3A_49 = arith.muli %arg1, %mul3A_48 : i32
    %run_scoped3A_50 = arith.constant 8 : i32
    %run_scoped3A_51 = arith.constant 8 : i32
    "tpu.region"() ({
      %run_scoped3A_89 = tpu.sem_alloc : memref<!tpu.dma_semaphore, #tpu.memory_space<semaphore_mem>>
      %dma_start3A = arith.constant 0 : i32
      %dma_start3A_90 = tpu.memref_slice %arg6[%run_scoped3A_51, %dma_start3A] : memref<16x640xf32, #tpu.memory_space<vmem>> -> memref<1x640xf32, #tpu.memory_space<vmem>>
      %dma_start3A_91 = tpu.memref_squeeze %dma_start3A_90 : memref<1x640xf32, #tpu.memory_space<vmem>> -> memref<640xf32, #tpu.memory_space<vmem>>
      %dma_start3A_92 = arith.constant 0 : i32
      %dma_start3A_93 = tpu.memref_slice %arg8[%run_scoped3A_50, %dma_start3A_92] : memref<16x10240xf32, #tpu.memory_space<vmem_shared>> -> memref<1x10240xf32, #tpu.memory_space<vmem_shared>>
      %dma_start3A_94 = tpu.memref_squeeze %dma_start3A_93 : memref<1x10240xf32, #tpu.memory_space<vmem_shared>> -> memref<10240xf32, #tpu.memory_space<vmem_shared>>
      %dma_start3A_95 = tpu.memref_slice %dma_start3A_94[%mul3A_49] : memref<10240xf32, #tpu.memory_space<vmem_shared>> -> memref<640xf32, #tpu.memory_space<vmem_shared>>
      %dma_start3A_96 = arith.constant 0 : i32
      %dma_start3A_97 = tpu.memref_slice %arg6[%run_scoped3A_51, %dma_start3A_96] : memref<16x640xf32, #tpu.memory_space<vmem>> -> memref<1x640xf32, #tpu.memory_space<vmem>>
      %dma_start3A_98 = tpu.memref_squeeze %dma_start3A_97 : memref<1x640xf32, #tpu.memory_space<vmem>> -> memref<640xf32, #tpu.memory_space<vmem>>
      %dma_start3A_99 = arith.constant 0 : i32
      %dma_start3A_100 = tpu.memref_slice %arg8[%run_scoped3A_50, %dma_start3A_99] : memref<16x10240xf32, #tpu.memory_space<vmem_shared>> -> memref<1x10240xf32, #tpu.memory_space<vmem_shared>>
      %dma_start3A_101 = tpu.memref_squeeze %dma_start3A_100 : memref<1x10240xf32, #tpu.memory_space<vmem_shared>> -> memref<10240xf32, #tpu.memory_space<vmem_shared>>
      %dma_start3A_102 = tpu.memref_slice %dma_start3A_101[%mul3A_49] : memref<10240xf32, #tpu.memory_space<vmem_shared>> -> memref<640xf32, #tpu.memory_space<vmem_shared>>
      tpu.enqueue_dma source(%dma_start3A_102 : memref<640xf32, #tpu.memory_space<vmem_shared>>) target(%dma_start3A_98 : memref<640xf32, #tpu.memory_space<vmem>>) target_semaphore(%run_scoped3A_89 : memref<!tpu.dma_semaphore, #tpu.memory_space<semaphore_mem>>)
      %dma_wait3A = arith.constant 0 : i32
      %dma_wait3A_103 = tpu.memref_slice %arg6[%run_scoped3A_51, %dma_wait3A] : memref<16x640xf32, #tpu.memory_space<vmem>> -> memref<1x640xf32, #tpu.memory_space<vmem>>
      %dma_wait3A_104 = tpu.memref_squeeze %dma_wait3A_103 : memref<1x640xf32, #tpu.memory_space<vmem>> -> memref<640xf32, #tpu.memory_space<vmem>>
      %dma_wait3A_105 = arith.constant 0 : i32
      %dma_wait3A_106 = tpu.memref_slice %arg8[%run_scoped3A_50, %dma_wait3A_105] : memref<16x10240xf32, #tpu.memory_space<vmem_shared>> -> memref<1x10240xf32, #tpu.memory_space<vmem_shared>>
      %dma_wait3A_107 = tpu.memref_squeeze %dma_wait3A_106 : memref<1x10240xf32, #tpu.memory_space<vmem_shared>> -> memref<10240xf32, #tpu.memory_space<vmem_shared>>
      %dma_wait3A_108 = tpu.memref_slice %dma_wait3A_107[%mul3A_49] : memref<10240xf32, #tpu.memory_space<vmem_shared>> -> memref<640xf32, #tpu.memory_space<vmem_shared>>
      %dma_wait3A_109 = arith.constant 0 : i32
      %dma_wait3A_110 = tpu.memref_slice %arg6[%run_scoped3A_51, %dma_wait3A_109] : memref<16x640xf32, #tpu.memory_space<vmem>> -> memref<1x640xf32, #tpu.memory_space<vmem>>
      %dma_wait3A_111 = tpu.memref_squeeze %dma_wait3A_110 : memref<1x640xf32, #tpu.memory_space<vmem>> -> memref<640xf32, #tpu.memory_space<vmem>>
      %dma_wait3A_112 = arith.constant 0 : i32
      %dma_wait3A_113 = tpu.memref_slice %arg8[%run_scoped3A_50, %dma_wait3A_112] : memref<16x10240xf32, #tpu.memory_space<vmem_shared>> -> memref<1x10240xf32, #tpu.memory_space<vmem_shared>>
      %dma_wait3A_114 = tpu.memref_squeeze %dma_wait3A_113 : memref<1x10240xf32, #tpu.memory_space<vmem_shared>> -> memref<10240xf32, #tpu.memory_space<vmem_shared>>
      %dma_wait3A_115 = tpu.memref_slice %dma_wait3A_114[%mul3A_49] : memref<10240xf32, #tpu.memory_space<vmem_shared>> -> memref<640xf32, #tpu.memory_space<vmem_shared>>
      tpu.wait_dma2 semaphore(%run_scoped3A_89 : memref<!tpu.dma_semaphore, #tpu.memory_space<semaphore_mem>>) src(%dma_wait3A_115 : memref<640xf32, #tpu.memory_space<vmem_shared>>) dst(%dma_wait3A_111 : memref<640xf32, #tpu.memory_space<vmem>>)
      tpu.yield
    }) : () -> ()
    %mul3A_52 = arith.constant 640 : i32
    %mul3A_53 = arith.muli %arg1, %mul3A_52 : i32
    %run_scoped3A_54 = arith.constant 9 : i32
    %run_scoped3A_55 = arith.constant 9 : i32
    "tpu.region"() ({
      %run_scoped3A_89 = tpu.sem_alloc : memref<!tpu.dma_semaphore, #tpu.memory_space<semaphore_mem>>
      %dma_start3A = arith.constant 0 : i32
      %dma_start3A_90 = tpu.memref_slice %arg6[%run_scoped3A_55, %dma_start3A] : memref<16x640xf32, #tpu.memory_space<vmem>> -> memref<1x640xf32, #tpu.memory_space<vmem>>
      %dma_start3A_91 = tpu.memref_squeeze %dma_start3A_90 : memref<1x640xf32, #tpu.memory_space<vmem>> -> memref<640xf32, #tpu.memory_space<vmem>>
      %dma_start3A_92 = arith.constant 0 : i32
      %dma_start3A_93 = tpu.memref_slice %arg8[%run_scoped3A_54, %dma_start3A_92] : memref<16x10240xf32, #tpu.memory_space<vmem_shared>> -> memref<1x10240xf32, #tpu.memory_space<vmem_shared>>
      %dma_start3A_94 = tpu.memref_squeeze %dma_start3A_93 : memref<1x10240xf32, #tpu.memory_space<vmem_shared>> -> memref<10240xf32, #tpu.memory_space<vmem_shared>>
      %dma_start3A_95 = tpu.memref_slice %dma_start3A_94[%mul3A_53] : memref<10240xf32, #tpu.memory_space<vmem_shared>> -> memref<640xf32, #tpu.memory_space<vmem_shared>>
      %dma_start3A_96 = arith.constant 0 : i32
      %dma_start3A_97 = tpu.memref_slice %arg6[%run_scoped3A_55, %dma_start3A_96] : memref<16x640xf32, #tpu.memory_space<vmem>> -> memref<1x640xf32, #tpu.memory_space<vmem>>
      %dma_start3A_98 = tpu.memref_squeeze %dma_start3A_97 : memref<1x640xf32, #tpu.memory_space<vmem>> -> memref<640xf32, #tpu.memory_space<vmem>>
      %dma_start3A_99 = arith.constant 0 : i32
      %dma_start3A_100 = tpu.memref_slice %arg8[%run_scoped3A_54, %dma_start3A_99] : memref<16x10240xf32, #tpu.memory_space<vmem_shared>> -> memref<1x10240xf32, #tpu.memory_space<vmem_shared>>
      %dma_start3A_101 = tpu.memref_squeeze %dma_start3A_100 : memref<1x10240xf32, #tpu.memory_space<vmem_shared>> -> memref<10240xf32, #tpu.memory_space<vmem_shared>>
      %dma_start3A_102 = tpu.memref_slice %dma_start3A_101[%mul3A_53] : memref<10240xf32, #tpu.memory_space<vmem_shared>> -> memref<640xf32, #tpu.memory_space<vmem_shared>>
      tpu.enqueue_dma source(%dma_start3A_102 : memref<640xf32, #tpu.memory_space<vmem_shared>>) target(%dma_start3A_98 : memref<640xf32, #tpu.memory_space<vmem>>) target_semaphore(%run_scoped3A_89 : memref<!tpu.dma_semaphore, #tpu.memory_space<semaphore_mem>>)
      %dma_wait3A = arith.constant 0 : i32
      %dma_wait3A_103 = tpu.memref_slice %arg6[%run_scoped3A_55, %dma_wait3A] : memref<16x640xf32, #tpu.memory_space<vmem>> -> memref<1x640xf32, #tpu.memory_space<vmem>>
      %dma_wait3A_104 = tpu.memref_squeeze %dma_wait3A_103 : memref<1x640xf32, #tpu.memory_space<vmem>> -> memref<640xf32, #tpu.memory_space<vmem>>
      %dma_wait3A_105 = arith.constant 0 : i32
      %dma_wait3A_106 = tpu.memref_slice %arg8[%run_scoped3A_54, %dma_wait3A_105] : memref<16x10240xf32, #tpu.memory_space<vmem_shared>> -> memref<1x10240xf32, #tpu.memory_space<vmem_shared>>
      %dma_wait3A_107 = tpu.memref_squeeze %dma_wait3A_106 : memref<1x10240xf32, #tpu.memory_space<vmem_shared>> -> memref<10240xf32, #tpu.memory_space<vmem_shared>>
      %dma_wait3A_108 = tpu.memref_slice %dma_wait3A_107[%mul3A_53] : memref<10240xf32, #tpu.memory_space<vmem_shared>> -> memref<640xf32, #tpu.memory_space<vmem_shared>>
      %dma_wait3A_109 = arith.constant 0 : i32
      %dma_wait3A_110 = tpu.memref_slice %arg6[%run_scoped3A_55, %dma_wait3A_109] : memref<16x640xf32, #tpu.memory_space<vmem>> -> memref<1x640xf32, #tpu.memory_space<vmem>>
      %dma_wait3A_111 = tpu.memref_squeeze %dma_wait3A_110 : memref<1x640xf32, #tpu.memory_space<vmem>> -> memref<640xf32, #tpu.memory_space<vmem>>
      %dma_wait3A_112 = arith.constant 0 : i32
      %dma_wait3A_113 = tpu.memref_slice %arg8[%run_scoped3A_54, %dma_wait3A_112] : memref<16x10240xf32, #tpu.memory_space<vmem_shared>> -> memref<1x10240xf32, #tpu.memory_space<vmem_shared>>
      %dma_wait3A_114 = tpu.memref_squeeze %dma_wait3A_113 : memref<1x10240xf32, #tpu.memory_space<vmem_shared>> -> memref<10240xf32, #tpu.memory_space<vmem_shared>>
      %dma_wait3A_115 = tpu.memref_slice %dma_wait3A_114[%mul3A_53] : memref<10240xf32, #tpu.memory_space<vmem_shared>> -> memref<640xf32, #tpu.memory_space<vmem_shared>>
      tpu.wait_dma2 semaphore(%run_scoped3A_89 : memref<!tpu.dma_semaphore, #tpu.memory_space<semaphore_mem>>) src(%dma_wait3A_115 : memref<640xf32, #tpu.memory_space<vmem_shared>>) dst(%dma_wait3A_111 : memref<640xf32, #tpu.memory_space<vmem>>)
      tpu.yield
    }) : () -> ()
    %mul3A_56 = arith.constant 640 : i32
    %mul3A_57 = arith.muli %arg1, %mul3A_56 : i32
    %run_scoped3A_58 = arith.constant 10 : i32
    %run_scoped3A_59 = arith.constant 10 : i32
    "tpu.region"() ({
      %run_scoped3A_89 = tpu.sem_alloc : memref<!tpu.dma_semaphore, #tpu.memory_space<semaphore_mem>>
      %dma_start3A = arith.constant 0 : i32
      %dma_start3A_90 = tpu.memref_slice %arg6[%run_scoped3A_59, %dma_start3A] : memref<16x640xf32, #tpu.memory_space<vmem>> -> memref<1x640xf32, #tpu.memory_space<vmem>>
      %dma_start3A_91 = tpu.memref_squeeze %dma_start3A_90 : memref<1x640xf32, #tpu.memory_space<vmem>> -> memref<640xf32, #tpu.memory_space<vmem>>
      %dma_start3A_92 = arith.constant 0 : i32
      %dma_start3A_93 = tpu.memref_slice %arg8[%run_scoped3A_58, %dma_start3A_92] : memref<16x10240xf32, #tpu.memory_space<vmem_shared>> -> memref<1x10240xf32, #tpu.memory_space<vmem_shared>>
      %dma_start3A_94 = tpu.memref_squeeze %dma_start3A_93 : memref<1x10240xf32, #tpu.memory_space<vmem_shared>> -> memref<10240xf32, #tpu.memory_space<vmem_shared>>
      %dma_start3A_95 = tpu.memref_slice %dma_start3A_94[%mul3A_57] : memref<10240xf32, #tpu.memory_space<vmem_shared>> -> memref<640xf32, #tpu.memory_space<vmem_shared>>
      %dma_start3A_96 = arith.constant 0 : i32
      %dma_start3A_97 = tpu.memref_slice %arg6[%run_scoped3A_59, %dma_start3A_96] : memref<16x640xf32, #tpu.memory_space<vmem>> -> memref<1x640xf32, #tpu.memory_space<vmem>>
      %dma_start3A_98 = tpu.memref_squeeze %dma_start3A_97 : memref<1x640xf32, #tpu.memory_space<vmem>> -> memref<640xf32, #tpu.memory_space<vmem>>
      %dma_start3A_99 = arith.constant 0 : i32
      %dma_start3A_100 = tpu.memref_slice %arg8[%run_scoped3A_58, %dma_start3A_99] : memref<16x10240xf32, #tpu.memory_space<vmem_shared>> -> memref<1x10240xf32, #tpu.memory_space<vmem_shared>>
      %dma_start3A_101 = tpu.memref_squeeze %dma_start3A_100 : memref<1x10240xf32, #tpu.memory_space<vmem_shared>> -> memref<10240xf32, #tpu.memory_space<vmem_shared>>
      %dma_start3A_102 = tpu.memref_slice %dma_start3A_101[%mul3A_57] : memref<10240xf32, #tpu.memory_space<vmem_shared>> -> memref<640xf32, #tpu.memory_space<vmem_shared>>
      tpu.enqueue_dma source(%dma_start3A_102 : memref<640xf32, #tpu.memory_space<vmem_shared>>) target(%dma_start3A_98 : memref<640xf32, #tpu.memory_space<vmem>>) target_semaphore(%run_scoped3A_89 : memref<!tpu.dma_semaphore, #tpu.memory_space<semaphore_mem>>)
      %dma_wait3A = arith.constant 0 : i32
      %dma_wait3A_103 = tpu.memref_slice %arg6[%run_scoped3A_59, %dma_wait3A] : memref<16x640xf32, #tpu.memory_space<vmem>> -> memref<1x640xf32, #tpu.memory_space<vmem>>
      %dma_wait3A_104 = tpu.memref_squeeze %dma_wait3A_103 : memref<1x640xf32, #tpu.memory_space<vmem>> -> memref<640xf32, #tpu.memory_space<vmem>>
      %dma_wait3A_105 = arith.constant 0 : i32
      %dma_wait3A_106 = tpu.memref_slice %arg8[%run_scoped3A_58, %dma_wait3A_105] : memref<16x10240xf32, #tpu.memory_space<vmem_shared>> -> memref<1x10240xf32, #tpu.memory_space<vmem_shared>>
      %dma_wait3A_107 = tpu.memref_squeeze %dma_wait3A_106 : memref<1x10240xf32, #tpu.memory_space<vmem_shared>> -> memref<10240xf32, #tpu.memory_space<vmem_shared>>
      %dma_wait3A_108 = tpu.memref_slice %dma_wait3A_107[%mul3A_57] : memref<10240xf32, #tpu.memory_space<vmem_shared>> -> memref<640xf32, #tpu.memory_space<vmem_shared>>
      %dma_wait3A_109 = arith.constant 0 : i32
      %dma_wait3A_110 = tpu.memref_slice %arg6[%run_scoped3A_59, %dma_wait3A_109] : memref<16x640xf32, #tpu.memory_space<vmem>> -> memref<1x640xf32, #tpu.memory_space<vmem>>
      %dma_wait3A_111 = tpu.memref_squeeze %dma_wait3A_110 : memref<1x640xf32, #tpu.memory_space<vmem>> -> memref<640xf32, #tpu.memory_space<vmem>>
      %dma_wait3A_112 = arith.constant 0 : i32
      %dma_wait3A_113 = tpu.memref_slice %arg8[%run_scoped3A_58, %dma_wait3A_112] : memref<16x10240xf32, #tpu.memory_space<vmem_shared>> -> memref<1x10240xf32, #tpu.memory_space<vmem_shared>>
      %dma_wait3A_114 = tpu.memref_squeeze %dma_wait3A_113 : memref<1x10240xf32, #tpu.memory_space<vmem_shared>> -> memref<10240xf32, #tpu.memory_space<vmem_shared>>
      %dma_wait3A_115 = tpu.memref_slice %dma_wait3A_114[%mul3A_57] : memref<10240xf32, #tpu.memory_space<vmem_shared>> -> memref<640xf32, #tpu.memory_space<vmem_shared>>
      tpu.wait_dma2 semaphore(%run_scoped3A_89 : memref<!tpu.dma_semaphore, #tpu.memory_space<semaphore_mem>>) src(%dma_wait3A_115 : memref<640xf32, #tpu.memory_space<vmem_shared>>) dst(%dma_wait3A_111 : memref<640xf32, #tpu.memory_space<vmem>>)
      tpu.yield
    }) : () -> ()
    %mul3A_60 = arith.constant 640 : i32
    %mul3A_61 = arith.muli %arg1, %mul3A_60 : i32
    %run_scoped3A_62 = arith.constant 11 : i32
    %run_scoped3A_63 = arith.constant 11 : i32
    "tpu.region"() ({
      %run_scoped3A_89 = tpu.sem_alloc : memref<!tpu.dma_semaphore, #tpu.memory_space<semaphore_mem>>
      %dma_start3A = arith.constant 0 : i32
      %dma_start3A_90 = tpu.memref_slice %arg6[%run_scoped3A_63, %dma_start3A] : memref<16x640xf32, #tpu.memory_space<vmem>> -> memref<1x640xf32, #tpu.memory_space<vmem>>
      %dma_start3A_91 = tpu.memref_squeeze %dma_start3A_90 : memref<1x640xf32, #tpu.memory_space<vmem>> -> memref<640xf32, #tpu.memory_space<vmem>>
      %dma_start3A_92 = arith.constant 0 : i32
      %dma_start3A_93 = tpu.memref_slice %arg8[%run_scoped3A_62, %dma_start3A_92] : memref<16x10240xf32, #tpu.memory_space<vmem_shared>> -> memref<1x10240xf32, #tpu.memory_space<vmem_shared>>
      %dma_start3A_94 = tpu.memref_squeeze %dma_start3A_93 : memref<1x10240xf32, #tpu.memory_space<vmem_shared>> -> memref<10240xf32, #tpu.memory_space<vmem_shared>>
      %dma_start3A_95 = tpu.memref_slice %dma_start3A_94[%mul3A_61] : memref<10240xf32, #tpu.memory_space<vmem_shared>> -> memref<640xf32, #tpu.memory_space<vmem_shared>>
      %dma_start3A_96 = arith.constant 0 : i32
      %dma_start3A_97 = tpu.memref_slice %arg6[%run_scoped3A_63, %dma_start3A_96] : memref<16x640xf32, #tpu.memory_space<vmem>> -> memref<1x640xf32, #tpu.memory_space<vmem>>
      %dma_start3A_98 = tpu.memref_squeeze %dma_start3A_97 : memref<1x640xf32, #tpu.memory_space<vmem>> -> memref<640xf32, #tpu.memory_space<vmem>>
      %dma_start3A_99 = arith.constant 0 : i32
      %dma_start3A_100 = tpu.memref_slice %arg8[%run_scoped3A_62, %dma_start3A_99] : memref<16x10240xf32, #tpu.memory_space<vmem_shared>> -> memref<1x10240xf32, #tpu.memory_space<vmem_shared>>
      %dma_start3A_101 = tpu.memref_squeeze %dma_start3A_100 : memref<1x10240xf32, #tpu.memory_space<vmem_shared>> -> memref<10240xf32, #tpu.memory_space<vmem_shared>>
      %dma_start3A_102 = tpu.memref_slice %dma_start3A_101[%mul3A_61] : memref<10240xf32, #tpu.memory_space<vmem_shared>> -> memref<640xf32, #tpu.memory_space<vmem_shared>>
      tpu.enqueue_dma source(%dma_start3A_102 : memref<640xf32, #tpu.memory_space<vmem_shared>>) target(%dma_start3A_98 : memref<640xf32, #tpu.memory_space<vmem>>) target_semaphore(%run_scoped3A_89 : memref<!tpu.dma_semaphore, #tpu.memory_space<semaphore_mem>>)
      %dma_wait3A = arith.constant 0 : i32
      %dma_wait3A_103 = tpu.memref_slice %arg6[%run_scoped3A_63, %dma_wait3A] : memref<16x640xf32, #tpu.memory_space<vmem>> -> memref<1x640xf32, #tpu.memory_space<vmem>>
      %dma_wait3A_104 = tpu.memref_squeeze %dma_wait3A_103 : memref<1x640xf32, #tpu.memory_space<vmem>> -> memref<640xf32, #tpu.memory_space<vmem>>
      %dma_wait3A_105 = arith.constant 0 : i32
      %dma_wait3A_106 = tpu.memref_slice %arg8[%run_scoped3A_62, %dma_wait3A_105] : memref<16x10240xf32, #tpu.memory_space<vmem_shared>> -> memref<1x10240xf32, #tpu.memory_space<vmem_shared>>
      %dma_wait3A_107 = tpu.memref_squeeze %dma_wait3A_106 : memref<1x10240xf32, #tpu.memory_space<vmem_shared>> -> memref<10240xf32, #tpu.memory_space<vmem_shared>>
      %dma_wait3A_108 = tpu.memref_slice %dma_wait3A_107[%mul3A_61] : memref<10240xf32, #tpu.memory_space<vmem_shared>> -> memref<640xf32, #tpu.memory_space<vmem_shared>>
      %dma_wait3A_109 = arith.constant 0 : i32
      %dma_wait3A_110 = tpu.memref_slice %arg6[%run_scoped3A_63, %dma_wait3A_109] : memref<16x640xf32, #tpu.memory_space<vmem>> -> memref<1x640xf32, #tpu.memory_space<vmem>>
      %dma_wait3A_111 = tpu.memref_squeeze %dma_wait3A_110 : memref<1x640xf32, #tpu.memory_space<vmem>> -> memref<640xf32, #tpu.memory_space<vmem>>
      %dma_wait3A_112 = arith.constant 0 : i32
      %dma_wait3A_113 = tpu.memref_slice %arg8[%run_scoped3A_62, %dma_wait3A_112] : memref<16x10240xf32, #tpu.memory_space<vmem_shared>> -> memref<1x10240xf32, #tpu.memory_space<vmem_shared>>
      %dma_wait3A_114 = tpu.memref_squeeze %dma_wait3A_113 : memref<1x10240xf32, #tpu.memory_space<vmem_shared>> -> memref<10240xf32, #tpu.memory_space<vmem_shared>>
      %dma_wait3A_115 = tpu.memref_slice %dma_wait3A_114[%mul3A_61] : memref<10240xf32, #tpu.memory_space<vmem_shared>> -> memref<640xf32, #tpu.memory_space<vmem_shared>>
      tpu.wait_dma2 semaphore(%run_scoped3A_89 : memref<!tpu.dma_semaphore, #tpu.memory_space<semaphore_mem>>) src(%dma_wait3A_115 : memref<640xf32, #tpu.memory_space<vmem_shared>>) dst(%dma_wait3A_111 : memref<640xf32, #tpu.memory_space<vmem>>)
      tpu.yield
    }) : () -> ()
    %mul3A_64 = arith.constant 640 : i32
    %mul3A_65 = arith.muli %arg1, %mul3A_64 : i32
    %run_scoped3A_66 = arith.constant 12 : i32
    %run_scoped3A_67 = arith.constant 12 : i32
    "tpu.region"() ({
      %run_scoped3A_89 = tpu.sem_alloc : memref<!tpu.dma_semaphore, #tpu.memory_space<semaphore_mem>>
      %dma_start3A = arith.constant 0 : i32
      %dma_start3A_90 = tpu.memref_slice %arg6[%run_scoped3A_67, %dma_start3A] : memref<16x640xf32, #tpu.memory_space<vmem>> -> memref<1x640xf32, #tpu.memory_space<vmem>>
      %dma_start3A_91 = tpu.memref_squeeze %dma_start3A_90 : memref<1x640xf32, #tpu.memory_space<vmem>> -> memref<640xf32, #tpu.memory_space<vmem>>
      %dma_start3A_92 = arith.constant 0 : i32
      %dma_start3A_93 = tpu.memref_slice %arg8[%run_scoped3A_66, %dma_start3A_92] : memref<16x10240xf32, #tpu.memory_space<vmem_shared>> -> memref<1x10240xf32, #tpu.memory_space<vmem_shared>>
      %dma_start3A_94 = tpu.memref_squeeze %dma_start3A_93 : memref<1x10240xf32, #tpu.memory_space<vmem_shared>> -> memref<10240xf32, #tpu.memory_space<vmem_shared>>
      %dma_start3A_95 = tpu.memref_slice %dma_start3A_94[%mul3A_65] : memref<10240xf32, #tpu.memory_space<vmem_shared>> -> memref<640xf32, #tpu.memory_space<vmem_shared>>
      %dma_start3A_96 = arith.constant 0 : i32
      %dma_start3A_97 = tpu.memref_slice %arg6[%run_scoped3A_67, %dma_start3A_96] : memref<16x640xf32, #tpu.memory_space<vmem>> -> memref<1x640xf32, #tpu.memory_space<vmem>>
      %dma_start3A_98 = tpu.memref_squeeze %dma_start3A_97 : memref<1x640xf32, #tpu.memory_space<vmem>> -> memref<640xf32, #tpu.memory_space<vmem>>
      %dma_start3A_99 = arith.constant 0 : i32
      %dma_start3A_100 = tpu.memref_slice %arg8[%run_scoped3A_66, %dma_start3A_99] : memref<16x10240xf32, #tpu.memory_space<vmem_shared>> -> memref<1x10240xf32, #tpu.memory_space<vmem_shared>>
      %dma_start3A_101 = tpu.memref_squeeze %dma_start3A_100 : memref<1x10240xf32, #tpu.memory_space<vmem_shared>> -> memref<10240xf32, #tpu.memory_space<vmem_shared>>
      %dma_start3A_102 = tpu.memref_slice %dma_start3A_101[%mul3A_65] : memref<10240xf32, #tpu.memory_space<vmem_shared>> -> memref<640xf32, #tpu.memory_space<vmem_shared>>
      tpu.enqueue_dma source(%dma_start3A_102 : memref<640xf32, #tpu.memory_space<vmem_shared>>) target(%dma_start3A_98 : memref<640xf32, #tpu.memory_space<vmem>>) target_semaphore(%run_scoped3A_89 : memref<!tpu.dma_semaphore, #tpu.memory_space<semaphore_mem>>)
      %dma_wait3A = arith.constant 0 : i32
      %dma_wait3A_103 = tpu.memref_slice %arg6[%run_scoped3A_67, %dma_wait3A] : memref<16x640xf32, #tpu.memory_space<vmem>> -> memref<1x640xf32, #tpu.memory_space<vmem>>
      %dma_wait3A_104 = tpu.memref_squeeze %dma_wait3A_103 : memref<1x640xf32, #tpu.memory_space<vmem>> -> memref<640xf32, #tpu.memory_space<vmem>>
      %dma_wait3A_105 = arith.constant 0 : i32
      %dma_wait3A_106 = tpu.memref_slice %arg8[%run_scoped3A_66, %dma_wait3A_105] : memref<16x10240xf32, #tpu.memory_space<vmem_shared>> -> memref<1x10240xf32, #tpu.memory_space<vmem_shared>>
      %dma_wait3A_107 = tpu.memref_squeeze %dma_wait3A_106 : memref<1x10240xf32, #tpu.memory_space<vmem_shared>> -> memref<10240xf32, #tpu.memory_space<vmem_shared>>
      %dma_wait3A_108 = tpu.memref_slice %dma_wait3A_107[%mul3A_65] : memref<10240xf32, #tpu.memory_space<vmem_shared>> -> memref<640xf32, #tpu.memory_space<vmem_shared>>
      %dma_wait3A_109 = arith.constant 0 : i32
      %dma_wait3A_110 = tpu.memref_slice %arg6[%run_scoped3A_67, %dma_wait3A_109] : memref<16x640xf32, #tpu.memory_space<vmem>> -> memref<1x640xf32, #tpu.memory_space<vmem>>
      %dma_wait3A_111 = tpu.memref_squeeze %dma_wait3A_110 : memref<1x640xf32, #tpu.memory_space<vmem>> -> memref<640xf32, #tpu.memory_space<vmem>>
      %dma_wait3A_112 = arith.constant 0 : i32
      %dma_wait3A_113 = tpu.memref_slice %arg8[%run_scoped3A_66, %dma_wait3A_112] : memref<16x10240xf32, #tpu.memory_space<vmem_shared>> -> memref<1x10240xf32, #tpu.memory_space<vmem_shared>>
      %dma_wait3A_114 = tpu.memref_squeeze %dma_wait3A_113 : memref<1x10240xf32, #tpu.memory_space<vmem_shared>> -> memref<10240xf32, #tpu.memory_space<vmem_shared>>
      %dma_wait3A_115 = tpu.memref_slice %dma_wait3A_114[%mul3A_65] : memref<10240xf32, #tpu.memory_space<vmem_shared>> -> memref<640xf32, #tpu.memory_space<vmem_shared>>
      tpu.wait_dma2 semaphore(%run_scoped3A_89 : memref<!tpu.dma_semaphore, #tpu.memory_space<semaphore_mem>>) src(%dma_wait3A_115 : memref<640xf32, #tpu.memory_space<vmem_shared>>) dst(%dma_wait3A_111 : memref<640xf32, #tpu.memory_space<vmem>>)
      tpu.yield
    }) : () -> ()
    %mul3A_68 = arith.constant 640 : i32
    %mul3A_69 = arith.muli %arg1, %mul3A_68 : i32
    %run_scoped3A_70 = arith.constant 13 : i32
    %run_scoped3A_71 = arith.constant 13 : i32
    "tpu.region"() ({
      %run_scoped3A_89 = tpu.sem_alloc : memref<!tpu.dma_semaphore, #tpu.memory_space<semaphore_mem>>
      %dma_start3A = arith.constant 0 : i32
      %dma_start3A_90 = tpu.memref_slice %arg6[%run_scoped3A_71, %dma_start3A] : memref<16x640xf32, #tpu.memory_space<vmem>> -> memref<1x640xf32, #tpu.memory_space<vmem>>
      %dma_start3A_91 = tpu.memref_squeeze %dma_start3A_90 : memref<1x640xf32, #tpu.memory_space<vmem>> -> memref<640xf32, #tpu.memory_space<vmem>>
      %dma_start3A_92 = arith.constant 0 : i32
      %dma_start3A_93 = tpu.memref_slice %arg8[%run_scoped3A_70, %dma_start3A_92] : memref<16x10240xf32, #tpu.memory_space<vmem_shared>> -> memref<1x10240xf32, #tpu.memory_space<vmem_shared>>
      %dma_start3A_94 = tpu.memref_squeeze %dma_start3A_93 : memref<1x10240xf32, #tpu.memory_space<vmem_shared>> -> memref<10240xf32, #tpu.memory_space<vmem_shared>>
      %dma_start3A_95 = tpu.memref_slice %dma_start3A_94[%mul3A_69] : memref<10240xf32, #tpu.memory_space<vmem_shared>> -> memref<640xf32, #tpu.memory_space<vmem_shared>>
      %dma_start3A_96 = arith.constant 0 : i32
      %dma_start3A_97 = tpu.memref_slice %arg6[%run_scoped3A_71, %dma_start3A_96] : memref<16x640xf32, #tpu.memory_space<vmem>> -> memref<1x640xf32, #tpu.memory_space<vmem>>
      %dma_start3A_98 = tpu.memref_squeeze %dma_start3A_97 : memref<1x640xf32, #tpu.memory_space<vmem>> -> memref<640xf32, #tpu.memory_space<vmem>>
      %dma_start3A_99 = arith.constant 0 : i32
      %dma_start3A_100 = tpu.memref_slice %arg8[%run_scoped3A_70, %dma_start3A_99] : memref<16x10240xf32, #tpu.memory_space<vmem_shared>> -> memref<1x10240xf32, #tpu.memory_space<vmem_shared>>
      %dma_start3A_101 = tpu.memref_squeeze %dma_start3A_100 : memref<1x10240xf32, #tpu.memory_space<vmem_shared>> -> memref<10240xf32, #tpu.memory_space<vmem_shared>>
      %dma_start3A_102 = tpu.memref_slice %dma_start3A_101[%mul3A_69] : memref<10240xf32, #tpu.memory_space<vmem_shared>> -> memref<640xf32, #tpu.memory_space<vmem_shared>>
      tpu.enqueue_dma source(%dma_start3A_102 : memref<640xf32, #tpu.memory_space<vmem_shared>>) target(%dma_start3A_98 : memref<640xf32, #tpu.memory_space<vmem>>) target_semaphore(%run_scoped3A_89 : memref<!tpu.dma_semaphore, #tpu.memory_space<semaphore_mem>>)
      %dma_wait3A = arith.constant 0 : i32
      %dma_wait3A_103 = tpu.memref_slice %arg6[%run_scoped3A_71, %dma_wait3A] : memref<16x640xf32, #tpu.memory_space<vmem>> -> memref<1x640xf32, #tpu.memory_space<vmem>>
      %dma_wait3A_104 = tpu.memref_squeeze %dma_wait3A_103 : memref<1x640xf32, #tpu.memory_space<vmem>> -> memref<640xf32, #tpu.memory_space<vmem>>
      %dma_wait3A_105 = arith.constant 0 : i32
      %dma_wait3A_106 = tpu.memref_slice %arg8[%run_scoped3A_70, %dma_wait3A_105] : memref<16x10240xf32, #tpu.memory_space<vmem_shared>> -> memref<1x10240xf32, #tpu.memory_space<vmem_shared>>
      %dma_wait3A_107 = tpu.memref_squeeze %dma_wait3A_106 : memref<1x10240xf32, #tpu.memory_space<vmem_shared>> -> memref<10240xf32, #tpu.memory_space<vmem_shared>>
      %dma_wait3A_108 = tpu.memref_slice %dma_wait3A_107[%mul3A_69] : memref<10240xf32, #tpu.memory_space<vmem_shared>> -> memref<640xf32, #tpu.memory_space<vmem_shared>>
      %dma_wait3A_109 = arith.constant 0 : i32
      %dma_wait3A_110 = tpu.memref_slice %arg6[%run_scoped3A_71, %dma_wait3A_109] : memref<16x640xf32, #tpu.memory_space<vmem>> -> memref<1x640xf32, #tpu.memory_space<vmem>>
      %dma_wait3A_111 = tpu.memref_squeeze %dma_wait3A_110 : memref<1x640xf32, #tpu.memory_space<vmem>> -> memref<640xf32, #tpu.memory_space<vmem>>
      %dma_wait3A_112 = arith.constant 0 : i32
      %dma_wait3A_113 = tpu.memref_slice %arg8[%run_scoped3A_70, %dma_wait3A_112] : memref<16x10240xf32, #tpu.memory_space<vmem_shared>> -> memref<1x10240xf32, #tpu.memory_space<vmem_shared>>
      %dma_wait3A_114 = tpu.memref_squeeze %dma_wait3A_113 : memref<1x10240xf32, #tpu.memory_space<vmem_shared>> -> memref<10240xf32, #tpu.memory_space<vmem_shared>>
      %dma_wait3A_115 = tpu.memref_slice %dma_wait3A_114[%mul3A_69] : memref<10240xf32, #tpu.memory_space<vmem_shared>> -> memref<640xf32, #tpu.memory_space<vmem_shared>>
      tpu.wait_dma2 semaphore(%run_scoped3A_89 : memref<!tpu.dma_semaphore, #tpu.memory_space<semaphore_mem>>) src(%dma_wait3A_115 : memref<640xf32, #tpu.memory_space<vmem_shared>>) dst(%dma_wait3A_111 : memref<640xf32, #tpu.memory_space<vmem>>)
      tpu.yield
    }) : () -> ()
    %mul3A_72 = arith.constant 640 : i32
    %mul3A_73 = arith.muli %arg1, %mul3A_72 : i32
    %run_scoped3A_74 = arith.constant 14 : i32
    %run_scoped3A_75 = arith.constant 14 : i32
    "tpu.region"() ({
      %run_scoped3A_89 = tpu.sem_alloc : memref<!tpu.dma_semaphore, #tpu.memory_space<semaphore_mem>>
      %dma_start3A = arith.constant 0 : i32
      %dma_start3A_90 = tpu.memref_slice %arg6[%run_scoped3A_75, %dma_start3A] : memref<16x640xf32, #tpu.memory_space<vmem>> -> memref<1x640xf32, #tpu.memory_space<vmem>>
      %dma_start3A_91 = tpu.memref_squeeze %dma_start3A_90 : memref<1x640xf32, #tpu.memory_space<vmem>> -> memref<640xf32, #tpu.memory_space<vmem>>
      %dma_start3A_92 = arith.constant 0 : i32
      %dma_start3A_93 = tpu.memref_slice %arg8[%run_scoped3A_74, %dma_start3A_92] : memref<16x10240xf32, #tpu.memory_space<vmem_shared>> -> memref<1x10240xf32, #tpu.memory_space<vmem_shared>>
      %dma_start3A_94 = tpu.memref_squeeze %dma_start3A_93 : memref<1x10240xf32, #tpu.memory_space<vmem_shared>> -> memref<10240xf32, #tpu.memory_space<vmem_shared>>
      %dma_start3A_95 = tpu.memref_slice %dma_start3A_94[%mul3A_73] : memref<10240xf32, #tpu.memory_space<vmem_shared>> -> memref<640xf32, #tpu.memory_space<vmem_shared>>
      %dma_start3A_96 = arith.constant 0 : i32
      %dma_start3A_97 = tpu.memref_slice %arg6[%run_scoped3A_75, %dma_start3A_96] : memref<16x640xf32, #tpu.memory_space<vmem>> -> memref<1x640xf32, #tpu.memory_space<vmem>>
      %dma_start3A_98 = tpu.memref_squeeze %dma_start3A_97 : memref<1x640xf32, #tpu.memory_space<vmem>> -> memref<640xf32, #tpu.memory_space<vmem>>
      %dma_start3A_99 = arith.constant 0 : i32
      %dma_start3A_100 = tpu.memref_slice %arg8[%run_scoped3A_74, %dma_start3A_99] : memref<16x10240xf32, #tpu.memory_space<vmem_shared>> -> memref<1x10240xf32, #tpu.memory_space<vmem_shared>>
      %dma_start3A_101 = tpu.memref_squeeze %dma_start3A_100 : memref<1x10240xf32, #tpu.memory_space<vmem_shared>> -> memref<10240xf32, #tpu.memory_space<vmem_shared>>
      %dma_start3A_102 = tpu.memref_slice %dma_start3A_101[%mul3A_73] : memref<10240xf32, #tpu.memory_space<vmem_shared>> -> memref<640xf32, #tpu.memory_space<vmem_shared>>
      tpu.enqueue_dma source(%dma_start3A_102 : memref<640xf32, #tpu.memory_space<vmem_shared>>) target(%dma_start3A_98 : memref<640xf32, #tpu.memory_space<vmem>>) target_semaphore(%run_scoped3A_89 : memref<!tpu.dma_semaphore, #tpu.memory_space<semaphore_mem>>)
      %dma_wait3A = arith.constant 0 : i32
      %dma_wait3A_103 = tpu.memref_slice %arg6[%run_scoped3A_75, %dma_wait3A] : memref<16x640xf32, #tpu.memory_space<vmem>> -> memref<1x640xf32, #tpu.memory_space<vmem>>
      %dma_wait3A_104 = tpu.memref_squeeze %dma_wait3A_103 : memref<1x640xf32, #tpu.memory_space<vmem>> -> memref<640xf32, #tpu.memory_space<vmem>>
      %dma_wait3A_105 = arith.constant 0 : i32
      %dma_wait3A_106 = tpu.memref_slice %arg8[%run_scoped3A_74, %dma_wait3A_105] : memref<16x10240xf32, #tpu.memory_space<vmem_shared>> -> memref<1x10240xf32, #tpu.memory_space<vmem_shared>>
      %dma_wait3A_107 = tpu.memref_squeeze %dma_wait3A_106 : memref<1x10240xf32, #tpu.memory_space<vmem_shared>> -> memref<10240xf32, #tpu.memory_space<vmem_shared>>
      %dma_wait3A_108 = tpu.memref_slice %dma_wait3A_107[%mul3A_73] : memref<10240xf32, #tpu.memory_space<vmem_shared>> -> memref<640xf32, #tpu.memory_space<vmem_shared>>
      %dma_wait3A_109 = arith.constant 0 : i32
      %dma_wait3A_110 = tpu.memref_slice %arg6[%run_scoped3A_75, %dma_wait3A_109] : memref<16x640xf32, #tpu.memory_space<vmem>> -> memref<1x640xf32, #tpu.memory_space<vmem>>
      %dma_wait3A_111 = tpu.memref_squeeze %dma_wait3A_110 : memref<1x640xf32, #tpu.memory_space<vmem>> -> memref<640xf32, #tpu.memory_space<vmem>>
      %dma_wait3A_112 = arith.constant 0 : i32
      %dma_wait3A_113 = tpu.memref_slice %arg8[%run_scoped3A_74, %dma_wait3A_112] : memref<16x10240xf32, #tpu.memory_space<vmem_shared>> -> memref<1x10240xf32, #tpu.memory_space<vmem_shared>>
      %dma_wait3A_114 = tpu.memref_squeeze %dma_wait3A_113 : memref<1x10240xf32, #tpu.memory_space<vmem_shared>> -> memref<10240xf32, #tpu.memory_space<vmem_shared>>
      %dma_wait3A_115 = tpu.memref_slice %dma_wait3A_114[%mul3A_73] : memref<10240xf32, #tpu.memory_space<vmem_shared>> -> memref<640xf32, #tpu.memory_space<vmem_shared>>
      tpu.wait_dma2 semaphore(%run_scoped3A_89 : memref<!tpu.dma_semaphore, #tpu.memory_space<semaphore_mem>>) src(%dma_wait3A_115 : memref<640xf32, #tpu.memory_space<vmem_shared>>) dst(%dma_wait3A_111 : memref<640xf32, #tpu.memory_space<vmem>>)
      tpu.yield
    }) : () -> ()
    %mul3A_76 = arith.constant 640 : i32
    %mul3A_77 = arith.muli %arg1, %mul3A_76 : i32
    %run_scoped3A_78 = arith.constant 15 : i32
    %run_scoped3A_79 = arith.constant 15 : i32
    "tpu.region"() ({
      %run_scoped3A_89 = tpu.sem_alloc : memref<!tpu.dma_semaphore, #tpu.memory_space<semaphore_mem>>
      %dma_start3A = arith.constant 0 : i32
      %dma_start3A_90 = tpu.memref_slice %arg6[%run_scoped3A_79, %dma_start3A] : memref<16x640xf32, #tpu.memory_space<vmem>> -> memref<1x640xf32, #tpu.memory_space<vmem>>
      %dma_start3A_91 = tpu.memref_squeeze %dma_start3A_90 : memref<1x640xf32, #tpu.memory_space<vmem>> -> memref<640xf32, #tpu.memory_space<vmem>>
      %dma_start3A_92 = arith.constant 0 : i32
      %dma_start3A_93 = tpu.memref_slice %arg8[%run_scoped3A_78, %dma_start3A_92] : memref<16x10240xf32, #tpu.memory_space<vmem_shared>> -> memref<1x10240xf32, #tpu.memory_space<vmem_shared>>
      %dma_start3A_94 = tpu.memref_squeeze %dma_start3A_93 : memref<1x10240xf32, #tpu.memory_space<vmem_shared>> -> memref<10240xf32, #tpu.memory_space<vmem_shared>>
      %dma_start3A_95 = tpu.memref_slice %dma_start3A_94[%mul3A_77] : memref<10240xf32, #tpu.memory_space<vmem_shared>> -> memref<640xf32, #tpu.memory_space<vmem_shared>>
      %dma_start3A_96 = arith.constant 0 : i32
      %dma_start3A_97 = tpu.memref_slice %arg6[%run_scoped3A_79, %dma_start3A_96] : memref<16x640xf32, #tpu.memory_space<vmem>> -> memref<1x640xf32, #tpu.memory_space<vmem>>
      %dma_start3A_98 = tpu.memref_squeeze %dma_start3A_97 : memref<1x640xf32, #tpu.memory_space<vmem>> -> memref<640xf32, #tpu.memory_space<vmem>>
      %dma_start3A_99 = arith.constant 0 : i32
      %dma_start3A_100 = tpu.memref_slice %arg8[%run_scoped3A_78, %dma_start3A_99] : memref<16x10240xf32, #tpu.memory_space<vmem_shared>> -> memref<1x10240xf32, #tpu.memory_space<vmem_shared>>
      %dma_start3A_101 = tpu.memref_squeeze %dma_start3A_100 : memref<1x10240xf32, #tpu.memory_space<vmem_shared>> -> memref<10240xf32, #tpu.memory_space<vmem_shared>>
      %dma_start3A_102 = tpu.memref_slice %dma_start3A_101[%mul3A_77] : memref<10240xf32, #tpu.memory_space<vmem_shared>> -> memref<640xf32, #tpu.memory_space<vmem_shared>>
      tpu.enqueue_dma source(%dma_start3A_102 : memref<640xf32, #tpu.memory_space<vmem_shared>>) target(%dma_start3A_98 : memref<640xf32, #tpu.memory_space<vmem>>) target_semaphore(%run_scoped3A_89 : memref<!tpu.dma_semaphore, #tpu.memory_space<semaphore_mem>>)
      %dma_wait3A = arith.constant 0 : i32
      %dma_wait3A_103 = tpu.memref_slice %arg6[%run_scoped3A_79, %dma_wait3A] : memref<16x640xf32, #tpu.memory_space<vmem>> -> memref<1x640xf32, #tpu.memory_space<vmem>>
      %dma_wait3A_104 = tpu.memref_squeeze %dma_wait3A_103 : memref<1x640xf32, #tpu.memory_space<vmem>> -> memref<640xf32, #tpu.memory_space<vmem>>
      %dma_wait3A_105 = arith.constant 0 : i32
      %dma_wait3A_106 = tpu.memref_slice %arg8[%run_scoped3A_78, %dma_wait3A_105] : memref<16x10240xf32, #tpu.memory_space<vmem_shared>> -> memref<1x10240xf32, #tpu.memory_space<vmem_shared>>
      %dma_wait3A_107 = tpu.memref_squeeze %dma_wait3A_106 : memref<1x10240xf32, #tpu.memory_space<vmem_shared>> -> memref<10240xf32, #tpu.memory_space<vmem_shared>>
      %dma_wait3A_108 = tpu.memref_slice %dma_wait3A_107[%mul3A_77] : memref<10240xf32, #tpu.memory_space<vmem_shared>> -> memref<640xf32, #tpu.memory_space<vmem_shared>>
      %dma_wait3A_109 = arith.constant 0 : i32
      %dma_wait3A_110 = tpu.memref_slice %arg6[%run_scoped3A_79, %dma_wait3A_109] : memref<16x640xf32, #tpu.memory_space<vmem>> -> memref<1x640xf32, #tpu.memory_space<vmem>>
      %dma_wait3A_111 = tpu.memref_squeeze %dma_wait3A_110 : memref<1x640xf32, #tpu.memory_space<vmem>> -> memref<640xf32, #tpu.memory_space<vmem>>
      %dma_wait3A_112 = arith.constant 0 : i32
      %dma_wait3A_113 = tpu.memref_slice %arg8[%run_scoped3A_78, %dma_wait3A_112] : memref<16x10240xf32, #tpu.memory_space<vmem_shared>> -> memref<1x10240xf32, #tpu.memory_space<vmem_shared>>
      %dma_wait3A_114 = tpu.memref_squeeze %dma_wait3A_113 : memref<1x10240xf32, #tpu.memory_space<vmem_shared>> -> memref<10240xf32, #tpu.memory_space<vmem_shared>>
      %dma_wait3A_115 = tpu.memref_slice %dma_wait3A_114[%mul3A_77] : memref<10240xf32, #tpu.memory_space<vmem_shared>> -> memref<640xf32, #tpu.memory_space<vmem_shared>>
      tpu.wait_dma2 semaphore(%run_scoped3A_89 : memref<!tpu.dma_semaphore, #tpu.memory_space<semaphore_mem>>) src(%dma_wait3A_115 : memref<640xf32, #tpu.memory_space<vmem_shared>>) dst(%dma_wait3A_111 : memref<640xf32, #tpu.memory_space<vmem>>)
      tpu.yield
    }) : () -> ()
    %broadcast_in_dim3A_80 = arith.constant 0 : i32
    %broadcast_in_dim3A_81 = vector.broadcast %broadcast_in_dim3A_80 : i32 to vector<16xi32>
    %iota3A = tpu.iota {dimensions = array<i32: 0>} : vector<16xi32>
    %scan3A_82 = arith.constant 0 : i32
    %scan3A_83 = arith.constant 0 : i32
    %scan3A_84 = arith.constant 5 : i32
    %scan3A_85 = arith.addi %scan3A_83, %scan3A_84 : i32
    %scan3A_86 = arith.constant 1 : i32
    %scan3A_87 = scf.for %scan3A_89 = %scan3A_83 to %scan3A_85 step %scan3A_86 iter_args(%scan3A_90 = %scan3A_82) -> (i32)  : i32 {
      %mul3A_91 = arith.constant 128 : i32
      %mul3A_92 = arith.muli %scan3A_89, %mul3A_91 : i32
      %add3A_93 = arith.constant 0 : i32
      %add3A_94 = arith.addi %mul3A_92, %add3A_93 : i32
      %get3A = arith.constant 0 : i32
      %get3A_95 = arith.index_cast %get3A : i32 to index
      %get3A_96 = arith.index_cast %add3A_94 : i32 to index
      %get3A_97 = tpu.vector_load %arg6[%get3A_95, %get3A_96] {strides = array<i32>} : memref<16x640xf32, #tpu.memory_space<vmem>>, vector<16xf32>,
      %add3A_98 = arith.addf %broadcast_in_dim3A_1, %get3A_97 : vector<16xf32>
      %mul3A_99 = arith.constant 128 : i32
      %mul3A_100 = arith.muli %scan3A_89, %mul3A_99 : i32
      %add3A_101 = arith.constant 0 : i32
      %add3A_102 = arith.addi %mul3A_100, %add3A_101 : i32
      %get3A_103 = arith.constant 1 : i32
      %get3A_104 = arith.index_cast %get3A_103 : i32 to index
      %get3A_105 = arith.index_cast %add3A_102 : i32 to index
      %get3A_106 = tpu.vector_load %arg6[%get3A_104, %get3A_105] {strides = array<i32>} : memref<16x640xf32, #tpu.memory_space<vmem>>, vector<16xf32>,
      %add3A_107 = arith.addf %add3A_98, %get3A_106 : vector<16xf32>
      %mul3A_108 = arith.constant 128 : i32
      %mul3A_109 = arith.muli %scan3A_89, %mul3A_108 : i32
      %add3A_110 = arith.constant 0 : i32
      %add3A_111 = arith.addi %mul3A_109, %add3A_110 : i32
      %get3A_112 = arith.constant 2 : i32
      %get3A_113 = arith.index_cast %get3A_112 : i32 to index
      %get3A_114 = arith.index_cast %add3A_111 : i32 to index
      %get3A_115 = tpu.vector_load %arg6[%get3A_113, %get3A_114] {strides = array<i32>} : memref<16x640xf32, #tpu.memory_space<vmem>>, vector<16xf32>,
      %add3A_116 = arith.addf %add3A_107, %get3A_115 : vector<16xf32>
      %mul3A_117 = arith.constant 128 : i32
      %mul3A_118 = arith.muli %scan3A_89, %mul3A_117 : i32
      %add3A_119 = arith.constant 0 : i32
      %add3A_120 = arith.addi %mul3A_118, %add3A_119 : i32
      %get3A_121 = arith.constant 3 : i32
      %get3A_122 = arith.index_cast %get3A_121 : i32 to index
      %get3A_123 = arith.index_cast %add3A_120 : i32 to index
      %get3A_124 = tpu.vector_load %arg6[%get3A_122, %get3A_123] {strides = array<i32>} : memref<16x640xf32, #tpu.memory_space<vmem>>, vector<16xf32>,
      %add3A_125 = arith.addf %add3A_116, %get3A_124 : vector<16xf32>
      %mul3A_126 = arith.constant 128 : i32
      %mul3A_127 = arith.muli %scan3A_89, %mul3A_126 : i32
      %add3A_128 = arith.constant 0 : i32
      %add3A_129 = arith.addi %mul3A_127, %add3A_128 : i32
      %get3A_130 = arith.constant 4 : i32
      %get3A_131 = arith.index_cast %get3A_130 : i32 to index
      %get3A_132 = arith.index_cast %add3A_129 : i32 to index
      %get3A_133 = tpu.vector_load %arg6[%get3A_131, %get3A_132] {strides = array<i32>} : memref<16x640xf32, #tpu.memory_space<vmem>>, vector<16xf32>,
      %add3A_134 = arith.addf %add3A_125, %get3A_133 : vector<16xf32>
      %mul3A_135 = arith.constant 128 : i32
      %mul3A_136 = arith.muli %scan3A_89, %mul3A_135 : i32
      %add3A_137 = arith.constant 0 : i32
      %add3A_138 = arith.addi %mul3A_136, %add3A_137 : i32
      %get3A_139 = arith.constant 5 : i32
      %get3A_140 = arith.index_cast %get3A_139 : i32 to index
      %get3A_141 = arith.index_cast %add3A_138 : i32 to index
      %get3A_142 = tpu.vector_load %arg6[%get3A_140, %get3A_141] {strides = array<i32>} : memref<16x640xf32, #tpu.memory_space<vmem>>, vector<16xf32>,
      %add3A_143 = arith.addf %add3A_134, %get3A_142 : vector<16xf32>
      %mul3A_144 = arith.constant 128 : i32
      %mul3A_145 = arith.muli %scan3A_89, %mul3A_144 : i32
      %add3A_146 = arith.constant 0 : i32
      %add3A_147 = arith.addi %mul3A_145, %add3A_146 : i32
      %get3A_148 = arith.constant 6 : i32
      %get3A_149 = arith.index_cast %get3A_148 : i32 to index
      %get3A_150 = arith.index_cast %add3A_147 : i32 to index
      %get3A_151 = tpu.vector_load %arg6[%get3A_149, %get3A_150] {strides = array<i32>} : memref<16x640xf32, #tpu.memory_space<vmem>>, vector<16xf32>,
      %add3A_152 = arith.addf %add3A_143, %get3A_151 : vector<16xf32>
      %mul3A_153 = arith.constant 128 : i32
      %mul3A_154 = arith.muli %scan3A_89, %mul3A_153 : i32
      %add3A_155 = arith.constant 0 : i32
      %add3A_156 = arith.addi %mul3A_154, %add3A_155 : i32
      %get3A_157 = arith.constant 7 : i32
      %get3A_158 = arith.index_cast %get3A_157 : i32 to index
      %get3A_159 = arith.index_cast %add3A_156 : i32 to index
      %get3A_160 = tpu.vector_load %arg6[%get3A_158, %get3A_159] {strides = array<i32>} : memref<16x640xf32, #tpu.memory_space<vmem>>, vector<16xf32>,
      %add3A_161 = arith.addf %add3A_152, %get3A_160 : vector<16xf32>
      %mul3A_162 = arith.constant 128 : i32
      %mul3A_163 = arith.muli %scan3A_89, %mul3A_162 : i32
      %add3A_164 = arith.constant 0 : i32
      %add3A_165 = arith.addi %mul3A_163, %add3A_164 : i32
      %get3A_166 = arith.constant 8 : i32
      %get3A_167 = arith.index_cast %get3A_166 : i32 to index
      %get3A_168 = arith.index_cast %add3A_165 : i32 to index
      %get3A_169 = tpu.vector_load %arg6[%get3A_167, %get3A_168] {strides = array<i32>} : memref<16x640xf32, #tpu.memory_space<vmem>>, vector<16xf32>,
      %add3A_170 = arith.addf %add3A_161, %get3A_169 : vector<16xf32>
      %mul3A_171 = arith.constant 128 : i32
      %mul3A_172 = arith.muli %scan3A_89, %mul3A_171 : i32
      %add3A_173 = arith.constant 0 : i32
      %add3A_174 = arith.addi %mul3A_172, %add3A_173 : i32
      %get3A_175 = arith.constant 9 : i32
      %get3A_176 = arith.index_cast %get3A_175 : i32 to index
      %get3A_177 = arith.index_cast %add3A_174 : i32 to index
      %get3A_178 = tpu.vector_load %arg6[%get3A_176, %get3A_177] {strides = array<i32>} : memref<16x640xf32, #tpu.memory_space<vmem>>, vector<16xf32>,
      %add3A_179 = arith.addf %add3A_170, %get3A_178 : vector<16xf32>
      %mul3A_180 = arith.constant 128 : i32
      %mul3A_181 = arith.muli %scan3A_89, %mul3A_180 : i32
      %add3A_182 = arith.constant 0 : i32
      %add3A_183 = arith.addi %mul3A_181, %add3A_182 : i32
      %get3A_184 = arith.constant 10 : i32
      %get3A_185 = arith.index_cast %get3A_184 : i32 to index
      %get3A_186 = arith.index_cast %add3A_183 : i32 to index
      %get3A_187 = tpu.vector_load %arg6[%get3A_185, %get3A_186] {strides = array<i32>} : memref<16x640xf32, #tpu.memory_space<vmem>>, vector<16xf32>,
      %add3A_188 = arith.addf %add3A_179, %get3A_187 : vector<16xf32>
      %mul3A_189 = arith.constant 128 : i32
      %mul3A_190 = arith.muli %scan3A_89, %mul3A_189 : i32
      %add3A_191 = arith.constant 0 : i32
      %add3A_192 = arith.addi %mul3A_190, %add3A_191 : i32
      %get3A_193 = arith.constant 11 : i32
      %get3A_194 = arith.index_cast %get3A_193 : i32 to index
      %get3A_195 = arith.index_cast %add3A_192 : i32 to index
      %get3A_196 = tpu.vector_load %arg6[%get3A_194, %get3A_195] {strides = array<i32>} : memref<16x640xf32, #tpu.memory_space<vmem>>, vector<16xf32>,
      %add3A_197 = arith.addf %add3A_188, %get3A_196 : vector<16xf32>
      %mul3A_198 = arith.constant 128 : i32
      %mul3A_199 = arith.muli %scan3A_89, %mul3A_198 : i32
      %add3A_200 = arith.constant 0 : i32
      %add3A_201 = arith.addi %mul3A_199, %add3A_200 : i32
      %get3A_202 = arith.constant 12 : i32
      %get3A_203 = arith.index_cast %get3A_202 : i32 to index
      %get3A_204 = arith.index_cast %add3A_201 : i32 to index
      %get3A_205 = tpu.vector_load %arg6[%get3A_203, %get3A_204] {strides = array<i32>} : memref<16x640xf32, #tpu.memory_space<vmem>>, vector<16xf32>,
      %add3A_206 = arith.addf %add3A_197, %get3A_205 : vector<16xf32>
      %mul3A_207 = arith.constant 128 : i32
      %mul3A_208 = arith.muli %scan3A_89, %mul3A_207 : i32
      %add3A_209 = arith.constant 0 : i32
      %add3A_210 = arith.addi %mul3A_208, %add3A_209 : i32
      %get3A_211 = arith.constant 13 : i32
      %get3A_212 = arith.index_cast %get3A_211 : i32 to index
      %get3A_213 = arith.index_cast %add3A_210 : i32 to index
      %get3A_214 = tpu.vector_load %arg6[%get3A_212, %get3A_213] {strides = array<i32>} : memref<16x640xf32, #tpu.memory_space<vmem>>, vector<16xf32>,
      %add3A_215 = arith.addf %add3A_206, %get3A_214 : vector<16xf32>
      %mul3A_216 = arith.constant 128 : i32
      %mul3A_217 = arith.muli %scan3A_89, %mul3A_216 : i32
      %add3A_218 = arith.constant 0 : i32
      %add3A_219 = arith.addi %mul3A_217, %add3A_218 : i32
      %get3A_220 = arith.constant 14 : i32
      %get3A_221 = arith.index_cast %get3A_220 : i32 to index
      %get3A_222 = arith.index_cast %add3A_219 : i32 to index
      %get3A_223 = tpu.vector_load %arg6[%get3A_221, %get3A_222] {strides = array<i32>} : memref<16x640xf32, #tpu.memory_space<vmem>>, vector<16xf32>,
      %add3A_224 = arith.addf %add3A_215, %get3A_223 : vector<16xf32>
      %mul3A_225 = arith.constant 128 : i32
      %mul3A_226 = arith.muli %scan3A_89, %mul3A_225 : i32
      %add3A_227 = arith.constant 0 : i32
      %add3A_228 = arith.addi %mul3A_226, %add3A_227 : i32
      %get3A_229 = arith.constant 15 : i32
      %get3A_230 = arith.index_cast %get3A_229 : i32 to index
      %get3A_231 = arith.index_cast %add3A_228 : i32 to index
      %get3A_232 = tpu.vector_load %arg6[%get3A_230, %get3A_231] {strides = array<i32>} : memref<16x640xf32, #tpu.memory_space<vmem>>, vector<16xf32>,
      %add3A_233 = arith.addf %add3A_224, %get3A_232 : vector<16xf32>
      %add3A_234 = arith.constant 0 : i32
      %add3A_235 = vector.broadcast %add3A_234 : i32 to vector<16xi32>
      %add3A_236 = arith.addi %add3A_235, %iota3A : vector<16xi32>
      tpu.vector_store_idx %arg7[%add3A_236, %broadcast_in_dim3A_81], %add3A_233 : memref<128x128xf32, #tpu.memory_space<vmem>>[vector<16xi32>, vector<16xi32>], vector<16xf32>,
      %mul3A_237 = arith.constant 128 : i32
      %mul3A_238 = arith.muli %scan3A_89, %mul3A_237 : i32
      %add3A_239 = arith.constant 16 : i32
      %add3A_240 = arith.addi %mul3A_238, %add3A_239 : i32
      %get3A_241 = arith.constant 0 : i32
      %get3A_242 = arith.index_cast %get3A_241 : i32 to index
      %get3A_243 = arith.index_cast %add3A_240 : i32 to index
      %get3A_244 = tpu.vector_load %arg6[%get3A_242, %get3A_243] {strides = array<i32>} : memref<16x640xf32, #tpu.memory_space<vmem>>, vector<16xf32>,
      %add3A_245 = arith.addf %broadcast_in_dim3A_1, %get3A_244 : vector<16xf32>
      %mul3A_246 = arith.constant 128 : i32
      %mul3A_247 = arith.muli %scan3A_89, %mul3A_246 : i32
      %add3A_248 = arith.constant 16 : i32
      %add3A_249 = arith.addi %mul3A_247, %add3A_248 : i32
      %get3A_250 = arith.constant 1 : i32
      %get3A_251 = arith.index_cast %get3A_250 : i32 to index
      %get3A_252 = arith.index_cast %add3A_249 : i32 to index
      %get3A_253 = tpu.vector_load %arg6[%get3A_251, %get3A_252] {strides = array<i32>} : memref<16x640xf32, #tpu.memory_space<vmem>>, vector<16xf32>,
      %add3A_254 = arith.addf %add3A_245, %get3A_253 : vector<16xf32>
      %mul3A_255 = arith.constant 128 : i32
      %mul3A_256 = arith.muli %scan3A_89, %mul3A_255 : i32
      %add3A_257 = arith.constant 16 : i32
      %add3A_258 = arith.addi %mul3A_256, %add3A_257 : i32
      %get3A_259 = arith.constant 2 : i32
      %get3A_260 = arith.index_cast %get3A_259 : i32 to index
      %get3A_261 = arith.index_cast %add3A_258 : i32 to index
      %get3A_262 = tpu.vector_load %arg6[%get3A_260, %get3A_261] {strides = array<i32>} : memref<16x640xf32, #tpu.memory_space<vmem>>, vector<16xf32>,
      %add3A_263 = arith.addf %add3A_254, %get3A_262 : vector<16xf32>
      %mul3A_264 = arith.constant 128 : i32
      %mul3A_265 = arith.muli %scan3A_89, %mul3A_264 : i32
      %add3A_266 = arith.constant 16 : i32
      %add3A_267 = arith.addi %mul3A_265, %add3A_266 : i32
      %get3A_268 = arith.constant 3 : i32
      %get3A_269 = arith.index_cast %get3A_268 : i32 to index
      %get3A_270 = arith.index_cast %add3A_267 : i32 to index
      %get3A_271 = tpu.vector_load %arg6[%get3A_269, %get3A_270] {strides = array<i32>} : memref<16x640xf32, #tpu.memory_space<vmem>>, vector<16xf32>,
      %add3A_272 = arith.addf %add3A_263, %get3A_271 : vector<16xf32>
      %mul3A_273 = arith.constant 128 : i32
      %mul3A_274 = arith.muli %scan3A_89, %mul3A_273 : i32
      %add3A_275 = arith.constant 16 : i32
      %add3A_276 = arith.addi %mul3A_274, %add3A_275 : i32
      %get3A_277 = arith.constant 4 : i32
      %get3A_278 = arith.index_cast %get3A_277 : i32 to index
      %get3A_279 = arith.index_cast %add3A_276 : i32 to index
      %get3A_280 = tpu.vector_load %arg6[%get3A_278, %get3A_279] {strides = array<i32>} : memref<16x640xf32, #tpu.memory_space<vmem>>, vector<16xf32>,
      %add3A_281 = arith.addf %add3A_272, %get3A_280 : vector<16xf32>
      %mul3A_282 = arith.constant 128 : i32
      %mul3A_283 = arith.muli %scan3A_89, %mul3A_282 : i32
      %add3A_284 = arith.constant 16 : i32
      %add3A_285 = arith.addi %mul3A_283, %add3A_284 : i32
      %get3A_286 = arith.constant 5 : i32
      %get3A_287 = arith.index_cast %get3A_286 : i32 to index
      %get3A_288 = arith.index_cast %add3A_285 : i32 to index
      %get3A_289 = tpu.vector_load %arg6[%get3A_287, %get3A_288] {strides = array<i32>} : memref<16x640xf32, #tpu.memory_space<vmem>>, vector<16xf32>,
      %add3A_290 = arith.addf %add3A_281, %get3A_289 : vector<16xf32>
      %mul3A_291 = arith.constant 128 : i32
      %mul3A_292 = arith.muli %scan3A_89, %mul3A_291 : i32
      %add3A_293 = arith.constant 16 : i32
      %add3A_294 = arith.addi %mul3A_292, %add3A_293 : i32
      %get3A_295 = arith.constant 6 : i32
      %get3A_296 = arith.index_cast %get3A_295 : i32 to index
      %get3A_297 = arith.index_cast %add3A_294 : i32 to index
      %get3A_298 = tpu.vector_load %arg6[%get3A_296, %get3A_297] {strides = array<i32>} : memref<16x640xf32, #tpu.memory_space<vmem>>, vector<16xf32>,
      %add3A_299 = arith.addf %add3A_290, %get3A_298 : vector<16xf32>
      %mul3A_300 = arith.constant 128 : i32
      %mul3A_301 = arith.muli %scan3A_89, %mul3A_300 : i32
      %add3A_302 = arith.constant 16 : i32
      %add3A_303 = arith.addi %mul3A_301, %add3A_302 : i32
      %get3A_304 = arith.constant 7 : i32
      %get3A_305 = arith.index_cast %get3A_304 : i32 to index
      %get3A_306 = arith.index_cast %add3A_303 : i32 to index
      %get3A_307 = tpu.vector_load %arg6[%get3A_305, %get3A_306] {strides = array<i32>} : memref<16x640xf32, #tpu.memory_space<vmem>>, vector<16xf32>,
      %add3A_308 = arith.addf %add3A_299, %get3A_307 : vector<16xf32>
      %mul3A_309 = arith.constant 128 : i32
      %mul3A_310 = arith.muli %scan3A_89, %mul3A_309 : i32
      %add3A_311 = arith.constant 16 : i32
      %add3A_312 = arith.addi %mul3A_310, %add3A_311 : i32
      %get3A_313 = arith.constant 8 : i32
      %get3A_314 = arith.index_cast %get3A_313 : i32 to index
      %get3A_315 = arith.index_cast %add3A_312 : i32 to index
      %get3A_316 = tpu.vector_load %arg6[%get3A_314, %get3A_315] {strides = array<i32>} : memref<16x640xf32, #tpu.memory_space<vmem>>, vector<16xf32>,
      %add3A_317 = arith.addf %add3A_308, %get3A_316 : vector<16xf32>
      %mul3A_318 = arith.constant 128 : i32
      %mul3A_319 = arith.muli %scan3A_89, %mul3A_318 : i32
      %add3A_320 = arith.constant 16 : i32
      %add3A_321 = arith.addi %mul3A_319, %add3A_320 : i32
      %get3A_322 = arith.constant 9 : i32
      %get3A_323 = arith.index_cast %get3A_322 : i32 to index
      %get3A_324 = arith.index_cast %add3A_321 : i32 to index
      %get3A_325 = tpu.vector_load %arg6[%get3A_323, %get3A_324] {strides = array<i32>} : memref<16x640xf32, #tpu.memory_space<vmem>>, vector<16xf32>,
      %add3A_326 = arith.addf %add3A_317, %get3A_325 : vector<16xf32>
      %mul3A_327 = arith.constant 128 : i32
      %mul3A_328 = arith.muli %scan3A_89, %mul3A_327 : i32
      %add3A_329 = arith.constant 16 : i32
      %add3A_330 = arith.addi %mul3A_328, %add3A_329 : i32
      %get3A_331 = arith.constant 10 : i32
      %get3A_332 = arith.index_cast %get3A_331 : i32 to index
      %get3A_333 = arith.index_cast %add3A_330 : i32 to index
      %get3A_334 = tpu.vector_load %arg6[%get3A_332, %get3A_333] {strides = array<i32>} : memref<16x640xf32, #tpu.memory_space<vmem>>, vector<16xf32>,
      %add3A_335 = arith.addf %add3A_326, %get3A_334 : vector<16xf32>
      %mul3A_336 = arith.constant 128 : i32
      %mul3A_337 = arith.muli %scan3A_89, %mul3A_336 : i32
      %add3A_338 = arith.constant 16 : i32
      %add3A_339 = arith.addi %mul3A_337, %add3A_338 : i32
      %get3A_340 = arith.constant 11 : i32
      %get3A_341 = arith.index_cast %get3A_340 : i32 to index
      %get3A_342 = arith.index_cast %add3A_339 : i32 to index
      %get3A_343 = tpu.vector_load %arg6[%get3A_341, %get3A_342] {strides = array<i32>} : memref<16x640xf32, #tpu.memory_space<vmem>>, vector<16xf32>,
      %add3A_344 = arith.addf %add3A_335, %get3A_343 : vector<16xf32>
      %mul3A_345 = arith.constant 128 : i32
      %mul3A_346 = arith.muli %scan3A_89, %mul3A_345 : i32
      %add3A_347 = arith.constant 16 : i32
      %add3A_348 = arith.addi %mul3A_346, %add3A_347 : i32
      %get3A_349 = arith.constant 12 : i32
      %get3A_350 = arith.index_cast %get3A_349 : i32 to index
      %get3A_351 = arith.index_cast %add3A_348 : i32 to index
      %get3A_352 = tpu.vector_load %arg6[%get3A_350, %get3A_351] {strides = array<i32>} : memref<16x640xf32, #tpu.memory_space<vmem>>, vector<16xf32>,
      %add3A_353 = arith.addf %add3A_344, %get3A_352 : vector<16xf32>
      %mul3A_354 = arith.constant 128 : i32
      %mul3A_355 = arith.muli %scan3A_89, %mul3A_354 : i32
      %add3A_356 = arith.constant 16 : i32
      %add3A_357 = arith.addi %mul3A_355, %add3A_356 : i32
      %get3A_358 = arith.constant 13 : i32
      %get3A_359 = arith.index_cast %get3A_358 : i32 to index
      %get3A_360 = arith.index_cast %add3A_357 : i32 to index
      %get3A_361 = tpu.vector_load %arg6[%get3A_359, %get3A_360] {strides = array<i32>} : memref<16x640xf32, #tpu.memory_space<vmem>>, vector<16xf32>,
      %add3A_362 = arith.addf %add3A_353, %get3A_361 : vector<16xf32>
      %mul3A_363 = arith.constant 128 : i32
      %mul3A_364 = arith.muli %scan3A_89, %mul3A_363 : i32
      %add3A_365 = arith.constant 16 : i32
      %add3A_366 = arith.addi %mul3A_364, %add3A_365 : i32
      %get3A_367 = arith.constant 14 : i32
      %get3A_368 = arith.index_cast %get3A_367 : i32 to index
      %get3A_369 = arith.index_cast %add3A_366 : i32 to index
      %get3A_370 = tpu.vector_load %arg6[%get3A_368, %get3A_369] {strides = array<i32>} : memref<16x640xf32, #tpu.memory_space<vmem>>, vector<16xf32>,
      %add3A_371 = arith.addf %add3A_362, %get3A_370 : vector<16xf32>
      %mul3A_372 = arith.constant 128 : i32
      %mul3A_373 = arith.muli %scan3A_89, %mul3A_372 : i32
      %add3A_374 = arith.constant 16 : i32
      %add3A_375 = arith.addi %mul3A_373, %add3A_374 : i32
      %get3A_376 = arith.constant 15 : i32
      %get3A_377 = arith.index_cast %get3A_376 : i32 to index
      %get3A_378 = arith.index_cast %add3A_375 : i32 to index
      %get3A_379 = tpu.vector_load %arg6[%get3A_377, %get3A_378] {strides = array<i32>} : memref<16x640xf32, #tpu.memory_space<vmem>>, vector<16xf32>,
      %add3A_380 = arith.addf %add3A_371, %get3A_379 : vector<16xf32>
      %add3A_381 = arith.constant 16 : i32
      %add3A_382 = vector.broadcast %add3A_381 : i32 to vector<16xi32>
      %add3A_383 = arith.addi %add3A_382, %iota3A : vector<16xi32>
      tpu.vector_store_idx %arg7[%add3A_383, %broadcast_in_dim3A_81], %add3A_380 : memref<128x128xf32, #tpu.memory_space<vmem>>[vector<16xi32>, vector<16xi32>], vector<16xf32>,
      %mul3A_384 = arith.constant 128 : i32
      %mul3A_385 = arith.muli %scan3A_89, %mul3A_384 : i32
      %add3A_386 = arith.constant 32 : i32
      %add3A_387 = arith.addi %mul3A_385, %add3A_386 : i32
      %get3A_388 = arith.constant 0 : i32
      %get3A_389 = arith.index_cast %get3A_388 : i32 to index
      %get3A_390 = arith.index_cast %add3A_387 : i32 to index
      %get3A_391 = tpu.vector_load %arg6[%get3A_389, %get3A_390] {strides = array<i32>} : memref<16x640xf32, #tpu.memory_space<vmem>>, vector<16xf32>,
      %add3A_392 = arith.addf %broadcast_in_dim3A_1, %get3A_391 : vector<16xf32>
      %mul3A_393 = arith.constant 128 : i32
      %mul3A_394 = arith.muli %scan3A_89, %mul3A_393 : i32
      %add3A_395 = arith.constant 32 : i32
      %add3A_396 = arith.addi %mul3A_394, %add3A_395 : i32
      %get3A_397 = arith.constant 1 : i32
      %get3A_398 = arith.index_cast %get3A_397 : i32 to index
      %get3A_399 = arith.index_cast %add3A_396 : i32 to index
      %get3A_400 = tpu.vector_load %arg6[%get3A_398, %get3A_399] {strides = array<i32>} : memref<16x640xf32, #tpu.memory_space<vmem>>, vector<16xf32>,
      %add3A_401 = arith.addf %add3A_392, %get3A_400 : vector<16xf32>
      %mul3A_402 = arith.constant 128 : i32
      %mul3A_403 = arith.muli %scan3A_89, %mul3A_402 : i32
      %add3A_404 = arith.constant 32 : i32
      %add3A_405 = arith.addi %mul3A_403, %add3A_404 : i32
      %get3A_406 = arith.constant 2 : i32
      %get3A_407 = arith.index_cast %get3A_406 : i32 to index
      %get3A_408 = arith.index_cast %add3A_405 : i32 to index
      %get3A_409 = tpu.vector_load %arg6[%get3A_407, %get3A_408] {strides = array<i32>} : memref<16x640xf32, #tpu.memory_space<vmem>>, vector<16xf32>,
      %add3A_410 = arith.addf %add3A_401, %get3A_409 : vector<16xf32>
      %mul3A_411 = arith.constant 128 : i32
      %mul3A_412 = arith.muli %scan3A_89, %mul3A_411 : i32
      %add3A_413 = arith.constant 32 : i32
      %add3A_414 = arith.addi %mul3A_412, %add3A_413 : i32
      %get3A_415 = arith.constant 3 : i32
      %get3A_416 = arith.index_cast %get3A_415 : i32 to index
      %get3A_417 = arith.index_cast %add3A_414 : i32 to index
      %get3A_418 = tpu.vector_load %arg6[%get3A_416, %get3A_417] {strides = array<i32>} : memref<16x640xf32, #tpu.memory_space<vmem>>, vector<16xf32>,
      %add3A_419 = arith.addf %add3A_410, %get3A_418 : vector<16xf32>
      %mul3A_420 = arith.constant 128 : i32
      %mul3A_421 = arith.muli %scan3A_89, %mul3A_420 : i32
      %add3A_422 = arith.constant 32 : i32
      %add3A_423 = arith.addi %mul3A_421, %add3A_422 : i32
      %get3A_424 = arith.constant 4 : i32
      %get3A_425 = arith.index_cast %get3A_424 : i32 to index
      %get3A_426 = arith.index_cast %add3A_423 : i32 to index
      %get3A_427 = tpu.vector_load %arg6[%get3A_425, %get3A_426] {strides = array<i32>} : memref<16x640xf32, #tpu.memory_space<vmem>>, vector<16xf32>,
      %add3A_428 = arith.addf %add3A_419, %get3A_427 : vector<16xf32>
      %mul3A_429 = arith.constant 128 : i32
      %mul3A_430 = arith.muli %scan3A_89, %mul3A_429 : i32
      %add3A_431 = arith.constant 32 : i32
      %add3A_432 = arith.addi %mul3A_430, %add3A_431 : i32
      %get3A_433 = arith.constant 5 : i32
      %get3A_434 = arith.index_cast %get3A_433 : i32 to index
      %get3A_435 = arith.index_cast %add3A_432 : i32 to index
      %get3A_436 = tpu.vector_load %arg6[%get3A_434, %get3A_435] {strides = array<i32>} : memref<16x640xf32, #tpu.memory_space<vmem>>, vector<16xf32>,
      %add3A_437 = arith.addf %add3A_428, %get3A_436 : vector<16xf32>
      %mul3A_438 = arith.constant 128 : i32
      %mul3A_439 = arith.muli %scan3A_89, %mul3A_438 : i32
      %add3A_440 = arith.constant 32 : i32
      %add3A_441 = arith.addi %mul3A_439, %add3A_440 : i32
      %get3A_442 = arith.constant 6 : i32
      %get3A_443 = arith.index_cast %get3A_442 : i32 to index
      %get3A_444 = arith.index_cast %add3A_441 : i32 to index
      %get3A_445 = tpu.vector_load %arg6[%get3A_443, %get3A_444] {strides = array<i32>} : memref<16x640xf32, #tpu.memory_space<vmem>>, vector<16xf32>,
      %add3A_446 = arith.addf %add3A_437, %get3A_445 : vector<16xf32>
      %mul3A_447 = arith.constant 128 : i32
      %mul3A_448 = arith.muli %scan3A_89, %mul3A_447 : i32
      %add3A_449 = arith.constant 32 : i32
      %add3A_450 = arith.addi %mul3A_448, %add3A_449 : i32
      %get3A_451 = arith.constant 7 : i32
      %get3A_452 = arith.index_cast %get3A_451 : i32 to index
      %get3A_453 = arith.index_cast %add3A_450 : i32 to index
      %get3A_454 = tpu.vector_load %arg6[%get3A_452, %get3A_453] {strides = array<i32>} : memref<16x640xf32, #tpu.memory_space<vmem>>, vector<16xf32>,
      %add3A_455 = arith.addf %add3A_446, %get3A_454 : vector<16xf32>
      %mul3A_456 = arith.constant 128 : i32
      %mul3A_457 = arith.muli %scan3A_89, %mul3A_456 : i32
      %add3A_458 = arith.constant 32 : i32
      %add3A_459 = arith.addi %mul3A_457, %add3A_458 : i32
      %get3A_460 = arith.constant 8 : i32
      %get3A_461 = arith.index_cast %get3A_460 : i32 to index
      %get3A_462 = arith.index_cast %add3A_459 : i32 to index
      %get3A_463 = tpu.vector_load %arg6[%get3A_461, %get3A_462] {strides = array<i32>} : memref<16x640xf32, #tpu.memory_space<vmem>>, vector<16xf32>,
      %add3A_464 = arith.addf %add3A_455, %get3A_463 : vector<16xf32>
      %mul3A_465 = arith.constant 128 : i32
      %mul3A_466 = arith.muli %scan3A_89, %mul3A_465 : i32
      %add3A_467 = arith.constant 32 : i32
      %add3A_468 = arith.addi %mul3A_466, %add3A_467 : i32
      %get3A_469 = arith.constant 9 : i32
      %get3A_470 = arith.index_cast %get3A_469 : i32 to index
      %get3A_471 = arith.index_cast %add3A_468 : i32 to index
      %get3A_472 = tpu.vector_load %arg6[%get3A_470, %get3A_471] {strides = array<i32>} : memref<16x640xf32, #tpu.memory_space<vmem>>, vector<16xf32>,
      %add3A_473 = arith.addf %add3A_464, %get3A_472 : vector<16xf32>
      %mul3A_474 = arith.constant 128 : i32
      %mul3A_475 = arith.muli %scan3A_89, %mul3A_474 : i32
      %add3A_476 = arith.constant 32 : i32
      %add3A_477 = arith.addi %mul3A_475, %add3A_476 : i32
      %get3A_478 = arith.constant 10 : i32
      %get3A_479 = arith.index_cast %get3A_478 : i32 to index
      %get3A_480 = arith.index_cast %add3A_477 : i32 to index
      %get3A_481 = tpu.vector_load %arg6[%get3A_479, %get3A_480] {strides = array<i32>} : memref<16x640xf32, #tpu.memory_space<vmem>>, vector<16xf32>,
      %add3A_482 = arith.addf %add3A_473, %get3A_481 : vector<16xf32>
      %mul3A_483 = arith.constant 128 : i32
      %mul3A_484 = arith.muli %scan3A_89, %mul3A_483 : i32
      %add3A_485 = arith.constant 32 : i32
      %add3A_486 = arith.addi %mul3A_484, %add3A_485 : i32
      %get3A_487 = arith.constant 11 : i32
      %get3A_488 = arith.index_cast %get3A_487 : i32 to index
      %get3A_489 = arith.index_cast %add3A_486 : i32 to index
      %get3A_490 = tpu.vector_load %arg6[%get3A_488, %get3A_489] {strides = array<i32>} : memref<16x640xf32, #tpu.memory_space<vmem>>, vector<16xf32>,
      %add3A_491 = arith.addf %add3A_482, %get3A_490 : vector<16xf32>
      %mul3A_492 = arith.constant 128 : i32
      %mul3A_493 = arith.muli %scan3A_89, %mul3A_492 : i32
      %add3A_494 = arith.constant 32 : i32
      %add3A_495 = arith.addi %mul3A_493, %add3A_494 : i32
      %get3A_496 = arith.constant 12 : i32
      %get3A_497 = arith.index_cast %get3A_496 : i32 to index
      %get3A_498 = arith.index_cast %add3A_495 : i32 to index
      %get3A_499 = tpu.vector_load %arg6[%get3A_497, %get3A_498] {strides = array<i32>} : memref<16x640xf32, #tpu.memory_space<vmem>>, vector<16xf32>,
      %add3A_500 = arith.addf %add3A_491, %get3A_499 : vector<16xf32>
      %mul3A_501 = arith.constant 128 : i32
      %mul3A_502 = arith.muli %scan3A_89, %mul3A_501 : i32
      %add3A_503 = arith.constant 32 : i32
      %add3A_504 = arith.addi %mul3A_502, %add3A_503 : i32
      %get3A_505 = arith.constant 13 : i32
      %get3A_506 = arith.index_cast %get3A_505 : i32 to index
      %get3A_507 = arith.index_cast %add3A_504 : i32 to index
      %get3A_508 = tpu.vector_load %arg6[%get3A_506, %get3A_507] {strides = array<i32>} : memref<16x640xf32, #tpu.memory_space<vmem>>, vector<16xf32>,
      %add3A_509 = arith.addf %add3A_500, %get3A_508 : vector<16xf32>
      %mul3A_510 = arith.constant 128 : i32
      %mul3A_511 = arith.muli %scan3A_89, %mul3A_510 : i32
      %add3A_512 = arith.constant 32 : i32
      %add3A_513 = arith.addi %mul3A_511, %add3A_512 : i32
      %get3A_514 = arith.constant 14 : i32
      %get3A_515 = arith.index_cast %get3A_514 : i32 to index
      %get3A_516 = arith.index_cast %add3A_513 : i32 to index
      %get3A_517 = tpu.vector_load %arg6[%get3A_515, %get3A_516] {strides = array<i32>} : memref<16x640xf32, #tpu.memory_space<vmem>>, vector<16xf32>,
      %add3A_518 = arith.addf %add3A_509, %get3A_517 : vector<16xf32>
      %mul3A_519 = arith.constant 128 : i32
      %mul3A_520 = arith.muli %scan3A_89, %mul3A_519 : i32
      %add3A_521 = arith.constant 32 : i32
      %add3A_522 = arith.addi %mul3A_520, %add3A_521 : i32
      %get3A_523 = arith.constant 15 : i32
      %get3A_524 = arith.index_cast %get3A_523 : i32 to index
      %get3A_525 = arith.index_cast %add3A_522 : i32 to index
      %get3A_526 = tpu.vector_load %arg6[%get3A_524, %get3A_525] {strides = array<i32>} : memref<16x640xf32, #tpu.memory_space<vmem>>, vector<16xf32>,
      %add3A_527 = arith.addf %add3A_518, %get3A_526 : vector<16xf32>
      %add3A_528 = arith.constant 32 : i32
      %add3A_529 = vector.broadcast %add3A_528 : i32 to vector<16xi32>
      %add3A_530 = arith.addi %add3A_529, %iota3A : vector<16xi32>
      tpu.vector_store_idx %arg7[%add3A_530, %broadcast_in_dim3A_81], %add3A_527 : memref<128x128xf32, #tpu.memory_space<vmem>>[vector<16xi32>, vector<16xi32>], vector<16xf32>,
      %mul3A_531 = arith.constant 128 : i32
      %mul3A_532 = arith.muli %scan3A_89, %mul3A_531 : i32
      %add3A_533 = arith.constant 48 : i32
      %add3A_534 = arith.addi %mul3A_532, %add3A_533 : i32
      %get3A_535 = arith.constant 0 : i32
      %get3A_536 = arith.index_cast %get3A_535 : i32 to index
      %get3A_537 = arith.index_cast %add3A_534 : i32 to index
      %get3A_538 = tpu.vector_load %arg6[%get3A_536, %get3A_537] {strides = array<i32>} : memref<16x640xf32, #tpu.memory_space<vmem>>, vector<16xf32>,
      %add3A_539 = arith.addf %broadcast_in_dim3A_1, %get3A_538 : vector<16xf32>
      %mul3A_540 = arith.constant 128 : i32
      %mul3A_541 = arith.muli %scan3A_89, %mul3A_540 : i32
      %add3A_542 = arith.constant 48 : i32
      %add3A_543 = arith.addi %mul3A_541, %add3A_542 : i32
      %get3A_544 = arith.constant 1 : i32
      %get3A_545 = arith.index_cast %get3A_544 : i32 to index
      %get3A_546 = arith.index_cast %add3A_543 : i32 to index
      %get3A_547 = tpu.vector_load %arg6[%get3A_545, %get3A_546] {strides = array<i32>} : memref<16x640xf32, #tpu.memory_space<vmem>>, vector<16xf32>,
      %add3A_548 = arith.addf %add3A_539, %get3A_547 : vector<16xf32>
      %mul3A_549 = arith.constant 128 : i32
      %mul3A_550 = arith.muli %scan3A_89, %mul3A_549 : i32
      %add3A_551 = arith.constant 48 : i32
      %add3A_552 = arith.addi %mul3A_550, %add3A_551 : i32
      %get3A_553 = arith.constant 2 : i32
      %get3A_554 = arith.index_cast %get3A_553 : i32 to index
      %get3A_555 = arith.index_cast %add3A_552 : i32 to index
      %get3A_556 = tpu.vector_load %arg6[%get3A_554, %get3A_555] {strides = array<i32>} : memref<16x640xf32, #tpu.memory_space<vmem>>, vector<16xf32>,
      %add3A_557 = arith.addf %add3A_548, %get3A_556 : vector<16xf32>
      %mul3A_558 = arith.constant 128 : i32
      %mul3A_559 = arith.muli %scan3A_89, %mul3A_558 : i32
      %add3A_560 = arith.constant 48 : i32
      %add3A_561 = arith.addi %mul3A_559, %add3A_560 : i32
      %get3A_562 = arith.constant 3 : i32
      %get3A_563 = arith.index_cast %get3A_562 : i32 to index
      %get3A_564 = arith.index_cast %add3A_561 : i32 to index
      %get3A_565 = tpu.vector_load %arg6[%get3A_563, %get3A_564] {strides = array<i32>} : memref<16x640xf32, #tpu.memory_space<vmem>>, vector<16xf32>,
      %add3A_566 = arith.addf %add3A_557, %get3A_565 : vector<16xf32>
      %mul3A_567 = arith.constant 128 : i32
      %mul3A_568 = arith.muli %scan3A_89, %mul3A_567 : i32
      %add3A_569 = arith.constant 48 : i32
      %add3A_570 = arith.addi %mul3A_568, %add3A_569 : i32
      %get3A_571 = arith.constant 4 : i32
      %get3A_572 = arith.index_cast %get3A_571 : i32 to index
      %get3A_573 = arith.index_cast %add3A_570 : i32 to index
      %get3A_574 = tpu.vector_load %arg6[%get3A_572, %get3A_573] {strides = array<i32>} : memref<16x640xf32, #tpu.memory_space<vmem>>, vector<16xf32>,
      %add3A_575 = arith.addf %add3A_566, %get3A_574 : vector<16xf32>
      %mul3A_576 = arith.constant 128 : i32
      %mul3A_577 = arith.muli %scan3A_89, %mul3A_576 : i32
      %add3A_578 = arith.constant 48 : i32
      %add3A_579 = arith.addi %mul3A_577, %add3A_578 : i32
      %get3A_580 = arith.constant 5 : i32
      %get3A_581 = arith.index_cast %get3A_580 : i32 to index
      %get3A_582 = arith.index_cast %add3A_579 : i32 to index
      %get3A_583 = tpu.vector_load %arg6[%get3A_581, %get3A_582] {strides = array<i32>} : memref<16x640xf32, #tpu.memory_space<vmem>>, vector<16xf32>,
      %add3A_584 = arith.addf %add3A_575, %get3A_583 : vector<16xf32>
      %mul3A_585 = arith.constant 128 : i32
      %mul3A_586 = arith.muli %scan3A_89, %mul3A_585 : i32
      %add3A_587 = arith.constant 48 : i32
      %add3A_588 = arith.addi %mul3A_586, %add3A_587 : i32
      %get3A_589 = arith.constant 6 : i32
      %get3A_590 = arith.index_cast %get3A_589 : i32 to index
      %get3A_591 = arith.index_cast %add3A_588 : i32 to index
      %get3A_592 = tpu.vector_load %arg6[%get3A_590, %get3A_591] {strides = array<i32>} : memref<16x640xf32, #tpu.memory_space<vmem>>, vector<16xf32>,
      %add3A_593 = arith.addf %add3A_584, %get3A_592 : vector<16xf32>
      %mul3A_594 = arith.constant 128 : i32
      %mul3A_595 = arith.muli %scan3A_89, %mul3A_594 : i32
      %add3A_596 = arith.constant 48 : i32
      %add3A_597 = arith.addi %mul3A_595, %add3A_596 : i32
      %get3A_598 = arith.constant 7 : i32
      %get3A_599 = arith.index_cast %get3A_598 : i32 to index
      %get3A_600 = arith.index_cast %add3A_597 : i32 to index
      %get3A_601 = tpu.vector_load %arg6[%get3A_599, %get3A_600] {strides = array<i32>} : memref<16x640xf32, #tpu.memory_space<vmem>>, vector<16xf32>,
      %add3A_602 = arith.addf %add3A_593, %get3A_601 : vector<16xf32>
      %mul3A_603 = arith.constant 128 : i32
      %mul3A_604 = arith.muli %scan3A_89, %mul3A_603 : i32
      %add3A_605 = arith.constant 48 : i32
      %add3A_606 = arith.addi %mul3A_604, %add3A_605 : i32
      %get3A_607 = arith.constant 8 : i32
      %get3A_608 = arith.index_cast %get3A_607 : i32 to index
      %get3A_609 = arith.index_cast %add3A_606 : i32 to index
      %get3A_610 = tpu.vector_load %arg6[%get3A_608, %get3A_609] {strides = array<i32>} : memref<16x640xf32, #tpu.memory_space<vmem>>, vector<16xf32>,
      %add3A_611 = arith.addf %add3A_602, %get3A_610 : vector<16xf32>
      %mul3A_612 = arith.constant 128 : i32
      %mul3A_613 = arith.muli %scan3A_89, %mul3A_612 : i32
      %add3A_614 = arith.constant 48 : i32
      %add3A_615 = arith.addi %mul3A_613, %add3A_614 : i32
      %get3A_616 = arith.constant 9 : i32
      %get3A_617 = arith.index_cast %get3A_616 : i32 to index
      %get3A_618 = arith.index_cast %add3A_615 : i32 to index
      %get3A_619 = tpu.vector_load %arg6[%get3A_617, %get3A_618] {strides = array<i32>} : memref<16x640xf32, #tpu.memory_space<vmem>>, vector<16xf32>,
      %add3A_620 = arith.addf %add3A_611, %get3A_619 : vector<16xf32>
      %mul3A_621 = arith.constant 128 : i32
      %mul3A_622 = arith.muli %scan3A_89, %mul3A_621 : i32
      %add3A_623 = arith.constant 48 : i32
      %add3A_624 = arith.addi %mul3A_622, %add3A_623 : i32
      %get3A_625 = arith.constant 10 : i32
      %get3A_626 = arith.index_cast %get3A_625 : i32 to index
      %get3A_627 = arith.index_cast %add3A_624 : i32 to index
      %get3A_628 = tpu.vector_load %arg6[%get3A_626, %get3A_627] {strides = array<i32>} : memref<16x640xf32, #tpu.memory_space<vmem>>, vector<16xf32>,
      %add3A_629 = arith.addf %add3A_620, %get3A_628 : vector<16xf32>
      %mul3A_630 = arith.constant 128 : i32
      %mul3A_631 = arith.muli %scan3A_89, %mul3A_630 : i32
      %add3A_632 = arith.constant 48 : i32
      %add3A_633 = arith.addi %mul3A_631, %add3A_632 : i32
      %get3A_634 = arith.constant 11 : i32
      %get3A_635 = arith.index_cast %get3A_634 : i32 to index
      %get3A_636 = arith.index_cast %add3A_633 : i32 to index
      %get3A_637 = tpu.vector_load %arg6[%get3A_635, %get3A_636] {strides = array<i32>} : memref<16x640xf32, #tpu.memory_space<vmem>>, vector<16xf32>,
      %add3A_638 = arith.addf %add3A_629, %get3A_637 : vector<16xf32>
      %mul3A_639 = arith.constant 128 : i32
      %mul3A_640 = arith.muli %scan3A_89, %mul3A_639 : i32
      %add3A_641 = arith.constant 48 : i32
      %add3A_642 = arith.addi %mul3A_640, %add3A_641 : i32
      %get3A_643 = arith.constant 12 : i32
      %get3A_644 = arith.index_cast %get3A_643 : i32 to index
      %get3A_645 = arith.index_cast %add3A_642 : i32 to index
      %get3A_646 = tpu.vector_load %arg6[%get3A_644, %get3A_645] {strides = array<i32>} : memref<16x640xf32, #tpu.memory_space<vmem>>, vector<16xf32>,
      %add3A_647 = arith.addf %add3A_638, %get3A_646 : vector<16xf32>
      %mul3A_648 = arith.constant 128 : i32
      %mul3A_649 = arith.muli %scan3A_89, %mul3A_648 : i32
      %add3A_650 = arith.constant 48 : i32
      %add3A_651 = arith.addi %mul3A_649, %add3A_650 : i32
      %get3A_652 = arith.constant 13 : i32
      %get3A_653 = arith.index_cast %get3A_652 : i32 to index
      %get3A_654 = arith.index_cast %add3A_651 : i32 to index
      %get3A_655 = tpu.vector_load %arg6[%get3A_653, %get3A_654] {strides = array<i32>} : memref<16x640xf32, #tpu.memory_space<vmem>>, vector<16xf32>,
      %add3A_656 = arith.addf %add3A_647, %get3A_655 : vector<16xf32>
      %mul3A_657 = arith.constant 128 : i32
      %mul3A_658 = arith.muli %scan3A_89, %mul3A_657 : i32
      %add3A_659 = arith.constant 48 : i32
      %add3A_660 = arith.addi %mul3A_658, %add3A_659 : i32
      %get3A_661 = arith.constant 14 : i32
      %get3A_662 = arith.index_cast %get3A_661 : i32 to index
      %get3A_663 = arith.index_cast %add3A_660 : i32 to index
      %get3A_664 = tpu.vector_load %arg6[%get3A_662, %get3A_663] {strides = array<i32>} : memref<16x640xf32, #tpu.memory_space<vmem>>, vector<16xf32>,
      %add3A_665 = arith.addf %add3A_656, %get3A_664 : vector<16xf32>
      %mul3A_666 = arith.constant 128 : i32
      %mul3A_667 = arith.muli %scan3A_89, %mul3A_666 : i32
      %add3A_668 = arith.constant 48 : i32
      %add3A_669 = arith.addi %mul3A_667, %add3A_668 : i32
      %get3A_670 = arith.constant 15 : i32
      %get3A_671 = arith.index_cast %get3A_670 : i32 to index
      %get3A_672 = arith.index_cast %add3A_669 : i32 to index
      %get3A_673 = tpu.vector_load %arg6[%get3A_671, %get3A_672] {strides = array<i32>} : memref<16x640xf32, #tpu.memory_space<vmem>>, vector<16xf32>,
      %add3A_674 = arith.addf %add3A_665, %get3A_673 : vector<16xf32>
      %add3A_675 = arith.constant 48 : i32
      %add3A_676 = vector.broadcast %add3A_675 : i32 to vector<16xi32>
      %add3A_677 = arith.addi %add3A_676, %iota3A : vector<16xi32>
      tpu.vector_store_idx %arg7[%add3A_677, %broadcast_in_dim3A_81], %add3A_674 : memref<128x128xf32, #tpu.memory_space<vmem>>[vector<16xi32>, vector<16xi32>], vector<16xf32>,
      %mul3A_678 = arith.constant 128 : i32
      %mul3A_679 = arith.muli %scan3A_89, %mul3A_678 : i32
      %add3A_680 = arith.constant 64 : i32
      %add3A_681 = arith.addi %mul3A_679, %add3A_680 : i32
      %get3A_682 = arith.constant 0 : i32
      %get3A_683 = arith.index_cast %get3A_682 : i32 to index
      %get3A_684 = arith.index_cast %add3A_681 : i32 to index
      %get3A_685 = tpu.vector_load %arg6[%get3A_683, %get3A_684] {strides = array<i32>} : memref<16x640xf32, #tpu.memory_space<vmem>>, vector<16xf32>,
      %add3A_686 = arith.addf %broadcast_in_dim3A_1, %get3A_685 : vector<16xf32>
      %mul3A_687 = arith.constant 128 : i32
      %mul3A_688 = arith.muli %scan3A_89, %mul3A_687 : i32
      %add3A_689 = arith.constant 64 : i32
      %add3A_690 = arith.addi %mul3A_688, %add3A_689 : i32
      %get3A_691 = arith.constant 1 : i32
      %get3A_692 = arith.index_cast %get3A_691 : i32 to index
      %get3A_693 = arith.index_cast %add3A_690 : i32 to index
      %get3A_694 = tpu.vector_load %arg6[%get3A_692, %get3A_693] {strides = array<i32>} : memref<16x640xf32, #tpu.memory_space<vmem>>, vector<16xf32>,
      %add3A_695 = arith.addf %add3A_686, %get3A_694 : vector<16xf32>
      %mul3A_696 = arith.constant 128 : i32
      %mul3A_697 = arith.muli %scan3A_89, %mul3A_696 : i32
      %add3A_698 = arith.constant 64 : i32
      %add3A_699 = arith.addi %mul3A_697, %add3A_698 : i32
      %get3A_700 = arith.constant 2 : i32
      %get3A_701 = arith.index_cast %get3A_700 : i32 to index
      %get3A_702 = arith.index_cast %add3A_699 : i32 to index
      %get3A_703 = tpu.vector_load %arg6[%get3A_701, %get3A_702] {strides = array<i32>} : memref<16x640xf32, #tpu.memory_space<vmem>>, vector<16xf32>,
      %add3A_704 = arith.addf %add3A_695, %get3A_703 : vector<16xf32>
      %mul3A_705 = arith.constant 128 : i32
      %mul3A_706 = arith.muli %scan3A_89, %mul3A_705 : i32
      %add3A_707 = arith.constant 64 : i32
      %add3A_708 = arith.addi %mul3A_706, %add3A_707 : i32
      %get3A_709 = arith.constant 3 : i32
      %get3A_710 = arith.index_cast %get3A_709 : i32 to index
      %get3A_711 = arith.index_cast %add3A_708 : i32 to index
      %get3A_712 = tpu.vector_load %arg6[%get3A_710, %get3A_711] {strides = array<i32>} : memref<16x640xf32, #tpu.memory_space<vmem>>, vector<16xf32>,
      %add3A_713 = arith.addf %add3A_704, %get3A_712 : vector<16xf32>
      %mul3A_714 = arith.constant 128 : i32
      %mul3A_715 = arith.muli %scan3A_89, %mul3A_714 : i32
      %add3A_716 = arith.constant 64 : i32
      %add3A_717 = arith.addi %mul3A_715, %add3A_716 : i32
      %get3A_718 = arith.constant 4 : i32
      %get3A_719 = arith.index_cast %get3A_718 : i32 to index
      %get3A_720 = arith.index_cast %add3A_717 : i32 to index
      %get3A_721 = tpu.vector_load %arg6[%get3A_719, %get3A_720] {strides = array<i32>} : memref<16x640xf32, #tpu.memory_space<vmem>>, vector<16xf32>,
      %add3A_722 = arith.addf %add3A_713, %get3A_721 : vector<16xf32>
      %mul3A_723 = arith.constant 128 : i32
      %mul3A_724 = arith.muli %scan3A_89, %mul3A_723 : i32
      %add3A_725 = arith.constant 64 : i32
      %add3A_726 = arith.addi %mul3A_724, %add3A_725 : i32
      %get3A_727 = arith.constant 5 : i32
      %get3A_728 = arith.index_cast %get3A_727 : i32 to index
      %get3A_729 = arith.index_cast %add3A_726 : i32 to index
      %get3A_730 = tpu.vector_load %arg6[%get3A_728, %get3A_729] {strides = array<i32>} : memref<16x640xf32, #tpu.memory_space<vmem>>, vector<16xf32>,
      %add3A_731 = arith.addf %add3A_722, %get3A_730 : vector<16xf32>
      %mul3A_732 = arith.constant 128 : i32
      %mul3A_733 = arith.muli %scan3A_89, %mul3A_732 : i32
      %add3A_734 = arith.constant 64 : i32
      %add3A_735 = arith.addi %mul3A_733, %add3A_734 : i32
      %get3A_736 = arith.constant 6 : i32
      %get3A_737 = arith.index_cast %get3A_736 : i32 to index
      %get3A_738 = arith.index_cast %add3A_735 : i32 to index
      %get3A_739 = tpu.vector_load %arg6[%get3A_737, %get3A_738] {strides = array<i32>} : memref<16x640xf32, #tpu.memory_space<vmem>>, vector<16xf32>,
      %add3A_740 = arith.addf %add3A_731, %get3A_739 : vector<16xf32>
      %mul3A_741 = arith.constant 128 : i32
      %mul3A_742 = arith.muli %scan3A_89, %mul3A_741 : i32
      %add3A_743 = arith.constant 64 : i32
      %add3A_744 = arith.addi %mul3A_742, %add3A_743 : i32
      %get3A_745 = arith.constant 7 : i32
      %get3A_746 = arith.index_cast %get3A_745 : i32 to index
      %get3A_747 = arith.index_cast %add3A_744 : i32 to index
      %get3A_748 = tpu.vector_load %arg6[%get3A_746, %get3A_747] {strides = array<i32>} : memref<16x640xf32, #tpu.memory_space<vmem>>, vector<16xf32>,
      %add3A_749 = arith.addf %add3A_740, %get3A_748 : vector<16xf32>
      %mul3A_750 = arith.constant 128 : i32
      %mul3A_751 = arith.muli %scan3A_89, %mul3A_750 : i32
      %add3A_752 = arith.constant 64 : i32
      %add3A_753 = arith.addi %mul3A_751, %add3A_752 : i32
      %get3A_754 = arith.constant 8 : i32
      %get3A_755 = arith.index_cast %get3A_754 : i32 to index
      %get3A_756 = arith.index_cast %add3A_753 : i32 to index
      %get3A_757 = tpu.vector_load %arg6[%get3A_755, %get3A_756] {strides = array<i32>} : memref<16x640xf32, #tpu.memory_space<vmem>>, vector<16xf32>,
      %add3A_758 = arith.addf %add3A_749, %get3A_757 : vector<16xf32>
      %mul3A_759 = arith.constant 128 : i32
      %mul3A_760 = arith.muli %scan3A_89, %mul3A_759 : i32
      %add3A_761 = arith.constant 64 : i32
      %add3A_762 = arith.addi %mul3A_760, %add3A_761 : i32
      %get3A_763 = arith.constant 9 : i32
      %get3A_764 = arith.index_cast %get3A_763 : i32 to index
      %get3A_765 = arith.index_cast %add3A_762 : i32 to index
      %get3A_766 = tpu.vector_load %arg6[%get3A_764, %get3A_765] {strides = array<i32>} : memref<16x640xf32, #tpu.memory_space<vmem>>, vector<16xf32>,
      %add3A_767 = arith.addf %add3A_758, %get3A_766 : vector<16xf32>
      %mul3A_768 = arith.constant 128 : i32
      %mul3A_769 = arith.muli %scan3A_89, %mul3A_768 : i32
      %add3A_770 = arith.constant 64 : i32
      %add3A_771 = arith.addi %mul3A_769, %add3A_770 : i32
      %get3A_772 = arith.constant 10 : i32
      %get3A_773 = arith.index_cast %get3A_772 : i32 to index
      %get3A_774 = arith.index_cast %add3A_771 : i32 to index
      %get3A_775 = tpu.vector_load %arg6[%get3A_773, %get3A_774] {strides = array<i32>} : memref<16x640xf32, #tpu.memory_space<vmem>>, vector<16xf32>,
      %add3A_776 = arith.addf %add3A_767, %get3A_775 : vector<16xf32>
      %mul3A_777 = arith.constant 128 : i32
      %mul3A_778 = arith.muli %scan3A_89, %mul3A_777 : i32
      %add3A_779 = arith.constant 64 : i32
      %add3A_780 = arith.addi %mul3A_778, %add3A_779 : i32
      %get3A_781 = arith.constant 11 : i32
      %get3A_782 = arith.index_cast %get3A_781 : i32 to index
      %get3A_783 = arith.index_cast %add3A_780 : i32 to index
      %get3A_784 = tpu.vector_load %arg6[%get3A_782, %get3A_783] {strides = array<i32>} : memref<16x640xf32, #tpu.memory_space<vmem>>, vector<16xf32>,
      %add3A_785 = arith.addf %add3A_776, %get3A_784 : vector<16xf32>
      %mul3A_786 = arith.constant 128 : i32
      %mul3A_787 = arith.muli %scan3A_89, %mul3A_786 : i32
      %add3A_788 = arith.constant 64 : i32
      %add3A_789 = arith.addi %mul3A_787, %add3A_788 : i32
      %get3A_790 = arith.constant 12 : i32
      %get3A_791 = arith.index_cast %get3A_790 : i32 to index
      %get3A_792 = arith.index_cast %add3A_789 : i32 to index
      %get3A_793 = tpu.vector_load %arg6[%get3A_791, %get3A_792] {strides = array<i32>} : memref<16x640xf32, #tpu.memory_space<vmem>>, vector<16xf32>,
      %add3A_794 = arith.addf %add3A_785, %get3A_793 : vector<16xf32>
      %mul3A_795 = arith.constant 128 : i32
      %mul3A_796 = arith.muli %scan3A_89, %mul3A_795 : i32
      %add3A_797 = arith.constant 64 : i32
      %add3A_798 = arith.addi %mul3A_796, %add3A_797 : i32
      %get3A_799 = arith.constant 13 : i32
      %get3A_800 = arith.index_cast %get3A_799 : i32 to index
      %get3A_801 = arith.index_cast %add3A_798 : i32 to index
      %get3A_802 = tpu.vector_load %arg6[%get3A_800, %get3A_801] {strides = array<i32>} : memref<16x640xf32, #tpu.memory_space<vmem>>, vector<16xf32>,
      %add3A_803 = arith.addf %add3A_794, %get3A_802 : vector<16xf32>
      %mul3A_804 = arith.constant 128 : i32
      %mul3A_805 = arith.muli %scan3A_89, %mul3A_804 : i32
      %add3A_806 = arith.constant 64 : i32
      %add3A_807 = arith.addi %mul3A_805, %add3A_806 : i32
      %get3A_808 = arith.constant 14 : i32
      %get3A_809 = arith.index_cast %get3A_808 : i32 to index
      %get3A_810 = arith.index_cast %add3A_807 : i32 to index
      %get3A_811 = tpu.vector_load %arg6[%get3A_809, %get3A_810] {strides = array<i32>} : memref<16x640xf32, #tpu.memory_space<vmem>>, vector<16xf32>,
      %add3A_812 = arith.addf %add3A_803, %get3A_811 : vector<16xf32>
      %mul3A_813 = arith.constant 128 : i32
      %mul3A_814 = arith.muli %scan3A_89, %mul3A_813 : i32
      %add3A_815 = arith.constant 64 : i32
      %add3A_816 = arith.addi %mul3A_814, %add3A_815 : i32
      %get3A_817 = arith.constant 15 : i32
      %get3A_818 = arith.index_cast %get3A_817 : i32 to index
      %get3A_819 = arith.index_cast %add3A_816 : i32 to index
      %get3A_820 = tpu.vector_load %arg6[%get3A_818, %get3A_819] {strides = array<i32>} : memref<16x640xf32, #tpu.memory_space<vmem>>, vector<16xf32>,
      %add3A_821 = arith.addf %add3A_812, %get3A_820 : vector<16xf32>
      %add3A_822 = arith.constant 64 : i32
      %add3A_823 = vector.broadcast %add3A_822 : i32 to vector<16xi32>
      %add3A_824 = arith.addi %add3A_823, %iota3A : vector<16xi32>
      tpu.vector_store_idx %arg7[%add3A_824, %broadcast_in_dim3A_81], %add3A_821 : memref<128x128xf32, #tpu.memory_space<vmem>>[vector<16xi32>, vector<16xi32>], vector<16xf32>,
      %mul3A_825 = arith.constant 128 : i32
      %mul3A_826 = arith.muli %scan3A_89, %mul3A_825 : i32
      %add3A_827 = arith.constant 80 : i32
      %add3A_828 = arith.addi %mul3A_826, %add3A_827 : i32
      %get3A_829 = arith.constant 0 : i32
      %get3A_830 = arith.index_cast %get3A_829 : i32 to index
      %get3A_831 = arith.index_cast %add3A_828 : i32 to index
      %get3A_832 = tpu.vector_load %arg6[%get3A_830, %get3A_831] {strides = array<i32>} : memref<16x640xf32, #tpu.memory_space<vmem>>, vector<16xf32>,
      %add3A_833 = arith.addf %broadcast_in_dim3A_1, %get3A_832 : vector<16xf32>
      %mul3A_834 = arith.constant 128 : i32
      %mul3A_835 = arith.muli %scan3A_89, %mul3A_834 : i32
      %add3A_836 = arith.constant 80 : i32
      %add3A_837 = arith.addi %mul3A_835, %add3A_836 : i32
      %get3A_838 = arith.constant 1 : i32
      %get3A_839 = arith.index_cast %get3A_838 : i32 to index
      %get3A_840 = arith.index_cast %add3A_837 : i32 to index
      %get3A_841 = tpu.vector_load %arg6[%get3A_839, %get3A_840] {strides = array<i32>} : memref<16x640xf32, #tpu.memory_space<vmem>>, vector<16xf32>,
      %add3A_842 = arith.addf %add3A_833, %get3A_841 : vector<16xf32>
      %mul3A_843 = arith.constant 128 : i32
      %mul3A_844 = arith.muli %scan3A_89, %mul3A_843 : i32
      %add3A_845 = arith.constant 80 : i32
      %add3A_846 = arith.addi %mul3A_844, %add3A_845 : i32
      %get3A_847 = arith.constant 2 : i32
      %get3A_848 = arith.index_cast %get3A_847 : i32 to index
      %get3A_849 = arith.index_cast %add3A_846 : i32 to index
      %get3A_850 = tpu.vector_load %arg6[%get3A_848, %get3A_849] {strides = array<i32>} : memref<16x640xf32, #tpu.memory_space<vmem>>, vector<16xf32>,
      %add3A_851 = arith.addf %add3A_842, %get3A_850 : vector<16xf32>
      %mul3A_852 = arith.constant 128 : i32
      %mul3A_853 = arith.muli %scan3A_89, %mul3A_852 : i32
      %add3A_854 = arith.constant 80 : i32
      %add3A_855 = arith.addi %mul3A_853, %add3A_854 : i32
      %get3A_856 = arith.constant 3 : i32
      %get3A_857 = arith.index_cast %get3A_856 : i32 to index
      %get3A_858 = arith.index_cast %add3A_855 : i32 to index
      %get3A_859 = tpu.vector_load %arg6[%get3A_857, %get3A_858] {strides = array<i32>} : memref<16x640xf32, #tpu.memory_space<vmem>>, vector<16xf32>,
      %add3A_860 = arith.addf %add3A_851, %get3A_859 : vector<16xf32>
      %mul3A_861 = arith.constant 128 : i32
      %mul3A_862 = arith.muli %scan3A_89, %mul3A_861 : i32
      %add3A_863 = arith.constant 80 : i32
      %add3A_864 = arith.addi %mul3A_862, %add3A_863 : i32
      %get3A_865 = arith.constant 4 : i32
      %get3A_866 = arith.index_cast %get3A_865 : i32 to index
      %get3A_867 = arith.index_cast %add3A_864 : i32 to index
      %get3A_868 = tpu.vector_load %arg6[%get3A_866, %get3A_867] {strides = array<i32>} : memref<16x640xf32, #tpu.memory_space<vmem>>, vector<16xf32>,
      %add3A_869 = arith.addf %add3A_860, %get3A_868 : vector<16xf32>
      %mul3A_870 = arith.constant 128 : i32
      %mul3A_871 = arith.muli %scan3A_89, %mul3A_870 : i32
      %add3A_872 = arith.constant 80 : i32
      %add3A_873 = arith.addi %mul3A_871, %add3A_872 : i32
      %get3A_874 = arith.constant 5 : i32
      %get3A_875 = arith.index_cast %get3A_874 : i32 to index
      %get3A_876 = arith.index_cast %add3A_873 : i32 to index
      %get3A_877 = tpu.vector_load %arg6[%get3A_875, %get3A_876] {strides = array<i32>} : memref<16x640xf32, #tpu.memory_space<vmem>>, vector<16xf32>,
      %add3A_878 = arith.addf %add3A_869, %get3A_877 : vector<16xf32>
      %mul3A_879 = arith.constant 128 : i32
      %mul3A_880 = arith.muli %scan3A_89, %mul3A_879 : i32
      %add3A_881 = arith.constant 80 : i32
      %add3A_882 = arith.addi %mul3A_880, %add3A_881 : i32
      %get3A_883 = arith.constant 6 : i32
      %get3A_884 = arith.index_cast %get3A_883 : i32 to index
      %get3A_885 = arith.index_cast %add3A_882 : i32 to index
      %get3A_886 = tpu.vector_load %arg6[%get3A_884, %get3A_885] {strides = array<i32>} : memref<16x640xf32, #tpu.memory_space<vmem>>, vector<16xf32>,
      %add3A_887 = arith.addf %add3A_878, %get3A_886 : vector<16xf32>
      %mul3A_888 = arith.constant 128 : i32
      %mul3A_889 = arith.muli %scan3A_89, %mul3A_888 : i32
      %add3A_890 = arith.constant 80 : i32
      %add3A_891 = arith.addi %mul3A_889, %add3A_890 : i32
      %get3A_892 = arith.constant 7 : i32
      %get3A_893 = arith.index_cast %get3A_892 : i32 to index
      %get3A_894 = arith.index_cast %add3A_891 : i32 to index
      %get3A_895 = tpu.vector_load %arg6[%get3A_893, %get3A_894] {strides = array<i32>} : memref<16x640xf32, #tpu.memory_space<vmem>>, vector<16xf32>,
      %add3A_896 = arith.addf %add3A_887, %get3A_895 : vector<16xf32>
      %mul3A_897 = arith.constant 128 : i32
      %mul3A_898 = arith.muli %scan3A_89, %mul3A_897 : i32
      %add3A_899 = arith.constant 80 : i32
      %add3A_900 = arith.addi %mul3A_898, %add3A_899 : i32
      %get3A_901 = arith.constant 8 : i32
      %get3A_902 = arith.index_cast %get3A_901 : i32 to index
      %get3A_903 = arith.index_cast %add3A_900 : i32 to index
      %get3A_904 = tpu.vector_load %arg6[%get3A_902, %get3A_903] {strides = array<i32>} : memref<16x640xf32, #tpu.memory_space<vmem>>, vector<16xf32>,
      %add3A_905 = arith.addf %add3A_896, %get3A_904 : vector<16xf32>
      %mul3A_906 = arith.constant 128 : i32
      %mul3A_907 = arith.muli %scan3A_89, %mul3A_906 : i32
      %add3A_908 = arith.constant 80 : i32
      %add3A_909 = arith.addi %mul3A_907, %add3A_908 : i32
      %get3A_910 = arith.constant 9 : i32
      %get3A_911 = arith.index_cast %get3A_910 : i32 to index
      %get3A_912 = arith.index_cast %add3A_909 : i32 to index
      %get3A_913 = tpu.vector_load %arg6[%get3A_911, %get3A_912] {strides = array<i32>} : memref<16x640xf32, #tpu.memory_space<vmem>>, vector<16xf32>,
      %add3A_914 = arith.addf %add3A_905, %get3A_913 : vector<16xf32>
      %mul3A_915 = arith.constant 128 : i32
      %mul3A_916 = arith.muli %scan3A_89, %mul3A_915 : i32
      %add3A_917 = arith.constant 80 : i32
      %add3A_918 = arith.addi %mul3A_916, %add3A_917 : i32
      %get3A_919 = arith.constant 10 : i32
      %get3A_920 = arith.index_cast %get3A_919 : i32 to index
      %get3A_921 = arith.index_cast %add3A_918 : i32 to index
      %get3A_922 = tpu.vector_load %arg6[%get3A_920, %get3A_921] {strides = array<i32>} : memref<16x640xf32, #tpu.memory_space<vmem>>, vector<16xf32>,
      %add3A_923 = arith.addf %add3A_914, %get3A_922 : vector<16xf32>
      %mul3A_924 = arith.constant 128 : i32
      %mul3A_925 = arith.muli %scan3A_89, %mul3A_924 : i32
      %add3A_926 = arith.constant 80 : i32
      %add3A_927 = arith.addi %mul3A_925, %add3A_926 : i32
      %get3A_928 = arith.constant 11 : i32
      %get3A_929 = arith.index_cast %get3A_928 : i32 to index
      %get3A_930 = arith.index_cast %add3A_927 : i32 to index
      %get3A_931 = tpu.vector_load %arg6[%get3A_929, %get3A_930] {strides = array<i32>} : memref<16x640xf32, #tpu.memory_space<vmem>>, vector<16xf32>,
      %add3A_932 = arith.addf %add3A_923, %get3A_931 : vector<16xf32>
      %mul3A_933 = arith.constant 128 : i32
      %mul3A_934 = arith.muli %scan3A_89, %mul3A_933 : i32
      %add3A_935 = arith.constant 80 : i32
      %add3A_936 = arith.addi %mul3A_934, %add3A_935 : i32
      %get3A_937 = arith.constant 12 : i32
      %get3A_938 = arith.index_cast %get3A_937 : i32 to index
      %get3A_939 = arith.index_cast %add3A_936 : i32 to index
      %get3A_940 = tpu.vector_load %arg6[%get3A_938, %get3A_939] {strides = array<i32>} : memref<16x640xf32, #tpu.memory_space<vmem>>, vector<16xf32>,
      %add3A_941 = arith.addf %add3A_932, %get3A_940 : vector<16xf32>
      %mul3A_942 = arith.constant 128 : i32
      %mul3A_943 = arith.muli %scan3A_89, %mul3A_942 : i32
      %add3A_944 = arith.constant 80 : i32
      %add3A_945 = arith.addi %mul3A_943, %add3A_944 : i32
      %get3A_946 = arith.constant 13 : i32
      %get3A_947 = arith.index_cast %get3A_946 : i32 to index
      %get3A_948 = arith.index_cast %add3A_945 : i32 to index
      %get3A_949 = tpu.vector_load %arg6[%get3A_947, %get3A_948] {strides = array<i32>} : memref<16x640xf32, #tpu.memory_space<vmem>>, vector<16xf32>,
      %add3A_950 = arith.addf %add3A_941, %get3A_949 : vector<16xf32>
      %mul3A_951 = arith.constant 128 : i32
      %mul3A_952 = arith.muli %scan3A_89, %mul3A_951 : i32
      %add3A_953 = arith.constant 80 : i32
      %add3A_954 = arith.addi %mul3A_952, %add3A_953 : i32
      %get3A_955 = arith.constant 14 : i32
      %get3A_956 = arith.index_cast %get3A_955 : i32 to index
      %get3A_957 = arith.index_cast %add3A_954 : i32 to index
      %get3A_958 = tpu.vector_load %arg6[%get3A_956, %get3A_957] {strides = array<i32>} : memref<16x640xf32, #tpu.memory_space<vmem>>, vector<16xf32>,
      %add3A_959 = arith.addf %add3A_950, %get3A_958 : vector<16xf32>
      %mul3A_960 = arith.constant 128 : i32
      %mul3A_961 = arith.muli %scan3A_89, %mul3A_960 : i32
      %add3A_962 = arith.constant 80 : i32
      %add3A_963 = arith.addi %mul3A_961, %add3A_962 : i32
      %get3A_964 = arith.constant 15 : i32
      %get3A_965 = arith.index_cast %get3A_964 : i32 to index
      %get3A_966 = arith.index_cast %add3A_963 : i32 to index
      %get3A_967 = tpu.vector_load %arg6[%get3A_965, %get3A_966] {strides = array<i32>} : memref<16x640xf32, #tpu.memory_space<vmem>>, vector<16xf32>,
      %add3A_968 = arith.addf %add3A_959, %get3A_967 : vector<16xf32>
      %add3A_969 = arith.constant 80 : i32
      %add3A_970 = vector.broadcast %add3A_969 : i32 to vector<16xi32>
      %add3A_971 = arith.addi %add3A_970, %iota3A : vector<16xi32>
      tpu.vector_store_idx %arg7[%add3A_971, %broadcast_in_dim3A_81], %add3A_968 : memref<128x128xf32, #tpu.memory_space<vmem>>[vector<16xi32>, vector<16xi32>], vector<16xf32>,
      %mul3A_972 = arith.constant 128 : i32
      %mul3A_973 = arith.muli %scan3A_89, %mul3A_972 : i32
      %add3A_974 = arith.constant 96 : i32
      %add3A_975 = arith.addi %mul3A_973, %add3A_974 : i32
      %get3A_976 = arith.constant 0 : i32
      %get3A_977 = arith.index_cast %get3A_976 : i32 to index
      %get3A_978 = arith.index_cast %add3A_975 : i32 to index
      %get3A_979 = tpu.vector_load %arg6[%get3A_977, %get3A_978] {strides = array<i32>} : memref<16x640xf32, #tpu.memory_space<vmem>>, vector<16xf32>,
      %add3A_980 = arith.addf %broadcast_in_dim3A_1, %get3A_979 : vector<16xf32>
      %mul3A_981 = arith.constant 128 : i32
      %mul3A_982 = arith.muli %scan3A_89, %mul3A_981 : i32
      %add3A_983 = arith.constant 96 : i32
      %add3A_984 = arith.addi %mul3A_982, %add3A_983 : i32
      %get3A_985 = arith.constant 1 : i32
      %get3A_986 = arith.index_cast %get3A_985 : i32 to index
      %get3A_987 = arith.index_cast %add3A_984 : i32 to index
      %get3A_988 = tpu.vector_load %arg6[%get3A_986, %get3A_987] {strides = array<i32>} : memref<16x640xf32, #tpu.memory_space<vmem>>, vector<16xf32>,
      %add3A_989 = arith.addf %add3A_980, %get3A_988 : vector<16xf32>
      %mul3A_990 = arith.constant 128 : i32
      %mul3A_991 = arith.muli %scan3A_89, %mul3A_990 : i32
      %add3A_992 = arith.constant 96 : i32
      %add3A_993 = arith.addi %mul3A_991, %add3A_992 : i32
      %get3A_994 = arith.constant 2 : i32
      %get3A_995 = arith.index_cast %get3A_994 : i32 to index
      %get3A_996 = arith.index_cast %add3A_993 : i32 to index
      %get3A_997 = tpu.vector_load %arg6[%get3A_995, %get3A_996] {strides = array<i32>} : memref<16x640xf32, #tpu.memory_space<vmem>>, vector<16xf32>,
      %add3A_998 = arith.addf %add3A_989, %get3A_997 : vector<16xf32>
      %mul3A_999 = arith.constant 128 : i32
      %mul3A_1000 = arith.muli %scan3A_89, %mul3A_999 : i32
      %add3A_1001 = arith.constant 96 : i32
      %add3A_1002 = arith.addi %mul3A_1000, %add3A_1001 : i32
      %get3A_1003 = arith.constant 3 : i32
      %get3A_1004 = arith.index_cast %get3A_1003 : i32 to index
      %get3A_1005 = arith.index_cast %add3A_1002 : i32 to index
      %get3A_1006 = tpu.vector_load %arg6[%get3A_1004, %get3A_1005] {strides = array<i32>} : memref<16x640xf32, #tpu.memory_space<vmem>>, vector<16xf32>,
      %add3A_1007 = arith.addf %add3A_998, %get3A_1006 : vector<16xf32>
      %mul3A_1008 = arith.constant 128 : i32
      %mul3A_1009 = arith.muli %scan3A_89, %mul3A_1008 : i32
      %add3A_1010 = arith.constant 96 : i32
      %add3A_1011 = arith.addi %mul3A_1009, %add3A_1010 : i32
      %get3A_1012 = arith.constant 4 : i32
      %get3A_1013 = arith.index_cast %get3A_1012 : i32 to index
      %get3A_1014 = arith.index_cast %add3A_1011 : i32 to index
      %get3A_1015 = tpu.vector_load %arg6[%get3A_1013, %get3A_1014] {strides = array<i32>} : memref<16x640xf32, #tpu.memory_space<vmem>>, vector<16xf32>,
      %add3A_1016 = arith.addf %add3A_1007, %get3A_1015 : vector<16xf32>
      %mul3A_1017 = arith.constant 128 : i32
      %mul3A_1018 = arith.muli %scan3A_89, %mul3A_1017 : i32
      %add3A_1019 = arith.constant 96 : i32
      %add3A_1020 = arith.addi %mul3A_1018, %add3A_1019 : i32
      %get3A_1021 = arith.constant 5 : i32
      %get3A_1022 = arith.index_cast %get3A_1021 : i32 to index
      %get3A_1023 = arith.index_cast %add3A_1020 : i32 to index
      %get3A_1024 = tpu.vector_load %arg6[%get3A_1022, %get3A_1023] {strides = array<i32>} : memref<16x640xf32, #tpu.memory_space<vmem>>, vector<16xf32>,
      %add3A_1025 = arith.addf %add3A_1016, %get3A_1024 : vector<16xf32>
      %mul3A_1026 = arith.constant 128 : i32
      %mul3A_1027 = arith.muli %scan3A_89, %mul3A_1026 : i32
      %add3A_1028 = arith.constant 96 : i32
      %add3A_1029 = arith.addi %mul3A_1027, %add3A_1028 : i32
      %get3A_1030 = arith.constant 6 : i32
      %get3A_1031 = arith.index_cast %get3A_1030 : i32 to index
      %get3A_1032 = arith.index_cast %add3A_1029 : i32 to index
      %get3A_1033 = tpu.vector_load %arg6[%get3A_1031, %get3A_1032] {strides = array<i32>} : memref<16x640xf32, #tpu.memory_space<vmem>>, vector<16xf32>,
      %add3A_1034 = arith.addf %add3A_1025, %get3A_1033 : vector<16xf32>
      %mul3A_1035 = arith.constant 128 : i32
      %mul3A_1036 = arith.muli %scan3A_89, %mul3A_1035 : i32
      %add3A_1037 = arith.constant 96 : i32
      %add3A_1038 = arith.addi %mul3A_1036, %add3A_1037 : i32
      %get3A_1039 = arith.constant 7 : i32
      %get3A_1040 = arith.index_cast %get3A_1039 : i32 to index
      %get3A_1041 = arith.index_cast %add3A_1038 : i32 to index
      %get3A_1042 = tpu.vector_load %arg6[%get3A_1040, %get3A_1041] {strides = array<i32>} : memref<16x640xf32, #tpu.memory_space<vmem>>, vector<16xf32>,
      %add3A_1043 = arith.addf %add3A_1034, %get3A_1042 : vector<16xf32>
      %mul3A_1044 = arith.constant 128 : i32
      %mul3A_1045 = arith.muli %scan3A_89, %mul3A_1044 : i32
      %add3A_1046 = arith.constant 96 : i32
      %add3A_1047 = arith.addi %mul3A_1045, %add3A_1046 : i32
      %get3A_1048 = arith.constant 8 : i32
      %get3A_1049 = arith.index_cast %get3A_1048 : i32 to index
      %get3A_1050 = arith.index_cast %add3A_1047 : i32 to index
      %get3A_1051 = tpu.vector_load %arg6[%get3A_1049, %get3A_1050] {strides = array<i32>} : memref<16x640xf32, #tpu.memory_space<vmem>>, vector<16xf32>,
      %add3A_1052 = arith.addf %add3A_1043, %get3A_1051 : vector<16xf32>
      %mul3A_1053 = arith.constant 128 : i32
      %mul3A_1054 = arith.muli %scan3A_89, %mul3A_1053 : i32
      %add3A_1055 = arith.constant 96 : i32
      %add3A_1056 = arith.addi %mul3A_1054, %add3A_1055 : i32
      %get3A_1057 = arith.constant 9 : i32
      %get3A_1058 = arith.index_cast %get3A_1057 : i32 to index
      %get3A_1059 = arith.index_cast %add3A_1056 : i32 to index
      %get3A_1060 = tpu.vector_load %arg6[%get3A_1058, %get3A_1059] {strides = array<i32>} : memref<16x640xf32, #tpu.memory_space<vmem>>, vector<16xf32>,
      %add3A_1061 = arith.addf %add3A_1052, %get3A_1060 : vector<16xf32>
      %mul3A_1062 = arith.constant 128 : i32
      %mul3A_1063 = arith.muli %scan3A_89, %mul3A_1062 : i32
      %add3A_1064 = arith.constant 96 : i32
      %add3A_1065 = arith.addi %mul3A_1063, %add3A_1064 : i32
      %get3A_1066 = arith.constant 10 : i32
      %get3A_1067 = arith.index_cast %get3A_1066 : i32 to index
      %get3A_1068 = arith.index_cast %add3A_1065 : i32 to index
      %get3A_1069 = tpu.vector_load %arg6[%get3A_1067, %get3A_1068] {strides = array<i32>} : memref<16x640xf32, #tpu.memory_space<vmem>>, vector<16xf32>,
      %add3A_1070 = arith.addf %add3A_1061, %get3A_1069 : vector<16xf32>
      %mul3A_1071 = arith.constant 128 : i32
      %mul3A_1072 = arith.muli %scan3A_89, %mul3A_1071 : i32
      %add3A_1073 = arith.constant 96 : i32
      %add3A_1074 = arith.addi %mul3A_1072, %add3A_1073 : i32
      %get3A_1075 = arith.constant 11 : i32
      %get3A_1076 = arith.index_cast %get3A_1075 : i32 to index
      %get3A_1077 = arith.index_cast %add3A_1074 : i32 to index
      %get3A_1078 = tpu.vector_load %arg6[%get3A_1076, %get3A_1077] {strides = array<i32>} : memref<16x640xf32, #tpu.memory_space<vmem>>, vector<16xf32>,
      %add3A_1079 = arith.addf %add3A_1070, %get3A_1078 : vector<16xf32>
      %mul3A_1080 = arith.constant 128 : i32
      %mul3A_1081 = arith.muli %scan3A_89, %mul3A_1080 : i32
      %add3A_1082 = arith.constant 96 : i32
      %add3A_1083 = arith.addi %mul3A_1081, %add3A_1082 : i32
      %get3A_1084 = arith.constant 12 : i32
      %get3A_1085 = arith.index_cast %get3A_1084 : i32 to index
      %get3A_1086 = arith.index_cast %add3A_1083 : i32 to index
      %get3A_1087 = tpu.vector_load %arg6[%get3A_1085, %get3A_1086] {strides = array<i32>} : memref<16x640xf32, #tpu.memory_space<vmem>>, vector<16xf32>,
      %add3A_1088 = arith.addf %add3A_1079, %get3A_1087 : vector<16xf32>
      %mul3A_1089 = arith.constant 128 : i32
      %mul3A_1090 = arith.muli %scan3A_89, %mul3A_1089 : i32
      %add3A_1091 = arith.constant 96 : i32
      %add3A_1092 = arith.addi %mul3A_1090, %add3A_1091 : i32
      %get3A_1093 = arith.constant 13 : i32
      %get3A_1094 = arith.index_cast %get3A_1093 : i32 to index
      %get3A_1095 = arith.index_cast %add3A_1092 : i32 to index
      %get3A_1096 = tpu.vector_load %arg6[%get3A_1094, %get3A_1095] {strides = array<i32>} : memref<16x640xf32, #tpu.memory_space<vmem>>, vector<16xf32>,
      %add3A_1097 = arith.addf %add3A_1088, %get3A_1096 : vector<16xf32>
      %mul3A_1098 = arith.constant 128 : i32
      %mul3A_1099 = arith.muli %scan3A_89, %mul3A_1098 : i32
      %add3A_1100 = arith.constant 96 : i32
      %add3A_1101 = arith.addi %mul3A_1099, %add3A_1100 : i32
      %get3A_1102 = arith.constant 14 : i32
      %get3A_1103 = arith.index_cast %get3A_1102 : i32 to index
      %get3A_1104 = arith.index_cast %add3A_1101 : i32 to index
      %get3A_1105 = tpu.vector_load %arg6[%get3A_1103, %get3A_1104] {strides = array<i32>} : memref<16x640xf32, #tpu.memory_space<vmem>>, vector<16xf32>,
      %add3A_1106 = arith.addf %add3A_1097, %get3A_1105 : vector<16xf32>
      %mul3A_1107 = arith.constant 128 : i32
      %mul3A_1108 = arith.muli %scan3A_89, %mul3A_1107 : i32
      %add3A_1109 = arith.constant 96 : i32
      %add3A_1110 = arith.addi %mul3A_1108, %add3A_1109 : i32
      %get3A_1111 = arith.constant 15 : i32
      %get3A_1112 = arith.index_cast %get3A_1111 : i32 to index
      %get3A_1113 = arith.index_cast %add3A_1110 : i32 to index
      %get3A_1114 = tpu.vector_load %arg6[%get3A_1112, %get3A_1113] {strides = array<i32>} : memref<16x640xf32, #tpu.memory_space<vmem>>, vector<16xf32>,
      %add3A_1115 = arith.addf %add3A_1106, %get3A_1114 : vector<16xf32>
      %add3A_1116 = arith.constant 96 : i32
      %add3A_1117 = vector.broadcast %add3A_1116 : i32 to vector<16xi32>
      %add3A_1118 = arith.addi %add3A_1117, %iota3A : vector<16xi32>
      tpu.vector_store_idx %arg7[%add3A_1118, %broadcast_in_dim3A_81], %add3A_1115 : memref<128x128xf32, #tpu.memory_space<vmem>>[vector<16xi32>, vector<16xi32>], vector<16xf32>,
      %mul3A_1119 = arith.constant 128 : i32
      %mul3A_1120 = arith.muli %scan3A_89, %mul3A_1119 : i32
      %add3A_1121 = arith.constant 112 : i32
      %add3A_1122 = arith.addi %mul3A_1120, %add3A_1121 : i32
      %get3A_1123 = arith.constant 0 : i32
      %get3A_1124 = arith.index_cast %get3A_1123 : i32 to index
      %get3A_1125 = arith.index_cast %add3A_1122 : i32 to index
      %get3A_1126 = tpu.vector_load %arg6[%get3A_1124, %get3A_1125] {strides = array<i32>} : memref<16x640xf32, #tpu.memory_space<vmem>>, vector<16xf32>,
      %add3A_1127 = arith.addf %broadcast_in_dim3A_1, %get3A_1126 : vector<16xf32>
      %mul3A_1128 = arith.constant 128 : i32
      %mul3A_1129 = arith.muli %scan3A_89, %mul3A_1128 : i32
      %add3A_1130 = arith.constant 112 : i32
      %add3A_1131 = arith.addi %mul3A_1129, %add3A_1130 : i32
      %get3A_1132 = arith.constant 1 : i32
      %get3A_1133 = arith.index_cast %get3A_1132 : i32 to index
      %get3A_1134 = arith.index_cast %add3A_1131 : i32 to index
      %get3A_1135 = tpu.vector_load %arg6[%get3A_1133, %get3A_1134] {strides = array<i32>} : memref<16x640xf32, #tpu.memory_space<vmem>>, vector<16xf32>,
      %add3A_1136 = arith.addf %add3A_1127, %get3A_1135 : vector<16xf32>
      %mul3A_1137 = arith.constant 128 : i32
      %mul3A_1138 = arith.muli %scan3A_89, %mul3A_1137 : i32
      %add3A_1139 = arith.constant 112 : i32
      %add3A_1140 = arith.addi %mul3A_1138, %add3A_1139 : i32
      %get3A_1141 = arith.constant 2 : i32
      %get3A_1142 = arith.index_cast %get3A_1141 : i32 to index
      %get3A_1143 = arith.index_cast %add3A_1140 : i32 to index
      %get3A_1144 = tpu.vector_load %arg6[%get3A_1142, %get3A_1143] {strides = array<i32>} : memref<16x640xf32, #tpu.memory_space<vmem>>, vector<16xf32>,
      %add3A_1145 = arith.addf %add3A_1136, %get3A_1144 : vector<16xf32>
      %mul3A_1146 = arith.constant 128 : i32
      %mul3A_1147 = arith.muli %scan3A_89, %mul3A_1146 : i32
      %add3A_1148 = arith.constant 112 : i32
      %add3A_1149 = arith.addi %mul3A_1147, %add3A_1148 : i32
      %get3A_1150 = arith.constant 3 : i32
      %get3A_1151 = arith.index_cast %get3A_1150 : i32 to index
      %get3A_1152 = arith.index_cast %add3A_1149 : i32 to index
      %get3A_1153 = tpu.vector_load %arg6[%get3A_1151, %get3A_1152] {strides = array<i32>} : memref<16x640xf32, #tpu.memory_space<vmem>>, vector<16xf32>,
      %add3A_1154 = arith.addf %add3A_1145, %get3A_1153 : vector<16xf32>
      %mul3A_1155 = arith.constant 128 : i32
      %mul3A_1156 = arith.muli %scan3A_89, %mul3A_1155 : i32
      %add3A_1157 = arith.constant 112 : i32
      %add3A_1158 = arith.addi %mul3A_1156, %add3A_1157 : i32
      %get3A_1159 = arith.constant 4 : i32
      %get3A_1160 = arith.index_cast %get3A_1159 : i32 to index
      %get3A_1161 = arith.index_cast %add3A_1158 : i32 to index
      %get3A_1162 = tpu.vector_load %arg6[%get3A_1160, %get3A_1161] {strides = array<i32>} : memref<16x640xf32, #tpu.memory_space<vmem>>, vector<16xf32>,
      %add3A_1163 = arith.addf %add3A_1154, %get3A_1162 : vector<16xf32>
      %mul3A_1164 = arith.constant 128 : i32
      %mul3A_1165 = arith.muli %scan3A_89, %mul3A_1164 : i32
      %add3A_1166 = arith.constant 112 : i32
      %add3A_1167 = arith.addi %mul3A_1165, %add3A_1166 : i32
      %get3A_1168 = arith.constant 5 : i32
      %get3A_1169 = arith.index_cast %get3A_1168 : i32 to index
      %get3A_1170 = arith.index_cast %add3A_1167 : i32 to index
      %get3A_1171 = tpu.vector_load %arg6[%get3A_1169, %get3A_1170] {strides = array<i32>} : memref<16x640xf32, #tpu.memory_space<vmem>>, vector<16xf32>,
      %add3A_1172 = arith.addf %add3A_1163, %get3A_1171 : vector<16xf32>
      %mul3A_1173 = arith.constant 128 : i32
      %mul3A_1174 = arith.muli %scan3A_89, %mul3A_1173 : i32
      %add3A_1175 = arith.constant 112 : i32
      %add3A_1176 = arith.addi %mul3A_1174, %add3A_1175 : i32
      %get3A_1177 = arith.constant 6 : i32
      %get3A_1178 = arith.index_cast %get3A_1177 : i32 to index
      %get3A_1179 = arith.index_cast %add3A_1176 : i32 to index
      %get3A_1180 = tpu.vector_load %arg6[%get3A_1178, %get3A_1179] {strides = array<i32>} : memref<16x640xf32, #tpu.memory_space<vmem>>, vector<16xf32>,
      %add3A_1181 = arith.addf %add3A_1172, %get3A_1180 : vector<16xf32>
      %mul3A_1182 = arith.constant 128 : i32
      %mul3A_1183 = arith.muli %scan3A_89, %mul3A_1182 : i32
      %add3A_1184 = arith.constant 112 : i32
      %add3A_1185 = arith.addi %mul3A_1183, %add3A_1184 : i32
      %get3A_1186 = arith.constant 7 : i32
      %get3A_1187 = arith.index_cast %get3A_1186 : i32 to index
      %get3A_1188 = arith.index_cast %add3A_1185 : i32 to index
      %get3A_1189 = tpu.vector_load %arg6[%get3A_1187, %get3A_1188] {strides = array<i32>} : memref<16x640xf32, #tpu.memory_space<vmem>>, vector<16xf32>,
      %add3A_1190 = arith.addf %add3A_1181, %get3A_1189 : vector<16xf32>
      %mul3A_1191 = arith.constant 128 : i32
      %mul3A_1192 = arith.muli %scan3A_89, %mul3A_1191 : i32
      %add3A_1193 = arith.constant 112 : i32
      %add3A_1194 = arith.addi %mul3A_1192, %add3A_1193 : i32
      %get3A_1195 = arith.constant 8 : i32
      %get3A_1196 = arith.index_cast %get3A_1195 : i32 to index
      %get3A_1197 = arith.index_cast %add3A_1194 : i32 to index
      %get3A_1198 = tpu.vector_load %arg6[%get3A_1196, %get3A_1197] {strides = array<i32>} : memref<16x640xf32, #tpu.memory_space<vmem>>, vector<16xf32>,
      %add3A_1199 = arith.addf %add3A_1190, %get3A_1198 : vector<16xf32>
      %mul3A_1200 = arith.constant 128 : i32
      %mul3A_1201 = arith.muli %scan3A_89, %mul3A_1200 : i32
      %add3A_1202 = arith.constant 112 : i32
      %add3A_1203 = arith.addi %mul3A_1201, %add3A_1202 : i32
      %get3A_1204 = arith.constant 9 : i32
      %get3A_1205 = arith.index_cast %get3A_1204 : i32 to index
      %get3A_1206 = arith.index_cast %add3A_1203 : i32 to index
      %get3A_1207 = tpu.vector_load %arg6[%get3A_1205, %get3A_1206] {strides = array<i32>} : memref<16x640xf32, #tpu.memory_space<vmem>>, vector<16xf32>,
      %add3A_1208 = arith.addf %add3A_1199, %get3A_1207 : vector<16xf32>
      %mul3A_1209 = arith.constant 128 : i32
      %mul3A_1210 = arith.muli %scan3A_89, %mul3A_1209 : i32
      %add3A_1211 = arith.constant 112 : i32
      %add3A_1212 = arith.addi %mul3A_1210, %add3A_1211 : i32
      %get3A_1213 = arith.constant 10 : i32
      %get3A_1214 = arith.index_cast %get3A_1213 : i32 to index
      %get3A_1215 = arith.index_cast %add3A_1212 : i32 to index
      %get3A_1216 = tpu.vector_load %arg6[%get3A_1214, %get3A_1215] {strides = array<i32>} : memref<16x640xf32, #tpu.memory_space<vmem>>, vector<16xf32>,
      %add3A_1217 = arith.addf %add3A_1208, %get3A_1216 : vector<16xf32>
      %mul3A_1218 = arith.constant 128 : i32
      %mul3A_1219 = arith.muli %scan3A_89, %mul3A_1218 : i32
      %add3A_1220 = arith.constant 112 : i32
      %add3A_1221 = arith.addi %mul3A_1219, %add3A_1220 : i32
      %get3A_1222 = arith.constant 11 : i32
      %get3A_1223 = arith.index_cast %get3A_1222 : i32 to index
      %get3A_1224 = arith.index_cast %add3A_1221 : i32 to index
      %get3A_1225 = tpu.vector_load %arg6[%get3A_1223, %get3A_1224] {strides = array<i32>} : memref<16x640xf32, #tpu.memory_space<vmem>>, vector<16xf32>,
      %add3A_1226 = arith.addf %add3A_1217, %get3A_1225 : vector<16xf32>
      %mul3A_1227 = arith.constant 128 : i32
      %mul3A_1228 = arith.muli %scan3A_89, %mul3A_1227 : i32
      %add3A_1229 = arith.constant 112 : i32
      %add3A_1230 = arith.addi %mul3A_1228, %add3A_1229 : i32
      %get3A_1231 = arith.constant 12 : i32
      %get3A_1232 = arith.index_cast %get3A_1231 : i32 to index
      %get3A_1233 = arith.index_cast %add3A_1230 : i32 to index
      %get3A_1234 = tpu.vector_load %arg6[%get3A_1232, %get3A_1233] {strides = array<i32>} : memref<16x640xf32, #tpu.memory_space<vmem>>, vector<16xf32>,
      %add3A_1235 = arith.addf %add3A_1226, %get3A_1234 : vector<16xf32>
      %mul3A_1236 = arith.constant 128 : i32
      %mul3A_1237 = arith.muli %scan3A_89, %mul3A_1236 : i32
      %add3A_1238 = arith.constant 112 : i32
      %add3A_1239 = arith.addi %mul3A_1237, %add3A_1238 : i32
      %get3A_1240 = arith.constant 13 : i32
      %get3A_1241 = arith.index_cast %get3A_1240 : i32 to index
      %get3A_1242 = arith.index_cast %add3A_1239 : i32 to index
      %get3A_1243 = tpu.vector_load %arg6[%get3A_1241, %get3A_1242] {strides = array<i32>} : memref<16x640xf32, #tpu.memory_space<vmem>>, vector<16xf32>,
      %add3A_1244 = arith.addf %add3A_1235, %get3A_1243 : vector<16xf32>
      %mul3A_1245 = arith.constant 128 : i32
      %mul3A_1246 = arith.muli %scan3A_89, %mul3A_1245 : i32
      %add3A_1247 = arith.constant 112 : i32
      %add3A_1248 = arith.addi %mul3A_1246, %add3A_1247 : i32
      %get3A_1249 = arith.constant 14 : i32
      %get3A_1250 = arith.index_cast %get3A_1249 : i32 to index
      %get3A_1251 = arith.index_cast %add3A_1248 : i32 to index
      %get3A_1252 = tpu.vector_load %arg6[%get3A_1250, %get3A_1251] {strides = array<i32>} : memref<16x640xf32, #tpu.memory_space<vmem>>, vector<16xf32>,
      %add3A_1253 = arith.addf %add3A_1244, %get3A_1252 : vector<16xf32>
      %mul3A_1254 = arith.constant 128 : i32
      %mul3A_1255 = arith.muli %scan3A_89, %mul3A_1254 : i32
      %add3A_1256 = arith.constant 112 : i32
      %add3A_1257 = arith.addi %mul3A_1255, %add3A_1256 : i32
      %get3A_1258 = arith.constant 15 : i32
      %get3A_1259 = arith.index_cast %get3A_1258 : i32 to index
      %get3A_1260 = arith.index_cast %add3A_1257 : i32 to index
      %get3A_1261 = tpu.vector_load %arg6[%get3A_1259, %get3A_1260] {strides = array<i32>} : memref<16x640xf32, #tpu.memory_space<vmem>>, vector<16xf32>,
      %add3A_1262 = arith.addf %add3A_1253, %get3A_1261 : vector<16xf32>
      %add3A_1263 = arith.constant 112 : i32
      %add3A_1264 = vector.broadcast %add3A_1263 : i32 to vector<16xi32>
      %add3A_1265 = arith.addi %add3A_1264, %iota3A : vector<16xi32>
      tpu.vector_store_idx %arg7[%add3A_1265, %broadcast_in_dim3A_81], %add3A_1262 : memref<128x128xf32, #tpu.memory_space<vmem>>[vector<16xi32>, vector<16xi32>], vector<16xf32>,
      %mul3A_1266 = arith.constant 640 : i32
      %mul3A_1267 = arith.muli %arg1, %mul3A_1266 : i32
      %mul3A_1268 = arith.constant 128 : i32
      %mul3A_1269 = arith.muli %scan3A_89, %mul3A_1268 : i32
      %add3A_1270 = arith.addi %mul3A_1267, %mul3A_1269 : i32
      "tpu.region"() ({
        %run_scoped3A_1272 = tpu.sem_alloc : memref<!tpu.dma_semaphore, #tpu.memory_space<semaphore_mem>>
        %dma_start3A = arith.constant 0 : i32
        %dma_start3A_1273 = arith.constant 0 : i32
        %dma_start3A_1274 = tpu.memref_slice %arg3[%arg0, %dma_start3A, %dma_start3A_1273] : memref<2x10240x128xf32, #tpu.memory_space<hbm>> -> memref<1x10240x128xf32, #tpu.memory_space<hbm>>
        %dma_start3A_1275 = tpu.memref_squeeze %dma_start3A_1274 : memref<1x10240x128xf32, #tpu.memory_space<hbm>> -> memref<10240x128xf32, #tpu.memory_space<hbm>>
        %dma_start3A_1276 = arith.constant 0 : i32
        %dma_start3A_1277 = tpu.memref_slice %dma_start3A_1275[%add3A_1270, %dma_start3A_1276] : memref<10240x128xf32, #tpu.memory_space<hbm>> -> memref<128x128xf32, #tpu.memory_space<hbm>>
        %dma_start3A_1278 = arith.constant 0 : i32
        %dma_start3A_1279 = arith.constant 0 : i32
        %dma_start3A_1280 = tpu.memref_slice %arg3[%arg0, %dma_start3A_1278, %dma_start3A_1279] : memref<2x10240x128xf32, #tpu.memory_space<hbm>> -> memref<1x10240x128xf32, #tpu.memory_space<hbm>>
        %dma_start3A_1281 = tpu.memref_squeeze %dma_start3A_1280 : memref<1x10240x128xf32, #tpu.memory_space<hbm>> -> memref<10240x128xf32, #tpu.memory_space<hbm>>
        %dma_start3A_1282 = arith.constant 0 : i32
        %dma_start3A_1283 = tpu.memref_slice %dma_start3A_1281[%add3A_1270, %dma_start3A_1282] : memref<10240x128xf32, #tpu.memory_space<hbm>> -> memref<128x128xf32, #tpu.memory_space<hbm>>
        tpu.enqueue_dma source(%arg7 : memref<128x128xf32, #tpu.memory_space<vmem>>) target(%dma_start3A_1283 : memref<128x128xf32, #tpu.memory_space<hbm>>) target_semaphore(%run_scoped3A_1272 : memref<!tpu.dma_semaphore, #tpu.memory_space<semaphore_mem>>)
        %dma_wait3A = arith.constant 0 : i32
        %dma_wait3A_1284 = arith.constant 0 : i32
        %dma_wait3A_1285 = tpu.memref_slice %arg3[%arg0, %dma_wait3A, %dma_wait3A_1284] : memref<2x10240x128xf32, #tpu.memory_space<hbm>> -> memref<1x10240x128xf32, #tpu.memory_space<hbm>>
        %dma_wait3A_1286 = tpu.memref_squeeze %dma_wait3A_1285 : memref<1x10240x128xf32, #tpu.memory_space<hbm>> -> memref<10240x128xf32, #tpu.memory_space<hbm>>
        %dma_wait3A_1287 = arith.constant 0 : i32
        %dma_wait3A_1288 = tpu.memref_slice %dma_wait3A_1286[%add3A_1270, %dma_wait3A_1287] : memref<10240x128xf32, #tpu.memory_space<hbm>> -> memref<128x128xf32, #tpu.memory_space<hbm>>
        %dma_wait3A_1289 = arith.constant 0 : i32
        %dma_wait3A_1290 = arith.constant 0 : i32
        %dma_wait3A_1291 = tpu.memref_slice %arg3[%arg0, %dma_wait3A_1289, %dma_wait3A_1290] : memref<2x10240x128xf32, #tpu.memory_space<hbm>> -> memref<1x10240x128xf32, #tpu.memory_space<hbm>>
        %dma_wait3A_1292 = tpu.memref_squeeze %dma_wait3A_1291 : memref<1x10240x128xf32, #tpu.memory_space<hbm>> -> memref<10240x128xf32, #tpu.memory_space<hbm>>
        %dma_wait3A_1293 = arith.constant 0 : i32
        %dma_wait3A_1294 = tpu.memref_slice %dma_wait3A_1292[%add3A_1270, %dma_wait3A_1293] : memref<10240x128xf32, #tpu.memory_space<hbm>> -> memref<128x128xf32, #tpu.memory_space<hbm>>
        tpu.wait_dma2 semaphore(%run_scoped3A_1272 : memref<!tpu.dma_semaphore, #tpu.memory_space<semaphore_mem>>) src(%arg7 : memref<128x128xf32, #tpu.memory_space<vmem>>) dst(%dma_wait3A_1294 : memref<128x128xf32, #tpu.memory_space<hbm>>)
        tpu.yield
      }) : () -> ()
      %scan3A_1271 = arith.constant 0 : i32
      scf.yield %scan3A_1271 : i32
    }
    %scan3A_88 = arith.constant 5 : i32
    return
  }
}

#map = affine_map<(d0, d1) -> (0, 0)>
#map1 = affine_map<(d0, d1) -> (0, 0, 0)>
module attributes {stable_mosaic.version = 14 : i64} {
  func.func @k(%arg0: i32, %arg1: i32, %arg2: memref<10240x128xf32, #tpu.memory_space<hbm>>, %arg3: memref<2560x2x128xi32, #tpu.memory_space<hbm>>, %arg4: memref<128x128xf32, #tpu.memory_space<hbm>>, %arg5: memref<2x10240x128xf32, #tpu.memory_space<hbm>>, %arg6: memref<4x2x128xi32, #tpu.memory_space<vmem>>, %arg7: memref<2x128x128xf32, #tpu.memory_space<vmem>>, %arg8: memref<10240x128xf32, #tpu.memory_space<vmem_shared>>, %arg9: memref<!tpu.dma_semaphore, #tpu.memory_space<semaphore_mem>>, %arg10: memref<!tpu.dma_semaphore, #tpu.memory_space<semaphore_mem>>, %arg11: memref<!tpu.dma_semaphore, #tpu.memory_space<semaphore_mem>>, %arg12: memref<!tpu.dma_semaphore, #tpu.memory_space<semaphore_mem>>, %arg13: memref<!tpu.dma_semaphore, #tpu.memory_space<semaphore_mem>>, %arg14: memref<!tpu.dma_semaphore, #tpu.memory_space<semaphore_mem>>, %arg15: memref<!tpu.dma_semaphore, #tpu.memory_space<semaphore_mem>>, %arg16: memref<!tpu.dma_semaphore, #tpu.memory_space<semaphore_mem>>) attributes {dimension_semantics = [#tpu.dimension_semantics<core_parallel>, #tpu.dimension_semantics<subcore_parallel>], iteration_bounds = array<i64: 2, 16>, scalar_prefetch = 0 : i64, scratch_operands = 11 : i64, tpu.core_type = #tpu.core_type<sc_vector_subcore>, window_params = [{transform_indices = #map}, {transform_indices = #map1}, {transform_indices = #map}, {transform_indices = #map1}]} {
    %mul3A = arith.constant 16 : i32
    %mul3A_0 = arith.muli %arg0, %mul3A : i32
    %add3A = arith.addi %mul3A_0, %arg1 : i32
    %mul3A_1 = arith.constant 80 : i32
    %mul3A_2 = arith.muli %add3A, %mul3A_1 : i32
    %dma_start3A = arith.constant 0 : i32
    %dma_start3A_3 = arith.constant 0 : i32
    %dma_start3A_4 = arith.constant 0 : i32
    %dma_start3A_5 = tpu.memref_slice %arg6[%dma_start3A, %dma_start3A_3, %dma_start3A_4] : memref<4x2x128xi32, #tpu.memory_space<vmem>> -> memref<1x2x128xi32, #tpu.memory_space<vmem>>
    %dma_start3A_6 = tpu.memref_squeeze %dma_start3A_5 : memref<1x2x128xi32, #tpu.memory_space<vmem>> -> memref<2x128xi32, #tpu.memory_space<vmem>>
    %dma_start3A_7 = arith.constant 0 : i32
    %dma_start3A_8 = arith.constant 0 : i32
    %dma_start3A_9 = tpu.memref_slice %arg3[%mul3A_2, %dma_start3A_7, %dma_start3A_8] : memref<2560x2x128xi32, #tpu.memory_space<hbm>> -> memref<1x2x128xi32, #tpu.memory_space<hbm>>
    %dma_start3A_10 = tpu.memref_squeeze %dma_start3A_9 : memref<1x2x128xi32, #tpu.memory_space<hbm>> -> memref<2x128xi32, #tpu.memory_space<hbm>>
    %dma_start3A_11 = arith.constant 0 : i32
    %dma_start3A_12 = arith.constant 0 : i32
    %dma_start3A_13 = tpu.memref_slice %arg6[%dma_start3A, %dma_start3A_11, %dma_start3A_12] : memref<4x2x128xi32, #tpu.memory_space<vmem>> -> memref<1x2x128xi32, #tpu.memory_space<vmem>>
    %dma_start3A_14 = tpu.memref_squeeze %dma_start3A_13 : memref<1x2x128xi32, #tpu.memory_space<vmem>> -> memref<2x128xi32, #tpu.memory_space<vmem>>
    %dma_start3A_15 = arith.constant 0 : i32
    %dma_start3A_16 = arith.constant 0 : i32
    %dma_start3A_17 = tpu.memref_slice %arg3[%mul3A_2, %dma_start3A_15, %dma_start3A_16] : memref<2560x2x128xi32, #tpu.memory_space<hbm>> -> memref<1x2x128xi32, #tpu.memory_space<hbm>>
    %dma_start3A_18 = tpu.memref_squeeze %dma_start3A_17 : memref<1x2x128xi32, #tpu.memory_space<hbm>> -> memref<2x128xi32, #tpu.memory_space<hbm>>
    tpu.enqueue_dma source(%dma_start3A_18 : memref<2x128xi32, #tpu.memory_space<hbm>>) target(%dma_start3A_14 : memref<2x128xi32, #tpu.memory_space<vmem>>) target_semaphore(%arg9 : memref<!tpu.dma_semaphore, #tpu.memory_space<semaphore_mem>>)
    %add3A_19 = arith.constant 1 : i32
    %add3A_20 = arith.addi %mul3A_2, %add3A_19 : i32
    %dma_start3A_21 = arith.constant 1 : i32
    %dma_start3A_22 = arith.constant 0 : i32
    %dma_start3A_23 = arith.constant 0 : i32
    %dma_start3A_24 = tpu.memref_slice %arg6[%dma_start3A_21, %dma_start3A_22, %dma_start3A_23] : memref<4x2x128xi32, #tpu.memory_space<vmem>> -> memref<1x2x128xi32, #tpu.memory_space<vmem>>
    %dma_start3A_25 = tpu.memref_squeeze %dma_start3A_24 : memref<1x2x128xi32, #tpu.memory_space<vmem>> -> memref<2x128xi32, #tpu.memory_space<vmem>>
    %dma_start3A_26 = arith.constant 0 : i32
    %dma_start3A_27 = arith.constant 0 : i32
    %dma_start3A_28 = tpu.memref_slice %arg3[%add3A_20, %dma_start3A_26, %dma_start3A_27] : memref<2560x2x128xi32, #tpu.memory_space<hbm>> -> memref<1x2x128xi32, #tpu.memory_space<hbm>>
    %dma_start3A_29 = tpu.memref_squeeze %dma_start3A_28 : memref<1x2x128xi32, #tpu.memory_space<hbm>> -> memref<2x128xi32, #tpu.memory_space<hbm>>
    %dma_start3A_30 = arith.constant 0 : i32
    %dma_start3A_31 = arith.constant 0 : i32
    %dma_start3A_32 = tpu.memref_slice %arg6[%dma_start3A_21, %dma_start3A_30, %dma_start3A_31] : memref<4x2x128xi32, #tpu.memory_space<vmem>> -> memref<1x2x128xi32, #tpu.memory_space<vmem>>
    %dma_start3A_33 = tpu.memref_squeeze %dma_start3A_32 : memref<1x2x128xi32, #tpu.memory_space<vmem>> -> memref<2x128xi32, #tpu.memory_space<vmem>>
    %dma_start3A_34 = arith.constant 0 : i32
    %dma_start3A_35 = arith.constant 0 : i32
    %dma_start3A_36 = tpu.memref_slice %arg3[%add3A_20, %dma_start3A_34, %dma_start3A_35] : memref<2560x2x128xi32, #tpu.memory_space<hbm>> -> memref<1x2x128xi32, #tpu.memory_space<hbm>>
    %dma_start3A_37 = tpu.memref_squeeze %dma_start3A_36 : memref<1x2x128xi32, #tpu.memory_space<hbm>> -> memref<2x128xi32, #tpu.memory_space<hbm>>
    tpu.enqueue_dma source(%dma_start3A_37 : memref<2x128xi32, #tpu.memory_space<hbm>>) target(%dma_start3A_33 : memref<2x128xi32, #tpu.memory_space<vmem>>) target_semaphore(%arg10 : memref<!tpu.dma_semaphore, #tpu.memory_space<semaphore_mem>>)
    %run_scoped3A = arith.constant 1 : i32
    "tpu.region"() ({
      %run_scoped3A_303 = tpu.sem_alloc : memref<!tpu.dma_semaphore, #tpu.memory_space<semaphore_mem>>
      %dma_start3A_304 = arith.constant 0 : i32
      %dma_start3A_305 = arith.constant 0 : i32
      %dma_start3A_306 = tpu.memref_slice %arg7[%run_scoped3A, %dma_start3A_304, %dma_start3A_305] : memref<2x128x128xf32, #tpu.memory_space<vmem>> -> memref<1x128x128xf32, #tpu.memory_space<vmem>>
      %dma_start3A_307 = tpu.memref_squeeze %dma_start3A_306 : memref<1x128x128xf32, #tpu.memory_space<vmem>> -> memref<128x128xf32, #tpu.memory_space<vmem>>
      %dma_start3A_308 = arith.constant 0 : i32
      %dma_start3A_309 = arith.constant 0 : i32
      %dma_start3A_310 = tpu.memref_slice %dma_start3A_307[%dma_start3A_308, %dma_start3A_309] : memref<128x128xf32, #tpu.memory_space<vmem>> -> memref<128x128xf32, #tpu.memory_space<vmem>>
      %dma_start3A_311 = arith.constant 0 : i32
      %dma_start3A_312 = arith.constant 0 : i32
      %dma_start3A_313 = tpu.memref_slice %arg7[%run_scoped3A, %dma_start3A_311, %dma_start3A_312] : memref<2x128x128xf32, #tpu.memory_space<vmem>> -> memref<1x128x128xf32, #tpu.memory_space<vmem>>
      %dma_start3A_314 = tpu.memref_squeeze %dma_start3A_313 : memref<1x128x128xf32, #tpu.memory_space<vmem>> -> memref<128x128xf32, #tpu.memory_space<vmem>>
      %dma_start3A_315 = arith.constant 0 : i32
      %dma_start3A_316 = arith.constant 0 : i32
      %dma_start3A_317 = tpu.memref_slice %dma_start3A_314[%dma_start3A_315, %dma_start3A_316] : memref<128x128xf32, #tpu.memory_space<vmem>> -> memref<128x128xf32, #tpu.memory_space<vmem>>
      tpu.enqueue_dma source(%arg4 : memref<128x128xf32, #tpu.memory_space<hbm>>) target(%dma_start3A_317 : memref<128x128xf32, #tpu.memory_space<vmem>>) target_semaphore(%run_scoped3A_303 : memref<!tpu.dma_semaphore, #tpu.memory_space<semaphore_mem>>)
      %dma_wait3A_318 = arith.constant 0 : i32
      %dma_wait3A_319 = arith.constant 0 : i32
      %dma_wait3A_320 = tpu.memref_slice %arg7[%run_scoped3A, %dma_wait3A_318, %dma_wait3A_319] : memref<2x128x128xf32, #tpu.memory_space<vmem>> -> memref<1x128x128xf32, #tpu.memory_space<vmem>>
      %dma_wait3A_321 = tpu.memref_squeeze %dma_wait3A_320 : memref<1x128x128xf32, #tpu.memory_space<vmem>> -> memref<128x128xf32, #tpu.memory_space<vmem>>
      %dma_wait3A_322 = arith.constant 0 : i32
      %dma_wait3A_323 = arith.constant 0 : i32
      %dma_wait3A_324 = tpu.memref_slice %dma_wait3A_321[%dma_wait3A_322, %dma_wait3A_323] : memref<128x128xf32, #tpu.memory_space<vmem>> -> memref<128x128xf32, #tpu.memory_space<vmem>>
      %dma_wait3A_325 = arith.constant 0 : i32
      %dma_wait3A_326 = arith.constant 0 : i32
      %dma_wait3A_327 = tpu.memref_slice %arg7[%run_scoped3A, %dma_wait3A_325, %dma_wait3A_326] : memref<2x128x128xf32, #tpu.memory_space<vmem>> -> memref<1x128x128xf32, #tpu.memory_space<vmem>>
      %dma_wait3A_328 = tpu.memref_squeeze %dma_wait3A_327 : memref<1x128x128xf32, #tpu.memory_space<vmem>> -> memref<128x128xf32, #tpu.memory_space<vmem>>
      %dma_wait3A_329 = arith.constant 0 : i32
      %dma_wait3A_330 = arith.constant 0 : i32
      %dma_wait3A_331 = tpu.memref_slice %dma_wait3A_328[%dma_wait3A_329, %dma_wait3A_330] : memref<128x128xf32, #tpu.memory_space<vmem>> -> memref<128x128xf32, #tpu.memory_space<vmem>>
      tpu.wait_dma2 semaphore(%run_scoped3A_303 : memref<!tpu.dma_semaphore, #tpu.memory_space<semaphore_mem>>) src(%arg4 : memref<128x128xf32, #tpu.memory_space<hbm>>) dst(%dma_wait3A_331 : memref<128x128xf32, #tpu.memory_space<vmem>>)
      tpu.yield
    }) : () -> ()
    %mul3A_38 = arith.constant 640 : i32
    %mul3A_39 = arith.muli %arg1, %mul3A_38 : i32
    %add3A_40 = arith.constant 0 : i32
    %add3A_41 = arith.addi %mul3A_39, %add3A_40 : i32
    %dma_start3A_42 = arith.constant 1 : i32
    %dma_start3A_43 = arith.constant 0 : i32
    %dma_start3A_44 = arith.constant 0 : i32
    %dma_start3A_45 = tpu.memref_slice %arg7[%dma_start3A_42, %dma_start3A_43, %dma_start3A_44] : memref<2x128x128xf32, #tpu.memory_space<vmem>> -> memref<1x128x128xf32, #tpu.memory_space<vmem>>
    %dma_start3A_46 = tpu.memref_squeeze %dma_start3A_45 : memref<1x128x128xf32, #tpu.memory_space<vmem>> -> memref<128x128xf32, #tpu.memory_space<vmem>>
    %dma_start3A_47 = arith.constant 0 : i32
    %dma_start3A_48 = arith.constant 0 : i32
    %dma_start3A_49 = tpu.memref_slice %dma_start3A_46[%dma_start3A_47, %dma_start3A_48] : memref<128x128xf32, #tpu.memory_space<vmem>> -> memref<128x128xf32, #tpu.memory_space<vmem>>
    %dma_start3A_50 = arith.constant 0 : i32
    %dma_start3A_51 = tpu.memref_slice %arg8[%add3A_41, %dma_start3A_50] : memref<10240x128xf32, #tpu.memory_space<vmem_shared>> -> memref<128x128xf32, #tpu.memory_space<vmem_shared>>
    %dma_start3A_52 = arith.constant 0 : i32
    %dma_start3A_53 = tpu.memref_slice %arg8[%add3A_41, %dma_start3A_52] : memref<10240x128xf32, #tpu.memory_space<vmem_shared>> -> memref<128x128xf32, #tpu.memory_space<vmem_shared>>
    %dma_start3A_54 = arith.constant 0 : i32
    %dma_start3A_55 = arith.constant 0 : i32
    %dma_start3A_56 = tpu.memref_slice %arg7[%dma_start3A_42, %dma_start3A_54, %dma_start3A_55] : memref<2x128x128xf32, #tpu.memory_space<vmem>> -> memref<1x128x128xf32, #tpu.memory_space<vmem>>
    %dma_start3A_57 = tpu.memref_squeeze %dma_start3A_56 : memref<1x128x128xf32, #tpu.memory_space<vmem>> -> memref<128x128xf32, #tpu.memory_space<vmem>>
    %dma_start3A_58 = arith.constant 0 : i32
    %dma_start3A_59 = arith.constant 0 : i32
    %dma_start3A_60 = tpu.memref_slice %dma_start3A_57[%dma_start3A_58, %dma_start3A_59] : memref<128x128xf32, #tpu.memory_space<vmem>> -> memref<128x128xf32, #tpu.memory_space<vmem>>
    tpu.enqueue_dma source(%dma_start3A_60 : memref<128x128xf32, #tpu.memory_space<vmem>>) target(%dma_start3A_53 : memref<128x128xf32, #tpu.memory_space<vmem_shared>>) target_semaphore(%arg15 : memref<!tpu.dma_semaphore, #tpu.memory_space<semaphore_mem>>)
    %mul3A_61 = arith.constant 640 : i32
    %mul3A_62 = arith.muli %arg1, %mul3A_61 : i32
    %add3A_63 = arith.constant 128 : i32
    %add3A_64 = arith.addi %mul3A_62, %add3A_63 : i32
    %dma_start3A_65 = arith.constant 1 : i32
    %dma_start3A_66 = arith.constant 0 : i32
    %dma_start3A_67 = arith.constant 0 : i32
    %dma_start3A_68 = tpu.memref_slice %arg7[%dma_start3A_65, %dma_start3A_66, %dma_start3A_67] : memref<2x128x128xf32, #tpu.memory_space<vmem>> -> memref<1x128x128xf32, #tpu.memory_space<vmem>>
    %dma_start3A_69 = tpu.memref_squeeze %dma_start3A_68 : memref<1x128x128xf32, #tpu.memory_space<vmem>> -> memref<128x128xf32, #tpu.memory_space<vmem>>
    %dma_start3A_70 = arith.constant 0 : i32
    %dma_start3A_71 = arith.constant 0 : i32
    %dma_start3A_72 = tpu.memref_slice %dma_start3A_69[%dma_start3A_70, %dma_start3A_71] : memref<128x128xf32, #tpu.memory_space<vmem>> -> memref<128x128xf32, #tpu.memory_space<vmem>>
    %dma_start3A_73 = arith.constant 0 : i32
    %dma_start3A_74 = tpu.memref_slice %arg8[%add3A_64, %dma_start3A_73] : memref<10240x128xf32, #tpu.memory_space<vmem_shared>> -> memref<128x128xf32, #tpu.memory_space<vmem_shared>>
    %dma_start3A_75 = arith.constant 0 : i32
    %dma_start3A_76 = tpu.memref_slice %arg8[%add3A_64, %dma_start3A_75] : memref<10240x128xf32, #tpu.memory_space<vmem_shared>> -> memref<128x128xf32, #tpu.memory_space<vmem_shared>>
    %dma_start3A_77 = arith.constant 0 : i32
    %dma_start3A_78 = arith.constant 0 : i32
    %dma_start3A_79 = tpu.memref_slice %arg7[%dma_start3A_65, %dma_start3A_77, %dma_start3A_78] : memref<2x128x128xf32, #tpu.memory_space<vmem>> -> memref<1x128x128xf32, #tpu.memory_space<vmem>>
    %dma_start3A_80 = tpu.memref_squeeze %dma_start3A_79 : memref<1x128x128xf32, #tpu.memory_space<vmem>> -> memref<128x128xf32, #tpu.memory_space<vmem>>
    %dma_start3A_81 = arith.constant 0 : i32
    %dma_start3A_82 = arith.constant 0 : i32
    %dma_start3A_83 = tpu.memref_slice %dma_start3A_80[%dma_start3A_81, %dma_start3A_82] : memref<128x128xf32, #tpu.memory_space<vmem>> -> memref<128x128xf32, #tpu.memory_space<vmem>>
    tpu.enqueue_dma source(%dma_start3A_83 : memref<128x128xf32, #tpu.memory_space<vmem>>) target(%dma_start3A_76 : memref<128x128xf32, #tpu.memory_space<vmem_shared>>) target_semaphore(%arg15 : memref<!tpu.dma_semaphore, #tpu.memory_space<semaphore_mem>>)
    %mul3A_84 = arith.constant 640 : i32
    %mul3A_85 = arith.muli %arg1, %mul3A_84 : i32
    %add3A_86 = arith.constant 256 : i32
    %add3A_87 = arith.addi %mul3A_85, %add3A_86 : i32
    %dma_start3A_88 = arith.constant 1 : i32
    %dma_start3A_89 = arith.constant 0 : i32
    %dma_start3A_90 = arith.constant 0 : i32
    %dma_start3A_91 = tpu.memref_slice %arg7[%dma_start3A_88, %dma_start3A_89, %dma_start3A_90] : memref<2x128x128xf32, #tpu.memory_space<vmem>> -> memref<1x128x128xf32, #tpu.memory_space<vmem>>
    %dma_start3A_92 = tpu.memref_squeeze %dma_start3A_91 : memref<1x128x128xf32, #tpu.memory_space<vmem>> -> memref<128x128xf32, #tpu.memory_space<vmem>>
    %dma_start3A_93 = arith.constant 0 : i32
    %dma_start3A_94 = arith.constant 0 : i32
    %dma_start3A_95 = tpu.memref_slice %dma_start3A_92[%dma_start3A_93, %dma_start3A_94] : memref<128x128xf32, #tpu.memory_space<vmem>> -> memref<128x128xf32, #tpu.memory_space<vmem>>
    %dma_start3A_96 = arith.constant 0 : i32
    %dma_start3A_97 = tpu.memref_slice %arg8[%add3A_87, %dma_start3A_96] : memref<10240x128xf32, #tpu.memory_space<vmem_shared>> -> memref<128x128xf32, #tpu.memory_space<vmem_shared>>
    %dma_start3A_98 = arith.constant 0 : i32
    %dma_start3A_99 = tpu.memref_slice %arg8[%add3A_87, %dma_start3A_98] : memref<10240x128xf32, #tpu.memory_space<vmem_shared>> -> memref<128x128xf32, #tpu.memory_space<vmem_shared>>
    %dma_start3A_100 = arith.constant 0 : i32
    %dma_start3A_101 = arith.constant 0 : i32
    %dma_start3A_102 = tpu.memref_slice %arg7[%dma_start3A_88, %dma_start3A_100, %dma_start3A_101] : memref<2x128x128xf32, #tpu.memory_space<vmem>> -> memref<1x128x128xf32, #tpu.memory_space<vmem>>
    %dma_start3A_103 = tpu.memref_squeeze %dma_start3A_102 : memref<1x128x128xf32, #tpu.memory_space<vmem>> -> memref<128x128xf32, #tpu.memory_space<vmem>>
    %dma_start3A_104 = arith.constant 0 : i32
    %dma_start3A_105 = arith.constant 0 : i32
    %dma_start3A_106 = tpu.memref_slice %dma_start3A_103[%dma_start3A_104, %dma_start3A_105] : memref<128x128xf32, #tpu.memory_space<vmem>> -> memref<128x128xf32, #tpu.memory_space<vmem>>
    tpu.enqueue_dma source(%dma_start3A_106 : memref<128x128xf32, #tpu.memory_space<vmem>>) target(%dma_start3A_99 : memref<128x128xf32, #tpu.memory_space<vmem_shared>>) target_semaphore(%arg15 : memref<!tpu.dma_semaphore, #tpu.memory_space<semaphore_mem>>)
    %mul3A_107 = arith.constant 640 : i32
    %mul3A_108 = arith.muli %arg1, %mul3A_107 : i32
    %add3A_109 = arith.constant 384 : i32
    %add3A_110 = arith.addi %mul3A_108, %add3A_109 : i32
    %dma_start3A_111 = arith.constant 1 : i32
    %dma_start3A_112 = arith.constant 0 : i32
    %dma_start3A_113 = arith.constant 0 : i32
    %dma_start3A_114 = tpu.memref_slice %arg7[%dma_start3A_111, %dma_start3A_112, %dma_start3A_113] : memref<2x128x128xf32, #tpu.memory_space<vmem>> -> memref<1x128x128xf32, #tpu.memory_space<vmem>>
    %dma_start3A_115 = tpu.memref_squeeze %dma_start3A_114 : memref<1x128x128xf32, #tpu.memory_space<vmem>> -> memref<128x128xf32, #tpu.memory_space<vmem>>
    %dma_start3A_116 = arith.constant 0 : i32
    %dma_start3A_117 = arith.constant 0 : i32
    %dma_start3A_118 = tpu.memref_slice %dma_start3A_115[%dma_start3A_116, %dma_start3A_117] : memref<128x128xf32, #tpu.memory_space<vmem>> -> memref<128x128xf32, #tpu.memory_space<vmem>>
    %dma_start3A_119 = arith.constant 0 : i32
    %dma_start3A_120 = tpu.memref_slice %arg8[%add3A_110, %dma_start3A_119] : memref<10240x128xf32, #tpu.memory_space<vmem_shared>> -> memref<128x128xf32, #tpu.memory_space<vmem_shared>>
    %dma_start3A_121 = arith.constant 0 : i32
    %dma_start3A_122 = tpu.memref_slice %arg8[%add3A_110, %dma_start3A_121] : memref<10240x128xf32, #tpu.memory_space<vmem_shared>> -> memref<128x128xf32, #tpu.memory_space<vmem_shared>>
    %dma_start3A_123 = arith.constant 0 : i32
    %dma_start3A_124 = arith.constant 0 : i32
    %dma_start3A_125 = tpu.memref_slice %arg7[%dma_start3A_111, %dma_start3A_123, %dma_start3A_124] : memref<2x128x128xf32, #tpu.memory_space<vmem>> -> memref<1x128x128xf32, #tpu.memory_space<vmem>>
    %dma_start3A_126 = tpu.memref_squeeze %dma_start3A_125 : memref<1x128x128xf32, #tpu.memory_space<vmem>> -> memref<128x128xf32, #tpu.memory_space<vmem>>
    %dma_start3A_127 = arith.constant 0 : i32
    %dma_start3A_128 = arith.constant 0 : i32
    %dma_start3A_129 = tpu.memref_slice %dma_start3A_126[%dma_start3A_127, %dma_start3A_128] : memref<128x128xf32, #tpu.memory_space<vmem>> -> memref<128x128xf32, #tpu.memory_space<vmem>>
    tpu.enqueue_dma source(%dma_start3A_129 : memref<128x128xf32, #tpu.memory_space<vmem>>) target(%dma_start3A_122 : memref<128x128xf32, #tpu.memory_space<vmem_shared>>) target_semaphore(%arg15 : memref<!tpu.dma_semaphore, #tpu.memory_space<semaphore_mem>>)
    %mul3A_130 = arith.constant 640 : i32
    %mul3A_131 = arith.muli %arg1, %mul3A_130 : i32
    %add3A_132 = arith.constant 512 : i32
    %add3A_133 = arith.addi %mul3A_131, %add3A_132 : i32
    %dma_start3A_134 = arith.constant 1 : i32
    %dma_start3A_135 = arith.constant 0 : i32
    %dma_start3A_136 = arith.constant 0 : i32
    %dma_start3A_137 = tpu.memref_slice %arg7[%dma_start3A_134, %dma_start3A_135, %dma_start3A_136] : memref<2x128x128xf32, #tpu.memory_space<vmem>> -> memref<1x128x128xf32, #tpu.memory_space<vmem>>
    %dma_start3A_138 = tpu.memref_squeeze %dma_start3A_137 : memref<1x128x128xf32, #tpu.memory_space<vmem>> -> memref<128x128xf32, #tpu.memory_space<vmem>>
    %dma_start3A_139 = arith.constant 0 : i32
    %dma_start3A_140 = arith.constant 0 : i32
    %dma_start3A_141 = tpu.memref_slice %dma_start3A_138[%dma_start3A_139, %dma_start3A_140] : memref<128x128xf32, #tpu.memory_space<vmem>> -> memref<128x128xf32, #tpu.memory_space<vmem>>
    %dma_start3A_142 = arith.constant 0 : i32
    %dma_start3A_143 = tpu.memref_slice %arg8[%add3A_133, %dma_start3A_142] : memref<10240x128xf32, #tpu.memory_space<vmem_shared>> -> memref<128x128xf32, #tpu.memory_space<vmem_shared>>
    %dma_start3A_144 = arith.constant 0 : i32
    %dma_start3A_145 = tpu.memref_slice %arg8[%add3A_133, %dma_start3A_144] : memref<10240x128xf32, #tpu.memory_space<vmem_shared>> -> memref<128x128xf32, #tpu.memory_space<vmem_shared>>
    %dma_start3A_146 = arith.constant 0 : i32
    %dma_start3A_147 = arith.constant 0 : i32
    %dma_start3A_148 = tpu.memref_slice %arg7[%dma_start3A_134, %dma_start3A_146, %dma_start3A_147] : memref<2x128x128xf32, #tpu.memory_space<vmem>> -> memref<1x128x128xf32, #tpu.memory_space<vmem>>
    %dma_start3A_149 = tpu.memref_squeeze %dma_start3A_148 : memref<1x128x128xf32, #tpu.memory_space<vmem>> -> memref<128x128xf32, #tpu.memory_space<vmem>>
    %dma_start3A_150 = arith.constant 0 : i32
    %dma_start3A_151 = arith.constant 0 : i32
    %dma_start3A_152 = tpu.memref_slice %dma_start3A_149[%dma_start3A_150, %dma_start3A_151] : memref<128x128xf32, #tpu.memory_space<vmem>> -> memref<128x128xf32, #tpu.memory_space<vmem>>
    tpu.enqueue_dma source(%dma_start3A_152 : memref<128x128xf32, #tpu.memory_space<vmem>>) target(%dma_start3A_145 : memref<128x128xf32, #tpu.memory_space<vmem_shared>>) target_semaphore(%arg15 : memref<!tpu.dma_semaphore, #tpu.memory_space<semaphore_mem>>)
    %dma_wait3A = arith.constant 0 : i32
    %dma_wait3A_153 = arith.constant 0 : i32
    %dma_wait3A_154 = arith.constant 0 : i32
    %dma_wait3A_155 = arith.constant 0 : i32
    %dma_wait3A_156 = tpu.memref_slice %arg6[%dma_wait3A_153, %dma_wait3A_154, %dma_wait3A_155] : memref<4x2x128xi32, #tpu.memory_space<vmem>> -> memref<1x2x128xi32, #tpu.memory_space<vmem>>
    %dma_wait3A_157 = tpu.memref_squeeze %dma_wait3A_156 : memref<1x2x128xi32, #tpu.memory_space<vmem>> -> memref<2x128xi32, #tpu.memory_space<vmem>>
    %dma_wait3A_158 = arith.constant 0 : i32
    %dma_wait3A_159 = arith.constant 0 : i32
    %dma_wait3A_160 = tpu.memref_slice %arg3[%dma_wait3A, %dma_wait3A_158, %dma_wait3A_159] : memref<2560x2x128xi32, #tpu.memory_space<hbm>> -> memref<1x2x128xi32, #tpu.memory_space<hbm>>
    %dma_wait3A_161 = tpu.memref_squeeze %dma_wait3A_160 : memref<1x2x128xi32, #tpu.memory_space<hbm>> -> memref<2x128xi32, #tpu.memory_space<hbm>>
    %dma_wait3A_162 = arith.constant 0 : i32
    %dma_wait3A_163 = arith.constant 0 : i32
    %dma_wait3A_164 = tpu.memref_slice %arg6[%dma_wait3A_153, %dma_wait3A_162, %dma_wait3A_163] : memref<4x2x128xi32, #tpu.memory_space<vmem>> -> memref<1x2x128xi32, #tpu.memory_space<vmem>>
    %dma_wait3A_165 = tpu.memref_squeeze %dma_wait3A_164 : memref<1x2x128xi32, #tpu.memory_space<vmem>> -> memref<2x128xi32, #tpu.memory_space<vmem>>
    %dma_wait3A_166 = arith.constant 0 : i32
    %dma_wait3A_167 = arith.constant 0 : i32
    %dma_wait3A_168 = tpu.memref_slice %arg3[%dma_wait3A, %dma_wait3A_166, %dma_wait3A_167] : memref<2560x2x128xi32, #tpu.memory_space<hbm>> -> memref<1x2x128xi32, #tpu.memory_space<hbm>>
    %dma_wait3A_169 = tpu.memref_squeeze %dma_wait3A_168 : memref<1x2x128xi32, #tpu.memory_space<hbm>> -> memref<2x128xi32, #tpu.memory_space<hbm>>
    tpu.wait_dma2 semaphore(%arg9 : memref<!tpu.dma_semaphore, #tpu.memory_space<semaphore_mem>>) src(%dma_wait3A_169 : memref<2x128xi32, #tpu.memory_space<hbm>>) dst(%dma_wait3A_165 : memref<2x128xi32, #tpu.memory_space<vmem>>)
    %dma_start3A_170 = arith.constant 0 : i32
    %dma_start3A_171 = arith.constant 0 : i32
    %dma_start3A_172 = arith.constant 0 : i32
    %dma_start3A_173 = arith.constant 0 : i32
    %dma_start3A_174 = arith.constant 0 : i32
    %dma_start3A_175 = tpu.memref_slice %arg7[%dma_start3A_172, %dma_start3A_173, %dma_start3A_174] : memref<2x128x128xf32, #tpu.memory_space<vmem>> -> memref<1x128x128xf32, #tpu.memory_space<vmem>>
    %dma_start3A_176 = tpu.memref_squeeze %dma_start3A_175 : memref<1x128x128xf32, #tpu.memory_space<vmem>> -> memref<128x128xf32, #tpu.memory_space<vmem>>
    %dma_start3A_177 = arith.constant 0 : i32
    %dma_start3A_178 = arith.constant 0 : i32
    %dma_start3A_179 = tpu.memref_slice %arg6[%dma_start3A_170, %dma_start3A_177, %dma_start3A_178] : memref<4x2x128xi32, #tpu.memory_space<vmem>> -> memref<1x2x128xi32, #tpu.memory_space<vmem>>
    %dma_start3A_180 = tpu.memref_squeeze %dma_start3A_179 : memref<1x2x128xi32, #tpu.memory_space<vmem>> -> memref<2x128xi32, #tpu.memory_space<vmem>>
    %dma_start3A_181 = arith.constant 0 : i32
    %dma_start3A_182 = tpu.memref_slice %dma_start3A_180[%dma_start3A_171, %dma_start3A_181] : memref<2x128xi32, #tpu.memory_space<vmem>> -> memref<1x128xi32, #tpu.memory_space<vmem>>
    %dma_start3A_183 = tpu.memref_squeeze %dma_start3A_182 : memref<1x128xi32, #tpu.memory_space<vmem>> -> memref<128xi32, #tpu.memory_space<vmem>>
    %dma_start3A_184 = arith.constant 0 : i32
    %dma_start3A_185 = arith.constant 0 : i32
    %dma_start3A_186 = tpu.memref_slice %arg2[%dma_start3A_184, %dma_start3A_185] : memref<10240x128xf32, #tpu.memory_space<hbm>> -> memref<10240x128xf32, #tpu.memory_space<hbm>>
    tpu.enqueue_indirect_dma source(%dma_start3A_186 : memref<10240x128xf32, #tpu.memory_space<hbm>>) target(%dma_start3A_176 : memref<128x128xf32, #tpu.memory_space<vmem>>) offsets(%dma_start3A_183 : memref<128xi32, #tpu.memory_space<vmem>>) semaphore(%arg13 : memref<!tpu.dma_semaphore, #tpu.memory_space<semaphore_mem>>)
    %dma_wait3A_187 = arith.constant 1 : i32
    %dma_wait3A_188 = arith.constant 0 : i32
    %dma_wait3A_189 = arith.constant 0 : i32
    %dma_wait3A_190 = tpu.memref_slice %arg7[%dma_wait3A_187, %dma_wait3A_188, %dma_wait3A_189] : memref<2x128x128xf32, #tpu.memory_space<vmem>> -> memref<1x128x128xf32, #tpu.memory_space<vmem>>
    %dma_wait3A_191 = tpu.memref_squeeze %dma_wait3A_190 : memref<1x128x128xf32, #tpu.memory_space<vmem>> -> memref<128x128xf32, #tpu.memory_space<vmem>>
    %dma_wait3A_192 = arith.constant 0 : i32
    %dma_wait3A_193 = arith.constant 0 : i32
    %dma_wait3A_194 = tpu.memref_slice %dma_wait3A_191[%dma_wait3A_192, %dma_wait3A_193] : memref<128x128xf32, #tpu.memory_space<vmem>> -> memref<128x128xf32, #tpu.memory_space<vmem>>
    %dma_wait3A_195 = arith.constant 0 : i32
    %dma_wait3A_196 = arith.constant 0 : i32
    %dma_wait3A_197 = tpu.memref_slice %arg8[%dma_wait3A_195, %dma_wait3A_196] : memref<10240x128xf32, #tpu.memory_space<vmem_shared>> -> memref<128x128xf32, #tpu.memory_space<vmem_shared>>
    %dma_wait3A_198 = arith.constant 0 : i32
    %dma_wait3A_199 = arith.constant 0 : i32
    %dma_wait3A_200 = tpu.memref_slice %arg8[%dma_wait3A_198, %dma_wait3A_199] : memref<10240x128xf32, #tpu.memory_space<vmem_shared>> -> memref<128x128xf32, #tpu.memory_space<vmem_shared>>
    %dma_wait3A_201 = arith.constant 0 : i32
    %dma_wait3A_202 = arith.constant 0 : i32
    %dma_wait3A_203 = tpu.memref_slice %arg7[%dma_wait3A_187, %dma_wait3A_201, %dma_wait3A_202] : memref<2x128x128xf32, #tpu.memory_space<vmem>> -> memref<1x128x128xf32, #tpu.memory_space<vmem>>
    %dma_wait3A_204 = tpu.memref_squeeze %dma_wait3A_203 : memref<1x128x128xf32, #tpu.memory_space<vmem>> -> memref<128x128xf32, #tpu.memory_space<vmem>>
    %dma_wait3A_205 = arith.constant 0 : i32
    %dma_wait3A_206 = arith.constant 0 : i32
    %dma_wait3A_207 = tpu.memref_slice %dma_wait3A_204[%dma_wait3A_205, %dma_wait3A_206] : memref<128x128xf32, #tpu.memory_space<vmem>> -> memref<128x128xf32, #tpu.memory_space<vmem>>
    tpu.wait_dma2 semaphore(%arg15 : memref<!tpu.dma_semaphore, #tpu.memory_space<semaphore_mem>>) src(%dma_wait3A_207 : memref<128x128xf32, #tpu.memory_space<vmem>>) dst(%dma_wait3A_200 : memref<128x128xf32, #tpu.memory_space<vmem_shared>>)
    %dma_wait3A_208 = arith.constant 1 : i32
    %dma_wait3A_209 = arith.constant 0 : i32
    %dma_wait3A_210 = arith.constant 0 : i32
    %dma_wait3A_211 = tpu.memref_slice %arg7[%dma_wait3A_208, %dma_wait3A_209, %dma_wait3A_210] : memref<2x128x128xf32, #tpu.memory_space<vmem>> -> memref<1x128x128xf32, #tpu.memory_space<vmem>>
    %dma_wait3A_212 = tpu.memref_squeeze %dma_wait3A_211 : memref<1x128x128xf32, #tpu.memory_space<vmem>> -> memref<128x128xf32, #tpu.memory_space<vmem>>
    %dma_wait3A_213 = arith.constant 0 : i32
    %dma_wait3A_214 = arith.constant 0 : i32
    %dma_wait3A_215 = tpu.memref_slice %dma_wait3A_212[%dma_wait3A_213, %dma_wait3A_214] : memref<128x128xf32, #tpu.memory_space<vmem>> -> memref<128x128xf32, #tpu.memory_space<vmem>>
    %dma_wait3A_216 = arith.constant 0 : i32
    %dma_wait3A_217 = arith.constant 0 : i32
    %dma_wait3A_218 = tpu.memref_slice %arg8[%dma_wait3A_216, %dma_wait3A_217] : memref<10240x128xf32, #tpu.memory_space<vmem_shared>> -> memref<128x128xf32, #tpu.memory_space<vmem_shared>>
    %dma_wait3A_219 = arith.constant 0 : i32
    %dma_wait3A_220 = arith.constant 0 : i32
    %dma_wait3A_221 = tpu.memref_slice %arg8[%dma_wait3A_219, %dma_wait3A_220] : memref<10240x128xf32, #tpu.memory_space<vmem_shared>> -> memref<128x128xf32, #tpu.memory_space<vmem_shared>>
    %dma_wait3A_222 = arith.constant 0 : i32
    %dma_wait3A_223 = arith.constant 0 : i32
    %dma_wait3A_224 = tpu.memref_slice %arg7[%dma_wait3A_208, %dma_wait3A_222, %dma_wait3A_223] : memref<2x128x128xf32, #tpu.memory_space<vmem>> -> memref<1x128x128xf32, #tpu.memory_space<vmem>>
    %dma_wait3A_225 = tpu.memref_squeeze %dma_wait3A_224 : memref<1x128x128xf32, #tpu.memory_space<vmem>> -> memref<128x128xf32, #tpu.memory_space<vmem>>
    %dma_wait3A_226 = arith.constant 0 : i32
    %dma_wait3A_227 = arith.constant 0 : i32
    %dma_wait3A_228 = tpu.memref_slice %dma_wait3A_225[%dma_wait3A_226, %dma_wait3A_227] : memref<128x128xf32, #tpu.memory_space<vmem>> -> memref<128x128xf32, #tpu.memory_space<vmem>>
    tpu.wait_dma2 semaphore(%arg15 : memref<!tpu.dma_semaphore, #tpu.memory_space<semaphore_mem>>) src(%dma_wait3A_228 : memref<128x128xf32, #tpu.memory_space<vmem>>) dst(%dma_wait3A_221 : memref<128x128xf32, #tpu.memory_space<vmem_shared>>)
    %dma_wait3A_229 = arith.constant 1 : i32
    %dma_wait3A_230 = arith.constant 0 : i32
    %dma_wait3A_231 = arith.constant 0 : i32
    %dma_wait3A_232 = tpu.memref_slice %arg7[%dma_wait3A_229, %dma_wait3A_230, %dma_wait3A_231] : memref<2x128x128xf32, #tpu.memory_space<vmem>> -> memref<1x128x128xf32, #tpu.memory_space<vmem>>
    %dma_wait3A_233 = tpu.memref_squeeze %dma_wait3A_232 : memref<1x128x128xf32, #tpu.memory_space<vmem>> -> memref<128x128xf32, #tpu.memory_space<vmem>>
    %dma_wait3A_234 = arith.constant 0 : i32
    %dma_wait3A_235 = arith.constant 0 : i32
    %dma_wait3A_236 = tpu.memref_slice %dma_wait3A_233[%dma_wait3A_234, %dma_wait3A_235] : memref<128x128xf32, #tpu.memory_space<vmem>> -> memref<128x128xf32, #tpu.memory_space<vmem>>
    %dma_wait3A_237 = arith.constant 0 : i32
    %dma_wait3A_238 = arith.constant 0 : i32
    %dma_wait3A_239 = tpu.memref_slice %arg8[%dma_wait3A_237, %dma_wait3A_238] : memref<10240x128xf32, #tpu.memory_space<vmem_shared>> -> memref<128x128xf32, #tpu.memory_space<vmem_shared>>
    %dma_wait3A_240 = arith.constant 0 : i32
    %dma_wait3A_241 = arith.constant 0 : i32
    %dma_wait3A_242 = tpu.memref_slice %arg8[%dma_wait3A_240, %dma_wait3A_241] : memref<10240x128xf32, #tpu.memory_space<vmem_shared>> -> memref<128x128xf32, #tpu.memory_space<vmem_shared>>
    %dma_wait3A_243 = arith.constant 0 : i32
    %dma_wait3A_244 = arith.constant 0 : i32
    %dma_wait3A_245 = tpu.memref_slice %arg7[%dma_wait3A_229, %dma_wait3A_243, %dma_wait3A_244] : memref<2x128x128xf32, #tpu.memory_space<vmem>> -> memref<1x128x128xf32, #tpu.memory_space<vmem>>
    %dma_wait3A_246 = tpu.memref_squeeze %dma_wait3A_245 : memref<1x128x128xf32, #tpu.memory_space<vmem>> -> memref<128x128xf32, #tpu.memory_space<vmem>>
    %dma_wait3A_247 = arith.constant 0 : i32
    %dma_wait3A_248 = arith.constant 0 : i32
    %dma_wait3A_249 = tpu.memref_slice %dma_wait3A_246[%dma_wait3A_247, %dma_wait3A_248] : memref<128x128xf32, #tpu.memory_space<vmem>> -> memref<128x128xf32, #tpu.memory_space<vmem>>
    tpu.wait_dma2 semaphore(%arg15 : memref<!tpu.dma_semaphore, #tpu.memory_space<semaphore_mem>>) src(%dma_wait3A_249 : memref<128x128xf32, #tpu.memory_space<vmem>>) dst(%dma_wait3A_242 : memref<128x128xf32, #tpu.memory_space<vmem_shared>>)
    %dma_wait3A_250 = arith.constant 1 : i32
    %dma_wait3A_251 = arith.constant 0 : i32
    %dma_wait3A_252 = arith.constant 0 : i32
    %dma_wait3A_253 = tpu.memref_slice %arg7[%dma_wait3A_250, %dma_wait3A_251, %dma_wait3A_252] : memref<2x128x128xf32, #tpu.memory_space<vmem>> -> memref<1x128x128xf32, #tpu.memory_space<vmem>>
    %dma_wait3A_254 = tpu.memref_squeeze %dma_wait3A_253 : memref<1x128x128xf32, #tpu.memory_space<vmem>> -> memref<128x128xf32, #tpu.memory_space<vmem>>
    %dma_wait3A_255 = arith.constant 0 : i32
    %dma_wait3A_256 = arith.constant 0 : i32
    %dma_wait3A_257 = tpu.memref_slice %dma_wait3A_254[%dma_wait3A_255, %dma_wait3A_256] : memref<128x128xf32, #tpu.memory_space<vmem>> -> memref<128x128xf32, #tpu.memory_space<vmem>>
    %dma_wait3A_258 = arith.constant 0 : i32
    %dma_wait3A_259 = arith.constant 0 : i32
    %dma_wait3A_260 = tpu.memref_slice %arg8[%dma_wait3A_258, %dma_wait3A_259] : memref<10240x128xf32, #tpu.memory_space<vmem_shared>> -> memref<128x128xf32, #tpu.memory_space<vmem_shared>>
    %dma_wait3A_261 = arith.constant 0 : i32
    %dma_wait3A_262 = arith.constant 0 : i32
    %dma_wait3A_263 = tpu.memref_slice %arg8[%dma_wait3A_261, %dma_wait3A_262] : memref<10240x128xf32, #tpu.memory_space<vmem_shared>> -> memref<128x128xf32, #tpu.memory_space<vmem_shared>>
    %dma_wait3A_264 = arith.constant 0 : i32
    %dma_wait3A_265 = arith.constant 0 : i32
    %dma_wait3A_266 = tpu.memref_slice %arg7[%dma_wait3A_250, %dma_wait3A_264, %dma_wait3A_265] : memref<2x128x128xf32, #tpu.memory_space<vmem>> -> memref<1x128x128xf32, #tpu.memory_space<vmem>>
    %dma_wait3A_267 = tpu.memref_squeeze %dma_wait3A_266 : memref<1x128x128xf32, #tpu.memory_space<vmem>> -> memref<128x128xf32, #tpu.memory_space<vmem>>
    %dma_wait3A_268 = arith.constant 0 : i32
    %dma_wait3A_269 = arith.constant 0 : i32
    %dma_wait3A_270 = tpu.memref_slice %dma_wait3A_267[%dma_wait3A_268, %dma_wait3A_269] : memref<128x128xf32, #tpu.memory_space<vmem>> -> memref<128x128xf32, #tpu.memory_space<vmem>>
    tpu.wait_dma2 semaphore(%arg15 : memref<!tpu.dma_semaphore, #tpu.memory_space<semaphore_mem>>) src(%dma_wait3A_270 : memref<128x128xf32, #tpu.memory_space<vmem>>) dst(%dma_wait3A_263 : memref<128x128xf32, #tpu.memory_space<vmem_shared>>)
    %dma_wait3A_271 = arith.constant 1 : i32
    %dma_wait3A_272 = arith.constant 0 : i32
    %dma_wait3A_273 = arith.constant 0 : i32
    %dma_wait3A_274 = tpu.memref_slice %arg7[%dma_wait3A_271, %dma_wait3A_272, %dma_wait3A_273] : memref<2x128x128xf32, #tpu.memory_space<vmem>> -> memref<1x128x128xf32, #tpu.memory_space<vmem>>
    %dma_wait3A_275 = tpu.memref_squeeze %dma_wait3A_274 : memref<1x128x128xf32, #tpu.memory_space<vmem>> -> memref<128x128xf32, #tpu.memory_space<vmem>>
    %dma_wait3A_276 = arith.constant 0 : i32
    %dma_wait3A_277 = arith.constant 0 : i32
    %dma_wait3A_278 = tpu.memref_slice %dma_wait3A_275[%dma_wait3A_276, %dma_wait3A_277] : memref<128x128xf32, #tpu.memory_space<vmem>> -> memref<128x128xf32, #tpu.memory_space<vmem>>
    %dma_wait3A_279 = arith.constant 0 : i32
    %dma_wait3A_280 = arith.constant 0 : i32
    %dma_wait3A_281 = tpu.memref_slice %arg8[%dma_wait3A_279, %dma_wait3A_280] : memref<10240x128xf32, #tpu.memory_space<vmem_shared>> -> memref<128x128xf32, #tpu.memory_space<vmem_shared>>
    %dma_wait3A_282 = arith.constant 0 : i32
    %dma_wait3A_283 = arith.constant 0 : i32
    %dma_wait3A_284 = tpu.memref_slice %arg8[%dma_wait3A_282, %dma_wait3A_283] : memref<10240x128xf32, #tpu.memory_space<vmem_shared>> -> memref<128x128xf32, #tpu.memory_space<vmem_shared>>
    %dma_wait3A_285 = arith.constant 0 : i32
    %dma_wait3A_286 = arith.constant 0 : i32
    %dma_wait3A_287 = tpu.memref_slice %arg7[%dma_wait3A_271, %dma_wait3A_285, %dma_wait3A_286] : memref<2x128x128xf32, #tpu.memory_space<vmem>> -> memref<1x128x128xf32, #tpu.memory_space<vmem>>
    %dma_wait3A_288 = tpu.memref_squeeze %dma_wait3A_287 : memref<1x128x128xf32, #tpu.memory_space<vmem>> -> memref<128x128xf32, #tpu.memory_space<vmem>>
    %dma_wait3A_289 = arith.constant 0 : i32
    %dma_wait3A_290 = arith.constant 0 : i32
    %dma_wait3A_291 = tpu.memref_slice %dma_wait3A_288[%dma_wait3A_289, %dma_wait3A_290] : memref<128x128xf32, #tpu.memory_space<vmem>> -> memref<128x128xf32, #tpu.memory_space<vmem>>
    tpu.wait_dma2 semaphore(%arg15 : memref<!tpu.dma_semaphore, #tpu.memory_space<semaphore_mem>>) src(%dma_wait3A_291 : memref<128x128xf32, #tpu.memory_space<vmem>>) dst(%dma_wait3A_284 : memref<128x128xf32, #tpu.memory_space<vmem_shared>>)
    %barrier3A = arith.constant 0 : index
    tpu.barrier barrier_id(%barrier3A)
    %scan3A = arith.constant 0 : i32
    %scan3A_292 = arith.constant 0 : i32
    %scan3A_293 = arith.constant 20 : i32
    %scan3A_294 = arith.addi %scan3A_292, %scan3A_293 : i32
    %scan3A_295 = arith.constant 1 : i32
    %scan3A_296 = scf.for %scan3A_303 = %scan3A_292 to %scan3A_294 step %scan3A_295 iter_args(%scan3A_304 = %scan3A) -> (i32)  : i32 {
      %mul3A_305 = arith.constant 4 : i32
      %mul3A_306 = arith.muli %mul3A_305, %scan3A_303 : i32
      %add3A_307 = arith.constant 1 : i32
      %add3A_308 = arith.addi %mul3A_306, %add3A_307 : i32
      %lt3A = arith.constant 80 : i32
      %lt3A_309 = arith.cmpi slt, %add3A_308, %lt3A : i32
      %convert_element_type3A = arith.extui %lt3A_309 : i1 to i32
      %cond3A = arith.constant 0 : i32
      %cond3A_310 = arith.cmpi ne, %convert_element_type3A, %cond3A : i32
      scf.if %cond3A_310 {
        %dma_wait3A_439 = arith.constant 0 : i32
        %dma_wait3A_440 = arith.constant 1 : i32
        %dma_wait3A_441 = arith.constant 0 : i32
        %dma_wait3A_442 = arith.constant 0 : i32
        %dma_wait3A_443 = tpu.memref_slice %arg6[%dma_wait3A_440, %dma_wait3A_441, %dma_wait3A_442] : memref<4x2x128xi32, #tpu.memory_space<vmem>> -> memref<1x2x128xi32, #tpu.memory_space<vmem>>
        %dma_wait3A_444 = tpu.memref_squeeze %dma_wait3A_443 : memref<1x2x128xi32, #tpu.memory_space<vmem>> -> memref<2x128xi32, #tpu.memory_space<vmem>>
        %dma_wait3A_445 = arith.constant 0 : i32
        %dma_wait3A_446 = arith.constant 0 : i32
        %dma_wait3A_447 = tpu.memref_slice %arg3[%dma_wait3A_439, %dma_wait3A_445, %dma_wait3A_446] : memref<2560x2x128xi32, #tpu.memory_space<hbm>> -> memref<1x2x128xi32, #tpu.memory_space<hbm>>
        %dma_wait3A_448 = tpu.memref_squeeze %dma_wait3A_447 : memref<1x2x128xi32, #tpu.memory_space<hbm>> -> memref<2x128xi32, #tpu.memory_space<hbm>>
        %dma_wait3A_449 = arith.constant 0 : i32
        %dma_wait3A_450 = arith.constant 0 : i32
        %dma_wait3A_451 = tpu.memref_slice %arg6[%dma_wait3A_440, %dma_wait3A_449, %dma_wait3A_450] : memref<4x2x128xi32, #tpu.memory_space<vmem>> -> memref<1x2x128xi32, #tpu.memory_space<vmem>>
        %dma_wait3A_452 = tpu.memref_squeeze %dma_wait3A_451 : memref<1x2x128xi32, #tpu.memory_space<vmem>> -> memref<2x128xi32, #tpu.memory_space<vmem>>
        %dma_wait3A_453 = arith.constant 0 : i32
        %dma_wait3A_454 = arith.constant 0 : i32
        %dma_wait3A_455 = tpu.memref_slice %arg3[%dma_wait3A_439, %dma_wait3A_453, %dma_wait3A_454] : memref<2560x2x128xi32, #tpu.memory_space<hbm>> -> memref<1x2x128xi32, #tpu.memory_space<hbm>>
        %dma_wait3A_456 = tpu.memref_squeeze %dma_wait3A_455 : memref<1x2x128xi32, #tpu.memory_space<hbm>> -> memref<2x128xi32, #tpu.memory_space<hbm>>
        tpu.wait_dma2 semaphore(%arg10 : memref<!tpu.dma_semaphore, #tpu.memory_space<semaphore_mem>>) src(%dma_wait3A_456 : memref<2x128xi32, #tpu.memory_space<hbm>>) dst(%dma_wait3A_452 : memref<2x128xi32, #tpu.memory_space<vmem>>)
        %dma_start3A_457 = arith.constant 1 : i32
        %dma_start3A_458 = arith.constant 0 : i32
        %dma_start3A_459 = arith.constant 1 : i32
        %dma_start3A_460 = arith.constant 0 : i32
        %dma_start3A_461 = arith.constant 0 : i32
        %dma_start3A_462 = tpu.memref_slice %arg7[%dma_start3A_459, %dma_start3A_460, %dma_start3A_461] : memref<2x128x128xf32, #tpu.memory_space<vmem>> -> memref<1x128x128xf32, #tpu.memory_space<vmem>>
        %dma_start3A_463 = tpu.memref_squeeze %dma_start3A_462 : memref<1x128x128xf32, #tpu.memory_space<vmem>> -> memref<128x128xf32, #tpu.memory_space<vmem>>
        %dma_start3A_464 = arith.constant 0 : i32
        %dma_start3A_465 = arith.constant 0 : i32
        %dma_start3A_466 = tpu.memref_slice %arg6[%dma_start3A_457, %dma_start3A_464, %dma_start3A_465] : memref<4x2x128xi32, #tpu.memory_space<vmem>> -> memref<1x2x128xi32, #tpu.memory_space<vmem>>
        %dma_start3A_467 = tpu.memref_squeeze %dma_start3A_466 : memref<1x2x128xi32, #tpu.memory_space<vmem>> -> memref<2x128xi32, #tpu.memory_space<vmem>>
        %dma_start3A_468 = arith.constant 0 : i32
        %dma_start3A_469 = tpu.memref_slice %dma_start3A_467[%dma_start3A_458, %dma_start3A_468] : memref<2x128xi32, #tpu.memory_space<vmem>> -> memref<1x128xi32, #tpu.memory_space<vmem>>
        %dma_start3A_470 = tpu.memref_squeeze %dma_start3A_469 : memref<1x128xi32, #tpu.memory_space<vmem>> -> memref<128xi32, #tpu.memory_space<vmem>>
        %dma_start3A_471 = arith.constant 0 : i32
        %dma_start3A_472 = arith.constant 0 : i32
        %dma_start3A_473 = tpu.memref_slice %arg2[%dma_start3A_471, %dma_start3A_472] : memref<10240x128xf32, #tpu.memory_space<hbm>> -> memref<10240x128xf32, #tpu.memory_space<hbm>>
        tpu.enqueue_indirect_dma source(%dma_start3A_473 : memref<10240x128xf32, #tpu.memory_space<hbm>>) target(%dma_start3A_463 : memref<128x128xf32, #tpu.memory_space<vmem>>) offsets(%dma_start3A_470 : memref<128xi32, #tpu.memory_space<vmem>>) semaphore(%arg14 : memref<!tpu.dma_semaphore, #tpu.memory_space<semaphore_mem>>)
      } else {
      }
      %dma_wait3A_311 = arith.constant 0 : i32
      %dma_wait3A_312 = arith.constant 0 : i32
      %dma_wait3A_313 = arith.constant 0 : i32
      %dma_wait3A_314 = tpu.memref_slice %arg7[%dma_wait3A_311, %dma_wait3A_312, %dma_wait3A_313] : memref<2x128x128xf32, #tpu.memory_space<vmem>> -> memref<1x128x128xf32, #tpu.memory_space<vmem>>
      %dma_wait3A_315 = tpu.memref_squeeze %dma_wait3A_314 : memref<1x128x128xf32, #tpu.memory_space<vmem>> -> memref<128x128xf32, #tpu.memory_space<vmem>>
      %dma_wait3A_316 = arith.constant 0 : i32
      %dma_wait3A_317 = arith.constant 0 : i32
      %dma_wait3A_318 = tpu.memref_slice %arg2[%dma_wait3A_316, %dma_wait3A_317] : memref<10240x128xf32, #tpu.memory_space<hbm>> -> memref<128x128xf32, #tpu.memory_space<hbm>>
      %dma_wait3A_319 = arith.constant 0 : i32
      %dma_wait3A_320 = arith.constant 0 : i32
      %dma_wait3A_321 = tpu.memref_slice %arg7[%dma_wait3A_311, %dma_wait3A_319, %dma_wait3A_320] : memref<2x128x128xf32, #tpu.memory_space<vmem>> -> memref<1x128x128xf32, #tpu.memory_space<vmem>>
      %dma_wait3A_322 = tpu.memref_squeeze %dma_wait3A_321 : memref<1x128x128xf32, #tpu.memory_space<vmem>> -> memref<128x128xf32, #tpu.memory_space<vmem>>
      %dma_wait3A_323 = arith.constant 0 : i32
      %dma_wait3A_324 = arith.constant 0 : i32
      %dma_wait3A_325 = tpu.memref_slice %arg2[%dma_wait3A_323, %dma_wait3A_324] : memref<10240x128xf32, #tpu.memory_space<hbm>> -> memref<128x128xf32, #tpu.memory_space<hbm>>
      tpu.wait_dma2 semaphore(%arg13 : memref<!tpu.dma_semaphore, #tpu.memory_space<semaphore_mem>>) src(%dma_wait3A_325 : memref<128x128xf32, #tpu.memory_space<hbm>>) dst(%dma_wait3A_322 : memref<128x128xf32, #tpu.memory_space<vmem>>)
      %run_scoped3A_326 = arith.constant 0 : i32
      %run_scoped3A_327 = arith.constant 0 : i32
      %run_scoped3A_328 = arith.constant 1 : i32
      "tpu.region"() ({
        %run_scoped3A_439 = tpu.sem_alloc : memref<!tpu.dma_semaphore, #tpu.memory_space<semaphore_mem>>
        %dma_start3A_440 = arith.constant 0 : i32
        %dma_start3A_441 = arith.constant 0 : i32
        %dma_start3A_442 = tpu.memref_slice %arg7[%run_scoped3A_326, %dma_start3A_440, %dma_start3A_441] : memref<2x128x128xf32, #tpu.memory_space<vmem>> -> memref<1x128x128xf32, #tpu.memory_space<vmem>>
        %dma_start3A_443 = tpu.memref_squeeze %dma_start3A_442 : memref<1x128x128xf32, #tpu.memory_space<vmem>> -> memref<128x128xf32, #tpu.memory_space<vmem>>
        %dma_start3A_444 = arith.constant 0 : i32
        %dma_start3A_445 = arith.constant 0 : i32
        %dma_start3A_446 = tpu.memref_slice %arg6[%run_scoped3A_327, %dma_start3A_444, %dma_start3A_445] : memref<4x2x128xi32, #tpu.memory_space<vmem>> -> memref<1x2x128xi32, #tpu.memory_space<vmem>>
        %dma_start3A_447 = tpu.memref_squeeze %dma_start3A_446 : memref<1x2x128xi32, #tpu.memory_space<vmem>> -> memref<2x128xi32, #tpu.memory_space<vmem>>
        %dma_start3A_448 = arith.constant 0 : i32
        %dma_start3A_449 = tpu.memref_slice %dma_start3A_447[%run_scoped3A_328, %dma_start3A_448] : memref<2x128xi32, #tpu.memory_space<vmem>> -> memref<1x128xi32, #tpu.memory_space<vmem>>
        %dma_start3A_450 = tpu.memref_squeeze %dma_start3A_449 : memref<1x128xi32, #tpu.memory_space<vmem>> -> memref<128xi32, #tpu.memory_space<vmem>>
        %dma_start3A_451 = arith.constant 0 : i32
        %dma_start3A_452 = arith.constant 0 : i32
        %dma_start3A_453 = tpu.memref_slice %arg8[%dma_start3A_451, %dma_start3A_452] : memref<10240x128xf32, #tpu.memory_space<vmem_shared>> -> memref<10240x128xf32, #tpu.memory_space<vmem_shared>>
        tpu.enqueue_indirect_dma source(%dma_start3A_443 : memref<128x128xf32, #tpu.memory_space<vmem>>) target(%dma_start3A_453 : memref<10240x128xf32, #tpu.memory_space<vmem_shared>>) offsets(%dma_start3A_450 : memref<128xi32, #tpu.memory_space<vmem>>) semaphore(%run_scoped3A_439 : memref<!tpu.dma_semaphore, #tpu.memory_space<semaphore_mem>>) {add = true}
        %dma_wait3A_454 = arith.constant 0 : i32
        %dma_wait3A_455 = arith.constant 0 : i32
        %dma_wait3A_456 = tpu.memref_slice %arg7[%run_scoped3A_326, %dma_wait3A_454, %dma_wait3A_455] : memref<2x128x128xf32, #tpu.memory_space<vmem>> -> memref<1x128x128xf32, #tpu.memory_space<vmem>>
        %dma_wait3A_457 = tpu.memref_squeeze %dma_wait3A_456 : memref<1x128x128xf32, #tpu.memory_space<vmem>> -> memref<128x128xf32, #tpu.memory_space<vmem>>
        %dma_wait3A_458 = arith.constant 0 : i32
        %dma_wait3A_459 = arith.constant 0 : i32
        %dma_wait3A_460 = tpu.memref_slice %arg6[%run_scoped3A_327, %dma_wait3A_458, %dma_wait3A_459] : memref<4x2x128xi32, #tpu.memory_space<vmem>> -> memref<1x2x128xi32, #tpu.memory_space<vmem>>
        %dma_wait3A_461 = tpu.memref_squeeze %dma_wait3A_460 : memref<1x2x128xi32, #tpu.memory_space<vmem>> -> memref<2x128xi32, #tpu.memory_space<vmem>>
        %dma_wait3A_462 = arith.constant 0 : i32
        %dma_wait3A_463 = tpu.memref_slice %dma_wait3A_461[%run_scoped3A_328, %dma_wait3A_462] : memref<2x128xi32, #tpu.memory_space<vmem>> -> memref<1x128xi32, #tpu.memory_space<vmem>>
        %dma_wait3A_464 = tpu.memref_squeeze %dma_wait3A_463 : memref<1x128xi32, #tpu.memory_space<vmem>> -> memref<128xi32, #tpu.memory_space<vmem>>
        %dma_wait3A_465 = arith.constant 0 : i32
        %dma_wait3A_466 = arith.constant 0 : i32
        %dma_wait3A_467 = tpu.memref_slice %arg8[%dma_wait3A_465, %dma_wait3A_466] : memref<10240x128xf32, #tpu.memory_space<vmem_shared>> -> memref<10240x128xf32, #tpu.memory_space<vmem_shared>>
        tpu.wait_indirect_dma semaphore(%run_scoped3A_439 : memref<!tpu.dma_semaphore, #tpu.memory_space<semaphore_mem>>) src(%dma_wait3A_457 : memref<128x128xf32, #tpu.memory_space<vmem>>) dst(%dma_wait3A_467 : memref<10240x128xf32, #tpu.memory_space<vmem_shared>>)
        tpu.yield
      }) : () -> ()
      %add3A_329 = arith.constant 2 : i32
      %add3A_330 = arith.addi %mul3A_306, %add3A_329 : i32
      %lt3A_331 = arith.constant 80 : i32
      %lt3A_332 = arith.cmpi slt, %add3A_330, %lt3A_331 : i32
      %convert_element_type3A_333 = arith.extui %lt3A_332 : i1 to i32
      %cond3A_334 = arith.constant 0 : i32
      %cond3A_335 = arith.cmpi ne, %convert_element_type3A_333, %cond3A_334 : i32
      scf.if %cond3A_335 {
        %add3A_439 = arith.addi %mul3A_2, %mul3A_306 : i32
        %add3A_440 = arith.constant 2 : i32
        %add3A_441 = arith.addi %add3A_439, %add3A_440 : i32
        %dma_start3A_442 = arith.constant 2 : i32
        %dma_start3A_443 = arith.constant 0 : i32
        %dma_start3A_444 = arith.constant 0 : i32
        %dma_start3A_445 = tpu.memref_slice %arg6[%dma_start3A_442, %dma_start3A_443, %dma_start3A_444] : memref<4x2x128xi32, #tpu.memory_space<vmem>> -> memref<1x2x128xi32, #tpu.memory_space<vmem>>
        %dma_start3A_446 = tpu.memref_squeeze %dma_start3A_445 : memref<1x2x128xi32, #tpu.memory_space<vmem>> -> memref<2x128xi32, #tpu.memory_space<vmem>>
        %dma_start3A_447 = arith.constant 0 : i32
        %dma_start3A_448 = arith.constant 0 : i32
        %dma_start3A_449 = tpu.memref_slice %arg3[%add3A_441, %dma_start3A_447, %dma_start3A_448] : memref<2560x2x128xi32, #tpu.memory_space<hbm>> -> memref<1x2x128xi32, #tpu.memory_space<hbm>>
        %dma_start3A_450 = tpu.memref_squeeze %dma_start3A_449 : memref<1x2x128xi32, #tpu.memory_space<hbm>> -> memref<2x128xi32, #tpu.memory_space<hbm>>
        %dma_start3A_451 = arith.constant 0 : i32
        %dma_start3A_452 = arith.constant 0 : i32
        %dma_start3A_453 = tpu.memref_slice %arg6[%dma_start3A_442, %dma_start3A_451, %dma_start3A_452] : memref<4x2x128xi32, #tpu.memory_space<vmem>> -> memref<1x2x128xi32, #tpu.memory_space<vmem>>
        %dma_start3A_454 = tpu.memref_squeeze %dma_start3A_453 : memref<1x2x128xi32, #tpu.memory_space<vmem>> -> memref<2x128xi32, #tpu.memory_space<vmem>>
        %dma_start3A_455 = arith.constant 0 : i32
        %dma_start3A_456 = arith.constant 0 : i32
        %dma_start3A_457 = tpu.memref_slice %arg3[%add3A_441, %dma_start3A_455, %dma_start3A_456] : memref<2560x2x128xi32, #tpu.memory_space<hbm>> -> memref<1x2x128xi32, #tpu.memory_space<hbm>>
        %dma_start3A_458 = tpu.memref_squeeze %dma_start3A_457 : memref<1x2x128xi32, #tpu.memory_space<hbm>> -> memref<2x128xi32, #tpu.memory_space<hbm>>
        tpu.enqueue_dma source(%dma_start3A_458 : memref<2x128xi32, #tpu.memory_space<hbm>>) target(%dma_start3A_454 : memref<2x128xi32, #tpu.memory_space<vmem>>) target_semaphore(%arg11 : memref<!tpu.dma_semaphore, #tpu.memory_space<semaphore_mem>>)
      } else {
      }
      %add3A_336 = arith.constant 1 : i32
      %add3A_337 = arith.addi %mul3A_306, %add3A_336 : i32
      %add3A_338 = arith.constant 1 : i32
      %add3A_339 = arith.addi %add3A_337, %add3A_338 : i32
      %lt3A_340 = arith.constant 80 : i32
      %lt3A_341 = arith.cmpi slt, %add3A_339, %lt3A_340 : i32
      %convert_element_type3A_342 = arith.extui %lt3A_341 : i1 to i32
      %cond3A_343 = arith.constant 0 : i32
      %cond3A_344 = arith.cmpi ne, %convert_element_type3A_342, %cond3A_343 : i32
      scf.if %cond3A_344 {
        %dma_wait3A_439 = arith.constant 0 : i32
        %dma_wait3A_440 = arith.constant 2 : i32
        %dma_wait3A_441 = arith.constant 0 : i32
        %dma_wait3A_442 = arith.constant 0 : i32
        %dma_wait3A_443 = tpu.memref_slice %arg6[%dma_wait3A_440, %dma_wait3A_441, %dma_wait3A_442] : memref<4x2x128xi32, #tpu.memory_space<vmem>> -> memref<1x2x128xi32, #tpu.memory_space<vmem>>
        %dma_wait3A_444 = tpu.memref_squeeze %dma_wait3A_443 : memref<1x2x128xi32, #tpu.memory_space<vmem>> -> memref<2x128xi32, #tpu.memory_space<vmem>>
        %dma_wait3A_445 = arith.constant 0 : i32
        %dma_wait3A_446 = arith.constant 0 : i32
        %dma_wait3A_447 = tpu.memref_slice %arg3[%dma_wait3A_439, %dma_wait3A_445, %dma_wait3A_446] : memref<2560x2x128xi32, #tpu.memory_space<hbm>> -> memref<1x2x128xi32, #tpu.memory_space<hbm>>
        %dma_wait3A_448 = tpu.memref_squeeze %dma_wait3A_447 : memref<1x2x128xi32, #tpu.memory_space<hbm>> -> memref<2x128xi32, #tpu.memory_space<hbm>>
        %dma_wait3A_449 = arith.constant 0 : i32
        %dma_wait3A_450 = arith.constant 0 : i32
        %dma_wait3A_451 = tpu.memref_slice %arg6[%dma_wait3A_440, %dma_wait3A_449, %dma_wait3A_450] : memref<4x2x128xi32, #tpu.memory_space<vmem>> -> memref<1x2x128xi32, #tpu.memory_space<vmem>>
        %dma_wait3A_452 = tpu.memref_squeeze %dma_wait3A_451 : memref<1x2x128xi32, #tpu.memory_space<vmem>> -> memref<2x128xi32, #tpu.memory_space<vmem>>
        %dma_wait3A_453 = arith.constant 0 : i32
        %dma_wait3A_454 = arith.constant 0 : i32
        %dma_wait3A_455 = tpu.memref_slice %arg3[%dma_wait3A_439, %dma_wait3A_453, %dma_wait3A_454] : memref<2560x2x128xi32, #tpu.memory_space<hbm>> -> memref<1x2x128xi32, #tpu.memory_space<hbm>>
        %dma_wait3A_456 = tpu.memref_squeeze %dma_wait3A_455 : memref<1x2x128xi32, #tpu.memory_space<hbm>> -> memref<2x128xi32, #tpu.memory_space<hbm>>
        tpu.wait_dma2 semaphore(%arg11 : memref<!tpu.dma_semaphore, #tpu.memory_space<semaphore_mem>>) src(%dma_wait3A_456 : memref<2x128xi32, #tpu.memory_space<hbm>>) dst(%dma_wait3A_452 : memref<2x128xi32, #tpu.memory_space<vmem>>)
        %dma_start3A_457 = arith.constant 2 : i32
        %dma_start3A_458 = arith.constant 0 : i32
        %dma_start3A_459 = arith.constant 0 : i32
        %dma_start3A_460 = arith.constant 0 : i32
        %dma_start3A_461 = arith.constant 0 : i32
        %dma_start3A_462 = tpu.memref_slice %arg7[%dma_start3A_459, %dma_start3A_460, %dma_start3A_461] : memref<2x128x128xf32, #tpu.memory_space<vmem>> -> memref<1x128x128xf32, #tpu.memory_space<vmem>>
        %dma_start3A_463 = tpu.memref_squeeze %dma_start3A_462 : memref<1x128x128xf32, #tpu.memory_space<vmem>> -> memref<128x128xf32, #tpu.memory_space<vmem>>
        %dma_start3A_464 = arith.constant 0 : i32
        %dma_start3A_465 = arith.constant 0 : i32
        %dma_start3A_466 = tpu.memref_slice %arg6[%dma_start3A_457, %dma_start3A_464, %dma_start3A_465] : memref<4x2x128xi32, #tpu.memory_space<vmem>> -> memref<1x2x128xi32, #tpu.memory_space<vmem>>
        %dma_start3A_467 = tpu.memref_squeeze %dma_start3A_466 : memref<1x2x128xi32, #tpu.memory_space<vmem>> -> memref<2x128xi32, #tpu.memory_space<vmem>>
        %dma_start3A_468 = arith.constant 0 : i32
        %dma_start3A_469 = tpu.memref_slice %dma_start3A_467[%dma_start3A_458, %dma_start3A_468] : memref<2x128xi32, #tpu.memory_space<vmem>> -> memref<1x128xi32, #tpu.memory_space<vmem>>
        %dma_start3A_470 = tpu.memref_squeeze %dma_start3A_469 : memref<1x128xi32, #tpu.memory_space<vmem>> -> memref<128xi32, #tpu.memory_space<vmem>>
        %dma_start3A_471 = arith.constant 0 : i32
        %dma_start3A_472 = arith.constant 0 : i32
        %dma_start3A_473 = tpu.memref_slice %arg2[%dma_start3A_471, %dma_start3A_472] : memref<10240x128xf32, #tpu.memory_space<hbm>> -> memref<10240x128xf32, #tpu.memory_space<hbm>>
        tpu.enqueue_indirect_dma source(%dma_start3A_473 : memref<10240x128xf32, #tpu.memory_space<hbm>>) target(%dma_start3A_463 : memref<128x128xf32, #tpu.memory_space<vmem>>) offsets(%dma_start3A_470 : memref<128xi32, #tpu.memory_space<vmem>>) semaphore(%arg13 : memref<!tpu.dma_semaphore, #tpu.memory_space<semaphore_mem>>)
      } else {
      }
      %dma_wait3A_345 = arith.constant 1 : i32
      %dma_wait3A_346 = arith.constant 0 : i32
      %dma_wait3A_347 = arith.constant 0 : i32
      %dma_wait3A_348 = tpu.memref_slice %arg7[%dma_wait3A_345, %dma_wait3A_346, %dma_wait3A_347] : memref<2x128x128xf32, #tpu.memory_space<vmem>> -> memref<1x128x128xf32, #tpu.memory_space<vmem>>
      %dma_wait3A_349 = tpu.memref_squeeze %dma_wait3A_348 : memref<1x128x128xf32, #tpu.memory_space<vmem>> -> memref<128x128xf32, #tpu.memory_space<vmem>>
      %dma_wait3A_350 = arith.constant 0 : i32
      %dma_wait3A_351 = arith.constant 0 : i32
      %dma_wait3A_352 = tpu.memref_slice %arg2[%dma_wait3A_350, %dma_wait3A_351] : memref<10240x128xf32, #tpu.memory_space<hbm>> -> memref<128x128xf32, #tpu.memory_space<hbm>>
      %dma_wait3A_353 = arith.constant 0 : i32
      %dma_wait3A_354 = arith.constant 0 : i32
      %dma_wait3A_355 = tpu.memref_slice %arg7[%dma_wait3A_345, %dma_wait3A_353, %dma_wait3A_354] : memref<2x128x128xf32, #tpu.memory_space<vmem>> -> memref<1x128x128xf32, #tpu.memory_space<vmem>>
      %dma_wait3A_356 = tpu.memref_squeeze %dma_wait3A_355 : memref<1x128x128xf32, #tpu.memory_space<vmem>> -> memref<128x128xf32, #tpu.memory_space<vmem>>
      %dma_wait3A_357 = arith.constant 0 : i32
      %dma_wait3A_358 = arith.constant 0 : i32
      %dma_wait3A_359 = tpu.memref_slice %arg2[%dma_wait3A_357, %dma_wait3A_358] : memref<10240x128xf32, #tpu.memory_space<hbm>> -> memref<128x128xf32, #tpu.memory_space<hbm>>
      tpu.wait_dma2 semaphore(%arg14 : memref<!tpu.dma_semaphore, #tpu.memory_space<semaphore_mem>>) src(%dma_wait3A_359 : memref<128x128xf32, #tpu.memory_space<hbm>>) dst(%dma_wait3A_356 : memref<128x128xf32, #tpu.memory_space<vmem>>)
      %run_scoped3A_360 = arith.constant 1 : i32
      %run_scoped3A_361 = arith.constant 1 : i32
      %run_scoped3A_362 = arith.constant 1 : i32
      "tpu.region"() ({
        %run_scoped3A_439 = tpu.sem_alloc : memref<!tpu.dma_semaphore, #tpu.memory_space<semaphore_mem>>
        %dma_start3A_440 = arith.constant 0 : i32
        %dma_start3A_441 = arith.constant 0 : i32
        %dma_start3A_442 = tpu.memref_slice %arg7[%run_scoped3A_360, %dma_start3A_440, %dma_start3A_441] : memref<2x128x128xf32, #tpu.memory_space<vmem>> -> memref<1x128x128xf32, #tpu.memory_space<vmem>>
        %dma_start3A_443 = tpu.memref_squeeze %dma_start3A_442 : memref<1x128x128xf32, #tpu.memory_space<vmem>> -> memref<128x128xf32, #tpu.memory_space<vmem>>
        %dma_start3A_444 = arith.constant 0 : i32
        %dma_start3A_445 = arith.constant 0 : i32
        %dma_start3A_446 = tpu.memref_slice %arg6[%run_scoped3A_361, %dma_start3A_444, %dma_start3A_445] : memref<4x2x128xi32, #tpu.memory_space<vmem>> -> memref<1x2x128xi32, #tpu.memory_space<vmem>>
        %dma_start3A_447 = tpu.memref_squeeze %dma_start3A_446 : memref<1x2x128xi32, #tpu.memory_space<vmem>> -> memref<2x128xi32, #tpu.memory_space<vmem>>
        %dma_start3A_448 = arith.constant 0 : i32
        %dma_start3A_449 = tpu.memref_slice %dma_start3A_447[%run_scoped3A_362, %dma_start3A_448] : memref<2x128xi32, #tpu.memory_space<vmem>> -> memref<1x128xi32, #tpu.memory_space<vmem>>
        %dma_start3A_450 = tpu.memref_squeeze %dma_start3A_449 : memref<1x128xi32, #tpu.memory_space<vmem>> -> memref<128xi32, #tpu.memory_space<vmem>>
        %dma_start3A_451 = arith.constant 0 : i32
        %dma_start3A_452 = arith.constant 0 : i32
        %dma_start3A_453 = tpu.memref_slice %arg8[%dma_start3A_451, %dma_start3A_452] : memref<10240x128xf32, #tpu.memory_space<vmem_shared>> -> memref<10240x128xf32, #tpu.memory_space<vmem_shared>>
        tpu.enqueue_indirect_dma source(%dma_start3A_443 : memref<128x128xf32, #tpu.memory_space<vmem>>) target(%dma_start3A_453 : memref<10240x128xf32, #tpu.memory_space<vmem_shared>>) offsets(%dma_start3A_450 : memref<128xi32, #tpu.memory_space<vmem>>) semaphore(%run_scoped3A_439 : memref<!tpu.dma_semaphore, #tpu.memory_space<semaphore_mem>>) {add = true}
        %dma_wait3A_454 = arith.constant 0 : i32
        %dma_wait3A_455 = arith.constant 0 : i32
        %dma_wait3A_456 = tpu.memref_slice %arg7[%run_scoped3A_360, %dma_wait3A_454, %dma_wait3A_455] : memref<2x128x128xf32, #tpu.memory_space<vmem>> -> memref<1x128x128xf32, #tpu.memory_space<vmem>>
        %dma_wait3A_457 = tpu.memref_squeeze %dma_wait3A_456 : memref<1x128x128xf32, #tpu.memory_space<vmem>> -> memref<128x128xf32, #tpu.memory_space<vmem>>
        %dma_wait3A_458 = arith.constant 0 : i32
        %dma_wait3A_459 = arith.constant 0 : i32
        %dma_wait3A_460 = tpu.memref_slice %arg6[%run_scoped3A_361, %dma_wait3A_458, %dma_wait3A_459] : memref<4x2x128xi32, #tpu.memory_space<vmem>> -> memref<1x2x128xi32, #tpu.memory_space<vmem>>
        %dma_wait3A_461 = tpu.memref_squeeze %dma_wait3A_460 : memref<1x2x128xi32, #tpu.memory_space<vmem>> -> memref<2x128xi32, #tpu.memory_space<vmem>>
        %dma_wait3A_462 = arith.constant 0 : i32
        %dma_wait3A_463 = tpu.memref_slice %dma_wait3A_461[%run_scoped3A_362, %dma_wait3A_462] : memref<2x128xi32, #tpu.memory_space<vmem>> -> memref<1x128xi32, #tpu.memory_space<vmem>>
        %dma_wait3A_464 = tpu.memref_squeeze %dma_wait3A_463 : memref<1x128xi32, #tpu.memory_space<vmem>> -> memref<128xi32, #tpu.memory_space<vmem>>
        %dma_wait3A_465 = arith.constant 0 : i32
        %dma_wait3A_466 = arith.constant 0 : i32
        %dma_wait3A_467 = tpu.memref_slice %arg8[%dma_wait3A_465, %dma_wait3A_466] : memref<10240x128xf32, #tpu.memory_space<vmem_shared>> -> memref<10240x128xf32, #tpu.memory_space<vmem_shared>>
        tpu.wait_indirect_dma semaphore(%run_scoped3A_439 : memref<!tpu.dma_semaphore, #tpu.memory_space<semaphore_mem>>) src(%dma_wait3A_457 : memref<128x128xf32, #tpu.memory_space<vmem>>) dst(%dma_wait3A_467 : memref<10240x128xf32, #tpu.memory_space<vmem_shared>>)
        tpu.yield
      }) : () -> ()
      %add3A_363 = arith.constant 2 : i32
      %add3A_364 = arith.addi %add3A_337, %add3A_363 : i32
      %lt3A_365 = arith.constant 80 : i32
      %lt3A_366 = arith.cmpi slt, %add3A_364, %lt3A_365 : i32
      %convert_element_type3A_367 = arith.extui %lt3A_366 : i1 to i32
      %cond3A_368 = arith.constant 0 : i32
      %cond3A_369 = arith.cmpi ne, %convert_element_type3A_367, %cond3A_368 : i32
      scf.if %cond3A_369 {
        %add3A_439 = arith.addi %mul3A_2, %add3A_337 : i32
        %add3A_440 = arith.constant 2 : i32
        %add3A_441 = arith.addi %add3A_439, %add3A_440 : i32
        %dma_start3A_442 = arith.constant 3 : i32
        %dma_start3A_443 = arith.constant 0 : i32
        %dma_start3A_444 = arith.constant 0 : i32
        %dma_start3A_445 = tpu.memref_slice %arg6[%dma_start3A_442, %dma_start3A_443, %dma_start3A_444] : memref<4x2x128xi32, #tpu.memory_space<vmem>> -> memref<1x2x128xi32, #tpu.memory_space<vmem>>
        %dma_start3A_446 = tpu.memref_squeeze %dma_start3A_445 : memref<1x2x128xi32, #tpu.memory_space<vmem>> -> memref<2x128xi32, #tpu.memory_space<vmem>>
        %dma_start3A_447 = arith.constant 0 : i32
        %dma_start3A_448 = arith.constant 0 : i32
        %dma_start3A_449 = tpu.memref_slice %arg3[%add3A_441, %dma_start3A_447, %dma_start3A_448] : memref<2560x2x128xi32, #tpu.memory_space<hbm>> -> memref<1x2x128xi32, #tpu.memory_space<hbm>>
        %dma_start3A_450 = tpu.memref_squeeze %dma_start3A_449 : memref<1x2x128xi32, #tpu.memory_space<hbm>> -> memref<2x128xi32, #tpu.memory_space<hbm>>
        %dma_start3A_451 = arith.constant 0 : i32
        %dma_start3A_452 = arith.constant 0 : i32
        %dma_start3A_453 = tpu.memref_slice %arg6[%dma_start3A_442, %dma_start3A_451, %dma_start3A_452] : memref<4x2x128xi32, #tpu.memory_space<vmem>> -> memref<1x2x128xi32, #tpu.memory_space<vmem>>
        %dma_start3A_454 = tpu.memref_squeeze %dma_start3A_453 : memref<1x2x128xi32, #tpu.memory_space<vmem>> -> memref<2x128xi32, #tpu.memory_space<vmem>>
        %dma_start3A_455 = arith.constant 0 : i32
        %dma_start3A_456 = arith.constant 0 : i32
        %dma_start3A_457 = tpu.memref_slice %arg3[%add3A_441, %dma_start3A_455, %dma_start3A_456] : memref<2560x2x128xi32, #tpu.memory_space<hbm>> -> memref<1x2x128xi32, #tpu.memory_space<hbm>>
        %dma_start3A_458 = tpu.memref_squeeze %dma_start3A_457 : memref<1x2x128xi32, #tpu.memory_space<hbm>> -> memref<2x128xi32, #tpu.memory_space<hbm>>
        tpu.enqueue_dma source(%dma_start3A_458 : memref<2x128xi32, #tpu.memory_space<hbm>>) target(%dma_start3A_454 : memref<2x128xi32, #tpu.memory_space<vmem>>) target_semaphore(%arg12 : memref<!tpu.dma_semaphore, #tpu.memory_space<semaphore_mem>>)
      } else {
      }
      %add3A_370 = arith.constant 2 : i32
      %add3A_371 = arith.addi %mul3A_306, %add3A_370 : i32
      %add3A_372 = arith.constant 1 : i32
      %add3A_373 = arith.addi %add3A_371, %add3A_372 : i32
      %lt3A_374 = arith.constant 80 : i32
      %lt3A_375 = arith.cmpi slt, %add3A_373, %lt3A_374 : i32
      %convert_element_type3A_376 = arith.extui %lt3A_375 : i1 to i32
      %cond3A_377 = arith.constant 0 : i32
      %cond3A_378 = arith.cmpi ne, %convert_element_type3A_376, %cond3A_377 : i32
      scf.if %cond3A_378 {
        %dma_wait3A_439 = arith.constant 0 : i32
        %dma_wait3A_440 = arith.constant 3 : i32
        %dma_wait3A_441 = arith.constant 0 : i32
        %dma_wait3A_442 = arith.constant 0 : i32
        %dma_wait3A_443 = tpu.memref_slice %arg6[%dma_wait3A_440, %dma_wait3A_441, %dma_wait3A_442] : memref<4x2x128xi32, #tpu.memory_space<vmem>> -> memref<1x2x128xi32, #tpu.memory_space<vmem>>
        %dma_wait3A_444 = tpu.memref_squeeze %dma_wait3A_443 : memref<1x2x128xi32, #tpu.memory_space<vmem>> -> memref<2x128xi32, #tpu.memory_space<vmem>>
        %dma_wait3A_445 = arith.constant 0 : i32
        %dma_wait3A_446 = arith.constant 0 : i32
        %dma_wait3A_447 = tpu.memref_slice %arg3[%dma_wait3A_439, %dma_wait3A_445, %dma_wait3A_446] : memref<2560x2x128xi32, #tpu.memory_space<hbm>> -> memref<1x2x128xi32, #tpu.memory_space<hbm>>
        %dma_wait3A_448 = tpu.memref_squeeze %dma_wait3A_447 : memref<1x2x128xi32, #tpu.memory_space<hbm>> -> memref<2x128xi32, #tpu.memory_space<hbm>>
        %dma_wait3A_449 = arith.constant 0 : i32
        %dma_wait3A_450 = arith.constant 0 : i32
        %dma_wait3A_451 = tpu.memref_slice %arg6[%dma_wait3A_440, %dma_wait3A_449, %dma_wait3A_450] : memref<4x2x128xi32, #tpu.memory_space<vmem>> -> memref<1x2x128xi32, #tpu.memory_space<vmem>>
        %dma_wait3A_452 = tpu.memref_squeeze %dma_wait3A_451 : memref<1x2x128xi32, #tpu.memory_space<vmem>> -> memref<2x128xi32, #tpu.memory_space<vmem>>
        %dma_wait3A_453 = arith.constant 0 : i32
        %dma_wait3A_454 = arith.constant 0 : i32
        %dma_wait3A_455 = tpu.memref_slice %arg3[%dma_wait3A_439, %dma_wait3A_453, %dma_wait3A_454] : memref<2560x2x128xi32, #tpu.memory_space<hbm>> -> memref<1x2x128xi32, #tpu.memory_space<hbm>>
        %dma_wait3A_456 = tpu.memref_squeeze %dma_wait3A_455 : memref<1x2x128xi32, #tpu.memory_space<hbm>> -> memref<2x128xi32, #tpu.memory_space<hbm>>
        tpu.wait_dma2 semaphore(%arg12 : memref<!tpu.dma_semaphore, #tpu.memory_space<semaphore_mem>>) src(%dma_wait3A_456 : memref<2x128xi32, #tpu.memory_space<hbm>>) dst(%dma_wait3A_452 : memref<2x128xi32, #tpu.memory_space<vmem>>)
        %dma_start3A_457 = arith.constant 3 : i32
        %dma_start3A_458 = arith.constant 0 : i32
        %dma_start3A_459 = arith.constant 1 : i32
        %dma_start3A_460 = arith.constant 0 : i32
        %dma_start3A_461 = arith.constant 0 : i32
        %dma_start3A_462 = tpu.memref_slice %arg7[%dma_start3A_459, %dma_start3A_460, %dma_start3A_461] : memref<2x128x128xf32, #tpu.memory_space<vmem>> -> memref<1x128x128xf32, #tpu.memory_space<vmem>>
        %dma_start3A_463 = tpu.memref_squeeze %dma_start3A_462 : memref<1x128x128xf32, #tpu.memory_space<vmem>> -> memref<128x128xf32, #tpu.memory_space<vmem>>
        %dma_start3A_464 = arith.constant 0 : i32
        %dma_start3A_465 = arith.constant 0 : i32
        %dma_start3A_466 = tpu.memref_slice %arg6[%dma_start3A_457, %dma_start3A_464, %dma_start3A_465] : memref<4x2x128xi32, #tpu.memory_space<vmem>> -> memref<1x2x128xi32, #tpu.memory_space<vmem>>
        %dma_start3A_467 = tpu.memref_squeeze %dma_start3A_466 : memref<1x2x128xi32, #tpu.memory_space<vmem>> -> memref<2x128xi32, #tpu.memory_space<vmem>>
        %dma_start3A_468 = arith.constant 0 : i32
        %dma_start3A_469 = tpu.memref_slice %dma_start3A_467[%dma_start3A_458, %dma_start3A_468] : memref<2x128xi32, #tpu.memory_space<vmem>> -> memref<1x128xi32, #tpu.memory_space<vmem>>
        %dma_start3A_470 = tpu.memref_squeeze %dma_start3A_469 : memref<1x128xi32, #tpu.memory_space<vmem>> -> memref<128xi32, #tpu.memory_space<vmem>>
        %dma_start3A_471 = arith.constant 0 : i32
        %dma_start3A_472 = arith.constant 0 : i32
        %dma_start3A_473 = tpu.memref_slice %arg2[%dma_start3A_471, %dma_start3A_472] : memref<10240x128xf32, #tpu.memory_space<hbm>> -> memref<10240x128xf32, #tpu.memory_space<hbm>>
        tpu.enqueue_indirect_dma source(%dma_start3A_473 : memref<10240x128xf32, #tpu.memory_space<hbm>>) target(%dma_start3A_463 : memref<128x128xf32, #tpu.memory_space<vmem>>) offsets(%dma_start3A_470 : memref<128xi32, #tpu.memory_space<vmem>>) semaphore(%arg14 : memref<!tpu.dma_semaphore, #tpu.memory_space<semaphore_mem>>)
      } else {
      }
      %dma_wait3A_379 = arith.constant 0 : i32
      %dma_wait3A_380 = arith.constant 0 : i32
      %dma_wait3A_381 = arith.constant 0 : i32
      %dma_wait3A_382 = tpu.memref_slice %arg7[%dma_wait3A_379, %dma_wait3A_380, %dma_wait3A_381] : memref<2x128x128xf32, #tpu.memory_space<vmem>> -> memref<1x128x128xf32, #tpu.memory_space<vmem>>
      %dma_wait3A_383 = tpu.memref_squeeze %dma_wait3A_382 : memref<1x128x128xf32, #tpu.memory_space<vmem>> -> memref<128x128xf32, #tpu.memory_space<vmem>>
      %dma_wait3A_384 = arith.constant 0 : i32
      %dma_wait3A_385 = arith.constant 0 : i32
      %dma_wait3A_386 = tpu.memref_slice %arg2[%dma_wait3A_384, %dma_wait3A_385] : memref<10240x128xf32, #tpu.memory_space<hbm>> -> memref<128x128xf32, #tpu.memory_space<hbm>>
      %dma_wait3A_387 = arith.constant 0 : i32
      %dma_wait3A_388 = arith.constant 0 : i32
      %dma_wait3A_389 = tpu.memref_slice %arg7[%dma_wait3A_379, %dma_wait3A_387, %dma_wait3A_388] : memref<2x128x128xf32, #tpu.memory_space<vmem>> -> memref<1x128x128xf32, #tpu.memory_space<vmem>>
      %dma_wait3A_390 = tpu.memref_squeeze %dma_wait3A_389 : memref<1x128x128xf32, #tpu.memory_space<vmem>> -> memref<128x128xf32, #tpu.memory_space<vmem>>
      %dma_wait3A_391 = arith.constant 0 : i32
      %dma_wait3A_392 = arith.constant 0 : i32
      %dma_wait3A_393 = tpu.memref_slice %arg2[%dma_wait3A_391, %dma_wait3A_392] : memref<10240x128xf32, #tpu.memory_space<hbm>> -> memref<128x128xf32, #tpu.memory_space<hbm>>
      tpu.wait_dma2 semaphore(%arg13 : memref<!tpu.dma_semaphore, #tpu.memory_space<semaphore_mem>>) src(%dma_wait3A_393 : memref<128x128xf32, #tpu.memory_space<hbm>>) dst(%dma_wait3A_390 : memref<128x128xf32, #tpu.memory_space<vmem>>)
      %run_scoped3A_394 = arith.constant 0 : i32
      %run_scoped3A_395 = arith.constant 2 : i32
      %run_scoped3A_396 = arith.constant 1 : i32
      "tpu.region"() ({
        %run_scoped3A_439 = tpu.sem_alloc : memref<!tpu.dma_semaphore, #tpu.memory_space<semaphore_mem>>
        %dma_start3A_440 = arith.constant 0 : i32
        %dma_start3A_441 = arith.constant 0 : i32
        %dma_start3A_442 = tpu.memref_slice %arg7[%run_scoped3A_394, %dma_start3A_440, %dma_start3A_441] : memref<2x128x128xf32, #tpu.memory_space<vmem>> -> memref<1x128x128xf32, #tpu.memory_space<vmem>>
        %dma_start3A_443 = tpu.memref_squeeze %dma_start3A_442 : memref<1x128x128xf32, #tpu.memory_space<vmem>> -> memref<128x128xf32, #tpu.memory_space<vmem>>
        %dma_start3A_444 = arith.constant 0 : i32
        %dma_start3A_445 = arith.constant 0 : i32
        %dma_start3A_446 = tpu.memref_slice %arg6[%run_scoped3A_395, %dma_start3A_444, %dma_start3A_445] : memref<4x2x128xi32, #tpu.memory_space<vmem>> -> memref<1x2x128xi32, #tpu.memory_space<vmem>>
        %dma_start3A_447 = tpu.memref_squeeze %dma_start3A_446 : memref<1x2x128xi32, #tpu.memory_space<vmem>> -> memref<2x128xi32, #tpu.memory_space<vmem>>
        %dma_start3A_448 = arith.constant 0 : i32
        %dma_start3A_449 = tpu.memref_slice %dma_start3A_447[%run_scoped3A_396, %dma_start3A_448] : memref<2x128xi32, #tpu.memory_space<vmem>> -> memref<1x128xi32, #tpu.memory_space<vmem>>
        %dma_start3A_450 = tpu.memref_squeeze %dma_start3A_449 : memref<1x128xi32, #tpu.memory_space<vmem>> -> memref<128xi32, #tpu.memory_space<vmem>>
        %dma_start3A_451 = arith.constant 0 : i32
        %dma_start3A_452 = arith.constant 0 : i32
        %dma_start3A_453 = tpu.memref_slice %arg8[%dma_start3A_451, %dma_start3A_452] : memref<10240x128xf32, #tpu.memory_space<vmem_shared>> -> memref<10240x128xf32, #tpu.memory_space<vmem_shared>>
        tpu.enqueue_indirect_dma source(%dma_start3A_443 : memref<128x128xf32, #tpu.memory_space<vmem>>) target(%dma_start3A_453 : memref<10240x128xf32, #tpu.memory_space<vmem_shared>>) offsets(%dma_start3A_450 : memref<128xi32, #tpu.memory_space<vmem>>) semaphore(%run_scoped3A_439 : memref<!tpu.dma_semaphore, #tpu.memory_space<semaphore_mem>>) {add = true}
        %dma_wait3A_454 = arith.constant 0 : i32
        %dma_wait3A_455 = arith.constant 0 : i32
        %dma_wait3A_456 = tpu.memref_slice %arg7[%run_scoped3A_394, %dma_wait3A_454, %dma_wait3A_455] : memref<2x128x128xf32, #tpu.memory_space<vmem>> -> memref<1x128x128xf32, #tpu.memory_space<vmem>>
        %dma_wait3A_457 = tpu.memref_squeeze %dma_wait3A_456 : memref<1x128x128xf32, #tpu.memory_space<vmem>> -> memref<128x128xf32, #tpu.memory_space<vmem>>
        %dma_wait3A_458 = arith.constant 0 : i32
        %dma_wait3A_459 = arith.constant 0 : i32
        %dma_wait3A_460 = tpu.memref_slice %arg6[%run_scoped3A_395, %dma_wait3A_458, %dma_wait3A_459] : memref<4x2x128xi32, #tpu.memory_space<vmem>> -> memref<1x2x128xi32, #tpu.memory_space<vmem>>
        %dma_wait3A_461 = tpu.memref_squeeze %dma_wait3A_460 : memref<1x2x128xi32, #tpu.memory_space<vmem>> -> memref<2x128xi32, #tpu.memory_space<vmem>>
        %dma_wait3A_462 = arith.constant 0 : i32
        %dma_wait3A_463 = tpu.memref_slice %dma_wait3A_461[%run_scoped3A_396, %dma_wait3A_462] : memref<2x128xi32, #tpu.memory_space<vmem>> -> memref<1x128xi32, #tpu.memory_space<vmem>>
        %dma_wait3A_464 = tpu.memref_squeeze %dma_wait3A_463 : memref<1x128xi32, #tpu.memory_space<vmem>> -> memref<128xi32, #tpu.memory_space<vmem>>
        %dma_wait3A_465 = arith.constant 0 : i32
        %dma_wait3A_466 = arith.constant 0 : i32
        %dma_wait3A_467 = tpu.memref_slice %arg8[%dma_wait3A_465, %dma_wait3A_466] : memref<10240x128xf32, #tpu.memory_space<vmem_shared>> -> memref<10240x128xf32, #tpu.memory_space<vmem_shared>>
        tpu.wait_indirect_dma semaphore(%run_scoped3A_439 : memref<!tpu.dma_semaphore, #tpu.memory_space<semaphore_mem>>) src(%dma_wait3A_457 : memref<128x128xf32, #tpu.memory_space<vmem>>) dst(%dma_wait3A_467 : memref<10240x128xf32, #tpu.memory_space<vmem_shared>>)
        tpu.yield
      }) : () -> ()
      %add3A_397 = arith.constant 2 : i32
      %add3A_398 = arith.addi %add3A_371, %add3A_397 : i32
      %lt3A_399 = arith.constant 80 : i32
      %lt3A_400 = arith.cmpi slt, %add3A_398, %lt3A_399 : i32
      %convert_element_type3A_401 = arith.extui %lt3A_400 : i1 to i32
      %cond3A_402 = arith.constant 0 : i32
      %cond3A_403 = arith.cmpi ne, %convert_element_type3A_401, %cond3A_402 : i32
      scf.if %cond3A_403 {
        %add3A_439 = arith.addi %mul3A_2, %add3A_371 : i32
        %add3A_440 = arith.constant 2 : i32
        %add3A_441 = arith.addi %add3A_439, %add3A_440 : i32
        %dma_start3A_442 = arith.constant 0 : i32
        %dma_start3A_443 = arith.constant 0 : i32
        %dma_start3A_444 = arith.constant 0 : i32
        %dma_start3A_445 = tpu.memref_slice %arg6[%dma_start3A_442, %dma_start3A_443, %dma_start3A_444] : memref<4x2x128xi32, #tpu.memory_space<vmem>> -> memref<1x2x128xi32, #tpu.memory_space<vmem>>
        %dma_start3A_446 = tpu.memref_squeeze %dma_start3A_445 : memref<1x2x128xi32, #tpu.memory_space<vmem>> -> memref<2x128xi32, #tpu.memory_space<vmem>>
        %dma_start3A_447 = arith.constant 0 : i32
        %dma_start3A_448 = arith.constant 0 : i32
        %dma_start3A_449 = tpu.memref_slice %arg3[%add3A_441, %dma_start3A_447, %dma_start3A_448] : memref<2560x2x128xi32, #tpu.memory_space<hbm>> -> memref<1x2x128xi32, #tpu.memory_space<hbm>>
        %dma_start3A_450 = tpu.memref_squeeze %dma_start3A_449 : memref<1x2x128xi32, #tpu.memory_space<hbm>> -> memref<2x128xi32, #tpu.memory_space<hbm>>
        %dma_start3A_451 = arith.constant 0 : i32
        %dma_start3A_452 = arith.constant 0 : i32
        %dma_start3A_453 = tpu.memref_slice %arg6[%dma_start3A_442, %dma_start3A_451, %dma_start3A_452] : memref<4x2x128xi32, #tpu.memory_space<vmem>> -> memref<1x2x128xi32, #tpu.memory_space<vmem>>
        %dma_start3A_454 = tpu.memref_squeeze %dma_start3A_453 : memref<1x2x128xi32, #tpu.memory_space<vmem>> -> memref<2x128xi32, #tpu.memory_space<vmem>>
        %dma_start3A_455 = arith.constant 0 : i32
        %dma_start3A_456 = arith.constant 0 : i32
        %dma_start3A_457 = tpu.memref_slice %arg3[%add3A_441, %dma_start3A_455, %dma_start3A_456] : memref<2560x2x128xi32, #tpu.memory_space<hbm>> -> memref<1x2x128xi32, #tpu.memory_space<hbm>>
        %dma_start3A_458 = tpu.memref_squeeze %dma_start3A_457 : memref<1x2x128xi32, #tpu.memory_space<hbm>> -> memref<2x128xi32, #tpu.memory_space<hbm>>
        tpu.enqueue_dma source(%dma_start3A_458 : memref<2x128xi32, #tpu.memory_space<hbm>>) target(%dma_start3A_454 : memref<2x128xi32, #tpu.memory_space<vmem>>) target_semaphore(%arg9 : memref<!tpu.dma_semaphore, #tpu.memory_space<semaphore_mem>>)
      } else {
      }
      %add3A_404 = arith.constant 3 : i32
      %add3A_405 = arith.addi %mul3A_306, %add3A_404 : i32
      %add3A_406 = arith.constant 1 : i32
      %add3A_407 = arith.addi %add3A_405, %add3A_406 : i32
      %lt3A_408 = arith.constant 80 : i32
      %lt3A_409 = arith.cmpi slt, %add3A_407, %lt3A_408 : i32
      %convert_element_type3A_410 = arith.extui %lt3A_409 : i1 to i32
      %cond3A_411 = arith.constant 0 : i32
      %cond3A_412 = arith.cmpi ne, %convert_element_type3A_410, %cond3A_411 : i32
      scf.if %cond3A_412 {
        %dma_wait3A_439 = arith.constant 0 : i32
        %dma_wait3A_440 = arith.constant 0 : i32
        %dma_wait3A_441 = arith.constant 0 : i32
        %dma_wait3A_442 = arith.constant 0 : i32
        %dma_wait3A_443 = tpu.memref_slice %arg6[%dma_wait3A_440, %dma_wait3A_441, %dma_wait3A_442] : memref<4x2x128xi32, #tpu.memory_space<vmem>> -> memref<1x2x128xi32, #tpu.memory_space<vmem>>
        %dma_wait3A_444 = tpu.memref_squeeze %dma_wait3A_443 : memref<1x2x128xi32, #tpu.memory_space<vmem>> -> memref<2x128xi32, #tpu.memory_space<vmem>>
        %dma_wait3A_445 = arith.constant 0 : i32
        %dma_wait3A_446 = arith.constant 0 : i32
        %dma_wait3A_447 = tpu.memref_slice %arg3[%dma_wait3A_439, %dma_wait3A_445, %dma_wait3A_446] : memref<2560x2x128xi32, #tpu.memory_space<hbm>> -> memref<1x2x128xi32, #tpu.memory_space<hbm>>
        %dma_wait3A_448 = tpu.memref_squeeze %dma_wait3A_447 : memref<1x2x128xi32, #tpu.memory_space<hbm>> -> memref<2x128xi32, #tpu.memory_space<hbm>>
        %dma_wait3A_449 = arith.constant 0 : i32
        %dma_wait3A_450 = arith.constant 0 : i32
        %dma_wait3A_451 = tpu.memref_slice %arg6[%dma_wait3A_440, %dma_wait3A_449, %dma_wait3A_450] : memref<4x2x128xi32, #tpu.memory_space<vmem>> -> memref<1x2x128xi32, #tpu.memory_space<vmem>>
        %dma_wait3A_452 = tpu.memref_squeeze %dma_wait3A_451 : memref<1x2x128xi32, #tpu.memory_space<vmem>> -> memref<2x128xi32, #tpu.memory_space<vmem>>
        %dma_wait3A_453 = arith.constant 0 : i32
        %dma_wait3A_454 = arith.constant 0 : i32
        %dma_wait3A_455 = tpu.memref_slice %arg3[%dma_wait3A_439, %dma_wait3A_453, %dma_wait3A_454] : memref<2560x2x128xi32, #tpu.memory_space<hbm>> -> memref<1x2x128xi32, #tpu.memory_space<hbm>>
        %dma_wait3A_456 = tpu.memref_squeeze %dma_wait3A_455 : memref<1x2x128xi32, #tpu.memory_space<hbm>> -> memref<2x128xi32, #tpu.memory_space<hbm>>
        tpu.wait_dma2 semaphore(%arg9 : memref<!tpu.dma_semaphore, #tpu.memory_space<semaphore_mem>>) src(%dma_wait3A_456 : memref<2x128xi32, #tpu.memory_space<hbm>>) dst(%dma_wait3A_452 : memref<2x128xi32, #tpu.memory_space<vmem>>)
        %dma_start3A_457 = arith.constant 0 : i32
        %dma_start3A_458 = arith.constant 0 : i32
        %dma_start3A_459 = arith.constant 0 : i32
        %dma_start3A_460 = arith.constant 0 : i32
        %dma_start3A_461 = arith.constant 0 : i32
        %dma_start3A_462 = tpu.memref_slice %arg7[%dma_start3A_459, %dma_start3A_460, %dma_start3A_461] : memref<2x128x128xf32, #tpu.memory_space<vmem>> -> memref<1x128x128xf32, #tpu.memory_space<vmem>>
        %dma_start3A_463 = tpu.memref_squeeze %dma_start3A_462 : memref<1x128x128xf32, #tpu.memory_space<vmem>> -> memref<128x128xf32, #tpu.memory_space<vmem>>
        %dma_start3A_464 = arith.constant 0 : i32
        %dma_start3A_465 = arith.constant 0 : i32
        %dma_start3A_466 = tpu.memref_slice %arg6[%dma_start3A_457, %dma_start3A_464, %dma_start3A_465] : memref<4x2x128xi32, #tpu.memory_space<vmem>> -> memref<1x2x128xi32, #tpu.memory_space<vmem>>
        %dma_start3A_467 = tpu.memref_squeeze %dma_start3A_466 : memref<1x2x128xi32, #tpu.memory_space<vmem>> -> memref<2x128xi32, #tpu.memory_space<vmem>>
        %dma_start3A_468 = arith.constant 0 : i32
        %dma_start3A_469 = tpu.memref_slice %dma_start3A_467[%dma_start3A_458, %dma_start3A_468] : memref<2x128xi32, #tpu.memory_space<vmem>> -> memref<1x128xi32, #tpu.memory_space<vmem>>
        %dma_start3A_470 = tpu.memref_squeeze %dma_start3A_469 : memref<1x128xi32, #tpu.memory_space<vmem>> -> memref<128xi32, #tpu.memory_space<vmem>>
        %dma_start3A_471 = arith.constant 0 : i32
        %dma_start3A_472 = arith.constant 0 : i32
        %dma_start3A_473 = tpu.memref_slice %arg2[%dma_start3A_471, %dma_start3A_472] : memref<10240x128xf32, #tpu.memory_space<hbm>> -> memref<10240x128xf32, #tpu.memory_space<hbm>>
        tpu.enqueue_indirect_dma source(%dma_start3A_473 : memref<10240x128xf32, #tpu.memory_space<hbm>>) target(%dma_start3A_463 : memref<128x128xf32, #tpu.memory_space<vmem>>) offsets(%dma_start3A_470 : memref<128xi32, #tpu.memory_space<vmem>>) semaphore(%arg13 : memref<!tpu.dma_semaphore, #tpu.memory_space<semaphore_mem>>)
      } else {
      }
      %dma_wait3A_413 = arith.constant 1 : i32
      %dma_wait3A_414 = arith.constant 0 : i32
      %dma_wait3A_415 = arith.constant 0 : i32
      %dma_wait3A_416 = tpu.memref_slice %arg7[%dma_wait3A_413, %dma_wait3A_414, %dma_wait3A_415] : memref<2x128x128xf32, #tpu.memory_space<vmem>> -> memref<1x128x128xf32, #tpu.memory_space<vmem>>
      %dma_wait3A_417 = tpu.memref_squeeze %dma_wait3A_416 : memref<1x128x128xf32, #tpu.memory_space<vmem>> -> memref<128x128xf32, #tpu.memory_space<vmem>>
      %dma_wait3A_418 = arith.constant 0 : i32
      %dma_wait3A_419 = arith.constant 0 : i32
      %dma_wait3A_420 = tpu.memref_slice %arg2[%dma_wait3A_418, %dma_wait3A_419] : memref<10240x128xf32, #tpu.memory_space<hbm>> -> memref<128x128xf32, #tpu.memory_space<hbm>>
      %dma_wait3A_421 = arith.constant 0 : i32
      %dma_wait3A_422 = arith.constant 0 : i32
      %dma_wait3A_423 = tpu.memref_slice %arg7[%dma_wait3A_413, %dma_wait3A_421, %dma_wait3A_422] : memref<2x128x128xf32, #tpu.memory_space<vmem>> -> memref<1x128x128xf32, #tpu.memory_space<vmem>>
      %dma_wait3A_424 = tpu.memref_squeeze %dma_wait3A_423 : memref<1x128x128xf32, #tpu.memory_space<vmem>> -> memref<128x128xf32, #tpu.memory_space<vmem>>
      %dma_wait3A_425 = arith.constant 0 : i32
      %dma_wait3A_426 = arith.constant 0 : i32
      %dma_wait3A_427 = tpu.memref_slice %arg2[%dma_wait3A_425, %dma_wait3A_426] : memref<10240x128xf32, #tpu.memory_space<hbm>> -> memref<128x128xf32, #tpu.memory_space<hbm>>
      tpu.wait_dma2 semaphore(%arg14 : memref<!tpu.dma_semaphore, #tpu.memory_space<semaphore_mem>>) src(%dma_wait3A_427 : memref<128x128xf32, #tpu.memory_space<hbm>>) dst(%dma_wait3A_424 : memref<128x128xf32, #tpu.memory_space<vmem>>)
      %run_scoped3A_428 = arith.constant 1 : i32
      %run_scoped3A_429 = arith.constant 3 : i32
      %run_scoped3A_430 = arith.constant 1 : i32
      "tpu.region"() ({
        %run_scoped3A_439 = tpu.sem_alloc : memref<!tpu.dma_semaphore, #tpu.memory_space<semaphore_mem>>
        %dma_start3A_440 = arith.constant 0 : i32
        %dma_start3A_441 = arith.constant 0 : i32
        %dma_start3A_442 = tpu.memref_slice %arg7[%run_scoped3A_428, %dma_start3A_440, %dma_start3A_441] : memref<2x128x128xf32, #tpu.memory_space<vmem>> -> memref<1x128x128xf32, #tpu.memory_space<vmem>>
        %dma_start3A_443 = tpu.memref_squeeze %dma_start3A_442 : memref<1x128x128xf32, #tpu.memory_space<vmem>> -> memref<128x128xf32, #tpu.memory_space<vmem>>
        %dma_start3A_444 = arith.constant 0 : i32
        %dma_start3A_445 = arith.constant 0 : i32
        %dma_start3A_446 = tpu.memref_slice %arg6[%run_scoped3A_429, %dma_start3A_444, %dma_start3A_445] : memref<4x2x128xi32, #tpu.memory_space<vmem>> -> memref<1x2x128xi32, #tpu.memory_space<vmem>>
        %dma_start3A_447 = tpu.memref_squeeze %dma_start3A_446 : memref<1x2x128xi32, #tpu.memory_space<vmem>> -> memref<2x128xi32, #tpu.memory_space<vmem>>
        %dma_start3A_448 = arith.constant 0 : i32
        %dma_start3A_449 = tpu.memref_slice %dma_start3A_447[%run_scoped3A_430, %dma_start3A_448] : memref<2x128xi32, #tpu.memory_space<vmem>> -> memref<1x128xi32, #tpu.memory_space<vmem>>
        %dma_start3A_450 = tpu.memref_squeeze %dma_start3A_449 : memref<1x128xi32, #tpu.memory_space<vmem>> -> memref<128xi32, #tpu.memory_space<vmem>>
        %dma_start3A_451 = arith.constant 0 : i32
        %dma_start3A_452 = arith.constant 0 : i32
        %dma_start3A_453 = tpu.memref_slice %arg8[%dma_start3A_451, %dma_start3A_452] : memref<10240x128xf32, #tpu.memory_space<vmem_shared>> -> memref<10240x128xf32, #tpu.memory_space<vmem_shared>>
        tpu.enqueue_indirect_dma source(%dma_start3A_443 : memref<128x128xf32, #tpu.memory_space<vmem>>) target(%dma_start3A_453 : memref<10240x128xf32, #tpu.memory_space<vmem_shared>>) offsets(%dma_start3A_450 : memref<128xi32, #tpu.memory_space<vmem>>) semaphore(%run_scoped3A_439 : memref<!tpu.dma_semaphore, #tpu.memory_space<semaphore_mem>>) {add = true}
        %dma_wait3A_454 = arith.constant 0 : i32
        %dma_wait3A_455 = arith.constant 0 : i32
        %dma_wait3A_456 = tpu.memref_slice %arg7[%run_scoped3A_428, %dma_wait3A_454, %dma_wait3A_455] : memref<2x128x128xf32, #tpu.memory_space<vmem>> -> memref<1x128x128xf32, #tpu.memory_space<vmem>>
        %dma_wait3A_457 = tpu.memref_squeeze %dma_wait3A_456 : memref<1x128x128xf32, #tpu.memory_space<vmem>> -> memref<128x128xf32, #tpu.memory_space<vmem>>
        %dma_wait3A_458 = arith.constant 0 : i32
        %dma_wait3A_459 = arith.constant 0 : i32
        %dma_wait3A_460 = tpu.memref_slice %arg6[%run_scoped3A_429, %dma_wait3A_458, %dma_wait3A_459] : memref<4x2x128xi32, #tpu.memory_space<vmem>> -> memref<1x2x128xi32, #tpu.memory_space<vmem>>
        %dma_wait3A_461 = tpu.memref_squeeze %dma_wait3A_460 : memref<1x2x128xi32, #tpu.memory_space<vmem>> -> memref<2x128xi32, #tpu.memory_space<vmem>>
        %dma_wait3A_462 = arith.constant 0 : i32
        %dma_wait3A_463 = tpu.memref_slice %dma_wait3A_461[%run_scoped3A_430, %dma_wait3A_462] : memref<2x128xi32, #tpu.memory_space<vmem>> -> memref<1x128xi32, #tpu.memory_space<vmem>>
        %dma_wait3A_464 = tpu.memref_squeeze %dma_wait3A_463 : memref<1x128xi32, #tpu.memory_space<vmem>> -> memref<128xi32, #tpu.memory_space<vmem>>
        %dma_wait3A_465 = arith.constant 0 : i32
        %dma_wait3A_466 = arith.constant 0 : i32
        %dma_wait3A_467 = tpu.memref_slice %arg8[%dma_wait3A_465, %dma_wait3A_466] : memref<10240x128xf32, #tpu.memory_space<vmem_shared>> -> memref<10240x128xf32, #tpu.memory_space<vmem_shared>>
        tpu.wait_indirect_dma semaphore(%run_scoped3A_439 : memref<!tpu.dma_semaphore, #tpu.memory_space<semaphore_mem>>) src(%dma_wait3A_457 : memref<128x128xf32, #tpu.memory_space<vmem>>) dst(%dma_wait3A_467 : memref<10240x128xf32, #tpu.memory_space<vmem_shared>>)
        tpu.yield
      }) : () -> ()
      %add3A_431 = arith.constant 2 : i32
      %add3A_432 = arith.addi %add3A_405, %add3A_431 : i32
      %lt3A_433 = arith.constant 80 : i32
      %lt3A_434 = arith.cmpi slt, %add3A_432, %lt3A_433 : i32
      %convert_element_type3A_435 = arith.extui %lt3A_434 : i1 to i32
      %cond3A_436 = arith.constant 0 : i32
      %cond3A_437 = arith.cmpi ne, %convert_element_type3A_435, %cond3A_436 : i32
      scf.if %cond3A_437 {
        %add3A_439 = arith.addi %mul3A_2, %add3A_405 : i32
        %add3A_440 = arith.constant 2 : i32
        %add3A_441 = arith.addi %add3A_439, %add3A_440 : i32
        %dma_start3A_442 = arith.constant 1 : i32
        %dma_start3A_443 = arith.constant 0 : i32
        %dma_start3A_444 = arith.constant 0 : i32
        %dma_start3A_445 = tpu.memref_slice %arg6[%dma_start3A_442, %dma_start3A_443, %dma_start3A_444] : memref<4x2x128xi32, #tpu.memory_space<vmem>> -> memref<1x2x128xi32, #tpu.memory_space<vmem>>
        %dma_start3A_446 = tpu.memref_squeeze %dma_start3A_445 : memref<1x2x128xi32, #tpu.memory_space<vmem>> -> memref<2x128xi32, #tpu.memory_space<vmem>>
        %dma_start3A_447 = arith.constant 0 : i32
        %dma_start3A_448 = arith.constant 0 : i32
        %dma_start3A_449 = tpu.memref_slice %arg3[%add3A_441, %dma_start3A_447, %dma_start3A_448] : memref<2560x2x128xi32, #tpu.memory_space<hbm>> -> memref<1x2x128xi32, #tpu.memory_space<hbm>>
        %dma_start3A_450 = tpu.memref_squeeze %dma_start3A_449 : memref<1x2x128xi32, #tpu.memory_space<hbm>> -> memref<2x128xi32, #tpu.memory_space<hbm>>
        %dma_start3A_451 = arith.constant 0 : i32
        %dma_start3A_452 = arith.constant 0 : i32
        %dma_start3A_453 = tpu.memref_slice %arg6[%dma_start3A_442, %dma_start3A_451, %dma_start3A_452] : memref<4x2x128xi32, #tpu.memory_space<vmem>> -> memref<1x2x128xi32, #tpu.memory_space<vmem>>
        %dma_start3A_454 = tpu.memref_squeeze %dma_start3A_453 : memref<1x2x128xi32, #tpu.memory_space<vmem>> -> memref<2x128xi32, #tpu.memory_space<vmem>>
        %dma_start3A_455 = arith.constant 0 : i32
        %dma_start3A_456 = arith.constant 0 : i32
        %dma_start3A_457 = tpu.memref_slice %arg3[%add3A_441, %dma_start3A_455, %dma_start3A_456] : memref<2560x2x128xi32, #tpu.memory_space<hbm>> -> memref<1x2x128xi32, #tpu.memory_space<hbm>>
        %dma_start3A_458 = tpu.memref_squeeze %dma_start3A_457 : memref<1x2x128xi32, #tpu.memory_space<hbm>> -> memref<2x128xi32, #tpu.memory_space<hbm>>
        tpu.enqueue_dma source(%dma_start3A_458 : memref<2x128xi32, #tpu.memory_space<hbm>>) target(%dma_start3A_454 : memref<2x128xi32, #tpu.memory_space<vmem>>) target_semaphore(%arg10 : memref<!tpu.dma_semaphore, #tpu.memory_space<semaphore_mem>>)
      } else {
      }
      %scan3A_438 = arith.constant 0 : i32
      scf.yield %scan3A_438 : i32
    }
    %scan3A_297 = arith.constant 20 : i32
    %barrier3A_298 = arith.constant 0 : index
    tpu.barrier barrier_id(%barrier3A_298)
    %mul3A_299 = arith.constant 640 : i32
    %mul3A_300 = arith.muli %arg1, %mul3A_299 : i32
    %mul3A_301 = arith.constant 640 : i32
    %mul3A_302 = arith.muli %arg1, %mul3A_301 : i32
    "tpu.region"() ({
      %run_scoped3A_303 = tpu.sem_alloc : memref<!tpu.dma_semaphore, #tpu.memory_space<semaphore_mem>>
      %dma_start3A_304 = arith.constant 0 : i32
      %dma_start3A_305 = arith.constant 0 : i32
      %dma_start3A_306 = tpu.memref_slice %arg5[%arg0, %dma_start3A_304, %dma_start3A_305] : memref<2x10240x128xf32, #tpu.memory_space<hbm>> -> memref<1x10240x128xf32, #tpu.memory_space<hbm>>
      %dma_start3A_307 = tpu.memref_squeeze %dma_start3A_306 : memref<1x10240x128xf32, #tpu.memory_space<hbm>> -> memref<10240x128xf32, #tpu.memory_space<hbm>>
      %dma_start3A_308 = arith.constant 0 : i32
      %dma_start3A_309 = tpu.memref_slice %dma_start3A_307[%mul3A_302, %dma_start3A_308] : memref<10240x128xf32, #tpu.memory_space<hbm>> -> memref<640x128xf32, #tpu.memory_space<hbm>>
      %dma_start3A_310 = arith.constant 0 : i32
      %dma_start3A_311 = tpu.memref_slice %arg8[%mul3A_300, %dma_start3A_310] : memref<10240x128xf32, #tpu.memory_space<vmem_shared>> -> memref<640x128xf32, #tpu.memory_space<vmem_shared>>
      tpu.enqueue_dma source(%dma_start3A_311 : memref<640x128xf32, #tpu.memory_space<vmem_shared>>) target(%dma_start3A_309 : memref<640x128xf32, #tpu.memory_space<hbm>>) target_semaphore(%run_scoped3A_303 : memref<!tpu.dma_semaphore, #tpu.memory_space<semaphore_mem>>)
      %dma_wait3A_312 = arith.constant 0 : i32
      %dma_wait3A_313 = arith.constant 0 : i32
      %dma_wait3A_314 = tpu.memref_slice %arg5[%arg0, %dma_wait3A_312, %dma_wait3A_313] : memref<2x10240x128xf32, #tpu.memory_space<hbm>> -> memref<1x10240x128xf32, #tpu.memory_space<hbm>>
      %dma_wait3A_315 = tpu.memref_squeeze %dma_wait3A_314 : memref<1x10240x128xf32, #tpu.memory_space<hbm>> -> memref<10240x128xf32, #tpu.memory_space<hbm>>
      %dma_wait3A_316 = arith.constant 0 : i32
      %dma_wait3A_317 = tpu.memref_slice %dma_wait3A_315[%mul3A_302, %dma_wait3A_316] : memref<10240x128xf32, #tpu.memory_space<hbm>> -> memref<640x128xf32, #tpu.memory_space<hbm>>
      %dma_wait3A_318 = arith.constant 0 : i32
      %dma_wait3A_319 = tpu.memref_slice %arg8[%mul3A_300, %dma_wait3A_318] : memref<10240x128xf32, #tpu.memory_space<vmem_shared>> -> memref<640x128xf32, #tpu.memory_space<vmem_shared>>
      tpu.wait_dma2 semaphore(%run_scoped3A_303 : memref<!tpu.dma_semaphore, #tpu.memory_space<semaphore_mem>>) src(%dma_wait3A_319 : memref<640x128xf32, #tpu.memory_space<vmem_shared>>) dst(%dma_wait3A_317 : memref<640x128xf32, #tpu.memory_space<hbm>>)
      tpu.yield
    }) : () -> ()
    return
  }
}

module attributes {stable_mosaic.version = 14 : i64} {
  func.func @_tc1_body(%arg0: i32, %arg1: memref<1024x128xf32, #tpu.memory_space<vmem>>, %arg2: memref<128x128xf32, #tpu.memory_space<vmem>>, %arg3: memref<2x1024x128xf32, #tpu.memory_space<vmem>>, %arg4: memref<1024x128xf32, #tpu.memory_space<vmem>>, %arg5: memref<1024x1xf32, #tpu.memory_space<vmem>>) attributes {dimension_semantics = [#tpu.dimension_semantics<arbitrary>], iteration_bounds = array<i64: 10>, scalar_prefetch = 0 : i64, scratch_operands = 0 : i64, tpu.core_type = #tpu.core_type<tc>, window_params = [{transform_indices = @transform_0, window_bounds = array<i64: 1024, 128>}, {pipeline_mode = #tpu.pipeline_mode<synchronous>, transform_indices = @transform_1, window_bounds = array<i64: 128, 128>}, {transform_indices = @transform_2, window_bounds = array<i64: 2, 1024, 128>}, {transform_indices = @transform_3, window_bounds = array<i64: 1024, 128>}, {transform_indices = @transform_4, window_bounds = array<i64: 1024, 1>}]} {
    %get3A = arith.constant 0 : index
    %get3A_0 = arith.constant 0 : index
    %get3A_1 = arith.constant 0 : index
    %get3A_2 = vector.load %arg3[%get3A, %get3A_0, %get3A_1] : memref<2x1024x128xf32, #tpu.memory_space<vmem>>, vector<1x1024x1xf32>
    %get3A_3 = vector.shape_cast %get3A_2 : vector<1x1024x1xf32> to vector<1024x1xf32>
    %get3A_4 = arith.constant 1 : index
    %get3A_5 = arith.constant 0 : index
    %get3A_6 = arith.constant 0 : index
    %get3A_7 = vector.load %arg3[%get3A_4, %get3A_5, %get3A_6] : memref<2x1024x128xf32, #tpu.memory_space<vmem>>, vector<1x1024x1xf32>
    %get3A_8 = vector.shape_cast %get3A_7 : vector<1x1024x1xf32> to vector<1024x1xf32>
    %add3A = arith.addf %get3A_3, %get3A_8 : vector<1024x1xf32>
    %add3A_9 = arith.constant 1.000000e+00 : f32
    %add3A_10 = vector.broadcast %add3A_9 : f32 to vector<1024x1xf32>
    %add3A_11 = arith.addf %add3A, %add3A_10 : vector<1024x1xf32>
    %rsqrt3A = math.rsqrt %add3A_11 : vector<1024x1xf32>
    %get3A_12 = arith.constant 0 : index
    %get3A_13 = arith.constant 0 : index
    %get3A_14 = vector.load %arg1[%get3A_12, %get3A_13] : memref<1024x128xf32, #tpu.memory_space<vmem>>, vector<1024x128xf32>
    %get3A_15 = arith.constant 0 : index
    %get3A_16 = arith.constant 0 : index
    %get3A_17 = vector.load %arg2[%get3A_15, %get3A_16] : memref<128x128xf32, #tpu.memory_space<vmem>>, vector<128x128xf32>
    %dot_general3A = arith.constant dense<0.000000e+00> : vector<1024x128xf32>
    %dot_general3A_18 = tpu.matmul %get3A_14, %get3A_17, %dot_general3A {dimension_numbers = #tpu.dot_dimension_numbers<[1], [0], [0], [1], [0, 0, 1, 1], [], []>, transpose_lhs_hint = false} : vector<1024x128xf32>, vector<128x128xf32>, vector<1024x128xf32> -> vector<1024x128xf32>
    %mul3A = vector.broadcast %rsqrt3A : vector<1024x1xf32> to vector<1024x128xf32>
    %mul3A_19 = arith.mulf %dot_general3A_18, %mul3A : vector<1024x128xf32>
    %swap3A = arith.constant 0 : index
    %swap3A_20 = arith.constant 0 : index
    %swap3A_21 = vector.load %arg4[%swap3A, %swap3A_20] : memref<1024x128xf32, #tpu.memory_space<vmem>>, vector<1024x128xf32>
    tpu.vector_store %arg4[%swap3A, %swap3A_20], %mul3A_19 {strides = array<i32>} : memref<1024x128xf32, #tpu.memory_space<vmem>>, vector<1024x128xf32>,
    %swap3A_22 = arith.constant 0 : index
    %swap3A_23 = arith.constant 0 : index
    %swap3A_24 = vector.load %arg5[%swap3A_22, %swap3A_23] : memref<1024x1xf32, #tpu.memory_space<vmem>>, vector<1024x1xf32>
    tpu.vector_store %arg5[%swap3A_22, %swap3A_23], %rsqrt3A {strides = array<i32>} : memref<1024x1xf32, #tpu.memory_space<vmem>>, vector<1024x1xf32>,
    return
  }
  func.func @transform_0(%arg0: i32) -> (i32, i32) {
    %c0_i32 = arith.constant 0 : i32
    %c0_i32_0 = arith.constant 0 : i32
    return %arg0, %c0_i32 : i32, i32
  }
  func.func @transform_1(%arg0: i32) -> (i32, i32) {
    %c0_i32 = arith.constant 0 : i32
    %c0_i32_0 = arith.constant 0 : i32
    %c0_i32_1 = arith.constant 0 : i32
    return %c0_i32, %c0_i32_0 : i32, i32
  }
  func.func @transform_2(%arg0: i32) -> (i32, i32, i32) {
    %c0_i32 = arith.constant 0 : i32
    %c0_i32_0 = arith.constant 0 : i32
    %c0_i32_1 = arith.constant 0 : i32
    return %c0_i32, %arg0, %c0_i32_0 : i32, i32, i32
  }
  func.func @transform_3(%arg0: i32) -> (i32, i32) {
    %c0_i32 = arith.constant 0 : i32
    %c0_i32_0 = arith.constant 0 : i32
    return %arg0, %c0_i32 : i32, i32
  }
  func.func @transform_4(%arg0: i32) -> (i32, i32) {
    %c0_i32 = arith.constant 0 : i32
    %c0_i32_0 = arith.constant 0 : i32
    return %arg0, %c0_i32 : i32, i32
  }
}

module attributes {stable_mosaic.version = 14 : i64} {
  func.func @_tc2_body(%arg0: i32, %arg1: memref<2x1024x128xf32, #tpu.memory_space<vmem>>, %arg2: memref<1024x128xf32, #tpu.memory_space<vmem>>, %arg3: memref<1024x1xf32, #tpu.memory_space<vmem>>, %arg4: memref<1x128xf32, #tpu.memory_space<vmem>>, %arg5: memref<128x128xf32, #tpu.memory_space<vmem>>, %arg6: memref<1024x128xf32, #tpu.memory_space<vmem>>) attributes {dimension_semantics = [#tpu.dimension_semantics<arbitrary>], iteration_bounds = array<i64: 10>, scalar_prefetch = 0 : i64, scratch_operands = 0 : i64, tpu.core_type = #tpu.core_type<tc>, window_params = [{transform_indices = @transform_0, window_bounds = array<i64: 2, 1024, 128>}, {transform_indices = @transform_1, window_bounds = array<i64: 1024, 128>}, {transform_indices = @transform_2, window_bounds = array<i64: 1024, 1>}, {pipeline_mode = #tpu.pipeline_mode<synchronous>, transform_indices = @transform_3, window_bounds = array<i64: 1, 128>}, {pipeline_mode = #tpu.pipeline_mode<synchronous>, transform_indices = @transform_4, window_bounds = array<i64: 128, 128>}, {transform_indices = @transform_5, window_bounds = array<i64: 1024, 128>}]} {
    %get3A = arith.constant 0 : index
    %get3A_0 = arith.constant 0 : index
    %get3A_1 = vector.load %arg3[%get3A, %get3A_0] : memref<1024x1xf32, #tpu.memory_space<vmem>>, vector<1024x1xf32>
    %get3A_2 = arith.constant 0 : index
    %get3A_3 = arith.constant 0 : index
    %get3A_4 = arith.constant 0 : index
    %get3A_5 = vector.load %arg1[%get3A_2, %get3A_3, %get3A_4] : memref<2x1024x128xf32, #tpu.memory_space<vmem>>, vector<1x1024x128xf32>
    %get3A_6 = vector.shape_cast %get3A_5 : vector<1x1024x128xf32> to vector<1024x128xf32>
    %get3A_7 = arith.constant 1 : index
    %get3A_8 = arith.constant 0 : index
    %get3A_9 = arith.constant 0 : index
    %get3A_10 = vector.load %arg1[%get3A_7, %get3A_8, %get3A_9] : memref<2x1024x128xf32, #tpu.memory_space<vmem>>, vector<1x1024x128xf32>
    %get3A_11 = vector.shape_cast %get3A_10 : vector<1x1024x128xf32> to vector<1024x128xf32>
    %add3A = arith.addf %get3A_6, %get3A_11 : vector<1024x128xf32>
    %get3A_12 = arith.constant 0 : index
    %get3A_13 = arith.constant 0 : index
    %get3A_14 = vector.load %arg2[%get3A_12, %get3A_13] : memref<1024x128xf32, #tpu.memory_space<vmem>>, vector<1024x128xf32>
    %add3A_15 = arith.addf %add3A, %get3A_14 : vector<1024x128xf32>
    %mul3A = vector.broadcast %get3A_1 : vector<1024x1xf32> to vector<1024x128xf32>
    %mul3A_16 = arith.mulf %mul3A, %add3A_15 : vector<1024x128xf32>
    %get3A_17 = arith.constant 0 : index
    %get3A_18 = arith.constant 0 : index
    %get3A_19 = vector.load %arg4[%get3A_17, %get3A_18] : memref<1x128xf32, #tpu.memory_space<vmem>>, vector<1x128xf32>
    %add3A_20 = vector.broadcast %get3A_19 : vector<1x128xf32> to vector<1024x128xf32>
    %add3A_21 = arith.addf %mul3A_16, %add3A_20 : vector<1024x128xf32>
    %max3A = arith.constant 0.000000e+00 : f32
    %max3A_22 = vector.broadcast %max3A : f32 to vector<1024x128xf32>
    %max3A_23 = arith.maximumf %add3A_21, %max3A_22 : vector<1024x128xf32>
    %get3A_24 = arith.constant 0 : index
    %get3A_25 = arith.constant 0 : index
    %get3A_26 = vector.load %arg5[%get3A_24, %get3A_25] : memref<128x128xf32, #tpu.memory_space<vmem>>, vector<128x128xf32>
    %dot_general3A = arith.constant dense<0.000000e+00> : vector<1024x128xf32>
    %dot_general3A_27 = tpu.matmul %max3A_23, %get3A_26, %dot_general3A {dimension_numbers = #tpu.dot_dimension_numbers<[1], [0], [0], [1], [0, 0, 1, 1], [], []>, transpose_lhs_hint = false} : vector<1024x128xf32>, vector<128x128xf32>, vector<1024x128xf32> -> vector<1024x128xf32>
    %mul3A_28 = vector.broadcast %get3A_1 : vector<1024x1xf32> to vector<1024x128xf32>
    %mul3A_29 = arith.mulf %dot_general3A_27, %mul3A_28 : vector<1024x128xf32>
    %swap3A = arith.constant 0 : index
    %swap3A_30 = arith.constant 0 : index
    %swap3A_31 = vector.load %arg6[%swap3A, %swap3A_30] : memref<1024x128xf32, #tpu.memory_space<vmem>>, vector<1024x128xf32>
    tpu.vector_store %arg6[%swap3A, %swap3A_30], %mul3A_29 {strides = array<i32>} : memref<1024x128xf32, #tpu.memory_space<vmem>>, vector<1024x128xf32>,
    return
  }
  func.func @transform_0(%arg0: i32) -> (i32, i32, i32) {
    %c0_i32 = arith.constant 0 : i32
    %c0_i32_0 = arith.constant 0 : i32
    %c0_i32_1 = arith.constant 0 : i32
    return %c0_i32, %arg0, %c0_i32_0 : i32, i32, i32
  }
  func.func @transform_1(%arg0: i32) -> (i32, i32) {
    %c0_i32 = arith.constant 0 : i32
    %c0_i32_0 = arith.constant 0 : i32
    return %arg0, %c0_i32 : i32, i32
  }
  func.func @transform_2(%arg0: i32) -> (i32, i32) {
    %c0_i32 = arith.constant 0 : i32
    %c0_i32_0 = arith.constant 0 : i32
    return %arg0, %c0_i32 : i32, i32
  }
  func.func @transform_3(%arg0: i32) -> (i32, i32) {
    %c0_i32 = arith.constant 0 : i32
    %c0_i32_0 = arith.constant 0 : i32
    %c0_i32_1 = arith.constant 0 : i32
    return %c0_i32, %c0_i32_0 : i32, i32
  }
  func.func @transform_4(%arg0: i32) -> (i32, i32) {
    %c0_i32 = arith.constant 0 : i32
    %c0_i32_0 = arith.constant 0 : i32
    %c0_i32_1 = arith.constant 0 : i32
    return %c0_i32, %c0_i32_0 : i32, i32
  }
  func.func @transform_5(%arg0: i32) -> (i32, i32) {
    %c0_i32 = arith.constant 0 : i32
    %c0_i32_0 = arith.constant 0 : i32
    return %arg0, %c0_i32 : i32, i32
  }
}

module attributes {stable_mosaic.version = 14 : i64} {
  func.func @_tc3_body(%arg0: i32, %arg1: memref<2x1024x128xf32, #tpu.memory_space<vmem>>, %arg2: memref<1024x128xf32, #tpu.memory_space<vmem>>, %arg3: memref<1024x1xf32, #tpu.memory_space<vmem>>, %arg4: memref<1x64xf32, #tpu.memory_space<vmem>>, %arg5: memref<1024x64xf32, #tpu.memory_space<vmem>>) attributes {dimension_semantics = [#tpu.dimension_semantics<arbitrary>], iteration_bounds = array<i64: 10>, scalar_prefetch = 0 : i64, scratch_operands = 0 : i64, tpu.core_type = #tpu.core_type<tc>, window_params = [{transform_indices = @transform_0, window_bounds = array<i64: 2, 1024, 128>}, {transform_indices = @transform_1, window_bounds = array<i64: 1024, 128>}, {transform_indices = @transform_2, window_bounds = array<i64: 1024, 1>}, {pipeline_mode = #tpu.pipeline_mode<synchronous>, transform_indices = @transform_3, window_bounds = array<i64: 1, 64>}, {transform_indices = @transform_4, window_bounds = array<i64: 1024, 64>}]} {
    %get3A = arith.constant 0 : index
    %get3A_0 = arith.constant 0 : index
    %get3A_1 = vector.load %arg3[%get3A, %get3A_0] : memref<1024x1xf32, #tpu.memory_space<vmem>>, vector<1024x1xf32>
    %get3A_2 = arith.constant 0 : index
    %get3A_3 = arith.constant 0 : index
    %get3A_4 = arith.constant 0 : index
    %get3A_5 = vector.load %arg1[%get3A_2, %get3A_3, %get3A_4] : memref<2x1024x128xf32, #tpu.memory_space<vmem>>, vector<1x1024x128xf32>
    %get3A_6 = vector.shape_cast %get3A_5 : vector<1x1024x128xf32> to vector<1024x128xf32>
    %get3A_7 = arith.constant 1 : index
    %get3A_8 = arith.constant 0 : index
    %get3A_9 = arith.constant 0 : index
    %get3A_10 = vector.load %arg1[%get3A_7, %get3A_8, %get3A_9] : memref<2x1024x128xf32, #tpu.memory_space<vmem>>, vector<1x1024x128xf32>
    %get3A_11 = vector.shape_cast %get3A_10 : vector<1x1024x128xf32> to vector<1024x128xf32>
    %add3A = arith.addf %get3A_6, %get3A_11 : vector<1024x128xf32>
    %get3A_12 = arith.constant 0 : index
    %get3A_13 = arith.constant 0 : index
    %get3A_14 = vector.load %arg2[%get3A_12, %get3A_13] : memref<1024x128xf32, #tpu.memory_space<vmem>>, vector<1024x128xf32>
    %add3A_15 = arith.addf %add3A, %get3A_14 : vector<1024x128xf32>
    %slice3A = vector.extract_strided_slice %add3A_15 {offsets = [0, 0], sizes = [1024, 64], strides = [1, 1]} : vector<1024x128xf32> to vector<1024x64xf32>
    %mul3A = vector.broadcast %get3A_1 : vector<1024x1xf32> to vector<1024x64xf32>
    %mul3A_16 = arith.mulf %mul3A, %slice3A : vector<1024x64xf32>
    %get3A_17 = arith.constant 0 : index
    %get3A_18 = arith.constant 0 : index
    %get3A_19 = vector.load %arg4[%get3A_17, %get3A_18] : memref<1x64xf32, #tpu.memory_space<vmem>>, vector<1x64xf32>
    %add3A_20 = vector.broadcast %get3A_19 : vector<1x64xf32> to vector<1024x64xf32>
    %add3A_21 = arith.addf %mul3A_16, %add3A_20 : vector<1024x64xf32>
    %max3A = arith.constant 0.000000e+00 : f32
    %max3A_22 = vector.broadcast %max3A : f32 to vector<1024x64xf32>
    %max3A_23 = arith.maximumf %add3A_21, %max3A_22 : vector<1024x64xf32>
    %swap3A = arith.constant 0 : index
    %swap3A_24 = arith.constant 0 : index
    %swap3A_25 = vector.load %arg5[%swap3A, %swap3A_24] : memref<1024x64xf32, #tpu.memory_space<vmem>>, vector<1024x64xf32>
    tpu.vector_store %arg5[%swap3A, %swap3A_24], %max3A_23 {strides = array<i32>} : memref<1024x64xf32, #tpu.memory_space<vmem>>, vector<1024x64xf32>,
    return
  }
  func.func @transform_0(%arg0: i32) -> (i32, i32, i32) {
    %c0_i32 = arith.constant 0 : i32
    %c0_i32_0 = arith.constant 0 : i32
    %c0_i32_1 = arith.constant 0 : i32
    return %c0_i32, %arg0, %c0_i32_0 : i32, i32, i32
  }
  func.func @transform_1(%arg0: i32) -> (i32, i32) {
    %c0_i32 = arith.constant 0 : i32
    %c0_i32_0 = arith.constant 0 : i32
    return %arg0, %c0_i32 : i32, i32
  }
  func.func @transform_2(%arg0: i32) -> (i32, i32) {
    %c0_i32 = arith.constant 0 : i32
    %c0_i32_0 = arith.constant 0 : i32
    return %arg0, %c0_i32 : i32, i32
  }
  func.func @transform_3(%arg0: i32) -> (i32, i32) {
    %c0_i32 = arith.constant 0 : i32
    %c0_i32_0 = arith.constant 0 : i32
    %c0_i32_1 = arith.constant 0 : i32
    return %c0_i32, %c0_i32_0 : i32, i32
  }
  func.func @transform_4(%arg0: i32) -> (i32, i32) {
    %c0_i32 = arith.constant 0 : i32
    %c0_i32_0 = arith.constant 0 : i32
    return %arg0, %c0_i32 : i32, i32
  }
}

</mosaic_0001>

<sc_bundles>
// kernel: kernel.11.cloned.1.call-start
scs
__scs_entry_jumppad:
0x0: {  	(pc) =	sbr.rel $0x88, $3  }
0x1: {  	(tag) =	ssettag $0x0;
	lr =	simm.s32 $0x1  }
0x2: {  	[smem:$0x3F9B] =	sst lr;
	_ =	strace $0xD0000000  }
0x3: {  	_ = 	snop  }
0x4: {  	_ = 	snop  }
0x5: {  	_ = 	snop  }
0x6: {  	_ = 	snop  }
0x7: {  	_ = 	snop  }
__scs_overlays_trampoline_lowered:
0x8: {  	[smem:$0x3FAA] =	sst s0  }
0x9: {  	[smem:$0x3FAB] =	sst s1  }
0xa: {  	[smem:$0x3FAC] =	sst s2  }
0xb: {  	[smem:$0x3FAD] =	sst s3  }
0xc: {  	[smem:$0x3FAE] =	sst s4  }
0xd: {  	[smem:$0x3FAF] =	sst s5  }
0xe: {  	[smem:$0x3FB0] =	sst s6  }
0xf: {  	[smem:$0x3FB1] =	sst s7  }
0x10: {  	[smem:$0x3FB2] =	sst s8  }
0x11: {  	[smem:$0x3FB3] =	sst s9;
	s0 =	simm.s32 @!p0 $0x0  }
0x12: {  	s1 =	sld [smem:$0x3F99];
	s0 =	simm.s32 @p0 $0x1  }
0x13: {  	[smem:$0x3FB4] =	sst s0;
	s0 =	simm.s32 @!p1 $0x0  }
0x14: {  	s2 =	sld [smem:$0x3F98];
	s0 =	simm.s32 @p1 $0x1  }
0x15: {  	[smem:$0x3FB5] =	sst s0;
	s0 =	simm.s32 @!p2 $0x0  }
0x16: {  	s3 =	sld [smem:$0x3FDB];
	s0 =	simm.s32 @p2 $0x1  }
0x17: {  	s4 =	simm.s32 $0x1BF5;
	[smem:$0x3FB7] =	sst s0  }
0x18: {  	s0 =	sld [smem:$0x3F9A];
	_ =	swait.ge [sflag:s4], $0x0  }
0x19: {  	s7 =	sld [smem:$0x3F9B]  }
0x1a: {  	s8 =	sadd.s32 $0xFFFFE003, lr  }
0x1b: {  	s9 =	sadd.s32 $0xFFFFFEF7, lr;
	s5 =	simm.s32 $0xFFFFFFFF;
	p2 =	slt.u32 s8, $0xFFFFF086  }
0x1c: {  	p1 =	slt.u32 s9, $0xF7A;
	s5 =	simm.s32 @!p2 $0x0  }
0x1d: {  	s5 =	simm.s32 @p1 $0x1;
	p0 =	seq.s32 s7, s2  }
0x1e: {  	s7 =	smul.u32 @!p0 $0xF7A, s2;
	p2 =	seq.s32 @!p0 s5, $0x0  }
0x1f: {  	s9 =	smul.u32 $0xF7A, s1;
	s8 =	simm.s32 @!p0 $0x1BF5;
	p2 =	por !p2, p0  }
0x20: {  	[sflag:s8] =	ssyncset.s32 @!p0 $0xFFFFF086;
	s6 =	sadd.s32 @!p0 s3, s7;
	s7 =	simm.s32 @!p0 $0x108  }
0x21: {  	s3 =	sadd.s32 s3, s9;
	s6 =	sadd.s32 @!p0 $0x88, s6;
	s7 =	simm.s32 @p2 $0x1082  }
0x22: {  	[simem:s7], [sflag:s8] =	dma.local @!p0 [hbm:s6], $0xF7A  }
0x23: {  	s9 =	sor.u32 $0xD0000000, s2;
	s6 =	simm.s32 $0x108;
	_ =	swait.ge @!p0 [sflag:s8], $0x0  }
0x24: {  	s3 =	sadd.s32 $0x88, s3;
	s6 =	simm.s32 @!p1 $0x1082;
	[sflag:s4] =	ssyncset.s32 $0xFFFFF086  }
0x25: {  	[simem:s6], [sflag:s4] =	dma.local [hbm:s3], $0xF7A  }
0x26: {  	[smem:$0x3F9B] =	sst s1;
	(tag) =	ssettag s2;
	_ =	strace s9  }
0x27: {  	s1 =	sld [smem:$0x3FAB]  }
0x28: {  	s2 =	sld [smem:$0x3FAC]  }
0x29: {  	s4 =	sld [smem:$0x3FAE]  }
0x2a: {  	p0 =	seq.s32 s5, $0x0;
	s5 =	sld [smem:$0x3FAF]  }
0x2b: {  	s6 =	sld [smem:$0x3FB0]  }
0x2c: {  	s7 =	sld [smem:$0x3FB1]  }
0x2d: {  	s3 =	simm.s32 $0x108;
	s8 =	sld [smem:$0x3FB2]  }
0x2e: {  	s3 =	simm.s32 @!p0 $0x1082;
	s9 =	sld [smem:$0x3FB3]  }
0x2f: {  	lr =	sadd.s32 s0, s3;
	s0 =	sld [smem:$0x3FAA]  }
0x30: {  	s3 =	sld [smem:$0x3FAD]  }
0x31: {  	[smem:$0x3FB6] =	sst s10  }
0x32: {  	s10 =	sld [smem:$0x3FB4];
	_ =	sdelay $0x3  }
0x33: {  	p0 =	seq.s32 s10, $0x1;
	s10 =	sld [smem:$0x3FB6];
	_ =	sdelay $0x3  }
0x34: {  	[smem:$0x3FB6] =	sst s10  }
0x35: {  	s10 =	sld [smem:$0x3FB5];
	_ =	sdelay $0x3  }
0x36: {  	p1 =	seq.s32 s10, $0x1;
	s10 =	sld [smem:$0x3FB6];
	_ =	sdelay $0x3  }
0x37: {  	[smem:$0x3FB6] =	sst s10  }
0x38: {  	s10 =	sld [smem:$0x3FB7]  }
0x39: {  	_ = 	snop;
	(pc) =	sbr.ind lr, $3  }
0x3a: {  	_ = 	snop  }
0x3b: {  	_ = 	snop  }
0x3c: {  	p2 =	seq.s32 s10, $0x1;
	s10 =	sld [smem:$0x3FB6]  }
0x3d: {  	_ =	shalt  }
0x3e: {  	_ =	shalt  }
0x3f: {  	_ =	shalt  }
0x40: {  	_ =	shalt  }
0x41: {  	_ =	shalt  }
0x42: {  	_ =	shalt  }
0x43: {  	_ =	shalt  }
0x44: {  	_ =	shalt  }
0x45: {  	_ =	shalt  }
0x46: {  	_ =	shalt  }
0x47: {  	_ =	shalt  }
0x48: {  	_ =	shalt  }
0x49: {  	_ =	shalt  }
0x4a: {  	_ =	shalt  }
0x4b: {  	_ =	shalt  }
0x4c: {  	_ =	shalt  }
0x4d: {  	_ =	shalt  }
0x4e: {  	_ =	shalt  }
0x4f: {  	_ =	shalt  }
0x50: {  	_ =	shalt  }
0x51: {  	_ =	shalt  }
0x52: {  	_ =	shalt  }
0x53: {  	_ =	shalt  }
0x54: {  	_ =	shalt  }
0x55: {  	_ =	shalt  }
0x56: {  	_ =	shalt  }
0x57: {  	_ =	shalt  }
0x58: {  	_ =	shalt  }
0x59: {  	_ =	shalt  }
0x5a: {  	_ =	shalt  }
0x5b: {  	_ =	shalt  }
0x5c: {  	_ =	shalt  }
0x5d: {  	_ =	shalt  }
0x5e: {  	_ =	shalt  }
0x5f: {  	_ =	shalt  }
0x60: {  	_ =	shalt  }
0x61: {  	_ =	shalt  }
0x62: {  	_ =	shalt  }
0x63: {  	_ =	shalt  }
0x64: {  	_ =	shalt  }
0x65: {  	_ =	shalt  }
0x66: {  	_ =	shalt  }
0x67: {  	_ =	shalt  }
0x68: {  	_ =	shalt  }
0x69: {  	_ =	shalt  }
0x6a: {  	_ =	shalt  }
0x6b: {  	_ =	shalt  }
0x6c: {  	_ =	shalt  }
0x6d: {  	_ =	shalt  }
0x6e: {  	_ =	shalt  }
0x6f: {  	_ =	shalt  }
0x70: {  	_ =	shalt  }
0x71: {  	_ =	shalt  }
0x72: {  	_ =	shalt  }
0x73: {  	_ =	shalt  }
0x74: {  	_ =	shalt  }
0x75: {  	_ =	shalt  }
0x76: {  	_ =	shalt  }
0x77: {  	_ =	shalt  }
0x78: {  	_ =	shalt  }
0x79: {  	_ =	shalt  }
0x7a: {  	_ =	shalt  }
0x7b: {  	_ =	shalt  }
0x7c: {  	_ =	shalt  }
0x7d: {  	_ =	shalt  }
0x7e: {  	_ =	shalt  }
0x7f: {  	_ =	shalt  }
0x80: {  	_ =	shalt  }
0x81: {  	_ =	shalt  }
0x82: {  	_ =	shalt  }
0x83: {  	_ =	shalt  }
0x84: {  	_ =	shalt  }
0x85: {  	_ =	shalt  }
0x86: {  	_ =	shalt  }
0x87: {  	_ =	shalt  }
.Lfunc_end0:
.L_simem_size_0:
called_computation.1_lowered:
.L_overlay_start_0:
0x88: {  	s2 =	sld [smem:$0x3FD9]  }
0x89: {  	s3 =	sld [smem:$0x3FFE];
	_ =	sdelay $0x1  }
0x8a: {  	s1 =	srdreg.scid  }
0x8b: {  	s0 =	sand.u32 $0x1, s1  }
0x8c: {  	s17 =	sshll.u32 s0, $0xA;
	s2 =	sadd.s32 s3, s2  }
0x8d: {  	s2 =	sadd.s32 s2, s17  }
0x8e: {  	[smem:$0x3FC2] =	sst s2  }
0x8f: {  	_ = 	snop  }
0x90: {  	s2 =	sld [smem:$0x3FD0];
	(tm) =	ssettm $0x1  }
0x91: {  	s18 =	sld [smem:$0x3FFB];
	_ =	sdelay $0x3  }
0x92: {  	_ =	strace s18  }
0x93: {  	s3 =	sld [smem:$0x3FFC];
	_ =	sdelay $0x3  }
0x94: {  	_ =	strace s3  }
0x95: {  	s3 =	sld [smem:$0x3FFD];
	_ =	sdelay $0x3  }
0x96: {  	_ =	strace s3  }
0x97: {  	_ =	strace $0x8FFFFFFF  }
0x98: {  	s19 =	sld [smem:$0x3FDB];
	_ =	sdelay $0x1  }
0x99: {  	s4 =	simm.s32 $_scs_section_size  }
0x9a: {  	s5 =	simm.s32 $_size__tile_overlayer_lowered;
	s6 =	simm.s32 $_tile_overlayer_lowered  }
0x9b: {  	s22 =	simm.s32 $0x1BFF;
	s21 =	sshll.u32 s6, $0x1;
	s3 =	sadd.s32 s4, s19  }
0x9c: {  	s7 =	simm.s32 $0x0;
	s20 =	sshll.u32 s5, $0x1;
	s5 =	sadd.s32 s21, s3  }
0x9d: {  	[timem:s7], [sflag:s22] =	dma.local [hbm:s5], s20  }
0x9e: {  	_ =	swait.ge [sflag:s22], s20  }
0x9f: {  	s4 =	ssub.s32 $0x0, s20;
	[sflag:s22] =	ssyncset.done $0x0  }
0xa0: {  	[sflag:s22] =	ssyncadd.s32 s4;
	_ =	sdelay $0x1  }
0xa1: {  	s23 =	simm.s32 $0x1B8B  }
0xa2: {  	_ =	swait.ge [sflag:s23], $0x1  }
0xa3: {  	[sflag:s23] =	ssyncset.done $0x0  }
0xa4: {  	s25 =	simm.s32 $0x1B8E;
	s24 =	sld [smem:$0x3FFE];
	[sflag:s23] =	ssyncadd.s32 $0xFFFFFFFF  }
0xa5: {  	s26 =	simm.s32 $execute0_lowered;
	[smem:$0x3FD2] =	sst s25  }
0xa6: {  	s5 =	sshll.u32 s26, $0x1;
	_ =	strace $0x80000049;
	[dreg:$0x1] =	wrdreg $0xFFFFFFFF  }
0xa7: {  	s28 =	simm.s32 $_size_execute0_lowered;
	s3 =	sadd.s32 s3, s5;
	[dreg:$0x0] =	wrdreg $0x0  }
0xa8: {  	s5 =	sshll.u32 s28, $0x1;
	[dreg:$0x2] =	wrdreg s3  }
0xa9: {  	[dreg:$0x3] =	wrdreg s5  }
0xaa: {  	[dreg:$0x4] =	wrdreg $0xC0  }
0xab: {  	_ =	task [dreg:s7], $0x5FFFF  }
0xac: {  	[dreg:$0x1] =	wrdreg $0xFFFFFFFF  }
0xad: {  	[dreg:$0x0] =	wrdreg $0x60  }
0xae: {  	[dreg:$0x2] =	wrdreg s24  }
0xaf: {  	[dreg:$0x3] =	wrdreg s2  }
0xb0: {  	[dreg:$0x4] =	wrdreg $0x84000  }
0xb1: {  	[dreg:$0x5] =	wrdreg $0x9  }
0xb2: {  	_ =	task.clear_ibuf [dreg:s7], $0x6FFFF;
	_ =	strace $0x90000049  }
0xb3: {  	s29 =	simm.s32 $0x9;
	_ =	strace $0x8000004B  }
0xb4: {  	_ =	swait.ge [sflag:s29], $0x1  }
0xb5: {  	[sflag:s29] =	ssyncadd.s32 $0xFFFFFFFF  }
0xb6: {  	_ =	strace $0x9000004B  }
0xb7: {  	_ =	sfence  }
0xb8: {  	s30 =	sld [smem:$0x0];
	_ =	sdelay $0x2  }
0xb9: {  	s31 =	sshll.u32 s1, $0xD;
	s1 =	sshrl.u32 s1, $0x2  }
0xba: {  	s3 =	sand.u32 $0x4000, s31;
	s1 =	sadd.s32 s1, s30  }
0xbb: {  	s0 =	sor.u32 s3, s0;
	s1 =	sshll.u32 s1, $0x11  }
0xbc: {  	s0 =	sor.u32 s1, s0  }
0xbd: {  	s0 =	sadd.s32 $0x8F2B, s0  }
0xbe: {  	[sflag:s0] =	ssyncadd.remote.s32 $0x1  }
0xbf: {  	_ =	sfence.sel $0xFFFF  }
0xc0: {  	[dreg:$0x0] =	wrdreg $0xFFFFFFFF;
	(pc) =	sbr.abs _section_cstart, $3  }
0xc1: {  	[dreg:$0x1] =	wrdreg $0xFFFFFFFF  }
0xc2: {  	_ =	task.clear_ibuf [dreg:s7], $0x2FFFF;
	_ =	strace $0x9FFFFFFF  }
0xc3: {  	(tm) =	ssettm $0x7FFFFFFF  }
tec
execute0_lowered:
.L_overlay_start_1:
0x0: {  	(tag) =	ssettag $0x1  }
0x1: {  	s0 =	rddreg [dreg:$0x0]  }
0x2: {  	s2 =	rddreg [dreg:$0x2];
	s3 =	simm.s32 $0x0;
	s1 =	srdreg.scid  }
0x3: {  	s13 =	stileid.u32;
	s16 =	simm.s32 $0x100;
	s17 =	simm.s32 $0x4400  }
0x4: {  	s28 =	simm.s32 $0x3;
	s29 =	simm.s32 $0x6;
	s8 =	smul.u32 $0x50000, s13  }
0x5: {  	s30 =	simm.s32 $0x180;
	s31 =	simm.s32 $0x300;
	s23 =	smul.u32 $0x50, s13  }
0x6: {  	[smem:$0x7FF] =	sst s3;
	s1 =	sand.u32 $0x1, s1;
	s25 =	smul.u32 $0xA00, s13  }
0x7: {  	s5 =	sadd.s32 $0x2600, s0;
	s9 =	sadd.s32 $0x52600, s0;
	s4 =	smul.u32 $0x28000, s1  }
0x8: {  	_ =	strace $0x8000004A;
	s6 =	sshll.u32 s1, $0x4;
	s21 =	smul.u32 $0x500, s1  }
0x9: {  	s7 =	ssub.s32 $0x2, s1;
	s1 =	smul.u32 $0xA000, s1;
	s6 =	sor.u32 s13, s6  }
0xa: {  	s10 =	sshrl.u32 s7, $0x1;
	s19 =	sshrl.u32 s8, $0x2;
	s6 =	smul.u32 $0xA00, s6  }
0xb: {  	s0 =	sadd.s32 s4, s0;
	s18 =	ssub.s32 s7, s10;
	s7 =	sadd.s32 s19, s2  }
0xc: {  	s1 =	sadd.s32 s1, s9;
	s19 =	simm.s32 $0x1;
	s4 =	simm.s32 $0x380  }
0xd: {  	s22 =	sadd.s32 $0x4000, s7;
	s24 =	sadd.s32 $0x8000, s7;
	s11 =	sadd.s32 $0xC000, s7  }
0xe: {  	s12 =	sadd.s32 $0x10000, s7;
	s0 =	sadd.s32 $0x66600, s0;
	s14 =	sadd.s32 s25, s1  }
0xf: {  	s25 =	simm.s32 $0x5;
	s1 =	simm.s32 $0x280;
	[dreg:$0x6] =	wrdreg s22  }
0x10: {  	s20 =	sadd.s32 s9, s6;
	[dreg:$0x7] =	wrdreg s24;
	s24 =	smul.u32 $0x2800, s13  }
0x11: {  	s6 =	sadd.s32 s23, s21;
	s13 =	smax.u32 s18, $0x1;
	s18 =	simm.s32 $0x8  }
.Ltmp0:
0x12: {  	s21 =	simm.s32 $0x400;
	s22 =	simm.s32 $0x7;
	(pc) =	sbr.rel .LBB2_1-.Ltmp0, $4  }
0x13: {  	s23 =	simm.s32 $0x2;
	[dreg:$0x4] =	wrdreg s20;
	s8 =	sadd.s32 $0x20, s20  }
0x14: {  	s6 =	sshll.u32 s6, $0x5;
	s20 =	simm.s32 $0x80;
	[dreg:$0x5] =	wrdreg s8  }
0x15: {  	s26 =	sadd.s32 s6, s9;
	s24 =	sadd.s32 s24, s0;
	s0 =	simm.s32 $0x4  }
0x16: {  	s8 =	simm.s32 $0x0;
	s15 =	sadd.s32 $0x60, s26;
	s26 =	simm.s32 $0x200  }
.LBB2_4:
0x17: {  	_ =	swait.ge [sflag:s29], $0x4000  }
0x18: {  	[sflag:s29] =	ssyncset.done $0x0  }
0x19: {  	[sflag:s29] =	ssyncadd.s32 $0xFFFFC000  }
0x1a: {  	[spmem:s2] =	stream.indirect.scatter.add.f32 [tilespmem:s17], [sflag:$0x8], $0x80, s4, s20, $0xb8;
	[tilespmem:$0x1C400] =	vst v63  }
0x1b: {  	s6 =	stileid.u32;
	_ =	swait.ge [sflag:s18], $0x4000  }
0x1c: {  	s9 =	sshrl.u32 s7, $0x3;
	s8 =	sadd.s32 $0x1, s8;
	[sflag:s18] =	ssyncset.done $0x0  }
0x1d: {  	s6 =	sshll.u32 s6, $0x6;
	p0 =	sne.s32 s8, s13;
	[sflag:s18] =	ssyncadd.s32 $0xFFFFC000  }
.Ltmp1:
0x1e: {  	s6 =	sor.u32 $0x1C08, s6;
	[bflag:$0x0] =	sbarrier.arrive $0xFFFF;
	(pc) =	sbr.rel @!p0 .LBB2_5-.Ltmp1, $4  }
0x1f: {  	[hbm:s24], [sflag:s6] =	dma.local [spmem:s9], $0x2800  }
0x20: {  	_ =	swait.ge [sflag:s18], $0x2800  }
0x21: {  	[sflag:s18] =	ssyncset.done $0x0  }
0x22: {  	[sflag:s18] =	ssyncadd.s32 $0xFFFFD800  }
.LBB2_1:
0x23: {  	s6 =	rddreg [dreg:$0x4]  }
0x24: {  	[tilespmem:s3], [sflag:$0x1] =	stream.linear.gather [hbm4b:s6+s3], $0x100, $0x38;
	[tilespmem:$0x1C400] =	vst v63  }
0x25: {  	s9 =	rddreg [dreg:$0x5]  }
0x26: {  	[tilespmem:s16], [sflag:$0x2] =	stream.linear.gather [hbm4b:s9+s3], $0x100, $0x38;
	[tilespmem:$0x1C400] =	vst v63  }
0x27: {  	s10 =	rddreg [dreg:$0x1]  }
0x28: {  	[tilespmem:s17], [sflag:$0x8] =	stream.linear.gather [hbm4b:s10+s3], $0x4000, $0x38;
	[tilespmem:$0x1C400] =	vst v63  }
0x29: {  	_ =	swait.ge [sflag:s18], $0x4000  }
0x2a: {  	[sflag:s18] =	ssyncset.done $0x0  }
0x2b: {  	[sflag:s18] =	ssyncadd.s32 $0xFFFFC000  }
0x2c: {  	[spmem:s7] =	stream.linear.scatter [tilespmem:s17], [sflag:$0x7], $0x4000, $0x38;
	[tilespmem:$0x1C400] =	vst v63  }
0x2d: {  	s9 =	rddreg [dreg:$0x6]  }
0x2e: {  	[spmem:s9] =	stream.linear.scatter [tilespmem:s17], [sflag:$0x7], $0x4000, $0x38;
	[tilespmem:$0x1C400] =	vst v63  }
0x2f: {  	s10 =	rddreg [dreg:$0x7]  }
0x30: {  	[spmem:s10] =	stream.linear.scatter [tilespmem:s17], [sflag:$0x7], $0x4000, $0x38;
	[tilespmem:$0x1C400] =	vst v63  }
0x31: {  	_ = 	snop  }
0x32: {  	[spmem:s11] =	stream.linear.scatter [tilespmem:s17], [sflag:$0x7], $0x4000, $0x38;
	[tilespmem:$0x1C400] =	vst v63  }
0x33: {  	_ = 	snop  }
0x34: {  	[spmem:s12] =	stream.linear.scatter [tilespmem:s17], [sflag:$0x7], $0x4000, $0x38;
	[tilespmem:$0x1C400] =	vst v63  }
0x35: {  	_ =	swait.ge [sflag:s19], $0x100  }
0x36: {  	[sflag:s19] =	ssyncset.done $0x0  }
0x37: {  	[sflag:s19] =	ssyncadd.s32 $0xFFFFFF00  }
0x38: {  	[tilespmem:s21], [sflag:$0x5] =	stream.indirect.gather [hbm4b:s5+s20], $0x80, s3, s20, $0xb8;
	[tilespmem:$0x1C400] =	vst v63  }
0x39: {  	_ =	swait.ge [sflag:s22], $0x4000  }
0x3a: {  	[sflag:s22] =	ssyncset.done $0x0  }
0x3b: {  	[sflag:s22] =	ssyncadd.s32 $0xFFFFC000  }
0x3c: {  	_ =	swait.ge [sflag:s22], $0x4000  }
0x3d: {  	[sflag:s22] =	ssyncset.done $0x0  }
0x3e: {  	[sflag:s22] =	ssyncadd.s32 $0xFFFFC000  }
0x3f: {  	_ =	swait.ge [sflag:s22], $0x4000  }
0x40: {  	[sflag:s22] =	ssyncset.done $0x0  }
0x41: {  	[sflag:s22] =	ssyncadd.s32 $0xFFFFC000  }
0x42: {  	_ =	swait.ge [sflag:s22], $0x4000  }
0x43: {  	[sflag:s22] =	ssyncset.done $0x0  }
0x44: {  	[sflag:s22] =	ssyncadd.s32 $0xFFFFC000  }
0x45: {  	_ =	swait.ge [sflag:s22], $0x4000  }
0x46: {  	[sflag:s22] =	ssyncset.done $0x0  }
0x47: {  	[sflag:s22] =	ssyncadd.s32 $0xFFFFC000  }
0x48: {  	s9 =	simm.s32 $0x0;
	[bflag:$0x0] =	sbarrier.arrive $0xFFFF  }
.LBB2_2:
0x49: {  	_ =	swait.ge [sflag:s23], $0x100  }
0x4a: {  	[sflag:s23] =	ssyncset.done $0x0  }
0x4b: {  	[sflag:s23] =	ssyncadd.s32 $0xFFFFFF00  }
0x4c: {  	[tilespmem:s17], [sflag:$0x6] =	stream.indirect.gather [hbm4b:s5+s20], $0x80, s16, s20, $0xb8;
	[tilespmem:$0x1C400] =	vst v63  }
0x4d: {  	_ =	swait.ge [sflag:s25], $0x4000  }
0x4e: {  	[sflag:s25] =	ssyncset.done $0x0  }
0x4f: {  	[sflag:s25] =	ssyncadd.s32 $0xFFFFC000  }
0x50: {  	[spmem:s2] =	stream.indirect.scatter.add.f32 [tilespmem:s21], [sflag:$0x8], $0x80, s20, s20, $0xb8;
	[tilespmem:$0x1C400] =	vst v63  }
0x51: {  	_ =	swait.ge [sflag:s18], $0x4000  }
0x52: {  	s6 =	sadd.s32 s9, s14;
	[sflag:s18] =	ssyncset.done $0x0  }
0x53: {  	s10 =	sadd.s32 $0x40, s6;
	[sflag:s18] =	ssyncadd.s32 $0xFFFFC000  }
0x54: {  	[tilespmem:s26], [sflag:$0x3] =	stream.linear.gather [hbm4b:s10+s3], $0x100, $0x38;
	[tilespmem:$0x1C400] =	vst v63  }
0x55: {  	_ =	swait.ge [sflag:s28], $0x100  }
0x56: {  	[sflag:s28] =	ssyncset.done $0x0  }
0x57: {  	[sflag:s28] =	ssyncadd.s32 $0xFFFFFF00  }
0x58: {  	[tilespmem:s21], [sflag:$0x5] =	stream.indirect.gather [hbm4b:s5+s20], $0x80, s26, s20, $0xb8;
	[tilespmem:$0x1C400] =	vst v63  }
0x59: {  	_ =	swait.ge [sflag:s29], $0x4000  }
0x5a: {  	[sflag:s29] =	ssyncset.done $0x0  }
0x5b: {  	[sflag:s29] =	ssyncadd.s32 $0xFFFFC000  }
0x5c: {  	[spmem:s2] =	stream.indirect.scatter.add.f32 [tilespmem:s17], [sflag:$0x8], $0x80, s30, s20, $0xb8;
	[tilespmem:$0x1C400] =	vst v63  }
0x5d: {  	_ =	swait.ge [sflag:s18], $0x4000  }
0x5e: {  	[sflag:s18] =	ssyncset.done $0x0  }
0x5f: {  	s10 =	sadd.s32 s9, s15;
	[sflag:s18] =	ssyncadd.s32 $0xFFFFC000  }
0x60: {  	[tilespmem:s31], [sflag:$0x4] =	stream.linear.gather [hbm4b:s10+s3], $0x100, $0x38;
	[tilespmem:$0x1C400] =	vst v63  }
0x61: {  	_ =	swait.ge [sflag:s0], $0x100  }
0x62: {  	[sflag:s0] =	ssyncset.done $0x0  }
0x63: {  	[sflag:s0] =	ssyncadd.s32 $0xFFFFFF00  }
0x64: {  	[tilespmem:s17], [sflag:$0x6] =	stream.indirect.gather [hbm4b:s5+s20], $0x80, s31, s20, $0xb8;
	[tilespmem:$0x1C400] =	vst v63  }
0x65: {  	_ =	swait.ge [sflag:s25], $0x4000  }
0x66: {  	p0 =	seq.s32 s9, $0x980;
	[sflag:s25] =	ssyncset.done $0x0  }
.Ltmp2:
0x67: {  	[sflag:s25] =	ssyncadd.s32 $0xFFFFC000;
	(pc) =	sbr.rel @p0 .LBB2_4-.Ltmp2, $4  }
0x68: {  	[spmem:s2] =	stream.indirect.scatter.add.f32 [tilespmem:s21], [sflag:$0x8], $0x80, s1, s20, $0xb8;
	[tilespmem:$0x1C400] =	vst v63  }
0x69: {  	_ =	swait.ge [sflag:s18], $0x4000  }
0x6a: {  	[sflag:s18] =	ssyncset.done $0x0  }
0x6b: {  	[sflag:s18] =	ssyncadd.s32 $0xFFFFC000  }
0x6c: {  	s10 =	sadd.s32 $0x80, s6  }
0x6d: {  	[tilespmem:s3], [sflag:$0x1] =	stream.linear.gather [hbm4b:s10+s3], $0x100, $0x38;
	[tilespmem:$0x1C400] =	vst v63  }
0x6e: {  	_ =	swait.ge [sflag:s19], $0x100  }
0x6f: {  	[sflag:s19] =	ssyncset.done $0x0  }
0x70: {  	[sflag:s19] =	ssyncadd.s32 $0xFFFFFF00  }
0x71: {  	[tilespmem:s21], [sflag:$0x5] =	stream.indirect.gather [hbm4b:s5+s20], $0x80, s3, s20, $0xb8;
	[tilespmem:$0x1C400] =	vst v63  }
0x72: {  	_ =	swait.ge [sflag:s29], $0x4000  }
0x73: {  	[sflag:s29] =	ssyncset.done $0x0  }
0x74: {  	[sflag:s29] =	ssyncadd.s32 $0xFFFFC000  }
0x75: {  	[spmem:s2] =	stream.indirect.scatter.add.f32 [tilespmem:s17], [sflag:$0x8], $0x80, s4, s20, $0xb8;
	[tilespmem:$0x1C400] =	vst v63  }
.Ltmp3:
0x76: {  	_ = 	snop;
	(pc) =	sbr.rel .LBB2_2-.Ltmp3, $4  }
0x77: {  	_ =	swait.ge [sflag:s18], $0x4000  }
0x78: {  	[sflag:s18] =	ssyncset.done $0x0  }
0x79: {  	s9 =	sadd.s32 $0x80, s9;
	s10 =	sadd.s32 $0xA0, s6;
	[sflag:s18] =	ssyncadd.s32 $0xFFFFC000  }
0x7a: {  	[tilespmem:s16], [sflag:$0x2] =	stream.linear.gather [hbm4b:s10+s3], $0x100, $0x38;
	[tilespmem:$0x1C400] =	vst v63  }
.LBB2_5:
0x7b: {  	_ =	sfence.sel $0x180000  }
0x7c: {  	[bflag:$0x0] =	sbarrier.arrive $0xFFFF  }
0x7d: {  	_ =	strace $0x9000004A  }
0x7e: {  	s0 =	stileid.u32;
	[bflag:$0x2] =	sbarrier.arrive $0xFFFF  }
0x7f: {  	p0 =	sne.s32 s0, $0x0;
	s0 =	rddreg [dreg:$0x3]  }
0x80: {  	s0 =	sadd.s32 @!p0 $0x100000, s0  }
0x81: {  	[sflag:s0] =	ssyncadd.tile.s32 @!p0 $0x1;
	_ =	shalt  }
.Lfunc_end2:
_tile_overlayer_lowered:
.L_overlay_start_2:
0x82: {  	(tag) =	ssettag $0x2  }
0x83: {  	s0 =	rddreg [dreg:$0x0];
	s2 =	stileid.u32  }
0x84: {  	s1 =	rddreg [dreg:$0x1];
	p0 =	sne.s32 s2, $0x0  }
0x85: {  	s3 =	rddreg [dreg:$0x2];
	[bflag:$0x3] =	sbarrier.arrive $0xFFFF;
	s2 =	simm.s32 @!p0 $0x1C08  }
0x86: {  	[timem:s3], [sflag:s2] =	dma.local @!p0 [hbm:s0], s1  }
0x87: {  	s0 =	simm.s32 @!p0 $0x8  }
0x88: {  	_ =	swait.ge @!p0 [sflag:s0], s1  }
0x89: {  	s1 =	ssub.s32 @!p0 $0x0, s1;
	[sflag:s0] =	ssyncset.done @!p0 $0x0  }
0x8a: {  	[sflag:s0] =	ssyncadd.s32 @!p0 s1  }
0x8b: {  	[bflag:$0x3] =	sbarrier.arrive $0xFFFF  }
0x8c: {  	_ =	shalt  }

// kernel: kernel.14.cloned.1.call-start
scs
__scs_entry_jumppad:
0x0: {  	(pc) =	sbr.rel $0x88, $3  }
0x1: {  	(tag) =	ssettag $0x0;
	lr =	simm.s32 $0x1  }
0x2: {  	[smem:$0x3F9B] =	sst lr;
	_ =	strace $0xD0000000  }
0x3: {  	_ = 	snop  }
0x4: {  	_ = 	snop  }
0x5: {  	_ = 	snop  }
0x6: {  	_ = 	snop  }
0x7: {  	_ = 	snop  }
__scs_overlays_trampoline_lowered:
0x8: {  	[smem:$0x3FAA] =	sst s0  }
0x9: {  	[smem:$0x3FAB] =	sst s1  }
0xa: {  	[smem:$0x3FAC] =	sst s2  }
0xb: {  	[smem:$0x3FAD] =	sst s3  }
0xc: {  	[smem:$0x3FAE] =	sst s4  }
0xd: {  	[smem:$0x3FAF] =	sst s5  }
0xe: {  	[smem:$0x3FB0] =	sst s6  }
0xf: {  	[smem:$0x3FB1] =	sst s7  }
0x10: {  	[smem:$0x3FB2] =	sst s8  }
0x11: {  	[smem:$0x3FB3] =	sst s9;
	s0 =	simm.s32 @!p0 $0x0  }
0x12: {  	s1 =	sld [smem:$0x3F99];
	s0 =	simm.s32 @p0 $0x1  }
0x13: {  	[smem:$0x3FB4] =	sst s0;
	s0 =	simm.s32 @!p1 $0x0  }
0x14: {  	s2 =	sld [smem:$0x3F98];
	s0 =	simm.s32 @p1 $0x1  }
0x15: {  	[smem:$0x3FB5] =	sst s0;
	s0 =	simm.s32 @!p2 $0x0  }
0x16: {  	s3 =	sld [smem:$0x3FDB];
	s0 =	simm.s32 @p2 $0x1  }
0x17: {  	s4 =	simm.s32 $0x1BF5;
	[smem:$0x3FB7] =	sst s0  }
0x18: {  	s0 =	sld [smem:$0x3F9A];
	_ =	swait.ge [sflag:s4], $0x0  }
0x19: {  	s7 =	sld [smem:$0x3F9B]  }
0x1a: {  	s8 =	sadd.s32 $0xFFFFE003, lr  }
0x1b: {  	s9 =	sadd.s32 $0xFFFFFEF7, lr;
	s5 =	simm.s32 $0xFFFFFFFF;
	p2 =	slt.u32 s8, $0xFFFFF086  }
0x1c: {  	p1 =	slt.u32 s9, $0xF7A;
	s5 =	simm.s32 @!p2 $0x0  }
0x1d: {  	s5 =	simm.s32 @p1 $0x1;
	p0 =	seq.s32 s7, s2  }
0x1e: {  	s7 =	smul.u32 @!p0 $0xF7A, s2;
	p2 =	seq.s32 @!p0 s5, $0x0  }
0x1f: {  	s9 =	smul.u32 $0xF7A, s1;
	s8 =	simm.s32 @!p0 $0x1BF5;
	p2 =	por !p2, p0  }
0x20: {  	[sflag:s8] =	ssyncset.s32 @!p0 $0xFFFFF086;
	s6 =	sadd.s32 @!p0 s3, s7;
	s7 =	simm.s32 @!p0 $0x108  }
0x21: {  	s3 =	sadd.s32 s3, s9;
	s6 =	sadd.s32 @!p0 $0x88, s6;
	s7 =	simm.s32 @p2 $0x1082  }
0x22: {  	[simem:s7], [sflag:s8] =	dma.local @!p0 [hbm:s6], $0xF7A  }
0x23: {  	s9 =	sor.u32 $0xD0000000, s2;
	s6 =	simm.s32 $0x108;
	_ =	swait.ge @!p0 [sflag:s8], $0x0  }
0x24: {  	s3 =	sadd.s32 $0x88, s3;
	s6 =	simm.s32 @!p1 $0x1082;
	[sflag:s4] =	ssyncset.s32 $0xFFFFF086  }
0x25: {  	[simem:s6], [sflag:s4] =	dma.local [hbm:s3], $0xF7A  }
0x26: {  	[smem:$0x3F9B] =	sst s1;
	(tag) =	ssettag s2;
	_ =	strace s9  }
0x27: {  	s1 =	sld [smem:$0x3FAB]  }
0x28: {  	s2 =	sld [smem:$0x3FAC]  }
0x29: {  	s4 =	sld [smem:$0x3FAE]  }
0x2a: {  	p0 =	seq.s32 s5, $0x0;
	s5 =	sld [smem:$0x3FAF]  }
0x2b: {  	s6 =	sld [smem:$0x3FB0]  }
0x2c: {  	s7 =	sld [smem:$0x3FB1]  }
0x2d: {  	s3 =	simm.s32 $0x108;
	s8 =	sld [smem:$0x3FB2]  }
0x2e: {  	s3 =	simm.s32 @!p0 $0x1082;
	s9 =	sld [smem:$0x3FB3]  }
0x2f: {  	lr =	sadd.s32 s0, s3;
	s0 =	sld [smem:$0x3FAA]  }
0x30: {  	s3 =	sld [smem:$0x3FAD]  }
0x31: {  	[smem:$0x3FB6] =	sst s10  }
0x32: {  	s10 =	sld [smem:$0x3FB4];
	_ =	sdelay $0x3  }
0x33: {  	p0 =	seq.s32 s10, $0x1;
	s10 =	sld [smem:$0x3FB6];
	_ =	sdelay $0x3  }
0x34: {  	[smem:$0x3FB6] =	sst s10  }
0x35: {  	s10 =	sld [smem:$0x3FB5];
	_ =	sdelay $0x3  }
0x36: {  	p1 =	seq.s32 s10, $0x1;
	s10 =	sld [smem:$0x3FB6];
	_ =	sdelay $0x3  }
0x37: {  	[smem:$0x3FB6] =	sst s10  }
0x38: {  	s10 =	sld [smem:$0x3FB7]  }
0x39: {  	_ = 	snop;
	(pc) =	sbr.ind lr, $3  }
0x3a: {  	_ = 	snop  }
0x3b: {  	_ = 	snop  }
0x3c: {  	p2 =	seq.s32 s10, $0x1;
	s10 =	sld [smem:$0x3FB6]  }
0x3d: {  	_ =	shalt  }
0x3e: {  	_ =	shalt  }
0x3f: {  	_ =	shalt  }
0x40: {  	_ =	shalt  }
0x41: {  	_ =	shalt  }
0x42: {  	_ =	shalt  }
0x43: {  	_ =	shalt  }
0x44: {  	_ =	shalt  }
0x45: {  	_ =	shalt  }
0x46: {  	_ =	shalt  }
0x47: {  	_ =	shalt  }
0x48: {  	_ =	shalt  }
0x49: {  	_ =	shalt  }
0x4a: {  	_ =	shalt  }
0x4b: {  	_ =	shalt  }
0x4c: {  	_ =	shalt  }
0x4d: {  	_ =	shalt  }
0x4e: {  	_ =	shalt  }
0x4f: {  	_ =	shalt  }
0x50: {  	_ =	shalt  }
0x51: {  	_ =	shalt  }
0x52: {  	_ =	shalt  }
0x53: {  	_ =	shalt  }
0x54: {  	_ =	shalt  }
0x55: {  	_ =	shalt  }
0x56: {  	_ =	shalt  }
0x57: {  	_ =	shalt  }
0x58: {  	_ =	shalt  }
0x59: {  	_ =	shalt  }
0x5a: {  	_ =	shalt  }
0x5b: {  	_ =	shalt  }
0x5c: {  	_ =	shalt  }
0x5d: {  	_ =	shalt  }
0x5e: {  	_ =	shalt  }
0x5f: {  	_ =	shalt  }
0x60: {  	_ =	shalt  }
0x61: {  	_ =	shalt  }
0x62: {  	_ =	shalt  }
0x63: {  	_ =	shalt  }
0x64: {  	_ =	shalt  }
0x65: {  	_ =	shalt  }
0x66: {  	_ =	shalt  }
0x67: {  	_ =	shalt  }
0x68: {  	_ =	shalt  }
0x69: {  	_ =	shalt  }
0x6a: {  	_ =	shalt  }
0x6b: {  	_ =	shalt  }
0x6c: {  	_ =	shalt  }
0x6d: {  	_ =	shalt  }
0x6e: {  	_ =	shalt  }
0x6f: {  	_ =	shalt  }
0x70: {  	_ =	shalt  }
0x71: {  	_ =	shalt  }
0x72: {  	_ =	shalt  }
0x73: {  	_ =	shalt  }
0x74: {  	_ =	shalt  }
0x75: {  	_ =	shalt  }
0x76: {  	_ =	shalt  }
0x77: {  	_ =	shalt  }
0x78: {  	_ =	shalt  }
0x79: {  	_ =	shalt  }
0x7a: {  	_ =	shalt  }
0x7b: {  	_ =	shalt  }
0x7c: {  	_ =	shalt  }
0x7d: {  	_ =	shalt  }
0x7e: {  	_ =	shalt  }
0x7f: {  	_ =	shalt  }
0x80: {  	_ =	shalt  }
0x81: {  	_ =	shalt  }
0x82: {  	_ =	shalt  }
0x83: {  	_ =	shalt  }
0x84: {  	_ =	shalt  }
0x85: {  	_ =	shalt  }
0x86: {  	_ =	shalt  }
0x87: {  	_ =	shalt  }
.Lfunc_end0:
.L_simem_size_0:
called_computation.2_lowered:
.L_overlay_start_0:
0x88: {  	s2 =	sld [smem:$0x3FD9]  }
0x89: {  	s3 =	sld [smem:$0x3FFE];
	_ =	sdelay $0x1  }
0x8a: {  	s1 =	srdreg.scid  }
0x8b: {  	s0 =	sand.u32 $0x1, s1  }
0x8c: {  	s17 =	sshll.u32 s0, $0xA;
	s2 =	sadd.s32 s3, s2  }
0x8d: {  	s2 =	sadd.s32 s2, s17  }
0x8e: {  	[smem:$0x3FC2] =	sst s2  }
0x8f: {  	_ = 	snop  }
0x90: {  	s2 =	sld [smem:$0x3FD0];
	(tm) =	ssettm $0x1  }
0x91: {  	s18 =	sld [smem:$0x3FFB];
	_ =	sdelay $0x3  }
0x92: {  	_ =	strace s18  }
0x93: {  	s3 =	sld [smem:$0x3FFC];
	_ =	sdelay $0x3  }
0x94: {  	_ =	strace s3  }
0x95: {  	s3 =	sld [smem:$0x3FFD];
	_ =	sdelay $0x3  }
0x96: {  	_ =	strace s3  }
0x97: {  	_ =	strace $0x8FFFFFFF  }
0x98: {  	s19 =	sld [smem:$0x3FDB];
	_ =	sdelay $0x1  }
0x99: {  	s4 =	simm.s32 $_scs_section_size  }
0x9a: {  	s5 =	simm.s32 $_size__tile_overlayer_lowered;
	s6 =	simm.s32 $_tile_overlayer_lowered  }
0x9b: {  	s22 =	simm.s32 $0x1BFF;
	s21 =	sshll.u32 s6, $0x1;
	s3 =	sadd.s32 s4, s19  }
0x9c: {  	s7 =	simm.s32 $0x0;
	s20 =	sshll.u32 s5, $0x1;
	s5 =	sadd.s32 s21, s3  }
0x9d: {  	[timem:s7], [sflag:s22] =	dma.local [hbm:s5], s20  }
0x9e: {  	_ =	swait.ge [sflag:s22], s20  }
0x9f: {  	s4 =	ssub.s32 $0x0, s20;
	[sflag:s22] =	ssyncset.done $0x0  }
0xa0: {  	[sflag:s22] =	ssyncadd.s32 s4;
	_ =	sdelay $0x1  }
0xa1: {  	s23 =	simm.s32 $0x1B8B  }
0xa2: {  	_ =	swait.ge [sflag:s23], $0x1  }
0xa3: {  	[sflag:s23] =	ssyncset.done $0x0  }
0xa4: {  	s25 =	simm.s32 $0x1B8E;
	s24 =	sld [smem:$0x3FFE];
	[sflag:s23] =	ssyncadd.s32 $0xFFFFFFFF  }
0xa5: {  	s26 =	simm.s32 $execute0_lowered;
	[smem:$0x3FD2] =	sst s25  }
0xa6: {  	s5 =	sshll.u32 s26, $0x1;
	_ =	strace $0x8000004C;
	[dreg:$0x1] =	wrdreg $0xFFFFFFFF  }
0xa7: {  	s28 =	simm.s32 $_size_execute0_lowered;
	s3 =	sadd.s32 s3, s5;
	[dreg:$0x0] =	wrdreg $0x0  }
0xa8: {  	s5 =	sshll.u32 s28, $0x1;
	[dreg:$0x2] =	wrdreg s3  }
0xa9: {  	[dreg:$0x3] =	wrdreg s5  }
0xaa: {  	[dreg:$0x4] =	wrdreg $0xC0  }
0xab: {  	_ =	task [dreg:s7], $0x5FFFF  }
0xac: {  	[dreg:$0x1] =	wrdreg $0xFFFFFFFF  }
0xad: {  	[dreg:$0x0] =	wrdreg $0x60  }
0xae: {  	[dreg:$0x2] =	wrdreg s24  }
0xaf: {  	[dreg:$0x3] =	wrdreg s2  }
0xb0: {  	[dreg:$0x4] =	wrdreg $0x84000  }
0xb1: {  	[dreg:$0x5] =	wrdreg $0x9  }
0xb2: {  	_ =	task.clear_ibuf [dreg:s7], $0x6FFFF;
	_ =	strace $0x9000004C  }
0xb3: {  	s29 =	simm.s32 $0x9;
	_ =	strace $0x8000004E  }
0xb4: {  	_ =	swait.ge [sflag:s29], $0x1  }
0xb5: {  	[sflag:s29] =	ssyncadd.s32 $0xFFFFFFFF  }
0xb6: {  	_ =	strace $0x9000004E  }
0xb7: {  	_ =	sfence  }
0xb8: {  	s30 =	sld [smem:$0x0];
	_ =	sdelay $0x2  }
0xb9: {  	s31 =	sshll.u32 s1, $0xD;
	s1 =	sshrl.u32 s1, $0x2  }
0xba: {  	s3 =	sand.u32 $0x4000, s31;
	s1 =	sadd.s32 s1, s30  }
0xbb: {  	s0 =	sor.u32 s3, s0;
	s1 =	sshll.u32 s1, $0x11  }
0xbc: {  	s0 =	sor.u32 s1, s0  }
0xbd: {  	s0 =	sadd.s32 $0x8F2B, s0  }
0xbe: {  	[sflag:s0] =	ssyncadd.remote.s32 $0x1  }
0xbf: {  	_ =	sfence.sel $0xFFFF  }
0xc0: {  	[dreg:$0x0] =	wrdreg $0xFFFFFFFF;
	(pc) =	sbr.abs _section_cstart, $3  }
0xc1: {  	[dreg:$0x1] =	wrdreg $0xFFFFFFFF  }
0xc2: {  	_ =	task.clear_ibuf [dreg:s7], $0x2FFFF;
	_ =	strace $0x9FFFFFFF  }
0xc3: {  	(tm) =	ssettm $0x7FFFFFFF  }
tec
execute0_lowered:
.L_overlay_start_1:
0x0: {  	(tag) =	ssettag $0x1  }
0x1: {  	s0 =	rddreg [dreg:$0x0]  }
0x2: {  	s2 =	rddreg [dreg:$0x2];
	s3 =	simm.s32 $0x0;
	s1 =	srdreg.scid  }
0x3: {  	s13 =	stileid.u32;
	s16 =	simm.s32 $0x100;
	s17 =	simm.s32 $0x4400  }
0x4: {  	s28 =	simm.s32 $0x3;
	s29 =	simm.s32 $0x6;
	s8 =	smul.u32 $0x50000, s13  }
0x5: {  	s30 =	simm.s32 $0x180;
	s31 =	simm.s32 $0x300;
	s23 =	smul.u32 $0x50, s13  }
0x6: {  	[smem:$0x7FF] =	sst s3;
	s1 =	sand.u32 $0x1, s1;
	s25 =	smul.u32 $0xA00, s13  }
0x7: {  	s5 =	sadd.s32 $0x2600, s0;
	s9 =	sadd.s32 $0x52600, s0;
	s4 =	smul.u32 $0x28000, s1  }
0x8: {  	_ =	strace $0x8000004D;
	s6 =	sshll.u32 s1, $0x4;
	s21 =	smul.u32 $0x500, s1  }
0x9: {  	s7 =	ssub.s32 $0x2, s1;
	s1 =	smul.u32 $0xA000, s1;
	s6 =	sor.u32 s13, s6  }
0xa: {  	s10 =	sshrl.u32 s7, $0x1;
	s19 =	sshrl.u32 s8, $0x2;
	s6 =	smul.u32 $0xA00, s6  }
0xb: {  	s0 =	sadd.s32 s4, s0;
	s18 =	ssub.s32 s7, s10;
	s7 =	sadd.s32 s19, s2  }
0xc: {  	s1 =	sadd.s32 s1, s9;
	s19 =	simm.s32 $0x1;
	s4 =	simm.s32 $0x380  }
0xd: {  	s22 =	sadd.s32 $0x4000, s7;
	s24 =	sadd.s32 $0x8000, s7;
	s11 =	sadd.s32 $0xC000, s7  }
0xe: {  	s12 =	sadd.s32 $0x10000, s7;
	s0 =	sadd.s32 $0x66600, s0;
	s14 =	sadd.s32 s25, s1  }
0xf: {  	s25 =	simm.s32 $0x5;
	s1 =	simm.s32 $0x280;
	[dreg:$0x6] =	wrdreg s22  }
0x10: {  	s20 =	sadd.s32 s9, s6;
	[dreg:$0x7] =	wrdreg s24;
	s24 =	smul.u32 $0x2800, s13  }
0x11: {  	s6 =	sadd.s32 s23, s21;
	s13 =	smax.u32 s18, $0x1;
	s18 =	simm.s32 $0x8  }
.Ltmp0:
0x12: {  	s21 =	simm.s32 $0x400;
	s22 =	simm.s32 $0x7;
	(pc) =	sbr.rel .LBB2_1-.Ltmp0, $4  }
0x13: {  	s23 =	simm.s32 $0x2;
	[dreg:$0x4] =	wrdreg s20;
	s8 =	sadd.s32 $0x20, s20  }
0x14: {  	s6 =	sshll.u32 s6, $0x5;
	s20 =	simm.s32 $0x80;
	[dreg:$0x5] =	wrdreg s8  }
0x15: {  	s26 =	sadd.s32 s6, s9;
	s24 =	sadd.s32 s24, s0;
	s0 =	simm.s32 $0x4  }
0x16: {  	s8 =	simm.s32 $0x0;
	s15 =	sadd.s32 $0x60, s26;
	s26 =	simm.s32 $0x200  }
.LBB2_4:
0x17: {  	_ =	swait.ge [sflag:s29], $0x4000  }
0x18: {  	[sflag:s29] =	ssyncset.done $0x0  }
0x19: {  	[sflag:s29] =	ssyncadd.s32 $0xFFFFC000  }
0x1a: {  	[spmem:s2] =	stream.indirect.scatter.add.f32 [tilespmem:s17], [sflag:$0x8], $0x80, s4, s20, $0xb8;
	[tilespmem:$0x1C400] =	vst v63  }
0x1b: {  	s6 =	stileid.u32;
	_ =	swait.ge [sflag:s18], $0x4000  }
0x1c: {  	s9 =	sshrl.u32 s7, $0x3;
	s8 =	sadd.s32 $0x1, s8;
	[sflag:s18] =	ssyncset.done $0x0  }
0x1d: {  	s6 =	sshll.u32 s6, $0x6;
	p0 =	sne.s32 s8, s13;
	[sflag:s18] =	ssyncadd.s32 $0xFFFFC000  }
.Ltmp1:
0x1e: {  	s6 =	sor.u32 $0x1C08, s6;
	[bflag:$0x0] =	sbarrier.arrive $0xFFFF;
	(pc) =	sbr.rel @!p0 .LBB2_5-.Ltmp1, $4  }
0x1f: {  	[hbm:s24], [sflag:s6] =	dma.local [spmem:s9], $0x2800  }
0x20: {  	_ =	swait.ge [sflag:s18], $0x2800  }
0x21: {  	[sflag:s18] =	ssyncset.done $0x0  }
0x22: {  	[sflag:s18] =	ssyncadd.s32 $0xFFFFD800  }
.LBB2_1:
0x23: {  	s6 =	rddreg [dreg:$0x4]  }
0x24: {  	[tilespmem:s3], [sflag:$0x1] =	stream.linear.gather [hbm4b:s6+s3], $0x100, $0x38;
	[tilespmem:$0x1C400] =	vst v63  }
0x25: {  	s9 =	rddreg [dreg:$0x5]  }
0x26: {  	[tilespmem:s16], [sflag:$0x2] =	stream.linear.gather [hbm4b:s9+s3], $0x100, $0x38;
	[tilespmem:$0x1C400] =	vst v63  }
0x27: {  	s10 =	rddreg [dreg:$0x1]  }
0x28: {  	[tilespmem:s17], [sflag:$0x8] =	stream.linear.gather [hbm4b:s10+s3], $0x4000, $0x38;
	[tilespmem:$0x1C400] =	vst v63  }
0x29: {  	_ =	swait.ge [sflag:s18], $0x4000  }
0x2a: {  	[sflag:s18] =	ssyncset.done $0x0  }
0x2b: {  	[sflag:s18] =	ssyncadd.s32 $0xFFFFC000  }
0x2c: {  	[spmem:s7] =	stream.linear.scatter [tilespmem:s17], [sflag:$0x7], $0x4000, $0x38;
	[tilespmem:$0x1C400] =	vst v63  }
0x2d: {  	s9 =	rddreg [dreg:$0x6]  }
0x2e: {  	[spmem:s9] =	stream.linear.scatter [tilespmem:s17], [sflag:$0x7], $0x4000, $0x38;
	[tilespmem:$0x1C400] =	vst v63  }
0x2f: {  	s10 =	rddreg [dreg:$0x7]  }
0x30: {  	[spmem:s10] =	stream.linear.scatter [tilespmem:s17], [sflag:$0x7], $0x4000, $0x38;
	[tilespmem:$0x1C400] =	vst v63  }
0x31: {  	_ = 	snop  }
0x32: {  	[spmem:s11] =	stream.linear.scatter [tilespmem:s17], [sflag:$0x7], $0x4000, $0x38;
	[tilespmem:$0x1C400] =	vst v63  }
0x33: {  	_ = 	snop  }
0x34: {  	[spmem:s12] =	stream.linear.scatter [tilespmem:s17], [sflag:$0x7], $0x4000, $0x38;
	[tilespmem:$0x1C400] =	vst v63  }
0x35: {  	_ =	swait.ge [sflag:s19], $0x100  }
0x36: {  	[sflag:s19] =	ssyncset.done $0x0  }
0x37: {  	[sflag:s19] =	ssyncadd.s32 $0xFFFFFF00  }
0x38: {  	[tilespmem:s21], [sflag:$0x5] =	stream.indirect.gather [hbm4b:s5+s20], $0x80, s3, s20, $0xb8;
	[tilespmem:$0x1C400] =	vst v63  }
0x39: {  	_ =	swait.ge [sflag:s22], $0x4000  }
0x3a: {  	[sflag:s22] =	ssyncset.done $0x0  }
0x3b: {  	[sflag:s22] =	ssyncadd.s32 $0xFFFFC000  }
0x3c: {  	_ =	swait.ge [sflag:s22], $0x4000  }
0x3d: {  	[sflag:s22] =	ssyncset.done $0x0  }
0x3e: {  	[sflag:s22] =	ssyncadd.s32 $0xFFFFC000  }
0x3f: {  	_ =	swait.ge [sflag:s22], $0x4000  }
0x40: {  	[sflag:s22] =	ssyncset.done $0x0  }
0x41: {  	[sflag:s22] =	ssyncadd.s32 $0xFFFFC000  }
0x42: {  	_ =	swait.ge [sflag:s22], $0x4000  }
0x43: {  	[sflag:s22] =	ssyncset.done $0x0  }
0x44: {  	[sflag:s22] =	ssyncadd.s32 $0xFFFFC000  }
0x45: {  	_ =	swait.ge [sflag:s22], $0x4000  }
0x46: {  	[sflag:s22] =	ssyncset.done $0x0  }
0x47: {  	[sflag:s22] =	ssyncadd.s32 $0xFFFFC000  }
0x48: {  	s9 =	simm.s32 $0x0;
	[bflag:$0x0] =	sbarrier.arrive $0xFFFF  }
.LBB2_2:
0x49: {  	_ =	swait.ge [sflag:s23], $0x100  }
0x4a: {  	[sflag:s23] =	ssyncset.done $0x0  }
0x4b: {  	[sflag:s23] =	ssyncadd.s32 $0xFFFFFF00  }
0x4c: {  	[tilespmem:s17], [sflag:$0x6] =	stream.indirect.gather [hbm4b:s5+s20], $0x80, s16, s20, $0xb8;
	[tilespmem:$0x1C400] =	vst v63  }
0x4d: {  	_ =	swait.ge [sflag:s25], $0x4000  }
0x4e: {  	[sflag:s25] =	ssyncset.done $0x0  }
0x4f: {  	[sflag:s25] =	ssyncadd.s32 $0xFFFFC000  }
0x50: {  	[spmem:s2] =	stream.indirect.scatter.add.f32 [tilespmem:s21], [sflag:$0x8], $0x80, s20, s20, $0xb8;
	[tilespmem:$0x1C400] =	vst v63  }
0x51: {  	_ =	swait.ge [sflag:s18], $0x4000  }
0x52: {  	s6 =	sadd.s32 s9, s14;
	[sflag:s18] =	ssyncset.done $0x0  }
0x53: {  	s10 =	sadd.s32 $0x40, s6;
	[sflag:s18] =	ssyncadd.s32 $0xFFFFC000  }
0x54: {  	[tilespmem:s26], [sflag:$0x3] =	stream.linear.gather [hbm4b:s10+s3], $0x100, $0x38;
	[tilespmem:$0x1C400] =	vst v63  }
0x55: {  	_ =	swait.ge [sflag:s28], $0x100  }
0x56: {  	[sflag:s28] =	ssyncset.done $0x0  }
0x57: {  	[sflag:s28] =	ssyncadd.s32 $0xFFFFFF00  }
0x58: {  	[tilespmem:s21], [sflag:$0x5] =	stream.indirect.gather [hbm4b:s5+s20], $0x80, s26, s20, $0xb8;
	[tilespmem:$0x1C400] =	vst v63  }
0x59: {  	_ =	swait.ge [sflag:s29], $0x4000  }
0x5a: {  	[sflag:s29] =	ssyncset.done $0x0  }
0x5b: {  	[sflag:s29] =	ssyncadd.s32 $0xFFFFC000  }
0x5c: {  	[spmem:s2] =	stream.indirect.scatter.add.f32 [tilespmem:s17], [sflag:$0x8], $0x80, s30, s20, $0xb8;
	[tilespmem:$0x1C400] =	vst v63  }
0x5d: {  	_ =	swait.ge [sflag:s18], $0x4000  }
0x5e: {  	[sflag:s18] =	ssyncset.done $0x0  }
0x5f: {  	s10 =	sadd.s32 s9, s15;
	[sflag:s18] =	ssyncadd.s32 $0xFFFFC000  }
0x60: {  	[tilespmem:s31], [sflag:$0x4] =	stream.linear.gather [hbm4b:s10+s3], $0x100, $0x38;
	[tilespmem:$0x1C400] =	vst v63  }
0x61: {  	_ =	swait.ge [sflag:s0], $0x100  }
0x62: {  	[sflag:s0] =	ssyncset.done $0x0  }
0x63: {  	[sflag:s0] =	ssyncadd.s32 $0xFFFFFF00  }
0x64: {  	[tilespmem:s17], [sflag:$0x6] =	stream.indirect.gather [hbm4b:s5+s20], $0x80, s31, s20, $0xb8;
	[tilespmem:$0x1C400] =	vst v63  }
0x65: {  	_ =	swait.ge [sflag:s25], $0x4000  }
0x66: {  	p0 =	seq.s32 s9, $0x980;
	[sflag:s25] =	ssyncset.done $0x0  }
.Ltmp2:
0x67: {  	[sflag:s25] =	ssyncadd.s32 $0xFFFFC000;
	(pc) =	sbr.rel @p0 .LBB2_4-.Ltmp2, $4  }
0x68: {  	[spmem:s2] =	stream.indirect.scatter.add.f32 [tilespmem:s21], [sflag:$0x8], $0x80, s1, s20, $0xb8;
	[tilespmem:$0x1C400] =	vst v63  }
0x69: {  	_ =	swait.ge [sflag:s18], $0x4000  }
0x6a: {  	[sflag:s18] =	ssyncset.done $0x0  }
0x6b: {  	[sflag:s18] =	ssyncadd.s32 $0xFFFFC000  }
0x6c: {  	s10 =	sadd.s32 $0x80, s6  }
0x6d: {  	[tilespmem:s3], [sflag:$0x1] =	stream.linear.gather [hbm4b:s10+s3], $0x100, $0x38;
	[tilespmem:$0x1C400] =	vst v63  }
0x6e: {  	_ =	swait.ge [sflag:s19], $0x100  }
0x6f: {  	[sflag:s19] =	ssyncset.done $0x0  }
0x70: {  	[sflag:s19] =	ssyncadd.s32 $0xFFFFFF00  }
0x71: {  	[tilespmem:s21], [sflag:$0x5] =	stream.indirect.gather [hbm4b:s5+s20], $0x80, s3, s20, $0xb8;
	[tilespmem:$0x1C400] =	vst v63  }
0x72: {  	_ =	swait.ge [sflag:s29], $0x4000  }
0x73: {  	[sflag:s29] =	ssyncset.done $0x0  }
0x74: {  	[sflag:s29] =	ssyncadd.s32 $0xFFFFC000  }
0x75: {  	[spmem:s2] =	stream.indirect.scatter.add.f32 [tilespmem:s17], [sflag:$0x8], $0x80, s4, s20, $0xb8;
	[tilespmem:$0x1C400] =	vst v63  }
.Ltmp3:
0x76: {  	_ = 	snop;
	(pc) =	sbr.rel .LBB2_2-.Ltmp3, $4  }
0x77: {  	_ =	swait.ge [sflag:s18], $0x4000  }
0x78: {  	[sflag:s18] =	ssyncset.done $0x0  }
0x79: {  	s9 =	sadd.s32 $0x80, s9;
	s10 =	sadd.s32 $0xA0, s6;
	[sflag:s18] =	ssyncadd.s32 $0xFFFFC000  }
0x7a: {  	[tilespmem:s16], [sflag:$0x2] =	stream.linear.gather [hbm4b:s10+s3], $0x100, $0x38;
	[tilespmem:$0x1C400] =	vst v63  }
.LBB2_5:
0x7b: {  	_ =	sfence.sel $0x180000  }
0x7c: {  	[bflag:$0x0] =	sbarrier.arrive $0xFFFF  }
0x7d: {  	_ =	strace $0x9000004D  }
0x7e: {  	s0 =	stileid.u32;
	[bflag:$0x2] =	sbarrier.arrive $0xFFFF  }
0x7f: {  	p0 =	sne.s32 s0, $0x0;
	s0 =	rddreg [dreg:$0x3]  }
0x80: {  	s0 =	sadd.s32 @!p0 $0x100000, s0  }
0x81: {  	[sflag:s0] =	ssyncadd.tile.s32 @!p0 $0x1;
	_ =	shalt  }
.Lfunc_end2:
_tile_overlayer_lowered:
.L_overlay_start_2:
0x82: {  	(tag) =	ssettag $0x2  }
0x83: {  	s0 =	rddreg [dreg:$0x0];
	s2 =	stileid.u32  }
0x84: {  	s1 =	rddreg [dreg:$0x1];
	p0 =	sne.s32 s2, $0x0  }
0x85: {  	s3 =	rddreg [dreg:$0x2];
	[bflag:$0x3] =	sbarrier.arrive $0xFFFF;
	s2 =	simm.s32 @!p0 $0x1C08  }
0x86: {  	[timem:s3], [sflag:s2] =	dma.local @!p0 [hbm:s0], s1  }
0x87: {  	s0 =	simm.s32 @!p0 $0x8  }
0x88: {  	_ =	swait.ge @!p0 [sflag:s0], s1  }
0x89: {  	s1 =	ssub.s32 @!p0 $0x0, s1;
	[sflag:s0] =	ssyncset.done @!p0 $0x0  }
0x8a: {  	[sflag:s0] =	ssyncadd.s32 @!p0 s1  }
0x8b: {  	[bflag:$0x3] =	sbarrier.arrive $0xFFFF  }
0x8c: {  	_ =	shalt  }

// kernel: kernel.8.cloned.1.call-start
scs
__scs_entry_jumppad:
0x0: {  	(pc) =	sbr.rel $0x88, $3  }
0x1: {  	(tag) =	ssettag $0x0;
	lr =	simm.s32 $0x1  }
0x2: {  	[smem:$0x3F9B] =	sst lr;
	_ =	strace $0xD0000000  }
0x3: {  	_ = 	snop  }
0x4: {  	_ = 	snop  }
0x5: {  	_ = 	snop  }
0x6: {  	_ = 	snop  }
0x7: {  	_ = 	snop  }
__scs_overlays_trampoline_lowered:
0x8: {  	[smem:$0x3FAA] =	sst s0  }
0x9: {  	[smem:$0x3FAB] =	sst s1  }
0xa: {  	[smem:$0x3FAC] =	sst s2  }
0xb: {  	[smem:$0x3FAD] =	sst s3  }
0xc: {  	[smem:$0x3FAE] =	sst s4  }
0xd: {  	[smem:$0x3FAF] =	sst s5  }
0xe: {  	[smem:$0x3FB0] =	sst s6  }
0xf: {  	[smem:$0x3FB1] =	sst s7  }
0x10: {  	[smem:$0x3FB2] =	sst s8  }
0x11: {  	[smem:$0x3FB3] =	sst s9;
	s0 =	simm.s32 @!p0 $0x0  }
0x12: {  	s1 =	sld [smem:$0x3F99];
	s0 =	simm.s32 @p0 $0x1  }
0x13: {  	[smem:$0x3FB4] =	sst s0;
	s0 =	simm.s32 @!p1 $0x0  }
0x14: {  	s2 =	sld [smem:$0x3F98];
	s0 =	simm.s32 @p1 $0x1  }
0x15: {  	[smem:$0x3FB5] =	sst s0;
	s0 =	simm.s32 @!p2 $0x0  }
0x16: {  	s3 =	sld [smem:$0x3FDB];
	s0 =	simm.s32 @p2 $0x1  }
0x17: {  	s4 =	simm.s32 $0x1BF5;
	[smem:$0x3FB7] =	sst s0  }
0x18: {  	s0 =	sld [smem:$0x3F9A];
	_ =	swait.ge [sflag:s4], $0x0  }
0x19: {  	s7 =	sld [smem:$0x3F9B]  }
0x1a: {  	s8 =	sadd.s32 $0xFFFFE003, lr  }
0x1b: {  	s9 =	sadd.s32 $0xFFFFFEF7, lr;
	s5 =	simm.s32 $0xFFFFFFFF;
	p2 =	slt.u32 s8, $0xFFFFF086  }
0x1c: {  	p1 =	slt.u32 s9, $0xF7A;
	s5 =	simm.s32 @!p2 $0x0  }
0x1d: {  	s5 =	simm.s32 @p1 $0x1;
	p0 =	seq.s32 s7, s2  }
0x1e: {  	s7 =	smul.u32 @!p0 $0xF7A, s2;
	p2 =	seq.s32 @!p0 s5, $0x0  }
0x1f: {  	s9 =	smul.u32 $0xF7A, s1;
	s8 =	simm.s32 @!p0 $0x1BF5;
	p2 =	por !p2, p0  }
0x20: {  	[sflag:s8] =	ssyncset.s32 @!p0 $0xFFFFF086;
	s6 =	sadd.s32 @!p0 s3, s7;
	s7 =	simm.s32 @!p0 $0x108  }
0x21: {  	s3 =	sadd.s32 s3, s9;
	s6 =	sadd.s32 @!p0 $0x88, s6;
	s7 =	simm.s32 @p2 $0x1082  }
0x22: {  	[simem:s7], [sflag:s8] =	dma.local @!p0 [hbm:s6], $0xF7A  }
0x23: {  	s9 =	sor.u32 $0xD0000000, s2;
	s6 =	simm.s32 $0x108;
	_ =	swait.ge @!p0 [sflag:s8], $0x0  }
0x24: {  	s3 =	sadd.s32 $0x88, s3;
	s6 =	simm.s32 @!p1 $0x1082;
	[sflag:s4] =	ssyncset.s32 $0xFFFFF086  }
0x25: {  	[simem:s6], [sflag:s4] =	dma.local [hbm:s3], $0xF7A  }
0x26: {  	[smem:$0x3F9B] =	sst s1;
	(tag) =	ssettag s2;
	_ =	strace s9  }
0x27: {  	s1 =	sld [smem:$0x3FAB]  }
0x28: {  	s2 =	sld [smem:$0x3FAC]  }
0x29: {  	s4 =	sld [smem:$0x3FAE]  }
0x2a: {  	p0 =	seq.s32 s5, $0x0;
	s5 =	sld [smem:$0x3FAF]  }
0x2b: {  	s6 =	sld [smem:$0x3FB0]  }
0x2c: {  	s7 =	sld [smem:$0x3FB1]  }
0x2d: {  	s3 =	simm.s32 $0x108;
	s8 =	sld [smem:$0x3FB2]  }
0x2e: {  	s3 =	simm.s32 @!p0 $0x1082;
	s9 =	sld [smem:$0x3FB3]  }
0x2f: {  	lr =	sadd.s32 s0, s3;
	s0 =	sld [smem:$0x3FAA]  }
0x30: {  	s3 =	sld [smem:$0x3FAD]  }
0x31: {  	[smem:$0x3FB6] =	sst s10  }
0x32: {  	s10 =	sld [smem:$0x3FB4];
	_ =	sdelay $0x3  }
0x33: {  	p0 =	seq.s32 s10, $0x1;
	s10 =	sld [smem:$0x3FB6];
	_ =	sdelay $0x3  }
0x34: {  	[smem:$0x3FB6] =	sst s10  }
0x35: {  	s10 =	sld [smem:$0x3FB5];
	_ =	sdelay $0x3  }
0x36: {  	p1 =	seq.s32 s10, $0x1;
	s10 =	sld [smem:$0x3FB6];
	_ =	sdelay $0x3  }
0x37: {  	[smem:$0x3FB6] =	sst s10  }
0x38: {  	s10 =	sld [smem:$0x3FB7]  }
0x39: {  	_ = 	snop;
	(pc) =	sbr.ind lr, $3  }
0x3a: {  	_ = 	snop  }
0x3b: {  	_ = 	snop  }
0x3c: {  	p2 =	seq.s32 s10, $0x1;
	s10 =	sld [smem:$0x3FB6]  }
0x3d: {  	_ =	shalt  }
0x3e: {  	_ =	shalt  }
0x3f: {  	_ =	shalt  }
0x40: {  	_ =	shalt  }
0x41: {  	_ =	shalt  }
0x42: {  	_ =	shalt  }
0x43: {  	_ =	shalt  }
0x44: {  	_ =	shalt  }
0x45: {  	_ =	shalt  }
0x46: {  	_ =	shalt  }
0x47: {  	_ =	shalt  }
0x48: {  	_ =	shalt  }
0x49: {  	_ =	shalt  }
0x4a: {  	_ =	shalt  }
0x4b: {  	_ =	shalt  }
0x4c: {  	_ =	shalt  }
0x4d: {  	_ =	shalt  }
0x4e: {  	_ =	shalt  }
0x4f: {  	_ =	shalt  }
0x50: {  	_ =	shalt  }
0x51: {  	_ =	shalt  }
0x52: {  	_ =	shalt  }
0x53: {  	_ =	shalt  }
0x54: {  	_ =	shalt  }
0x55: {  	_ =	shalt  }
0x56: {  	_ =	shalt  }
0x57: {  	_ =	shalt  }
0x58: {  	_ =	shalt  }
0x59: {  	_ =	shalt  }
0x5a: {  	_ =	shalt  }
0x5b: {  	_ =	shalt  }
0x5c: {  	_ =	shalt  }
0x5d: {  	_ =	shalt  }
0x5e: {  	_ =	shalt  }
0x5f: {  	_ =	shalt  }
0x60: {  	_ =	shalt  }
0x61: {  	_ =	shalt  }
0x62: {  	_ =	shalt  }
0x63: {  	_ =	shalt  }
0x64: {  	_ =	shalt  }
0x65: {  	_ =	shalt  }
0x66: {  	_ =	shalt  }
0x67: {  	_ =	shalt  }
0x68: {  	_ =	shalt  }
0x69: {  	_ =	shalt  }
0x6a: {  	_ =	shalt  }
0x6b: {  	_ =	shalt  }
0x6c: {  	_ =	shalt  }
0x6d: {  	_ =	shalt  }
0x6e: {  	_ =	shalt  }
0x6f: {  	_ =	shalt  }
0x70: {  	_ =	shalt  }
0x71: {  	_ =	shalt  }
0x72: {  	_ =	shalt  }
0x73: {  	_ =	shalt  }
0x74: {  	_ =	shalt  }
0x75: {  	_ =	shalt  }
0x76: {  	_ =	shalt  }
0x77: {  	_ =	shalt  }
0x78: {  	_ =	shalt  }
0x79: {  	_ =	shalt  }
0x7a: {  	_ =	shalt  }
0x7b: {  	_ =	shalt  }
0x7c: {  	_ =	shalt  }
0x7d: {  	_ =	shalt  }
0x7e: {  	_ =	shalt  }
0x7f: {  	_ =	shalt  }
0x80: {  	_ =	shalt  }
0x81: {  	_ =	shalt  }
0x82: {  	_ =	shalt  }
0x83: {  	_ =	shalt  }
0x84: {  	_ =	shalt  }
0x85: {  	_ =	shalt  }
0x86: {  	_ =	shalt  }
0x87: {  	_ =	shalt  }
.Lfunc_end0:
.L_simem_size_0:
called_computation_lowered:
.L_overlay_start_0:
0x88: {  	s2 =	sld [smem:$0x3FD9]  }
0x89: {  	s3 =	sld [smem:$0x3FFE];
	_ =	sdelay $0x1  }
0x8a: {  	s1 =	srdreg.scid  }
0x8b: {  	s0 =	sand.u32 $0x1, s1  }
0x8c: {  	s17 =	sshll.u32 s0, $0xA;
	s2 =	sadd.s32 s3, s2  }
0x8d: {  	s2 =	sadd.s32 s2, s17  }
0x8e: {  	[smem:$0x3FC2] =	sst s2  }
0x8f: {  	_ = 	snop  }
0x90: {  	s2 =	sld [smem:$0x3FD0];
	(tm) =	ssettm $0x1  }
0x91: {  	s18 =	sld [smem:$0x3FFB];
	_ =	sdelay $0x3  }
0x92: {  	_ =	strace s18  }
0x93: {  	s3 =	sld [smem:$0x3FFC];
	_ =	sdelay $0x3  }
0x94: {  	_ =	strace s3  }
0x95: {  	s3 =	sld [smem:$0x3FFD];
	_ =	sdelay $0x3  }
0x96: {  	_ =	strace s3  }
0x97: {  	_ =	strace $0x8FFFFFFF  }
0x98: {  	s19 =	sld [smem:$0x3FDB];
	_ =	sdelay $0x1  }
0x99: {  	s4 =	simm.s32 $_scs_section_size  }
0x9a: {  	s5 =	simm.s32 $_size__tile_overlayer_lowered;
	s6 =	simm.s32 $_tile_overlayer_lowered  }
0x9b: {  	s22 =	simm.s32 $0x1BFF;
	s21 =	sshll.u32 s6, $0x1;
	s3 =	sadd.s32 s4, s19  }
0x9c: {  	s7 =	simm.s32 $0x0;
	s20 =	sshll.u32 s5, $0x1;
	s5 =	sadd.s32 s21, s3  }
0x9d: {  	[timem:s7], [sflag:s22] =	dma.local [hbm:s5], s20  }
0x9e: {  	_ =	swait.ge [sflag:s22], s20  }
0x9f: {  	s4 =	ssub.s32 $0x0, s20;
	[sflag:s22] =	ssyncset.done $0x0  }
0xa0: {  	[sflag:s22] =	ssyncadd.s32 s4;
	_ =	sdelay $0x1  }
0xa1: {  	s23 =	simm.s32 $0x1B8B  }
0xa2: {  	_ =	swait.ge [sflag:s23], $0x1  }
0xa3: {  	[sflag:s23] =	ssyncset.done $0x0  }
0xa4: {  	s25 =	simm.s32 $0x1B8E;
	s24 =	sld [smem:$0x3FFE];
	[sflag:s23] =	ssyncadd.s32 $0xFFFFFFFF  }
0xa5: {  	s26 =	simm.s32 $execute0_lowered;
	[smem:$0x3FD2] =	sst s25  }
0xa6: {  	s5 =	sshll.u32 s26, $0x1;
	_ =	strace $0x80000046;
	[dreg:$0x1] =	wrdreg $0xFFFFFFFF  }
0xa7: {  	s28 =	simm.s32 $_size_execute0_lowered;
	s3 =	sadd.s32 s3, s5;
	[dreg:$0x0] =	wrdreg $0x0  }
0xa8: {  	s5 =	sshll.u32 s28, $0x1;
	[dreg:$0x2] =	wrdreg s3  }
0xa9: {  	[dreg:$0x3] =	wrdreg s5  }
0xaa: {  	[dreg:$0x4] =	wrdreg $0xC0  }
0xab: {  	_ =	task [dreg:s7], $0x5FFFF  }
0xac: {  	[dreg:$0x1] =	wrdreg $0xFFFFFFFF  }
0xad: {  	[dreg:$0x0] =	wrdreg $0x60  }
0xae: {  	[dreg:$0x2] =	wrdreg s2  }
0xaf: {  	[dreg:$0x3] =	wrdreg s24  }
0xb0: {  	[dreg:$0x4] =	wrdreg $0xB8000  }
0xb1: {  	[dreg:$0x5] =	wrdreg $0x9  }
0xb2: {  	_ =	task.clear_ibuf [dreg:s7], $0x6FFFF;
	_ =	strace $0x90000046  }
0xb3: {  	s29 =	simm.s32 $0x9;
	_ =	strace $0x80000048  }
0xb4: {  	_ =	swait.ge [sflag:s29], $0x1  }
0xb5: {  	[sflag:s29] =	ssyncadd.s32 $0xFFFFFFFF  }
0xb6: {  	_ =	strace $0x90000048  }
0xb7: {  	_ =	sfence  }
0xb8: {  	s30 =	sld [smem:$0x0];
	_ =	sdelay $0x2  }
0xb9: {  	s31 =	sshll.u32 s1, $0xD;
	s1 =	sshrl.u32 s1, $0x2  }
0xba: {  	s3 =	sand.u32 $0x4000, s31;
	s1 =	sadd.s32 s1, s30  }
0xbb: {  	s0 =	sor.u32 s3, s0;
	s1 =	sshll.u32 s1, $0x11  }
0xbc: {  	s0 =	sor.u32 s1, s0  }
0xbd: {  	s0 =	sadd.s32 $0x8F2B, s0  }
0xbe: {  	[sflag:s0] =	ssyncadd.remote.s32 $0x1  }
0xbf: {  	_ =	sfence.sel $0xFFFF  }
0xc0: {  	[dreg:$0x0] =	wrdreg $0xFFFFFFFF;
	(pc) =	sbr.abs _section_cstart, $3  }
0xc1: {  	[dreg:$0x1] =	wrdreg $0xFFFFFFFF  }
0xc2: {  	_ =	task.clear_ibuf [dreg:s7], $0x2FFFF;
	_ =	strace $0x9FFFFFFF  }
0xc3: {  	(tm) =	ssettm $0x7FFFFFFF  }
tec
execute0_lowered:
.L_overlay_start_1:
0x0: {  	(tag) =	ssettag $0x1  }
0x1: {  	s0 =	rddreg [dreg:$0x0]  }
0x2: {  	s1 =	rddreg [dreg:$0x1];
	s2 =	srdreg.scid  }
0x3: {  	s3 =	rddreg [dreg:$0x2];
	s4 =	sand.u32 $0x1, s2  }
0x4: {  	s10 =	stileid.u32;
	s2 =	simm.s32 $0x0;
	s6 =	smul.u32 $0x28000, s4  }
0x5: {  	s26 =	sshrl.u32 s10, $0x3;
	s7 =	sshll.u32 s10, $0x7;
	s5 =	sshll.u32 s4, $0x4  }
0x6: {  	s4 =	ssub.s32 $0x2, s4;
	s1 =	sadd.s32 s6, s1;
	s6 =	smul.u32 $0x50000, s26  }
0x7: {  	s9 =	smul.u32 $0x1400, s10;
	[smem:$0x7FF] =	sst s2;
	s8 =	sshrl.u32 s4, $0x1  }
0x8: {  	s7 =	sand.u32 $0x380, s7;
	s4 =	ssub.s32 s4, s8;
	s6 =	sshrl.u32 s6, $0x2  }
0x9: {  	_ =	strace $0x80000047;
	s4 =	smax.u32 s4, $0x1;
	s6 =	sadd.s32 s6, s3  }
0xa: {  	[dreg:$0x15] =	wrdreg s4;
	s3 =	sadd.s32 s9, s3;
	s8 =	sadd.s32 s7, s6  }
0xb: {  	s9 =	sadd.s32 $0x80, s3;
	[dreg:$0x5] =	wrdreg s8  }
0xc: {  	s11 =	sadd.s32 $0x100, s3;
	[dreg:$0x6] =	wrdreg s9  }
0xd: {  	s12 =	sadd.s32 $0x180, s3;
	[dreg:$0x7] =	wrdreg s11  }
0xe: {  	s13 =	sadd.s32 $0x200, s3;
	[dreg:$0x8] =	wrdreg s12  }
0xf: {  	s14 =	sadd.s32 $0x280, s3;
	[dreg:$0x9] =	wrdreg s13  }
0x10: {  	s15 =	sadd.s32 $0x300, s3;
	[dreg:$0xa] =	wrdreg s14  }
0x11: {  	s16 =	sadd.s32 $0x380, s3;
	[dreg:$0xb] =	wrdreg s15  }
0x12: {  	s17 =	sadd.s32 $0x14000, s3;
	[dreg:$0xc] =	wrdreg s16  }
0x13: {  	s18 =	sadd.s32 $0x14080, s3;
	[dreg:$0xd] =	wrdreg s17  }
0x14: {  	s19 =	sadd.s32 $0x14100, s3;
	[dreg:$0xe] =	wrdreg s18  }
0x15: {  	s20 =	sadd.s32 $0x14180, s3;
	[dreg:$0xf] =	wrdreg s19  }
0x16: {  	s21 =	sadd.s32 $0x14200, s3;
	[dreg:$0x10] =	wrdreg s20  }
0x17: {  	s22 =	sadd.s32 $0x14280, s3;
	[dreg:$0x11] =	wrdreg s21  }
0x18: {  	s5 =	sor.u32 s10, s5;
	s23 =	sadd.s32 $0x14300, s3;
	[dreg:$0x12] =	wrdreg s22  }
0x19: {  	s5 =	sshrl.u32 s5, $0x3;
	s24 =	sadd.s32 $0x14380, s3;
	[dreg:$0x13] =	wrdreg s23  }
0x1a: {  	s5 =	smul.u32 $0x14000, s5;
	s26 =	sadd.s32 $0x400, s3;
	[dreg:$0x14] =	wrdreg s24  }
0x1b: {  	s6 =	sadd.s32 $0xC00, s3;
	[dreg:$0x16] =	wrdreg s26  }
0x1c: {  	s5 =	sor.u32 s7, s5;
	s7 =	sadd.s32 $0x1000, s3;
	[dreg:$0x18] =	wrdreg s6  }
0x1d: {  	s25 =	smul.u32 $0x2800, s10;
	s10 =	sadd.s32 $0xC80, s3;
	[dreg:$0x19] =	wrdreg s7  }
0x1e: {  	s5 =	sshrl.u32 s5, $0x3;
	s4 =	sadd.s32 $0x1280, s3;
	[dreg:$0x1c] =	wrdreg s10  }
0x1f: {  	s0 =	sadd.s32 s0, s5;
	[smem:$0x7E8] =	sst s4  }
0x20: {  	s5 =	sadd.s32 $0x800, s3;
	[dreg:$0x4] =	wrdreg s0  }
0x21: {  	s8 =	sadd.s32 $0x480, s3;
	[dreg:$0x17] =	wrdreg s5  }
0x22: {  	s9 =	sadd.s32 $0x880, s3;
	[dreg:$0x1a] =	wrdreg s8  }
0x23: {  	s11 =	sadd.s32 $0x1080, s3;
	[dreg:$0x1b] =	wrdreg s9  }
0x24: {  	s12 =	sadd.s32 $0x500, s3;
	[dreg:$0x1d] =	wrdreg s11  }
0x25: {  	s13 =	sadd.s32 $0x900, s3;
	[dreg:$0x1e] =	wrdreg s12  }
0x26: {  	s14 =	sadd.s32 $0xD00, s3;
	[dreg:$0x1f] =	wrdreg s13  }
0x27: {  	s15 =	sadd.s32 $0x1100, s3;
	[smem:$0x7DB] =	sst s14  }
0x28: {  	s16 =	sadd.s32 $0x580, s3;
	[smem:$0x7DC] =	sst s15  }
0x29: {  	s17 =	sadd.s32 $0x980, s3;
	[smem:$0x7DD] =	sst s16  }
0x2a: {  	s18 =	sadd.s32 $0xD80, s3;
	[smem:$0x7DE] =	sst s17  }
0x2b: {  	s19 =	sadd.s32 $0x1180, s3;
	[smem:$0x7DF] =	sst s18  }
0x2c: {  	s20 =	sadd.s32 $0x600, s3;
	[smem:$0x7E0] =	sst s19  }
0x2d: {  	s21 =	sadd.s32 $0xA00, s3;
	[smem:$0x7E1] =	sst s20  }
0x2e: {  	s22 =	sadd.s32 $0xE00, s3;
	[smem:$0x7E2] =	sst s21  }
0x2f: {  	s1 =	sadd.s32 $0x2600, s1;
	s23 =	sadd.s32 $0x1200, s3;
	[smem:$0x7E3] =	sst s22  }
0x30: {  	s24 =	sadd.s32 s1, s25;
	s25 =	sadd.s32 $0x680, s3;
	[smem:$0x7E4] =	sst s23  }
0x31: {  	s26 =	sadd.s32 $0xA80, s3;
	[smem:$0x7E5] =	sst s25  }
0x32: {  	s1 =	sadd.s32 $0xE80, s3;
	[smem:$0x7E6] =	sst s26  }
0x33: {  	s6 =	sadd.s32 $0xB00, s3;
	[smem:$0x7E7] =	sst s1  }
0x34: {  	s7 =	sadd.s32 $0xF00, s3;
	[smem:$0x7EA] =	sst s6  }
0x35: {  	s10 =	sadd.s32 $0xB80, s3;
	[smem:$0x7EB] =	sst s7  }
0x36: {  	s5 =	sadd.s32 $0x700, s3;
	[smem:$0x7EE] =	sst s10  }
0x37: {  	s8 =	sadd.s32 $0x1300, s3;
	[smem:$0x7E9] =	sst s5  }
0x38: {  	s9 =	sadd.s32 $0x780, s3;
	[smem:$0x7EC] =	sst s8  }
0x39: {  	s11 =	sadd.s32 $0xF80, s3;
	[smem:$0x7ED] =	sst s9  }
0x3a: {  	s12 =	sadd.s32 $0x1380, s3;
	[smem:$0x7EF] =	sst s11  }
0x3b: {  	s13 =	sadd.s32 $0x14400, s3;
	[smem:$0x7F0] =	sst s12  }
0x3c: {  	s14 =	sadd.s32 $0x14800, s3;
	[smem:$0x7F1] =	sst s13  }
0x3d: {  	s15 =	sadd.s32 $0x14C00, s3;
	[smem:$0x7F2] =	sst s14  }
0x3e: {  	s16 =	sadd.s32 $0x15000, s3;
	[smem:$0x7F3] =	sst s15  }
0x3f: {  	s17 =	sadd.s32 $0x14480, s3;
	[smem:$0x7F4] =	sst s16  }
0x40: {  	s28 =	sadd.s32 $0x14780, s3;
	s18 =	sadd.s32 $0x14880, s3;
	[smem:$0x7F5] =	sst s17  }
0x41: {  	s29 =	sadd.s32 $0x14B80, s3;
	s19 =	sadd.s32 $0x14C80, s3;
	[smem:$0x7F6] =	sst s18  }
0x42: {  	s30 =	sadd.s32 $0x14F80, s3;
	s20 =	sadd.s32 $0x15080, s3;
	[smem:$0x7F7] =	sst s19  }
0x43: {  	s31 =	sadd.s32 $0x15380, s3;
	s21 =	sadd.s32 $0x14500, s3;
	[smem:$0x7F8] =	sst s20  }
0x44: {  	s4 =	simm.s32 $0x1;
	s22 =	sadd.s32 $0x14900, s3;
	[smem:$0x7F9] =	sst s21  }
0x45: {  	s23 =	sadd.s32 $0x14D00, s3;
	s25 =	sadd.s32 $0x15100, s3;
	[smem:$0x7FA] =	sst s22  }
0x46: {  	s26 =	sadd.s32 $0x14580, s3;
	s0 =	simm.s32 $0x80;
	[smem:$0x7FB] =	sst s23  }
0x47: {  	s1 =	simm.s32 $0x400;
	s6 =	simm.s32 $0x7800;
	[smem:$0x7FC] =	sst s25  }
0x48: {  	v0 =	vlaneseq.u32;
	s7 =	simm.s32 $0x0;
	[smem:$0x7FD] =	sst s26;
	s11 =	sadd.s32 $0x14980, s3  }
0x49: {  	v0 =	vmul.u32 $0x80, v0;
	s12 =	sadd.s32 $0x14D80, s3;
	s13 =	sadd.s32 $0x15180, s3;
	s14 =	sadd.s32 $0x14600, s3  }
0x4a: {  	s15 =	sadd.s32 $0x14A00, s3;
	s16 =	sadd.s32 $0x14E00, s3;
	s17 =	sadd.s32 $0x15200, s3  }
0x4b: {  	v1 =	vimm.f32 $0.0e+00;
	v2 =	vimm.f32 $1.000000000e+00;
	v3 =	vor.u32 $0x800, v0;
	s18 =	sadd.s32 $0x14680, s3;
	s19 =	sadd.s32 $0x14A80, s3;
	s20 =	sadd.s32 $0x14E80, s3  }
0x4c: {  	v4 =	vor.u32 $0x1000, v0;
	v5 =	vor.u32 $0x1800, v0;
	v6 =	vor.u32 $0x2000, v0;
	s21 =	sadd.s32 $0x15280, s3;
	s22 =	sadd.s32 $0x14700, s3;
	s23 =	sadd.s32 $0x14B00, s3  }
0x4d: {  	v7 =	vor.u32 $0x2800, v0;
	v8 =	vor.u32 $0x3000, v0;
	v9 =	vor.u32 $0x3800, v0;
	s25 =	sadd.s32 $0x14F00, s3;
	s26 =	sadd.s32 $0x15300, s3;
	s5 =	simm.s32 $0x2800  }
.LBB2_1:
0x4e: {  	s8 =	rddreg [dreg:$0x4]  }
0x4f: {  	[tilespmem:s2], [sflag:$0x1] =	stream.strided.gather [hbm4b:s8+s0], $0x2800, s1, s0, $0x38;
	[tilespmem:$0xE000] =	vst v63  }
0x50: {  	_ =	swait.ge [sflag:s4], $0x2800  }
0x51: {  	[sflag:s4] =	ssyncset.done $0x0  }
0x52: {  	s8 =	simm.s32 $0x0;
	[sflag:s4] =	ssyncadd.s32 $0xFFFFD800  }
.LBB2_2:
0x53: {  	p0 =	sne.s32 s8, $0x9FC0  }
.Ltmp0:
0x54: {  	_ = 	snop;
	(pc) =	sbr.rel @p0 .LBB2_2-.Ltmp0, $3  }
0x55: {  	_ =	sdelay $0x1  }
0x56: {  	s9 =	sshra.s32 s8, $0x2  }
0x57: {  	s8 =	sadd.s32 $0x40, s8;
	[tilespmem:s9+$0x2800] =	vst v1  }
0x58: {  	s9 =	simm.s32 $0x0;
	s8 =	simm.s32 $0x40  }
.LBB2_4:
0x59: {  	p0 =	sne.s32 s8, $0x9FC0;
	v10 =	vld [tilespmem:s9+$0x0];
	_ =	sdelay $0x3  }
.Ltmp1:
0x5a: {  	(pc) =	sbr.rel @p0 .LBB2_4-.Ltmp1, $2  }
0x5b: {  	_ =	sdelay $0x2  }
0x5c: {  	s9 =	sshra.s32 s8, $0x2;
	s8 =	sadd.s32 $0x40, s8;
	[tilespmem:v10+s5+$0x0] =	vst.idx.add.f32.msk $0xffff, v2  }
0x5d: {  	v10 =	vld [tilespmem:s9+$0x0];
	_ =	sdelay $0x7  }
0x5e: {  	s8 =	rddreg [dreg:$0x5];
	[tilespmem:v10+s5+$0x0] =	vst.idx.add.f32.msk $0xffff, v2  }
0x5f: {  	[spmem:s8] =	stream.strided.scatter [tilespmem:s5], [sflag:$0x1], $0x2800, s1, s0, $0x38;
	[tilespmem:$0xE000] =	vst v63  }
0x60: {  	_ =	swait.ge [sflag:s4], $0x2800  }
0x61: {  	[sflag:s4] =	ssyncset.done $0x0  }
0x62: {  	[sflag:s4] =	ssyncadd.s32 $0xFFFFD800  }
0x63: {  	s10 =	simm.s32 $0x5000;
	[bflag:$0x0] =	sbarrier.arrive $0xFFFF  }
0x64: {  	[tilespmem:s10], [sflag:$0x1] =	stream.linear.gather [spmem:s3], $0x80, $0x38;
	[tilespmem:$0xE000] =	vst v63  }
0x65: {  	s9 =	rddreg [dreg:$0x16];
	s10 =	simm.s32 $0x5400  }
0x66: {  	[tilespmem:s10], [sflag:$0x1] =	stream.linear.gather [spmem:s9], $0x80, $0x38;
	[tilespmem:$0xE000] =	vst v63  }
0x67: {  	s9 =	rddreg [dreg:$0x17];
	s10 =	simm.s32 $0x5800  }
0x68: {  	[tilespmem:s10], [sflag:$0x1] =	stream.linear.gather [spmem:s9], $0x80, $0x38;
	[tilespmem:$0xE000] =	vst v63  }
0x69: {  	s9 =	rddreg [dreg:$0x18];
	s10 =	simm.s32 $0x5C00  }
0x6a: {  	[tilespmem:s10], [sflag:$0x1] =	stream.linear.gather [spmem:s9], $0x80, $0x38;
	[tilespmem:$0xE000] =	vst v63  }
0x6b: {  	s9 =	rddreg [dreg:$0x19];
	s10 =	simm.s32 $0x6000  }
0x6c: {  	[tilespmem:s10], [sflag:$0x1] =	stream.linear.gather [spmem:s9], $0x80, $0x38;
	[tilespmem:$0xE000] =	vst v63  }
0x6d: {  	_ =	swait.ge [sflag:s4], $0x280  }
0x6e: {  	[sflag:s4] =	ssyncset.done $0x0  }
0x6f: {  	s10 =	simm.s32 $0x5080;
	s9 =	rddreg [dreg:$0x6];
	[sflag:s4] =	ssyncadd.s32 $0xFFFFFD80  }
0x70: {  	[tilespmem:s10], [sflag:$0x1] =	stream.linear.gather [spmem:s9], $0x80, $0x38;
	[tilespmem:$0xE000] =	vst v63  }
0x71: {  	s9 =	rddreg [dreg:$0x1a];
	s10 =	simm.s32 $0x5480  }
0x72: {  	[tilespmem:s10], [sflag:$0x1] =	stream.linear.gather [spmem:s9], $0x80, $0x38;
	[tilespmem:$0xE000] =	vst v63  }
0x73: {  	s9 =	rddreg [dreg:$0x1b];
	s10 =	simm.s32 $0x5880  }
0x74: {  	[tilespmem:s10], [sflag:$0x1] =	stream.linear.gather [spmem:s9], $0x80, $0x38;
	[tilespmem:$0xE000] =	vst v63  }
0x75: {  	s9 =	rddreg [dreg:$0x1c];
	s10 =	simm.s32 $0x5C80  }
0x76: {  	[tilespmem:s10], [sflag:$0x1] =	stream.linear.gather [spmem:s9], $0x80, $0x38;
	[tilespmem:$0xE000] =	vst v63  }
0x77: {  	s9 =	rddreg [dreg:$0x1d];
	s10 =	simm.s32 $0x6080  }
0x78: {  	[tilespmem:s10], [sflag:$0x1] =	stream.linear.gather [spmem:s9], $0x80, $0x38;
	[tilespmem:$0xE000] =	vst v63  }
0x79: {  	_ =	swait.ge [sflag:s4], $0x280  }
0x7a: {  	[sflag:s4] =	ssyncset.done $0x0  }
0x7b: {  	s10 =	simm.s32 $0x5100;
	s9 =	rddreg [dreg:$0x7];
	[sflag:s4] =	ssyncadd.s32 $0xFFFFFD80  }
0x7c: {  	[tilespmem:s10], [sflag:$0x1] =	stream.linear.gather [spmem:s9], $0x80, $0x38;
	[tilespmem:$0xE000] =	vst v63  }
0x7d: {  	s9 =	rddreg [dreg:$0x1e];
	s10 =	simm.s32 $0x5500  }
0x7e: {  	[tilespmem:s10], [sflag:$0x1] =	stream.linear.gather [spmem:s9], $0x80, $0x38;
	[tilespmem:$0xE000] =	vst v63  }
0x7f: {  	s9 =	rddreg [dreg:$0x1f];
	s10 =	simm.s32 $0x5900  }
0x80: {  	[tilespmem:s10], [sflag:$0x1] =	stream.linear.gather [spmem:s9], $0x80, $0x38;
	[tilespmem:$0xE000] =	vst v63  }
0x81: {  	s9 =	sld [smem:$0x7DB];
	_ =	sdelay $0x1  }
0x82: {  	s10 =	simm.s32 $0x5D00  }
0x83: {  	[tilespmem:s10], [sflag:$0x1] =	stream.linear.gather [spmem:s9], $0x80, $0x38;
	[tilespmem:$0xE000] =	vst v63  }
0x84: {  	s9 =	sld [smem:$0x7DC];
	_ =	sdelay $0x1  }
0x85: {  	s10 =	simm.s32 $0x6100  }
0x86: {  	[tilespmem:s10], [sflag:$0x1] =	stream.linear.gather [spmem:s9], $0x80, $0x38;
	[tilespmem:$0xE000] =	vst v63  }
0x87: {  	_ =	swait.ge [sflag:s4], $0x280  }
0x88: {  	[sflag:s4] =	ssyncset.done $0x0  }
0x89: {  	s10 =	simm.s32 $0x5180;
	s9 =	rddreg [dreg:$0x8];
	[sflag:s4] =	ssyncadd.s32 $0xFFFFFD80  }
0x8a: {  	[tilespmem:s10], [sflag:$0x1] =	stream.linear.gather [spmem:s9], $0x80, $0x38;
	[tilespmem:$0xE000] =	vst v63  }
0x8b: {  	s9 =	sld [smem:$0x7DD];
	_ =	sdelay $0x1  }
0x8c: {  	s10 =	simm.s32 $0x5580  }
0x8d: {  	[tilespmem:s10], [sflag:$0x1] =	stream.linear.gather [spmem:s9], $0x80, $0x38;
	[tilespmem:$0xE000] =	vst v63  }
0x8e: {  	s9 =	sld [smem:$0x7DE];
	_ =	sdelay $0x1  }
0x8f: {  	s10 =	simm.s32 $0x5980  }
0x90: {  	[tilespmem:s10], [sflag:$0x1] =	stream.linear.gather [spmem:s9], $0x80, $0x38;
	[tilespmem:$0xE000] =	vst v63  }
0x91: {  	s9 =	sld [smem:$0x7DF];
	_ =	sdelay $0x1  }
0x92: {  	s10 =	simm.s32 $0x5D80  }
0x93: {  	[tilespmem:s10], [sflag:$0x1] =	stream.linear.gather [spmem:s9], $0x80, $0x38;
	[tilespmem:$0xE000] =	vst v63  }
0x94: {  	s9 =	sld [smem:$0x7E0];
	_ =	sdelay $0x1  }
0x95: {  	s10 =	simm.s32 $0x6180  }
0x96: {  	[tilespmem:s10], [sflag:$0x1] =	stream.linear.gather [spmem:s9], $0x80, $0x38;
	[tilespmem:$0xE000] =	vst v63  }
0x97: {  	_ =	swait.ge [sflag:s4], $0x280  }
0x98: {  	[sflag:s4] =	ssyncset.done $0x0  }
0x99: {  	s10 =	simm.s32 $0x5200;
	s9 =	rddreg [dreg:$0x9];
	[sflag:s4] =	ssyncadd.s32 $0xFFFFFD80  }
0x9a: {  	[tilespmem:s10], [sflag:$0x1] =	stream.linear.gather [spmem:s9], $0x80, $0x38;
	[tilespmem:$0xE000] =	vst v63  }
0x9b: {  	s9 =	sld [smem:$0x7E1];
	_ =	sdelay $0x1  }
0x9c: {  	s10 =	simm.s32 $0x5600  }
0x9d: {  	[tilespmem:s10], [sflag:$0x1] =	stream.linear.gather [spmem:s9], $0x80, $0x38;
	[tilespmem:$0xE000] =	vst v63  }
0x9e: {  	s9 =	sld [smem:$0x7E2];
	_ =	sdelay $0x1  }
0x9f: {  	s10 =	simm.s32 $0x5A00  }
0xa0: {  	[tilespmem:s10], [sflag:$0x1] =	stream.linear.gather [spmem:s9], $0x80, $0x38;
	[tilespmem:$0xE000] =	vst v63  }
0xa1: {  	s9 =	sld [smem:$0x7E3];
	_ =	sdelay $0x1  }
0xa2: {  	s10 =	simm.s32 $0x5E00  }
0xa3: {  	[tilespmem:s10], [sflag:$0x1] =	stream.linear.gather [spmem:s9], $0x80, $0x38;
	[tilespmem:$0xE000] =	vst v63  }
0xa4: {  	s9 =	sld [smem:$0x7E4];
	_ =	sdelay $0x1  }
0xa5: {  	s10 =	simm.s32 $0x6200  }
0xa6: {  	[tilespmem:s10], [sflag:$0x1] =	stream.linear.gather [spmem:s9], $0x80, $0x38;
	[tilespmem:$0xE000] =	vst v63  }
0xa7: {  	_ =	swait.ge [sflag:s4], $0x280  }
0xa8: {  	[sflag:s4] =	ssyncset.done $0x0  }
0xa9: {  	s10 =	simm.s32 $0x5280;
	s9 =	rddreg [dreg:$0xa];
	[sflag:s4] =	ssyncadd.s32 $0xFFFFFD80  }
0xaa: {  	[tilespmem:s10], [sflag:$0x1] =	stream.linear.gather [spmem:s9], $0x80, $0x38;
	[tilespmem:$0xE000] =	vst v63  }
0xab: {  	s9 =	sld [smem:$0x7E5];
	_ =	sdelay $0x1  }
0xac: {  	s10 =	simm.s32 $0x5680  }
0xad: {  	[tilespmem:s10], [sflag:$0x1] =	stream.linear.gather [spmem:s9], $0x80, $0x38;
	[tilespmem:$0xE000] =	vst v63  }
0xae: {  	s9 =	sld [smem:$0x7E6];
	_ =	sdelay $0x1  }
0xaf: {  	s10 =	simm.s32 $0x5A80  }
0xb0: {  	[tilespmem:s10], [sflag:$0x1] =	stream.linear.gather [spmem:s9], $0x80, $0x38;
	[tilespmem:$0xE000] =	vst v63  }
0xb1: {  	s9 =	sld [smem:$0x7E7];
	_ =	sdelay $0x1  }
0xb2: {  	s10 =	simm.s32 $0x5E80  }
0xb3: {  	[tilespmem:s10], [sflag:$0x1] =	stream.linear.gather [spmem:s9], $0x80, $0x38;
	[tilespmem:$0xE000] =	vst v63  }
0xb4: {  	s9 =	sld [smem:$0x7E8];
	_ =	sdelay $0x1  }
0xb5: {  	s10 =	simm.s32 $0x6280  }
0xb6: {  	[tilespmem:s10], [sflag:$0x1] =	stream.linear.gather [spmem:s9], $0x80, $0x38;
	[tilespmem:$0xE000] =	vst v63  }
0xb7: {  	_ =	swait.ge [sflag:s4], $0x280  }
0xb8: {  	[sflag:s4] =	ssyncset.done $0x0  }
0xb9: {  	s10 =	simm.s32 $0x5300;
	s9 =	rddreg [dreg:$0xb];
	[sflag:s4] =	ssyncadd.s32 $0xFFFFFD80  }
0xba: {  	[tilespmem:s10], [sflag:$0x1] =	stream.linear.gather [spmem:s9], $0x80, $0x38;
	[tilespmem:$0xE000] =	vst v63  }
0xbb: {  	s9 =	sld [smem:$0x7E9];
	_ =	sdelay $0x1  }
0xbc: {  	s10 =	simm.s32 $0x5700  }
0xbd: {  	[tilespmem:s10], [sflag:$0x1] =	stream.linear.gather [spmem:s9], $0x80, $0x38;
	[tilespmem:$0xE000] =	vst v63  }
0xbe: {  	s9 =	sld [smem:$0x7EA];
	_ =	sdelay $0x1  }
0xbf: {  	s10 =	simm.s32 $0x5B00  }
0xc0: {  	[tilespmem:s10], [sflag:$0x1] =	stream.linear.gather [spmem:s9], $0x80, $0x38;
	[tilespmem:$0xE000] =	vst v63  }
0xc1: {  	s9 =	sld [smem:$0x7EB];
	_ =	sdelay $0x1  }
0xc2: {  	s10 =	simm.s32 $0x5F00  }
0xc3: {  	[tilespmem:s10], [sflag:$0x1] =	stream.linear.gather [spmem:s9], $0x80, $0x38;
	[tilespmem:$0xE000] =	vst v63  }
0xc4: {  	s9 =	sld [smem:$0x7EC];
	_ =	sdelay $0x1  }
0xc5: {  	s10 =	simm.s32 $0x6300  }
0xc6: {  	[tilespmem:s10], [sflag:$0x1] =	stream.linear.gather [spmem:s9], $0x80, $0x38;
	[tilespmem:$0xE000] =	vst v63  }
0xc7: {  	_ =	swait.ge [sflag:s4], $0x280  }
0xc8: {  	[sflag:s4] =	ssyncset.done $0x0  }
0xc9: {  	s10 =	simm.s32 $0x5380;
	s9 =	rddreg [dreg:$0xc];
	[sflag:s4] =	ssyncadd.s32 $0xFFFFFD80  }
0xca: {  	[tilespmem:s10], [sflag:$0x1] =	stream.linear.gather [spmem:s9], $0x80, $0x38;
	[tilespmem:$0xE000] =	vst v63  }
0xcb: {  	s9 =	sld [smem:$0x7ED];
	_ =	sdelay $0x1  }
0xcc: {  	s10 =	simm.s32 $0x5780  }
0xcd: {  	[tilespmem:s10], [sflag:$0x1] =	stream.linear.gather [spmem:s9], $0x80, $0x38;
	[tilespmem:$0xE000] =	vst v63  }
0xce: {  	s9 =	sld [smem:$0x7EE];
	_ =	sdelay $0x1  }
0xcf: {  	s10 =	simm.s32 $0x5B80  }
0xd0: {  	[tilespmem:s10], [sflag:$0x1] =	stream.linear.gather [spmem:s9], $0x80, $0x38;
	[tilespmem:$0xE000] =	vst v63  }
0xd1: {  	s9 =	sld [smem:$0x7EF];
	_ =	sdelay $0x1  }
0xd2: {  	s10 =	simm.s32 $0x5F80  }
0xd3: {  	[tilespmem:s10], [sflag:$0x1] =	stream.linear.gather [spmem:s9], $0x80, $0x38;
	[tilespmem:$0xE000] =	vst v63  }
0xd4: {  	s9 =	sld [smem:$0x7F0];
	_ =	sdelay $0x1  }
0xd5: {  	s10 =	simm.s32 $0x6380  }
0xd6: {  	[tilespmem:s10], [sflag:$0x1] =	stream.linear.gather [spmem:s9], $0x80, $0x38;
	[tilespmem:$0xE000] =	vst v63  }
0xd7: {  	_ =	swait.ge [sflag:s4], $0x280  }
0xd8: {  	[sflag:s4] =	ssyncset.done $0x0  }
0xd9: {  	s10 =	simm.s32 $0x6400;
	s9 =	rddreg [dreg:$0xd];
	[sflag:s4] =	ssyncadd.s32 $0xFFFFFD80  }
0xda: {  	[tilespmem:s10], [sflag:$0x1] =	stream.linear.gather [spmem:s9], $0x80, $0x38;
	[tilespmem:$0xE000] =	vst v63  }
0xdb: {  	s9 =	sld [smem:$0x7F1];
	_ =	sdelay $0x1  }
0xdc: {  	s10 =	simm.s32 $0x6800  }
0xdd: {  	[tilespmem:s10], [sflag:$0x1] =	stream.linear.gather [spmem:s9], $0x80, $0x38;
	[tilespmem:$0xE000] =	vst v63  }
0xde: {  	s9 =	sld [smem:$0x7F2];
	_ =	sdelay $0x1  }
0xdf: {  	s10 =	simm.s32 $0x6C00  }
0xe0: {  	[tilespmem:s10], [sflag:$0x1] =	stream.linear.gather [spmem:s9], $0x80, $0x38;
	[tilespmem:$0xE000] =	vst v63  }
0xe1: {  	s9 =	sld [smem:$0x7F3];
	_ =	sdelay $0x1  }
0xe2: {  	s10 =	simm.s32 $0x7000  }
0xe3: {  	[tilespmem:s10], [sflag:$0x1] =	stream.linear.gather [spmem:s9], $0x80, $0x38;
	[tilespmem:$0xE000] =	vst v63  }
0xe4: {  	s9 =	sld [smem:$0x7F4];
	_ =	sdelay $0x1  }
0xe5: {  	s10 =	simm.s32 $0x7400  }
0xe6: {  	[tilespmem:s10], [sflag:$0x1] =	stream.linear.gather [spmem:s9], $0x80, $0x38;
	[tilespmem:$0xE000] =	vst v63  }
0xe7: {  	_ =	swait.ge [sflag:s4], $0x280  }
0xe8: {  	[sflag:s4] =	ssyncset.done $0x0  }
0xe9: {  	s10 =	simm.s32 $0x6480;
	s9 =	rddreg [dreg:$0xe];
	[sflag:s4] =	ssyncadd.s32 $0xFFFFFD80  }
0xea: {  	[tilespmem:s10], [sflag:$0x1] =	stream.linear.gather [spmem:s9], $0x80, $0x38;
	[tilespmem:$0xE000] =	vst v63  }
0xeb: {  	s9 =	sld [smem:$0x7F5];
	_ =	sdelay $0x1  }
0xec: {  	s10 =	simm.s32 $0x6880  }
0xed: {  	[tilespmem:s10], [sflag:$0x1] =	stream.linear.gather [spmem:s9], $0x80, $0x38;
	[tilespmem:$0xE000] =	vst v63  }
0xee: {  	s9 =	sld [smem:$0x7F6];
	_ =	sdelay $0x1  }
0xef: {  	s10 =	simm.s32 $0x6C80  }
0xf0: {  	[tilespmem:s10], [sflag:$0x1] =	stream.linear.gather [spmem:s9], $0x80, $0x38;
	[tilespmem:$0xE000] =	vst v63  }
0xf1: {  	s9 =	sld [smem:$0x7F7];
	_ =	sdelay $0x1  }
0xf2: {  	s10 =	simm.s32 $0x7080  }
0xf3: {  	[tilespmem:s10], [sflag:$0x1] =	stream.linear.gather [spmem:s9], $0x80, $0x38;
	[tilespmem:$0xE000] =	vst v63  }
0xf4: {  	s9 =	sld [smem:$0x7F8];
	_ =	sdelay $0x1  }
0xf5: {  	s10 =	simm.s32 $0x7480  }
0xf6: {  	[tilespmem:s10], [sflag:$0x1] =	stream.linear.gather [spmem:s9], $0x80, $0x38;
	[tilespmem:$0xE000] =	vst v63  }
0xf7: {  	_ =	swait.ge [sflag:s4], $0x280  }
0xf8: {  	[sflag:s4] =	ssyncset.done $0x0  }
0xf9: {  	s10 =	simm.s32 $0x6500;
	s9 =	rddreg [dreg:$0xf];
	[sflag:s4] =	ssyncadd.s32 $0xFFFFFD80  }
0xfa: {  	[tilespmem:s10], [sflag:$0x1] =	stream.linear.gather [spmem:s9], $0x80, $0x38;
	[tilespmem:$0xE000] =	vst v63  }
0xfb: {  	s9 =	sld [smem:$0x7F9];
	_ =	sdelay $0x1  }
0xfc: {  	s10 =	simm.s32 $0x6900  }
0xfd: {  	[tilespmem:s10], [sflag:$0x1] =	stream.linear.gather [spmem:s9], $0x80, $0x38;
	[tilespmem:$0xE000] =	vst v63  }
0xfe: {  	s9 =	sld [smem:$0x7FA];
	_ =	sdelay $0x1  }
0xff: {  	s10 =	simm.s32 $0x6D00  }
0x100: {  	[tilespmem:s10], [sflag:$0x1] =	stream.linear.gather [spmem:s9], $0x80, $0x38;
	[tilespmem:$0xE000] =	vst v63  }
0x101: {  	s9 =	sld [smem:$0x7FB];
	_ =	sdelay $0x1  }
0x102: {  	s10 =	simm.s32 $0x7100  }
0x103: {  	[tilespmem:s10], [sflag:$0x1] =	stream.linear.gather [spmem:s9], $0x80, $0x38;
	[tilespmem:$0xE000] =	vst v63  }
0x104: {  	s9 =	sld [smem:$0x7FC];
	_ =	sdelay $0x1  }
0x105: {  	s10 =	simm.s32 $0x7500  }
0x106: {  	[tilespmem:s10], [sflag:$0x1] =	stream.linear.gather [spmem:s9], $0x80, $0x38;
	[tilespmem:$0xE000] =	vst v63  }
0x107: {  	_ =	swait.ge [sflag:s4], $0x280  }
0x108: {  	[sflag:s4] =	ssyncset.done $0x0  }
0x109: {  	s10 =	simm.s32 $0x6580;
	s9 =	rddreg [dreg:$0x10];
	[sflag:s4] =	ssyncadd.s32 $0xFFFFFD80  }
0x10a: {  	[tilespmem:s10], [sflag:$0x1] =	stream.linear.gather [spmem:s9], $0x80, $0x38;
	[tilespmem:$0xE000] =	vst v63  }
0x10b: {  	s9 =	sld [smem:$0x7FD];
	_ =	sdelay $0x1  }
0x10c: {  	s10 =	simm.s32 $0x6980  }
0x10d: {  	[tilespmem:s10], [sflag:$0x1] =	stream.linear.gather [spmem:s9], $0x80, $0x38;
	[tilespmem:$0xE000] =	vst v63  }
0x10e: {  	s10 =	simm.s32 $0x6D80  }
0x10f: {  	[tilespmem:s10], [sflag:$0x1] =	stream.linear.gather [spmem:s11], $0x80, $0x38;
	[tilespmem:$0xE000] =	vst v63  }
0x110: {  	s9 =	simm.s32 $0x7180  }
0x111: {  	[tilespmem:s9], [sflag:$0x1] =	stream.linear.gather [spmem:s12], $0x80, $0x38;
	[tilespmem:$0xE000] =	vst v63  }
0x112: {  	s10 =	simm.s32 $0x7580  }
0x113: {  	[tilespmem:s10], [sflag:$0x1] =	stream.linear.gather [spmem:s13], $0x80, $0x38;
	[tilespmem:$0xE000] =	vst v63  }
0x114: {  	_ =	swait.ge [sflag:s4], $0x280  }
0x115: {  	[sflag:s4] =	ssyncset.done $0x0  }
0x116: {  	s10 =	simm.s32 $0x6600;
	s9 =	rddreg [dreg:$0x11];
	[sflag:s4] =	ssyncadd.s32 $0xFFFFFD80  }
0x117: {  	[tilespmem:s10], [sflag:$0x1] =	stream.linear.gather [spmem:s9], $0x80, $0x38;
	[tilespmem:$0xE000] =	vst v63  }
0x118: {  	s9 =	simm.s32 $0x6A00  }
0x119: {  	[tilespmem:s9], [sflag:$0x1] =	stream.linear.gather [spmem:s14], $0x80, $0x38;
	[tilespmem:$0xE000] =	vst v63  }
0x11a: {  	s10 =	simm.s32 $0x6E00  }
0x11b: {  	[tilespmem:s10], [sflag:$0x1] =	stream.linear.gather [spmem:s15], $0x80, $0x38;
	[tilespmem:$0xE000] =	vst v63  }
0x11c: {  	s9 =	simm.s32 $0x7200  }
0x11d: {  	[tilespmem:s9], [sflag:$0x1] =	stream.linear.gather [spmem:s16], $0x80, $0x38;
	[tilespmem:$0xE000] =	vst v63  }
0x11e: {  	s10 =	simm.s32 $0x7600  }
0x11f: {  	[tilespmem:s10], [sflag:$0x1] =	stream.linear.gather [spmem:s17], $0x80, $0x38;
	[tilespmem:$0xE000] =	vst v63  }
0x120: {  	_ =	swait.ge [sflag:s4], $0x280  }
0x121: {  	[sflag:s4] =	ssyncset.done $0x0  }
0x122: {  	s10 =	simm.s32 $0x6680;
	s9 =	rddreg [dreg:$0x12];
	[sflag:s4] =	ssyncadd.s32 $0xFFFFFD80  }
0x123: {  	[tilespmem:s10], [sflag:$0x1] =	stream.linear.gather [spmem:s9], $0x80, $0x38;
	[tilespmem:$0xE000] =	vst v63  }
0x124: {  	s9 =	simm.s32 $0x6A80  }
0x125: {  	[tilespmem:s9], [sflag:$0x1] =	stream.linear.gather [spmem:s18], $0x80, $0x38;
	[tilespmem:$0xE000] =	vst v63  }
0x126: {  	s10 =	simm.s32 $0x6E80  }
0x127: {  	[tilespmem:s10], [sflag:$0x1] =	stream.linear.gather [spmem:s19], $0x80, $0x38;
	[tilespmem:$0xE000] =	vst v63  }
0x128: {  	s9 =	simm.s32 $0x7280  }
0x129: {  	[tilespmem:s9], [sflag:$0x1] =	stream.linear.gather [spmem:s20], $0x80, $0x38;
	[tilespmem:$0xE000] =	vst v63  }
0x12a: {  	s10 =	simm.s32 $0x7680  }
0x12b: {  	[tilespmem:s10], [sflag:$0x1] =	stream.linear.gather [spmem:s21], $0x80, $0x38;
	[tilespmem:$0xE000] =	vst v63  }
0x12c: {  	_ =	swait.ge [sflag:s4], $0x280  }
0x12d: {  	[sflag:s4] =	ssyncset.done $0x0  }
0x12e: {  	s10 =	simm.s32 $0x6700;
	s9 =	rddreg [dreg:$0x13];
	[sflag:s4] =	ssyncadd.s32 $0xFFFFFD80  }
0x12f: {  	[tilespmem:s10], [sflag:$0x1] =	stream.linear.gather [spmem:s9], $0x80, $0x38;
	[tilespmem:$0xE000] =	vst v63  }
0x130: {  	s9 =	simm.s32 $0x6B00  }
0x131: {  	[tilespmem:s9], [sflag:$0x1] =	stream.linear.gather [spmem:s22], $0x80, $0x38;
	[tilespmem:$0xE000] =	vst v63  }
0x132: {  	s10 =	simm.s32 $0x6F00  }
0x133: {  	[tilespmem:s10], [sflag:$0x1] =	stream.linear.gather [spmem:s23], $0x80, $0x38;
	[tilespmem:$0xE000] =	vst v63  }
0x134: {  	s9 =	simm.s32 $0x7300  }
0x135: {  	[tilespmem:s9], [sflag:$0x1] =	stream.linear.gather [spmem:s25], $0x80, $0x38;
	[tilespmem:$0xE000] =	vst v63  }
0x136: {  	s10 =	simm.s32 $0x7700  }
0x137: {  	[tilespmem:s10], [sflag:$0x1] =	stream.linear.gather [spmem:s26], $0x80, $0x38;
	[tilespmem:$0xE000] =	vst v63  }
0x138: {  	_ =	swait.ge [sflag:s4], $0x280  }
0x139: {  	[sflag:s4] =	ssyncset.done $0x0  }
0x13a: {  	s10 =	simm.s32 $0x6780;
	s9 =	rddreg [dreg:$0x14];
	[sflag:s4] =	ssyncadd.s32 $0xFFFFFD80  }
0x13b: {  	[tilespmem:s10], [sflag:$0x1] =	stream.linear.gather [spmem:s9], $0x80, $0x38;
	[tilespmem:$0xE000] =	vst v63  }
0x13c: {  	s10 =	simm.s32 $0x6B80  }
0x13d: {  	[tilespmem:s10], [sflag:$0x1] =	stream.linear.gather [spmem:s28], $0x80, $0x38;
	[tilespmem:$0xE000] =	vst v63  }
0x13e: {  	s9 =	simm.s32 $0x6F80  }
0x13f: {  	[tilespmem:s9], [sflag:$0x1] =	stream.linear.gather [spmem:s29], $0x80, $0x38;
	[tilespmem:$0xE000] =	vst v63  }
0x140: {  	s10 =	simm.s32 $0x7380  }
0x141: {  	[tilespmem:s10], [sflag:$0x1] =	stream.linear.gather [spmem:s30], $0x80, $0x38;
	[tilespmem:$0xE000] =	vst v63  }
0x142: {  	s9 =	simm.s32 $0x7780  }
0x143: {  	[tilespmem:s9], [sflag:$0x1] =	stream.linear.gather [spmem:s31], $0x80, $0x38;
	[tilespmem:$0xE000] =	vst v63  }
0x144: {  	_ =	swait.ge [sflag:s4], $0x280  }
0x145: {  	[sflag:s4] =	ssyncset.done $0x0  }
0x146: {  	s8 =	simm.s32 $0x67F0;
	[sflag:s4] =	ssyncadd.s32 $0xFFFFFD80  }
0x147: {  	v10 =	vld [tilespmem:s8+$0xFFFFE810];
	_ =	sdelay $0x1  }
0x148: {  	v11 =	vld [tilespmem:s8+$0xFFFFE890];
	_ =	sdelay $0x1  }
0x149: {  	v12 =	vld [tilespmem:s8+$0xFFFFE910]  }
0x14a: {  	v10 =	vadd.f32 $0.0e+00, v10  }
0x14b: {  	v13 =	vld [tilespmem:s8+$0xFFFFE990]  }
0x14c: {  	v10 =	vadd.f32 v11, v10  }
0x14d: {  	v11 =	vld [tilespmem:s8+$0xFFFFEA10]  }
0x14e: {  	v10 =	vadd.f32 v12, v10  }
0x14f: {  	v34 =	vld [tilespmem:s8+$0xFFFFEA90]  }
0x150: {  	v10 =	vadd.f32 v13, v10  }
0x151: {  	v35 =	vld [tilespmem:s8+$0xFFFFEB10]  }
0x152: {  	v10 =	vadd.f32 v11, v10  }
0x153: {  	v11 =	vld [tilespmem:s8+$0xFFFFEB90]  }
0x154: {  	v10 =	vadd.f32 v34, v10  }
0x155: {  	v36 =	vld [tilespmem:s8+$0xFFFFFC10]  }
0x156: {  	v10 =	vadd.f32 v35, v10  }
0x157: {  	v37 =	vld [tilespmem:s8+$0xFFFFFC90]  }
0x158: {  	v10 =	vadd.f32 v11, v10  }
0x159: {  	v11 =	vld [tilespmem:s8+$0xFFFFFD10]  }
0x15a: {  	v10 =	vadd.f32 v36, v10  }
0x15b: {  	v38 =	vld [tilespmem:s8+$0xFFFFFD90]  }
0x15c: {  	v10 =	vadd.f32 v37, v10  }
0x15d: {  	v39 =	vld [tilespmem:s8+$0xFFFFFE10]  }
0x15e: {  	v10 =	vadd.f32 v11, v10  }
0x15f: {  	v11 =	vld [tilespmem:s8+$0xFFFFFE90]  }
0x160: {  	v10 =	vadd.f32 v38, v10  }
0x161: {  	v40 =	vld [tilespmem:s8+$0xFFFFFF10]  }
0x162: {  	v10 =	vadd.f32 v39, v10  }
0x163: {  	v41 =	vld [tilespmem:s8+$0xFFFFFF90]  }
0x164: {  	v10 =	vadd.f32 v11, v10;
	_ =	sdelay $0x1  }
0x165: {  	v10 =	vadd.f32 v40, v10;
	_ =	sdelay $0x1  }
0x166: {  	v10 =	vadd.f32 v41, v10;
	_ =	sdelay $0x1  }
0x167: {  	[tilespmem:v0+s6+$0x0] =	vst.idx.msk $0xffff, v10  }
0x168: {  	v10 =	vld [tilespmem:s8+$0xFFFFE820];
	_ =	sdelay $0x1  }
0x169: {  	v11 =	vld [tilespmem:s8+$0xFFFFE8A0];
	_ =	sdelay $0x1  }
0x16a: {  	v42 =	vld [tilespmem:s8+$0xFFFFE920]  }
0x16b: {  	v10 =	vadd.f32 $0.0e+00, v10  }
0x16c: {  	v43 =	vld [tilespmem:s8+$0xFFFFE9A0]  }
0x16d: {  	v10 =	vadd.f32 v11, v10  }
0x16e: {  	v11 =	vld [tilespmem:s8+$0xFFFFEA20]  }
0x16f: {  	v10 =	vadd.f32 v42, v10  }
0x170: {  	v44 =	vld [tilespmem:s8+$0xFFFFEAA0]  }
0x171: {  	v10 =	vadd.f32 v43, v10  }
0x172: {  	v45 =	vld [tilespmem:s8+$0xFFFFEB20]  }
0x173: {  	v10 =	vadd.f32 v11, v10  }
0x174: {  	v11 =	vld [tilespmem:s8+$0xFFFFEBA0]  }
0x175: {  	v10 =	vadd.f32 v44, v10  }
0x176: {  	v46 =	vld [tilespmem:s8+$0xFFFFFC20]  }
0x177: {  	v10 =	vadd.f32 v45, v10  }
0x178: {  	v47 =	vld [tilespmem:s8+$0xFFFFFCA0]  }
0x179: {  	v10 =	vadd.f32 v11, v10  }
0x17a: {  	v11 =	vld [tilespmem:s8+$0xFFFFFD20]  }
0x17b: {  	v10 =	vadd.f32 v46, v10  }
0x17c: {  	v48 =	vld [tilespmem:s8+$0xFFFFFDA0]  }
0x17d: {  	v10 =	vadd.f32 v47, v10  }
0x17e: {  	v49 =	vld [tilespmem:s8+$0xFFFFFE20]  }
0x17f: {  	v10 =	vadd.f32 v11, v10  }
0x180: {  	v11 =	vld [tilespmem:s8+$0xFFFFFEA0]  }
0x181: {  	v10 =	vadd.f32 v48, v10  }
0x182: {  	v50 =	vld [tilespmem:s8+$0xFFFFFF20]  }
0x183: {  	v10 =	vadd.f32 v49, v10  }
0x184: {  	v51 =	vld [tilespmem:s8+$0xFFFFFFA0]  }
0x185: {  	v10 =	vadd.f32 v11, v10;
	_ =	sdelay $0x1  }
0x186: {  	v10 =	vadd.f32 v50, v10;
	_ =	sdelay $0x1  }
0x187: {  	v10 =	vadd.f32 v51, v10;
	_ =	sdelay $0x1  }
0x188: {  	[tilespmem:v3+s6+$0x0] =	vst.idx.msk $0xffff, v10  }
0x189: {  	v10 =	vld [tilespmem:s8+$0xFFFFE830];
	_ =	sdelay $0x1  }
0x18a: {  	v11 =	vld [tilespmem:s8+$0xFFFFE8B0];
	_ =	sdelay $0x1  }
0x18b: {  	v52 =	vld [tilespmem:s8+$0xFFFFE930]  }
0x18c: {  	v10 =	vadd.f32 $0.0e+00, v10  }
0x18d: {  	v53 =	vld [tilespmem:s8+$0xFFFFE9B0]  }
0x18e: {  	v10 =	vadd.f32 v11, v10  }
0x18f: {  	v11 =	vld [tilespmem:s8+$0xFFFFEA30]  }
0x190: {  	v10 =	vadd.f32 v52, v10  }
0x191: {  	v54 =	vld [tilespmem:s8+$0xFFFFEAB0]  }
0x192: {  	v10 =	vadd.f32 v53, v10  }
0x193: {  	v55 =	vld [tilespmem:s8+$0xFFFFEB30]  }
0x194: {  	v10 =	vadd.f32 v11, v10  }
0x195: {  	v11 =	vld [tilespmem:s8+$0xFFFFEBB0]  }
0x196: {  	v10 =	vadd.f32 v54, v10  }
0x197: {  	v56 =	vld [tilespmem:s8+$0xFFFFFC30]  }
0x198: {  	v10 =	vadd.f32 v55, v10  }
0x199: {  	v57 =	vld [tilespmem:s8+$0xFFFFFCB0]  }
0x19a: {  	v10 =	vadd.f32 v11, v10  }
0x19b: {  	v11 =	vld [tilespmem:s8+$0xFFFFFD30]  }
0x19c: {  	v10 =	vadd.f32 v56, v10  }
0x19d: {  	v58 =	vld [tilespmem:s8+$0xFFFFFDB0]  }
0x19e: {  	v10 =	vadd.f32 v57, v10  }
0x19f: {  	v59 =	vld [tilespmem:s8+$0xFFFFFE30]  }
0x1a0: {  	v10 =	vadd.f32 v11, v10  }
0x1a1: {  	v11 =	vld [tilespmem:s8+$0xFFFFFEB0]  }
0x1a2: {  	v10 =	vadd.f32 v58, v10  }
0x1a3: {  	v60 =	vld [tilespmem:s8+$0xFFFFFF30]  }
0x1a4: {  	v10 =	vadd.f32 v59, v10  }
0x1a5: {  	v61 =	vld [tilespmem:s8+$0xFFFFFFB0]  }
0x1a6: {  	v10 =	vadd.f32 v11, v10;
	_ =	sdelay $0x1  }
0x1a7: {  	v10 =	vadd.f32 v60, v10;
	_ =	sdelay $0x1  }
0x1a8: {  	v10 =	vadd.f32 v61, v10;
	_ =	sdelay $0x1  }
0x1a9: {  	[tilespmem:v4+s6+$0x0] =	vst.idx.msk $0xffff, v10  }
0x1aa: {  	v10 =	vld [tilespmem:s8+$0xFFFFE840];
	_ =	sdelay $0x1  }
0x1ab: {  	v11 =	vld [tilespmem:s8+$0xFFFFE8C0];
	_ =	sdelay $0x1  }
0x1ac: {  	v62 =	vld [tilespmem:s8+$0xFFFFE940]  }
0x1ad: {  	v10 =	vadd.f32 $0.0e+00, v10  }
0x1ae: {  	v63 =	vld [tilespmem:s8+$0xFFFFE9C0]  }
0x1af: {  	v10 =	vadd.f32 v11, v10  }
0x1b0: {  	v11 =	vld [tilespmem:s8+$0xFFFFEA40]  }
0x1b1: {  	v10 =	vadd.f32 v62, v10  }
0x1b2: {  	v16 =	vld [tilespmem:s8+$0xFFFFEAC0]  }
0x1b3: {  	v10 =	vadd.f32 v63, v10  }
0x1b4: {  	v17 =	vld [tilespmem:s8+$0xFFFFEB40]  }
0x1b5: {  	v10 =	vadd.f32 v11, v10  }
0x1b6: {  	v11 =	vld [tilespmem:s8+$0xFFFFEBC0]  }
0x1b7: {  	v10 =	vadd.f32 v16, v10  }
0x1b8: {  	v18 =	vld [tilespmem:s8+$0xFFFFFC40]  }
0x1b9: {  	v10 =	vadd.f32 v17, v10  }
0x1ba: {  	v19 =	vld [tilespmem:s8+$0xFFFFFCC0]  }
0x1bb: {  	v10 =	vadd.f32 v11, v10  }
0x1bc: {  	v11 =	vld [tilespmem:s8+$0xFFFFFD40]  }
0x1bd: {  	v10 =	vadd.f32 v18, v10  }
0x1be: {  	v20 =	vld [tilespmem:s8+$0xFFFFFDC0]  }
0x1bf: {  	v10 =	vadd.f32 v19, v10  }
0x1c0: {  	v21 =	vld [tilespmem:s8+$0xFFFFFE40]  }
0x1c1: {  	v10 =	vadd.f32 v11, v10  }
0x1c2: {  	v11 =	vld [tilespmem:s8+$0xFFFFFEC0]  }
0x1c3: {  	v10 =	vadd.f32 v20, v10  }
0x1c4: {  	v22 =	vld [tilespmem:s8+$0xFFFFFF40]  }
0x1c5: {  	v10 =	vadd.f32 v21, v10  }
0x1c6: {  	v23 =	vld [tilespmem:s8+$0xFFFFFFC0]  }
0x1c7: {  	v10 =	vadd.f32 v11, v10;
	_ =	sdelay $0x1  }
0x1c8: {  	v10 =	vadd.f32 v22, v10;
	_ =	sdelay $0x1  }
0x1c9: {  	v10 =	vadd.f32 v23, v10;
	_ =	sdelay $0x1  }
0x1ca: {  	[tilespmem:v5+s6+$0x0] =	vst.idx.msk $0xffff, v10  }
0x1cb: {  	v10 =	vld [tilespmem:s8+$0xFFFFE850];
	_ =	sdelay $0x1  }
0x1cc: {  	v11 =	vld [tilespmem:s8+$0xFFFFE8D0];
	_ =	sdelay $0x1  }
0x1cd: {  	v24 =	vld [tilespmem:s8+$0xFFFFE950]  }
0x1ce: {  	v10 =	vadd.f32 $0.0e+00, v10  }
0x1cf: {  	v25 =	vld [tilespmem:s8+$0xFFFFE9D0]  }
0x1d0: {  	v10 =	vadd.f32 v11, v10  }
0x1d1: {  	v11 =	vld [tilespmem:s8+$0xFFFFEA50]  }
0x1d2: {  	v10 =	vadd.f32 v24, v10  }
0x1d3: {  	v26 =	vld [tilespmem:s8+$0xFFFFEAD0]  }
0x1d4: {  	v10 =	vadd.f32 v25, v10  }
0x1d5: {  	v27 =	vld [tilespmem:s8+$0xFFFFEB50]  }
0x1d6: {  	v10 =	vadd.f32 v11, v10  }
0x1d7: {  	v11 =	vld [tilespmem:s8+$0xFFFFEBD0]  }
0x1d8: {  	v10 =	vadd.f32 v26, v10  }
0x1d9: {  	v28 =	vld [tilespmem:s8+$0xFFFFFC50]  }
0x1da: {  	v10 =	vadd.f32 v27, v10  }
0x1db: {  	v29 =	vld [tilespmem:s8+$0xFFFFFCD0]  }
0x1dc: {  	v10 =	vadd.f32 v11, v10  }
0x1dd: {  	v11 =	vld [tilespmem:s8+$0xFFFFFD50]  }
0x1de: {  	v10 =	vadd.f32 v28, v10  }
0x1df: {  	v30 =	vld [tilespmem:s8+$0xFFFFFDD0]  }
0x1e0: {  	v10 =	vadd.f32 v29, v10  }
0x1e1: {  	v31 =	vld [tilespmem:s8+$0xFFFFFE50]  }
0x1e2: {  	v10 =	vadd.f32 v11, v10  }
0x1e3: {  	v11 =	vld [tilespmem:s8+$0xFFFFFED0]  }
0x1e4: {  	v10 =	vadd.f32 v30, v10  }
0x1e5: {  	v32 =	vld [tilespmem:s8+$0xFFFFFF50]  }
0x1e6: {  	v10 =	vadd.f32 v31, v10  }
0x1e7: {  	v33 =	vld [tilespmem:s8+$0xFFFFFFD0]  }
0x1e8: {  	v10 =	vadd.f32 v11, v10;
	_ =	sdelay $0x1  }
0x1e9: {  	v10 =	vadd.f32 v32, v10;
	_ =	sdelay $0x1  }
0x1ea: {  	v10 =	vadd.f32 v33, v10;
	_ =	sdelay $0x1  }
0x1eb: {  	[tilespmem:v6+s6+$0x0] =	vst.idx.msk $0xffff, v10  }
0x1ec: {  	v10 =	vld [tilespmem:s8+$0xFFFFE860];
	_ =	sdelay $0x1  }
0x1ed: {  	v11 =	vld [tilespmem:s8+$0xFFFFE8E0];
	_ =	sdelay $0x1  }
0x1ee: {  	v34 =	vld [tilespmem:s8+$0xFFFFE960]  }
0x1ef: {  	v10 =	vadd.f32 $0.0e+00, v10  }
0x1f0: {  	v35 =	vld [tilespmem:s8+$0xFFFFE9E0]  }
0x1f1: {  	v10 =	vadd.f32 v11, v10  }
0x1f2: {  	v11 =	vld [tilespmem:s8+$0xFFFFEA60]  }
0x1f3: {  	v10 =	vadd.f32 v34, v10  }
0x1f4: {  	v36 =	vld [tilespmem:s8+$0xFFFFEAE0]  }
0x1f5: {  	v10 =	vadd.f32 v35, v10  }
0x1f6: {  	v37 =	vld [tilespmem:s8+$0xFFFFEB60]  }
0x1f7: {  	v10 =	vadd.f32 v11, v10  }
0x1f8: {  	v11 =	vld [tilespmem:s8+$0xFFFFEBE0]  }
0x1f9: {  	v10 =	vadd.f32 v36, v10  }
0x1fa: {  	v38 =	vld [tilespmem:s8+$0xFFFFFC60]  }
0x1fb: {  	v10 =	vadd.f32 v37, v10  }
0x1fc: {  	v39 =	vld [tilespmem:s8+$0xFFFFFCE0]  }
0x1fd: {  	v10 =	vadd.f32 v11, v10  }
0x1fe: {  	v11 =	vld [tilespmem:s8+$0xFFFFFD60]  }
0x1ff: {  	v10 =	vadd.f32 v38, v10  }
0x200: {  	v40 =	vld [tilespmem:s8+$0xFFFFFDE0]  }
0x201: {  	v10 =	vadd.f32 v39, v10  }
0x202: {  	v41 =	vld [tilespmem:s8+$0xFFFFFE60]  }
0x203: {  	v10 =	vadd.f32 v11, v10  }
0x204: {  	v11 =	vld [tilespmem:s8+$0xFFFFFEE0]  }
0x205: {  	v10 =	vadd.f32 v40, v10  }
0x206: {  	v42 =	vld [tilespmem:s8+$0xFFFFFF60]  }
0x207: {  	v10 =	vadd.f32 v41, v10  }
0x208: {  	v43 =	vld [tilespmem:s8+$0xFFFFFFE0]  }
0x209: {  	v10 =	vadd.f32 v11, v10;
	_ =	sdelay $0x1  }
0x20a: {  	v10 =	vadd.f32 v42, v10;
	_ =	sdelay $0x1  }
0x20b: {  	v10 =	vadd.f32 v43, v10;
	_ =	sdelay $0x1  }
0x20c: {  	[tilespmem:v7+s6+$0x0] =	vst.idx.msk $0xffff, v10  }
0x20d: {  	v10 =	vld [tilespmem:s8+$0xFFFFE870];
	_ =	sdelay $0x1  }
0x20e: {  	v11 =	vld [tilespmem:s8+$0xFFFFE8F0];
	_ =	sdelay $0x1  }
0x20f: {  	v44 =	vld [tilespmem:s8+$0xFFFFE970]  }
0x210: {  	v10 =	vadd.f32 $0.0e+00, v10  }
0x211: {  	v45 =	vld [tilespmem:s8+$0xFFFFE9F0]  }
0x212: {  	v10 =	vadd.f32 v11, v10  }
0x213: {  	v11 =	vld [tilespmem:s8+$0xFFFFEA70]  }
0x214: {  	v10 =	vadd.f32 v44, v10  }
0x215: {  	v46 =	vld [tilespmem:s8+$0xFFFFEAF0]  }
0x216: {  	v10 =	vadd.f32 v45, v10  }
0x217: {  	v47 =	vld [tilespmem:s8+$0xFFFFEB70]  }
0x218: {  	v10 =	vadd.f32 v11, v10  }
0x219: {  	v11 =	vld [tilespmem:s8+$0xFFFFEBF0]  }
0x21a: {  	v10 =	vadd.f32 v46, v10  }
0x21b: {  	v48 =	vld [tilespmem:s8+$0xFFFFFC70]  }
0x21c: {  	v10 =	vadd.f32 v47, v10  }
0x21d: {  	v49 =	vld [tilespmem:s8+$0xFFFFFCF0]  }
0x21e: {  	v10 =	vadd.f32 v11, v10  }
0x21f: {  	v11 =	vld [tilespmem:s8+$0xFFFFFD70]  }
0x220: {  	v10 =	vadd.f32 v48, v10  }
0x221: {  	v50 =	vld [tilespmem:s8+$0xFFFFFDF0]  }
0x222: {  	v10 =	vadd.f32 v49, v10  }
0x223: {  	v51 =	vld [tilespmem:s8+$0xFFFFFE70]  }
0x224: {  	v10 =	vadd.f32 v11, v10  }
0x225: {  	v11 =	vld [tilespmem:s8+$0xFFFFFEF0]  }
0x226: {  	v10 =	vadd.f32 v50, v10  }
0x227: {  	v52 =	vld [tilespmem:s8+$0xFFFFFF70]  }
0x228: {  	v10 =	vadd.f32 v51, v10  }
0x229: {  	v53 =	vld [tilespmem:s8+$0xFFFFFFF0]  }
0x22a: {  	v10 =	vadd.f32 v11, v10;
	_ =	sdelay $0x1  }
0x22b: {  	v10 =	vadd.f32 v52, v10;
	_ =	sdelay $0x1  }
0x22c: {  	v10 =	vadd.f32 v53, v10;
	_ =	sdelay $0x1  }
0x22d: {  	[tilespmem:v8+s6+$0x0] =	vst.idx.msk $0xffff, v10  }
0x22e: {  	v10 =	vld [tilespmem:s8+$0xFFFFE880];
	_ =	sdelay $0x1  }
0x22f: {  	v11 =	vld [tilespmem:s8+$0xFFFFE900];
	_ =	sdelay $0x1  }
0x230: {  	v54 =	vld [tilespmem:s8+$0xFFFFE980]  }
0x231: {  	v10 =	vadd.f32 $0.0e+00, v10  }
0x232: {  	v55 =	vld [tilespmem:s8+$0xFFFFEA00]  }
0x233: {  	v10 =	vadd.f32 v11, v10  }
0x234: {  	v11 =	vld [tilespmem:s8+$0xFFFFEA80]  }
0x235: {  	v10 =	vadd.f32 v54, v10  }
0x236: {  	v56 =	vld [tilespmem:s8+$0xFFFFEB00]  }
0x237: {  	v10 =	vadd.f32 v55, v10  }
0x238: {  	v57 =	vld [tilespmem:s8+$0xFFFFEB80]  }
0x239: {  	v10 =	vadd.f32 v11, v10  }
0x23a: {  	v11 =	vld [tilespmem:s8+$0xFFFFEC00]  }
0x23b: {  	v10 =	vadd.f32 v56, v10  }
0x23c: {  	v58 =	vld [tilespmem:s8+$0xFFFFFC80]  }
0x23d: {  	v10 =	vadd.f32 v57, v10  }
0x23e: {  	v59 =	vld [tilespmem:s8+$0xFFFFFD00]  }
0x23f: {  	v10 =	vadd.f32 v11, v10  }
0x240: {  	v11 =	vld [tilespmem:s8+$0xFFFFFD80]  }
0x241: {  	v10 =	vadd.f32 v58, v10  }
0x242: {  	v60 =	vld [tilespmem:s8+$0xFFFFFE00]  }
0x243: {  	v10 =	vadd.f32 v59, v10  }
0x244: {  	v61 =	vld [tilespmem:s8+$0xFFFFFE80]  }
0x245: {  	v10 =	vadd.f32 v11, v10  }
0x246: {  	v11 =	vld [tilespmem:s8+$0xFFFFFF00]  }
0x247: {  	v10 =	vadd.f32 v60, v10  }
0x248: {  	v62 =	vld [tilespmem:s8+$0xFFFFFF80]  }
0x249: {  	v10 =	vadd.f32 v61, v10  }
0x24a: {  	v63 =	vld [tilespmem:s8+$0x0]  }
0x24b: {  	v10 =	vadd.f32 v11, v10;
	_ =	sdelay $0x1  }
0x24c: {  	v10 =	vadd.f32 v62, v10;
	_ =	sdelay $0x1  }
0x24d: {  	v10 =	vadd.f32 v63, v10;
	_ =	sdelay $0x1  }
0x24e: {  	s10 =	sadd.s32 $0x0, s24;
	[tilespmem:v9+s6+$0x0] =	vst.idx.msk $0xffff, v10  }
0x24f: {  	[hbm4b:s10+s2] =	stream.linear.scatter [tilespmem:s6], [sflag:$0x1], $0x4000, $0x38;
	[tilespmem:$0xE000] =	vst v63  }
0x250: {  	_ =	swait.ge [sflag:s4], $0x4000  }
0x251: {  	s9 =	simm.s32 $0x800;
	[sflag:s4] =	ssyncset.done $0x0  }
.LBB2_6:
0x252: {  	p0 =	sne.s32 s9, $0x2000;
	[sflag:s4] =	ssyncadd.s32 $0xFFFFC000;
	s8 =	sadd.s32 $0x400, s8  }
0x253: {  	s10 =	smov.u32 s9;
	s9 =	sadd.s32 $0x800, s9;
	v10 =	vld [tilespmem:s8+$0xFFFFE810];
	_ =	sdelay $0x1  }
0x254: {  	v11 =	vld [tilespmem:s8+$0xFFFFE890];
	_ =	sdelay $0x1  }
0x255: {  	v12 =	vld [tilespmem:s8+$0xFFFFE910]  }
0x256: {  	v10 =	vadd.f32 $0.0e+00, v10  }
0x257: {  	v13 =	vld [tilespmem:s8+$0xFFFFE990]  }
0x258: {  	v10 =	vadd.f32 v11, v10  }
0x259: {  	v11 =	vld [tilespmem:s8+$0xFFFFEA10]  }
0x25a: {  	v10 =	vadd.f32 v12, v10  }
0x25b: {  	v12 =	vld [tilespmem:s8+$0xFFFFEA90]  }
0x25c: {  	v10 =	vadd.f32 v13, v10  }
0x25d: {  	v13 =	vld [tilespmem:s8+$0xFFFFEB10]  }
0x25e: {  	v10 =	vadd.f32 v11, v10  }
0x25f: {  	v11 =	vld [tilespmem:s8+$0xFFFFEB90]  }
0x260: {  	v10 =	vadd.f32 v12, v10  }
0x261: {  	v12 =	vld [tilespmem:s8+$0xFFFFFC10]  }
0x262: {  	v10 =	vadd.f32 v13, v10  }
0x263: {  	v13 =	vld [tilespmem:s8+$0xFFFFFC90]  }
0x264: {  	v10 =	vadd.f32 v11, v10  }
0x265: {  	v11 =	vld [tilespmem:s8+$0xFFFFFD10]  }
0x266: {  	v10 =	vadd.f32 v12, v10  }
0x267: {  	v12 =	vld [tilespmem:s8+$0xFFFFFD90]  }
0x268: {  	v10 =	vadd.f32 v13, v10  }
0x269: {  	v13 =	vld [tilespmem:s8+$0xFFFFFE10]  }
0x26a: {  	v10 =	vadd.f32 v11, v10  }
0x26b: {  	v11 =	vld [tilespmem:s8+$0xFFFFFE90]  }
0x26c: {  	v10 =	vadd.f32 v12, v10  }
0x26d: {  	v12 =	vld [tilespmem:s8+$0xFFFFFF10]  }
0x26e: {  	v10 =	vadd.f32 v13, v10  }
0x26f: {  	v13 =	vld [tilespmem:s8+$0xFFFFFF90]  }
0x270: {  	v10 =	vadd.f32 v11, v10;
	_ =	sdelay $0x1  }
0x271: {  	v10 =	vadd.f32 v12, v10;
	_ =	sdelay $0x1  }
0x272: {  	v10 =	vadd.f32 v13, v10;
	_ =	sdelay $0x1  }
0x273: {  	[tilespmem:v0+s6+$0x0] =	vst.idx.msk $0xffff, v10  }
0x274: {  	v10 =	vld [tilespmem:s8+$0xFFFFE820];
	_ =	sdelay $0x1  }
0x275: {  	v11 =	vld [tilespmem:s8+$0xFFFFE8A0];
	_ =	sdelay $0x1  }
0x276: {  	v12 =	vld [tilespmem:s8+$0xFFFFE920]  }
0x277: {  	v10 =	vadd.f32 $0.0e+00, v10  }
0x278: {  	v13 =	vld [tilespmem:s8+$0xFFFFE9A0]  }
0x279: {  	v10 =	vadd.f32 v11, v10  }
0x27a: {  	v11 =	vld [tilespmem:s8+$0xFFFFEA20]  }
0x27b: {  	v10 =	vadd.f32 v12, v10  }
0x27c: {  	v12 =	vld [tilespmem:s8+$0xFFFFEAA0]  }
0x27d: {  	v10 =	vadd.f32 v13, v10  }
0x27e: {  	v13 =	vld [tilespmem:s8+$0xFFFFEB20]  }
0x27f: {  	v10 =	vadd.f32 v11, v10  }
0x280: {  	v11 =	vld [tilespmem:s8+$0xFFFFEBA0]  }
0x281: {  	v10 =	vadd.f32 v12, v10  }
0x282: {  	v12 =	vld [tilespmem:s8+$0xFFFFFC20]  }
0x283: {  	v10 =	vadd.f32 v13, v10  }
0x284: {  	v13 =	vld [tilespmem:s8+$0xFFFFFCA0]  }
0x285: {  	v10 =	vadd.f32 v11, v10  }
0x286: {  	v11 =	vld [tilespmem:s8+$0xFFFFFD20]  }
0x287: {  	v10 =	vadd.f32 v12, v10  }
0x288: {  	v12 =	vld [tilespmem:s8+$0xFFFFFDA0]  }
0x289: {  	v10 =	vadd.f32 v13, v10  }
0x28a: {  	v13 =	vld [tilespmem:s8+$0xFFFFFE20]  }
0x28b: {  	v10 =	vadd.f32 v11, v10  }
0x28c: {  	v11 =	vld [tilespmem:s8+$0xFFFFFEA0]  }
0x28d: {  	v10 =	vadd.f32 v12, v10  }
0x28e: {  	v12 =	vld [tilespmem:s8+$0xFFFFFF20]  }
0x28f: {  	v10 =	vadd.f32 v13, v10  }
0x290: {  	v13 =	vld [tilespmem:s8+$0xFFFFFFA0]  }
0x291: {  	v10 =	vadd.f32 v11, v10;
	_ =	sdelay $0x1  }
0x292: {  	v10 =	vadd.f32 v12, v10;
	_ =	sdelay $0x1  }
0x293: {  	v10 =	vadd.f32 v13, v10;
	_ =	sdelay $0x1  }
0x294: {  	[tilespmem:v3+s6+$0x0] =	vst.idx.msk $0xffff, v10  }
0x295: {  	v10 =	vld [tilespmem:s8+$0xFFFFE830];
	_ =	sdelay $0x1  }
0x296: {  	v11 =	vld [tilespmem:s8+$0xFFFFE8B0];
	_ =	sdelay $0x1  }
0x297: {  	v12 =	vld [tilespmem:s8+$0xFFFFE930]  }
0x298: {  	v10 =	vadd.f32 $0.0e+00, v10  }
0x299: {  	v13 =	vld [tilespmem:s8+$0xFFFFE9B0]  }
0x29a: {  	v10 =	vadd.f32 v11, v10  }
0x29b: {  	v11 =	vld [tilespmem:s8+$0xFFFFEA30]  }
0x29c: {  	v10 =	vadd.f32 v12, v10  }
0x29d: {  	v12 =	vld [tilespmem:s8+$0xFFFFEAB0]  }
0x29e: {  	v10 =	vadd.f32 v13, v10  }
0x29f: {  	v13 =	vld [tilespmem:s8+$0xFFFFEB30]  }
0x2a0: {  	v10 =	vadd.f32 v11, v10  }
0x2a1: {  	v11 =	vld [tilespmem:s8+$0xFFFFEBB0]  }
0x2a2: {  	v10 =	vadd.f32 v12, v10  }
0x2a3: {  	v12 =	vld [tilespmem:s8+$0xFFFFFC30]  }
0x2a4: {  	v10 =	vadd.f32 v13, v10  }
0x2a5: {  	v13 =	vld [tilespmem:s8+$0xFFFFFCB0]  }
0x2a6: {  	v10 =	vadd.f32 v11, v10  }
0x2a7: {  	v11 =	vld [tilespmem:s8+$0xFFFFFD30]  }
0x2a8: {  	v10 =	vadd.f32 v12, v10  }
0x2a9: {  	v12 =	vld [tilespmem:s8+$0xFFFFFDB0]  }
0x2aa: {  	v10 =	vadd.f32 v13, v10  }
0x2ab: {  	v13 =	vld [tilespmem:s8+$0xFFFFFE30]  }
0x2ac: {  	v10 =	vadd.f32 v11, v10  }
0x2ad: {  	v11 =	vld [tilespmem:s8+$0xFFFFFEB0]  }
0x2ae: {  	v10 =	vadd.f32 v12, v10  }
0x2af: {  	v12 =	vld [tilespmem:s8+$0xFFFFFF30]  }
0x2b0: {  	v10 =	vadd.f32 v13, v10  }
0x2b1: {  	v13 =	vld [tilespmem:s8+$0xFFFFFFB0]  }
0x2b2: {  	v10 =	vadd.f32 v11, v10;
	_ =	sdelay $0x1  }
0x2b3: {  	v10 =	vadd.f32 v12, v10;
	_ =	sdelay $0x1  }
0x2b4: {  	v10 =	vadd.f32 v13, v10;
	_ =	sdelay $0x1  }
0x2b5: {  	[tilespmem:v4+s6+$0x0] =	vst.idx.msk $0xffff, v10  }
0x2b6: {  	v10 =	vld [tilespmem:s8+$0xFFFFE840];
	_ =	sdelay $0x1  }
0x2b7: {  	v11 =	vld [tilespmem:s8+$0xFFFFE8C0];
	_ =	sdelay $0x1  }
0x2b8: {  	v12 =	vld [tilespmem:s8+$0xFFFFE940]  }
0x2b9: {  	v10 =	vadd.f32 $0.0e+00, v10  }
0x2ba: {  	v13 =	vld [tilespmem:s8+$0xFFFFE9C0]  }
0x2bb: {  	v10 =	vadd.f32 v11, v10  }
0x2bc: {  	v11 =	vld [tilespmem:s8+$0xFFFFEA40]  }
0x2bd: {  	v10 =	vadd.f32 v12, v10  }
0x2be: {  	v12 =	vld [tilespmem:s8+$0xFFFFEAC0]  }
0x2bf: {  	v10 =	vadd.f32 v13, v10  }
0x2c0: {  	v13 =	vld [tilespmem:s8+$0xFFFFEB40]  }
0x2c1: {  	v10 =	vadd.f32 v11, v10  }
0x2c2: {  	v11 =	vld [tilespmem:s8+$0xFFFFEBC0]  }
0x2c3: {  	v10 =	vadd.f32 v12, v10  }
0x2c4: {  	v12 =	vld [tilespmem:s8+$0xFFFFFC40]  }
0x2c5: {  	v10 =	vadd.f32 v13, v10  }
0x2c6: {  	v13 =	vld [tilespmem:s8+$0xFFFFFCC0]  }
0x2c7: {  	v10 =	vadd.f32 v11, v10  }
0x2c8: {  	v11 =	vld [tilespmem:s8+$0xFFFFFD40]  }
0x2c9: {  	v10 =	vadd.f32 v12, v10  }
0x2ca: {  	v12 =	vld [tilespmem:s8+$0xFFFFFDC0]  }
0x2cb: {  	v10 =	vadd.f32 v13, v10  }
0x2cc: {  	v13 =	vld [tilespmem:s8+$0xFFFFFE40]  }
0x2cd: {  	v10 =	vadd.f32 v11, v10  }
0x2ce: {  	v11 =	vld [tilespmem:s8+$0xFFFFFEC0]  }
0x2cf: {  	v10 =	vadd.f32 v12, v10  }
0x2d0: {  	v12 =	vld [tilespmem:s8+$0xFFFFFF40]  }
0x2d1: {  	v10 =	vadd.f32 v13, v10  }
0x2d2: {  	v13 =	vld [tilespmem:s8+$0xFFFFFFC0]  }
0x2d3: {  	v10 =	vadd.f32 v11, v10;
	_ =	sdelay $0x1  }
0x2d4: {  	v10 =	vadd.f32 v12, v10;
	_ =	sdelay $0x1  }
0x2d5: {  	v10 =	vadd.f32 v13, v10;
	_ =	sdelay $0x1  }
0x2d6: {  	[tilespmem:v5+s6+$0x0] =	vst.idx.msk $0xffff, v10  }
0x2d7: {  	v10 =	vld [tilespmem:s8+$0xFFFFE850];
	_ =	sdelay $0x1  }
0x2d8: {  	v11 =	vld [tilespmem:s8+$0xFFFFE8D0];
	_ =	sdelay $0x1  }
0x2d9: {  	v12 =	vld [tilespmem:s8+$0xFFFFE950]  }
0x2da: {  	v10 =	vadd.f32 $0.0e+00, v10  }
0x2db: {  	v13 =	vld [tilespmem:s8+$0xFFFFE9D0]  }
0x2dc: {  	v10 =	vadd.f32 v11, v10  }
0x2dd: {  	v11 =	vld [tilespmem:s8+$0xFFFFEA50]  }
0x2de: {  	v10 =	vadd.f32 v12, v10  }
0x2df: {  	v12 =	vld [tilespmem:s8+$0xFFFFEAD0]  }
0x2e0: {  	v10 =	vadd.f32 v13, v10  }
0x2e1: {  	v13 =	vld [tilespmem:s8+$0xFFFFEB50]  }
0x2e2: {  	v10 =	vadd.f32 v11, v10  }
0x2e3: {  	v11 =	vld [tilespmem:s8+$0xFFFFEBD0]  }
0x2e4: {  	v10 =	vadd.f32 v12, v10  }
0x2e5: {  	v12 =	vld [tilespmem:s8+$0xFFFFFC50]  }
0x2e6: {  	v10 =	vadd.f32 v13, v10  }
0x2e7: {  	v13 =	vld [tilespmem:s8+$0xFFFFFCD0]  }
0x2e8: {  	v10 =	vadd.f32 v11, v10  }
0x2e9: {  	v11 =	vld [tilespmem:s8+$0xFFFFFD50]  }
0x2ea: {  	v10 =	vadd.f32 v12, v10  }
0x2eb: {  	v12 =	vld [tilespmem:s8+$0xFFFFFDD0]  }
0x2ec: {  	v10 =	vadd.f32 v13, v10  }
0x2ed: {  	v13 =	vld [tilespmem:s8+$0xFFFFFE50]  }
0x2ee: {  	v10 =	vadd.f32 v11, v10  }
0x2ef: {  	v11 =	vld [tilespmem:s8+$0xFFFFFED0]  }
0x2f0: {  	v10 =	vadd.f32 v12, v10  }
0x2f1: {  	v12 =	vld [tilespmem:s8+$0xFFFFFF50]  }
0x2f2: {  	v10 =	vadd.f32 v13, v10  }
0x2f3: {  	v13 =	vld [tilespmem:s8+$0xFFFFFFD0]  }
0x2f4: {  	v10 =	vadd.f32 v11, v10;
	_ =	sdelay $0x1  }
0x2f5: {  	v10 =	vadd.f32 v12, v10;
	_ =	sdelay $0x1  }
0x2f6: {  	v10 =	vadd.f32 v13, v10;
	_ =	sdelay $0x1  }
0x2f7: {  	[tilespmem:v6+s6+$0x0] =	vst.idx.msk $0xffff, v10  }
0x2f8: {  	v10 =	vld [tilespmem:s8+$0xFFFFE860];
	_ =	sdelay $0x1  }
0x2f9: {  	v11 =	vld [tilespmem:s8+$0xFFFFE8E0];
	_ =	sdelay $0x1  }
0x2fa: {  	v12 =	vld [tilespmem:s8+$0xFFFFE960]  }
0x2fb: {  	v10 =	vadd.f32 $0.0e+00, v10  }
0x2fc: {  	v13 =	vld [tilespmem:s8+$0xFFFFE9E0]  }
0x2fd: {  	v10 =	vadd.f32 v11, v10  }
0x2fe: {  	v11 =	vld [tilespmem:s8+$0xFFFFEA60]  }
0x2ff: {  	v10 =	vadd.f32 v12, v10  }
0x300: {  	v12 =	vld [tilespmem:s8+$0xFFFFEAE0]  }
0x301: {  	v10 =	vadd.f32 v13, v10  }
0x302: {  	v13 =	vld [tilespmem:s8+$0xFFFFEB60]  }
0x303: {  	v10 =	vadd.f32 v11, v10  }
0x304: {  	v11 =	vld [tilespmem:s8+$0xFFFFEBE0]  }
0x305: {  	v10 =	vadd.f32 v12, v10  }
0x306: {  	v12 =	vld [tilespmem:s8+$0xFFFFFC60]  }
0x307: {  	v10 =	vadd.f32 v13, v10  }
0x308: {  	v13 =	vld [tilespmem:s8+$0xFFFFFCE0]  }
0x309: {  	v10 =	vadd.f32 v11, v10  }
0x30a: {  	v11 =	vld [tilespmem:s8+$0xFFFFFD60]  }
0x30b: {  	v10 =	vadd.f32 v12, v10  }
0x30c: {  	v12 =	vld [tilespmem:s8+$0xFFFFFDE0]  }
0x30d: {  	v10 =	vadd.f32 v13, v10  }
0x30e: {  	v13 =	vld [tilespmem:s8+$0xFFFFFE60]  }
0x30f: {  	v10 =	vadd.f32 v11, v10  }
0x310: {  	v11 =	vld [tilespmem:s8+$0xFFFFFEE0]  }
0x311: {  	v10 =	vadd.f32 v12, v10  }
0x312: {  	v12 =	vld [tilespmem:s8+$0xFFFFFF60]  }
0x313: {  	v10 =	vadd.f32 v13, v10  }
0x314: {  	v13 =	vld [tilespmem:s8+$0xFFFFFFE0]  }
0x315: {  	v10 =	vadd.f32 v11, v10;
	_ =	sdelay $0x1  }
0x316: {  	v10 =	vadd.f32 v12, v10;
	_ =	sdelay $0x1  }
0x317: {  	v10 =	vadd.f32 v13, v10;
	_ =	sdelay $0x1  }
0x318: {  	[tilespmem:v7+s6+$0x0] =	vst.idx.msk $0xffff, v10  }
0x319: {  	v10 =	vld [tilespmem:s8+$0xFFFFE870]  }
0x31a: {  	v11 =	vld [tilespmem:s8+$0xFFFFE8F0]  }
0x31b: {  	v12 =	vld [tilespmem:s8+$0xFFFFE970]  }
0x31c: {  	v13 =	vld [tilespmem:s8+$0xFFFFE9F0]  }
0x31d: {  	v14 =	vld [tilespmem:s8+$0xFFFFEA70]  }
0x31e: {  	v10 =	vadd.f32 $0.0e+00, v10;
	v15 =	vld [tilespmem:s8+$0xFFFFEAF0]  }
0x31f: {  	v16 =	vld [tilespmem:s8+$0xFFFFEB70]  }
0x320: {  	v10 =	vadd.f32 v11, v10;
	v11 =	vld [tilespmem:s8+$0xFFFFEBF0]  }
0x321: {  	v17 =	vld [tilespmem:s8+$0xFFFFFC70]  }
0x322: {  	v10 =	vadd.f32 v12, v10;
	v12 =	vld [tilespmem:s8+$0xFFFFFCF0]  }
0x323: {  	v18 =	vld [tilespmem:s8+$0xFFFFFD70]  }
0x324: {  	v10 =	vadd.f32 v13, v10;
	v13 =	vld [tilespmem:s8+$0xFFFFFDF0]  }
0x325: {  	v19 =	vld [tilespmem:s8+$0xFFFFFE70]  }
0x326: {  	v10 =	vadd.f32 v14, v10;
	v14 =	vld [tilespmem:s8+$0xFFFFFEF0]  }
0x327: {  	v20 =	vld [tilespmem:s8+$0xFFFFFF70]  }
0x328: {  	v10 =	vadd.f32 v15, v10;
	v15 =	vld [tilespmem:s8+$0xFFFFFFF0];
	_ =	sdelay $0x1  }
0x329: {  	v10 =	vadd.f32 v16, v10;
	_ =	sdelay $0x1  }
0x32a: {  	v10 =	vadd.f32 v11, v10;
	_ =	sdelay $0x1  }
0x32b: {  	v10 =	vadd.f32 v17, v10;
	_ =	sdelay $0x1  }
0x32c: {  	v10 =	vadd.f32 v12, v10;
	_ =	sdelay $0x1  }
0x32d: {  	v10 =	vadd.f32 v18, v10;
	_ =	sdelay $0x1  }
0x32e: {  	v10 =	vadd.f32 v13, v10;
	_ =	sdelay $0x1  }
0x32f: {  	v10 =	vadd.f32 v19, v10;
	_ =	sdelay $0x1  }
0x330: {  	v10 =	vadd.f32 v14, v10;
	_ =	sdelay $0x1  }
0x331: {  	v10 =	vadd.f32 v20, v10;
	_ =	sdelay $0x1  }
0x332: {  	v10 =	vadd.f32 v15, v10;
	_ =	sdelay $0x1  }
0x333: {  	[tilespmem:v8+s6+$0x0] =	vst.idx.msk $0xffff, v10  }
0x334: {  	v10 =	vld [tilespmem:s8+$0xFFFFE880]  }
0x335: {  	v11 =	vld [tilespmem:s8+$0xFFFFE900]  }
0x336: {  	v12 =	vld [tilespmem:s8+$0xFFFFE980]  }
0x337: {  	v13 =	vld [tilespmem:s8+$0xFFFFEA00]  }
0x338: {  	v14 =	vld [tilespmem:s8+$0xFFFFEA80]  }
0x339: {  	v10 =	vadd.f32 $0.0e+00, v10;
	v15 =	vld [tilespmem:s8+$0xFFFFEB00]  }
0x33a: {  	v16 =	vld [tilespmem:s8+$0xFFFFEB80]  }
0x33b: {  	v10 =	vadd.f32 v11, v10;
	v11 =	vld [tilespmem:s8+$0xFFFFEC00]  }
0x33c: {  	v17 =	vld [tilespmem:s8+$0xFFFFFC80]  }
0x33d: {  	v10 =	vadd.f32 v12, v10;
	v12 =	vld [tilespmem:s8+$0xFFFFFD00]  }
0x33e: {  	v18 =	vld [tilespmem:s8+$0xFFFFFD80]  }
0x33f: {  	v10 =	vadd.f32 v13, v10;
	v13 =	vld [tilespmem:s8+$0xFFFFFE00]  }
0x340: {  	v19 =	vld [tilespmem:s8+$0xFFFFFE80]  }
0x341: {  	v10 =	vadd.f32 v14, v10;
	v14 =	vld [tilespmem:s8+$0xFFFFFF00]  }
0x342: {  	v20 =	vld [tilespmem:s8+$0xFFFFFF80]  }
0x343: {  	v10 =	vadd.f32 v15, v10;
	v15 =	vld [tilespmem:s8+$0x0];
	_ =	sdelay $0x1  }
0x344: {  	v10 =	vadd.f32 v16, v10;
	_ =	sdelay $0x1  }
0x345: {  	v10 =	vadd.f32 v11, v10;
	_ =	sdelay $0x1  }
0x346: {  	v10 =	vadd.f32 v17, v10;
	_ =	sdelay $0x1  }
0x347: {  	v10 =	vadd.f32 v12, v10;
	_ =	sdelay $0x1  }
0x348: {  	v10 =	vadd.f32 v18, v10;
	_ =	sdelay $0x1  }
0x349: {  	v10 =	vadd.f32 v13, v10;
	_ =	sdelay $0x1  }
0x34a: {  	v10 =	vadd.f32 v19, v10;
	_ =	sdelay $0x1  }
0x34b: {  	v10 =	vadd.f32 v14, v10;
	_ =	sdelay $0x1  }
0x34c: {  	v10 =	vadd.f32 v20, v10;
	_ =	sdelay $0x1  }
0x34d: {  	v10 =	vadd.f32 v15, v10  }
.Ltmp2:
0x34e: {  	(pc) =	sbr.rel @p0 .LBB2_6-.Ltmp2, $4  }
0x34f: {  	s10 =	sadd.s32 s10, s24;
	[tilespmem:v9+s6+$0x0] =	vst.idx.msk $0xffff, v10  }
0x350: {  	[hbm4b:s10+s2] =	stream.linear.scatter [tilespmem:s6], [sflag:$0x1], $0x4000, $0x38;
	[tilespmem:$0xE000] =	vst v63  }
0x351: {  	_ =	swait.ge [sflag:s4], $0x4000  }
0x352: {  	[sflag:s4] =	ssyncset.done $0x0  }
0x353: {  	s7 =	sadd.s32 $0x1, s7;
	s8 =	rddreg [dreg:$0x15]  }
0x354: {  	p0 =	sne.s32 s7, s8  }
.Ltmp3:
0x355: {  	_ = 	snop;
	(pc) =	sbr.rel @p0 .LBB2_1-.Ltmp3, $2  }
0x356: {  	_ =	sdelay $0x2  }
0x357: {  	[sflag:s4] =	ssyncadd.s32 $0xFFFFC000  }
0x358: {  	_ =	sfence.sel $0x180000  }
0x359: {  	[bflag:$0x0] =	sbarrier.arrive $0xFFFF  }
0x35a: {  	_ =	strace $0x90000047  }
0x35b: {  	s0 =	stileid.u32;
	[bflag:$0x2] =	sbarrier.arrive $0xFFFF  }
0x35c: {  	p0 =	sne.s32 s0, $0x0;
	s0 =	rddreg [dreg:$0x3]  }
0x35d: {  	s0 =	sadd.s32 @!p0 $0x100000, s0  }
0x35e: {  	[sflag:s0] =	ssyncadd.tile.s32 @!p0 $0x1;
	_ =	shalt  }
.Lfunc_end2:
_tile_overlayer_lowered:
.L_overlay_start_2:
0x35f: {  	(tag) =	ssettag $0x2  }
0x360: {  	s0 =	rddreg [dreg:$0x0];
	s2 =	stileid.u32  }
0x361: {  	s1 =	rddreg [dreg:$0x1];
	p0 =	sne.s32 s2, $0x0  }
0x362: {  	s3 =	rddreg [dreg:$0x2];
	[bflag:$0x3] =	sbarrier.arrive $0xFFFF;
	s2 =	simm.s32 @!p0 $0x1C01  }
0x363: {  	[timem:s3], [sflag:s2] =	dma.local @!p0 [hbm:s0], s1  }
0x364: {  	s0 =	simm.s32 @!p0 $0x1  }
0x365: {  	_ =	swait.ge @!p0 [sflag:s0], s1  }
0x366: {  	s1 =	ssub.s32 @!p0 $0x0, s1;
	[sflag:s0] =	ssyncset.done @!p0 $0x0  }
0x367: {  	[sflag:s0] =	ssyncadd.s32 @!p0 s1  }
0x368: {  	[bflag:$0x3] =	sbarrier.arrive $0xFFFF  }
0x369: {  	_ =	shalt  }

</sc_bundles>
